<compile_context>
chip_gen: v7x
topology: tpu7x:2x2x1
jax: 0.10.2.dev20260603
libtpu: 0.0.44.dev20260713+nightly
codegen_flags: <defaults>
</compile_context>

<pallas_src>
import functools

import jax
import jax.numpy as jnp
from jax import lax
from jax.experimental import pallas as pl
from jax.experimental.pallas import tpu as pltpu
from jax.experimental.pallas import tpu_sc as plsc

_T = 8192
_D = 768
_E = 64
_F = 2048
_C = 256
_TBLK = 512
_NB = _T // _TBLK
_RES = _E * _C
_NROWS = _E * _C + _T
_FC = 512
_NF = _F // _FC
_NW = 32
_TPW = _T // _NW
_CHUNK = 64
_NCH = _TPW // _CHUNK


def _router_kernel(x_ref, wr_ref, logits_ref, idx_ref, prob_ref, row_ref,
                   counts):
    pid = pl.program_id(0)

    @pl.when(pid == 0)
    def _():
        counts[...] = jnp.zeros_like(counts)

    x = x_ref[...]
    logits = jnp.dot(x, wr_ref[...], preferred_element_type=jnp.float32)
    logits_ref[...] = logits
    m = jnp.max(logits, axis=1, keepdims=True)
    unnorm = jnp.exp(logits - m)
    probs = unnorm / jnp.sum(unnorm, axis=1, keepdims=True)
    idx = jnp.argmax(probs, axis=1).astype(jnp.int32)
    top = jnp.max(probs, axis=1)

    eids = lax.broadcasted_iota(jnp.int32, (_TBLK, _E), 1)
    onehot = (eids == idx[:, None]).astype(jnp.float32)
    r = lax.broadcasted_iota(jnp.int32, (_TBLK, _TBLK), 0)
    c = lax.broadcasted_iota(jnp.int32, (_TBLK, _TBLK), 1)
    tri = (r >= c).astype(jnp.float32)
    csum = jnp.dot(tri, onehot, preferred_element_type=jnp.float32)
    base = counts[0, :]
    pos_f = jnp.sum(onehot * (csum + base[None, :]), axis=1) - 1.0
    counts[0, :] = base + csum[_TBLK - 1, :]
    pos = pos_f.astype(jnp.int32)
    valid = pos < _C
    tglob = pid * _TBLK + lax.broadcasted_iota(jnp.int32, (_TBLK,), 0)
    row = jnp.where(valid, idx * _C + pos, _RES + tglob)

    idx_ref[0, 0, :] = idx
    prob_ref[0, 0, :] = top
    row_ref[0, 0, :] = row


def _router_call(x, wr):
    blk1 = pl.BlockSpec((1, 1, _TBLK), lambda i: (i, 0, 0))
    return pl.pallas_call(
        _router_kernel,
        grid=(_NB,),
        in_specs=[pl.BlockSpec((_TBLK, _D), lambda i: (i, 0)),
                  pl.BlockSpec((_D, _E), lambda i: (0, 0))],
        out_specs=[pl.BlockSpec((_TBLK, _E), lambda i: (i, 0)),
                   blk1, blk1, blk1],
        out_shape=[jax.ShapeDtypeStruct((_T, _E), jnp.float32),
                   jax.ShapeDtypeStruct((_NB, 1, _TBLK), jnp.int32),
                   jax.ShapeDtypeStruct((_NB, 1, _TBLK), jnp.float32),
                   jax.ShapeDtypeStruct((_NB, 1, _TBLK), jnp.int32)],
        scratch_shapes=[pltpu.VMEM((1, _E), jnp.float32)],
        compiler_params=pltpu.CompilerParams(
            dimension_semantics=("arbitrary",)),
    )(x, wr)


@functools.lru_cache(maxsize=None)
def _sc_kernels():
    mesh = plsc.VectorSubcoreMesh(core_axis_name="c", subcore_axis_name="s")

    @functools.partial(
        pl.kernel, mesh=mesh,
        out_type=jax.ShapeDtypeStruct((_NROWS, _D), jnp.float32),
        scratch_types=[pltpu.VMEM((_NCH, _CHUNK), jnp.int32),
                       pltpu.VMEM((_CHUNK, _D), jnp.float32),
                       pltpu.VMEM((_CHUNK, _D), jnp.float32),
                       pltpu.SemaphoreType.DMA, pltpu.SemaphoreType.DMA,
                       pltpu.SemaphoreType.DMA, pltpu.SemaphoreType.DMA])
    def sc_scatter(x_hbm, row_hbm, buf_hbm, idx_v, rows0, rows1,
                   ls0, ls1, ws0, ws1):
        wid = lax.axis_index("s") * 2 + lax.axis_index("c")
        pltpu.sync_copy(row_hbm.at[wid], idx_v)
        bufs, lsems, wsems = (rows0, rows1), (ls0, ls1), (ws0, ws1)
        lh, wh = [None] * _NCH, [None] * _NCH

        def start_load(b):
            base = wid * _TPW + b * _CHUNK
            lh[b] = pltpu.async_copy(x_hbm.at[pl.ds(base, _CHUNK)],
                                     bufs[b % 2], lsems[b % 2])

        start_load(0)
        for b in range(_NCH):
            lh[b].wait()
            if b + 1 < _NCH:
                if b - 1 >= 0:
                    wh[b - 1].wait()
                start_load(b + 1)
            wh[b] = pltpu.async_copy(bufs[b % 2], buf_hbm.at[idx_v.at[b]],
                                     wsems[b % 2])
        wh[_NCH - 2].wait()
        wh[_NCH - 1].wait()

    @functools.partial(
        pl.kernel, mesh=mesh,
        out_type=jax.ShapeDtypeStruct((_T, _D), jnp.float32),
        scratch_types=[pltpu.VMEM((_NCH, _CHUNK), jnp.int32),
                       pltpu.VMEM((_NCH, _CHUNK), jnp.float32),
                       pltpu.VMEM((_CHUNK, _D), jnp.float32),
                       pltpu.VMEM((_CHUNK, _D), jnp.float32),
                       pltpu.SemaphoreType.DMA, pltpu.SemaphoreType.DMA,
                       pltpu.SemaphoreType.DMA, pltpu.SemaphoreType.DMA])
    def sc_gather(buf_hbm, row_hbm, pv_hbm, out_hbm, idx_v, pv_v,
                  rows0, rows1, gs0, gs1, ws0, ws1):
        wid = lax.axis_index("s") * 2 + lax.axis_index("c")
        pltpu.sync_copy(row_hbm.at[wid], idx_v)
        pltpu.sync_copy(pv_hbm.at[wid], pv_v)
        bufs, gsems, wsems = (rows0, rows1), (gs0, gs1), (ws0, ws1)
        gh, wh = [None] * _NCH, [None] * _NCH

        def start_gather(b):
            gh[b] = pltpu.async_copy(buf_hbm.at[idx_v.at[b]], bufs[b % 2],
                                     gsems[b % 2])

        start_gather(0)
        for b in range(_NCH):
            gh[b].wait()
            if b + 1 < _NCH:
                if b - 1 >= 0:
                    wh[b - 1].wait()
                start_gather(b + 1)
            rows_v = bufs[b % 2]

            def body(r, carry):
                g0 = (r // 16) * 16
                fvec = pv_v[b, pl.ds(g0, 16)]
                lane = r - g0
                fs = fvec.at[jnp.zeros((16,), jnp.int32) + lane].get(
                    mode="promise_in_bounds")
                for j in range(_D // 16):
                    rows_v[r, pl.ds(j * 16, 16)] = (
                        rows_v[r, pl.ds(j * 16, 16)] * fs)
                return carry

            lax.fori_loop(0, _CHUNK, body, 0)
            base = wid * _TPW + b * _CHUNK
            wh[b] = pltpu.async_copy(rows_v, out_hbm.at[pl.ds(base, _CHUNK)],
                                     wsems[b % 2])
        wh[_NCH - 2].wait()
        wh[_NCH - 1].wait()

    return sc_scatter, sc_gather


def _sc_scatter(x, row):
    return _sc_kernels()[0](x, row)


def _sc_gather(buf_out, row, pmat):
    return _sc_kernels()[1](buf_out, row, pmat)


def _ffn_kernel(in_ref, w1_ref, b1_ref, w2_ref, b2_ref, out_ref):
    e = pl.program_id(0)
    h = jnp.dot(in_ref[...].astype(jnp.bfloat16),
                w1_ref[0].astype(jnp.bfloat16),
                preferred_element_type=jnp.float32)
    h = jnp.maximum(h + b1_ref[e], 0.0)
    out_ref[...] = jnp.dot(h.astype(jnp.bfloat16),
                           w2_ref[0].astype(jnp.bfloat16),
                           preferred_element_type=jnp.float32) + b2_ref[e]


def _ffn_call(buf_in, w1, b1r, w2, b2r):
    return pl.pallas_call(
        _ffn_kernel,
        grid=(_E,),
        in_specs=[pl.BlockSpec((_C, _D), lambda e: (e, 0)),
                  pl.BlockSpec((1, _D, _F), lambda e: (e, 0, 0)),
                  pl.BlockSpec((_E, 1, _F), lambda e: (0, 0, 0)),
                  pl.BlockSpec((1, _F, _D), lambda e: (e, 0, 0)),
                  pl.BlockSpec((_E, 1, _D), lambda e: (0, 0, 0))],
        out_specs=pl.BlockSpec((_C, _D), lambda e: (e, 0)),
        out_shape=jax.ShapeDtypeStruct((_NROWS, _D), jnp.float32),
        input_output_aliases={0: 0},
        compiler_params=pltpu.CompilerParams(
            dimension_semantics=("arbitrary",)),
    )(buf_in, w1, b1r, w2, b2r)


def kernel(hidden_states, W_r, W1, b1, W2, b2):
    B, S, D = hidden_states.shape
    x = hidden_states.reshape(_T, _D)
    logits, idx3, prob3, row3 = _router_call(x, W_r)
    row = row3.reshape(_NW, _NCH, _CHUNK)
    pmat = prob3.reshape(_NW, _NCH, _CHUNK)
    buf_in = _sc_scatter(x, row)
    b1r = b1.reshape(_E, 1, _F)
    b2r = b2.reshape(_E, 1, _D)
    buf_out = _ffn_call(buf_in, W1, b1r, W2, b2r)
    out = _sc_gather(buf_out, row, pmat)
    return out.reshape(B, S, D), (logits.reshape(B, S, _E),
                                  idx3.reshape(B, S))

# --- scband reference (transcript-rebuilt; emitter-appended) ---
"""Pipeline reference for scband-mo-elayer-83708912599436 (READ-ONLY COPY).

The authoritative reference and input builder live on the scoring server;
editing this copy changes nothing except your own understanding.
"""

import jax, jax.numpy as jnp
import numpy as np

B, S, D, E, F, C = 4, 2048, 768, 64, 2048, 256


def setup_inputs(seed: int = 0) -> dict:
    key = jax.random.key(seed)
    ks = jax.random.split(key, 6)
    hidden_states = jax.random.normal(ks[0], (B, S, D), dtype=jnp.float32)
    W_r = jax.random.normal(ks[1], (D, E), dtype=jnp.float32) * 0.02
    W1 = jax.random.normal(ks[2], (E, D, F), dtype=jnp.float32) * 0.02
    b1 = jnp.zeros((E, F), dtype=jnp.float32)
    W2 = jax.random.normal(ks[3], (E, F, D), dtype=jnp.float32) * 0.02
    b2 = jnp.zeros((E, D), dtype=jnp.float32)
    return {"hidden_states": hidden_states, "W_r": W_r, "W1": W1, "b1": b1, "W2": W2, "b2": b2}


def reference(hidden_states, W_r, W1, b1, W2, b2):
    Bv, Sv, Dv = hidden_states.shape
    Ev = W_r.shape[1]
    T = Bv * Sv
    x = hidden_states.reshape(T, Dv)
    # Router: top-1 routing (Switch-style). router_mask/probs/logits.
    router_logits = x @ W_r  # [T, E]
    router_probs_full = jax.nn.softmax(router_logits, axis=-1)
    expert_index = jnp.argmax(router_probs_full, axis=-1)  # [T]
    top_prob = jnp.max(router_probs_full, axis=-1)  # [T] (router_probs of selected expert)
    # Position of each token within its expert's buffer (scatter-based dispatch,
    # equivalent to the per-expert token grouping in scheduler.distribute_tokens /
    # group_experts, with capacity C per expert).
    onehot = jax.nn.one_hot(expert_index, Ev, dtype=jnp.int32)  # [T, E]
    pos = jnp.cumsum(onehot, axis=0)[jnp.arange(T), expert_index] - 1  # [T]
    valid = pos < C
    # Scatter tokens into per-expert buffers (tokens over capacity are dropped).
    expert_inputs = jnp.zeros((Ev, C, Dv), dtype=x.dtype).at[expert_index, pos].set(x, mode='drop')
    # Expert FFN computation (expert_manager forward over grouped tokens).
    h = jax.nn.relu(jnp.einsum('ecd,edf->ecf', expert_inputs, W1) + b1[:, None, :])
    expert_outputs = jnp.einsum('ecf,efd->ecd', h, W2) + b2[:, None, :]
    # Gather results back to token order (scheduler.gather_tokens); dropped
    # tokens keep their original hidden state.
    y = expert_outputs[expert_index, jnp.clip(pos, 0, C - 1)]
    y = jnp.where(valid[:, None], y, x)
    # hidden_states = router_probs * hidden_states
    out = (top_prob[:, None] * y).reshape(Bv, Sv, Dv)
    return out, (router_logits.reshape(Bv, Sv, Ev), expert_index.reshape(Bv, Sv))

if __name__ == "__main__":
    import jax
    _d = setup_inputs()
    print(jax.jit(kernel)(*tuple(_d.values())))

</pallas_src>

<mosaic_0001>
#map = affine_map<(d0, d1) -> (0, 0)>
#map1 = affine_map<(d0, d1) -> (0, 0, 0)>
module attributes {stable_mosaic.version = 14 : i64} {
  func.func @sc_gather(%arg0: i32, %arg1: i32, %arg2: memref<24576x768xf32, #tpu.memory_space<hbm>>, %arg3: memref<32x4x64xi32, #tpu.memory_space<hbm>>, %arg4: memref<32x4x64xf32, #tpu.memory_space<hbm>>, %arg5: memref<8192x768xf32, #tpu.memory_space<hbm>>, %arg6: memref<4x64xi32, #tpu.memory_space<vmem>>, %arg7: memref<4x64xf32, #tpu.memory_space<vmem>>, %arg8: memref<64x768xf32, #tpu.memory_space<vmem>>, %arg9: memref<64x768xf32, #tpu.memory_space<vmem>>, %arg10: memref<!tpu.dma_semaphore, #tpu.memory_space<semaphore_mem>>, %arg11: memref<!tpu.dma_semaphore, #tpu.memory_space<semaphore_mem>>, %arg12: memref<!tpu.dma_semaphore, #tpu.memory_space<semaphore_mem>>, %arg13: memref<!tpu.dma_semaphore, #tpu.memory_space<semaphore_mem>>) attributes {dimension_semantics = [#tpu.dimension_semantics<core_parallel>, #tpu.dimension_semantics<subcore_parallel>], iteration_bounds = array<i64: 2, 16>, scalar_prefetch = 0 : i64, scratch_operands = 8 : i64, tpu.core_type = #tpu.core_type<sc_vector_subcore>, window_params = [{transform_indices = #map}, {transform_indices = #map1}, {transform_indices = #map1}, {transform_indices = #map}]} {
    %mul3A = arith.constant 2 : i32
    %mul3A_0 = arith.muli %arg1, %mul3A : i32
    %add3A = arith.addi %mul3A_0, %arg0 : i32
    "tpu.region"() ({
      %run_scoped3A = tpu.sem_alloc : memref<!tpu.dma_semaphore, #tpu.memory_space<semaphore_mem>>
      %dma_start3A_126 = arith.constant 0 : i32
      %dma_start3A_127 = arith.constant 0 : i32
      %dma_start3A_128 = tpu.memref_slice %arg3[%add3A, %dma_start3A_126, %dma_start3A_127] : memref<32x4x64xi32, #tpu.memory_space<hbm>> -> memref<1x4x64xi32, #tpu.memory_space<hbm>>
      %dma_start3A_129 = tpu.memref_squeeze %dma_start3A_128 : memref<1x4x64xi32, #tpu.memory_space<hbm>> -> memref<4x64xi32, #tpu.memory_space<hbm>>
      %dma_start3A_130 = arith.constant 0 : i32
      %dma_start3A_131 = arith.constant 0 : i32
      %dma_start3A_132 = tpu.memref_slice %arg3[%add3A, %dma_start3A_130, %dma_start3A_131] : memref<32x4x64xi32, #tpu.memory_space<hbm>> -> memref<1x4x64xi32, #tpu.memory_space<hbm>>
      %dma_start3A_133 = tpu.memref_squeeze %dma_start3A_132 : memref<1x4x64xi32, #tpu.memory_space<hbm>> -> memref<4x64xi32, #tpu.memory_space<hbm>>
      tpu.enqueue_dma source(%dma_start3A_133 : memref<4x64xi32, #tpu.memory_space<hbm>>) target(%arg6 : memref<4x64xi32, #tpu.memory_space<vmem>>) target_semaphore(%run_scoped3A : memref<!tpu.dma_semaphore, #tpu.memory_space<semaphore_mem>>)
      %dma_wait3A_134 = arith.constant 0 : i32
      %dma_wait3A_135 = arith.constant 0 : i32
      %dma_wait3A_136 = tpu.memref_slice %arg3[%add3A, %dma_wait3A_134, %dma_wait3A_135] : memref<32x4x64xi32, #tpu.memory_space<hbm>> -> memref<1x4x64xi32, #tpu.memory_space<hbm>>
      %dma_wait3A_137 = tpu.memref_squeeze %dma_wait3A_136 : memref<1x4x64xi32, #tpu.memory_space<hbm>> -> memref<4x64xi32, #tpu.memory_space<hbm>>
      %dma_wait3A_138 = arith.constant 0 : i32
      %dma_wait3A_139 = arith.constant 0 : i32
      %dma_wait3A_140 = tpu.memref_slice %arg3[%add3A, %dma_wait3A_138, %dma_wait3A_139] : memref<32x4x64xi32, #tpu.memory_space<hbm>> -> memref<1x4x64xi32, #tpu.memory_space<hbm>>
      %dma_wait3A_141 = tpu.memref_squeeze %dma_wait3A_140 : memref<1x4x64xi32, #tpu.memory_space<hbm>> -> memref<4x64xi32, #tpu.memory_space<hbm>>
      tpu.wait_dma2 semaphore(%run_scoped3A : memref<!tpu.dma_semaphore, #tpu.memory_space<semaphore_mem>>) src(%dma_wait3A_141 : memref<4x64xi32, #tpu.memory_space<hbm>>) dst(%arg6 : memref<4x64xi32, #tpu.memory_space<vmem>>)
      tpu.yield
    }) : () -> ()
    "tpu.region"() ({
      %run_scoped3A = tpu.sem_alloc : memref<!tpu.dma_semaphore, #tpu.memory_space<semaphore_mem>>
      %dma_start3A_126 = arith.constant 0 : i32
      %dma_start3A_127 = arith.constant 0 : i32
      %dma_start3A_128 = tpu.memref_slice %arg4[%add3A, %dma_start3A_126, %dma_start3A_127] : memref<32x4x64xf32, #tpu.memory_space<hbm>> -> memref<1x4x64xf32, #tpu.memory_space<hbm>>
      %dma_start3A_129 = tpu.memref_squeeze %dma_start3A_128 : memref<1x4x64xf32, #tpu.memory_space<hbm>> -> memref<4x64xf32, #tpu.memory_space<hbm>>
      %dma_start3A_130 = arith.constant 0 : i32
      %dma_start3A_131 = arith.constant 0 : i32
      %dma_start3A_132 = tpu.memref_slice %arg4[%add3A, %dma_start3A_130, %dma_start3A_131] : memref<32x4x64xf32, #tpu.memory_space<hbm>> -> memref<1x4x64xf32, #tpu.memory_space<hbm>>
      %dma_start3A_133 = tpu.memref_squeeze %dma_start3A_132 : memref<1x4x64xf32, #tpu.memory_space<hbm>> -> memref<4x64xf32, #tpu.memory_space<hbm>>
      tpu.enqueue_dma source(%dma_start3A_133 : memref<4x64xf32, #tpu.memory_space<hbm>>) target(%arg7 : memref<4x64xf32, #tpu.memory_space<vmem>>) target_semaphore(%run_scoped3A : memref<!tpu.dma_semaphore, #tpu.memory_space<semaphore_mem>>)
      %dma_wait3A_134 = arith.constant 0 : i32
      %dma_wait3A_135 = arith.constant 0 : i32
      %dma_wait3A_136 = tpu.memref_slice %arg4[%add3A, %dma_wait3A_134, %dma_wait3A_135] : memref<32x4x64xf32, #tpu.memory_space<hbm>> -> memref<1x4x64xf32, #tpu.memory_space<hbm>>
      %dma_wait3A_137 = tpu.memref_squeeze %dma_wait3A_136 : memref<1x4x64xf32, #tpu.memory_space<hbm>> -> memref<4x64xf32, #tpu.memory_space<hbm>>
      %dma_wait3A_138 = arith.constant 0 : i32
      %dma_wait3A_139 = arith.constant 0 : i32
      %dma_wait3A_140 = tpu.memref_slice %arg4[%add3A, %dma_wait3A_138, %dma_wait3A_139] : memref<32x4x64xf32, #tpu.memory_space<hbm>> -> memref<1x4x64xf32, #tpu.memory_space<hbm>>
      %dma_wait3A_141 = tpu.memref_squeeze %dma_wait3A_140 : memref<1x4x64xf32, #tpu.memory_space<hbm>> -> memref<4x64xf32, #tpu.memory_space<hbm>>
      tpu.wait_dma2 semaphore(%run_scoped3A : memref<!tpu.dma_semaphore, #tpu.memory_space<semaphore_mem>>) src(%dma_wait3A_141 : memref<4x64xf32, #tpu.memory_space<hbm>>) dst(%arg7 : memref<4x64xf32, #tpu.memory_space<vmem>>)
      tpu.yield
    }) : () -> ()
    %dma_start3A = arith.constant 0 : i32
    %dma_start3A_1 = arith.constant 0 : i32
    %dma_start3A_2 = tpu.memref_slice %arg6[%dma_start3A, %dma_start3A_1] : memref<4x64xi32, #tpu.memory_space<vmem>> -> memref<1x64xi32, #tpu.memory_space<vmem>>
    %dma_start3A_3 = tpu.memref_squeeze %dma_start3A_2 : memref<1x64xi32, #tpu.memory_space<vmem>> -> memref<64xi32, #tpu.memory_space<vmem>>
    %dma_start3A_4 = arith.constant 0 : i32
    %dma_start3A_5 = arith.constant 0 : i32
    %dma_start3A_6 = tpu.memref_slice %arg2[%dma_start3A_4, %dma_start3A_5] : memref<24576x768xf32, #tpu.memory_space<hbm>> -> memref<24576x768xf32, #tpu.memory_space<hbm>>
    tpu.enqueue_indirect_dma source(%dma_start3A_6 : memref<24576x768xf32, #tpu.memory_space<hbm>>) target(%arg8 : memref<64x768xf32, #tpu.memory_space<vmem>>) offsets(%dma_start3A_3 : memref<64xi32, #tpu.memory_space<vmem>>) semaphore(%arg10 : memref<!tpu.dma_semaphore, #tpu.memory_space<semaphore_mem>>)
    %dma_wait3A = arith.constant 0 : i32
    %dma_wait3A_7 = arith.constant 0 : i32
    %dma_wait3A_8 = tpu.memref_slice %arg6[%dma_wait3A, %dma_wait3A_7] : memref<4x64xi32, #tpu.memory_space<vmem>> -> memref<1x64xi32, #tpu.memory_space<vmem>>
    %dma_wait3A_9 = tpu.memref_squeeze %dma_wait3A_8 : memref<1x64xi32, #tpu.memory_space<vmem>> -> memref<64xi32, #tpu.memory_space<vmem>>
    %dma_wait3A_10 = arith.constant 0 : i32
    %dma_wait3A_11 = arith.constant 0 : i32
    %dma_wait3A_12 = tpu.memref_slice %arg2[%dma_wait3A_10, %dma_wait3A_11] : memref<24576x768xf32, #tpu.memory_space<hbm>> -> memref<24576x768xf32, #tpu.memory_space<hbm>>
    tpu.wait_indirect_dma semaphore(%arg10 : memref<!tpu.dma_semaphore, #tpu.memory_space<semaphore_mem>>) src(%dma_wait3A_12 : memref<24576x768xf32, #tpu.memory_space<hbm>>) dst(%arg8 : memref<64x768xf32, #tpu.memory_space<vmem>>)
    %dma_start3A_13 = arith.constant 1 : i32
    %dma_start3A_14 = arith.constant 0 : i32
    %dma_start3A_15 = tpu.memref_slice %arg6[%dma_start3A_13, %dma_start3A_14] : memref<4x64xi32, #tpu.memory_space<vmem>> -> memref<1x64xi32, #tpu.memory_space<vmem>>
    %dma_start3A_16 = tpu.memref_squeeze %dma_start3A_15 : memref<1x64xi32, #tpu.memory_space<vmem>> -> memref<64xi32, #tpu.memory_space<vmem>>
    %dma_start3A_17 = arith.constant 0 : i32
    %dma_start3A_18 = arith.constant 0 : i32
    %dma_start3A_19 = tpu.memref_slice %arg2[%dma_start3A_17, %dma_start3A_18] : memref<24576x768xf32, #tpu.memory_space<hbm>> -> memref<24576x768xf32, #tpu.memory_space<hbm>>
    tpu.enqueue_indirect_dma source(%dma_start3A_19 : memref<24576x768xf32, #tpu.memory_space<hbm>>) target(%arg9 : memref<64x768xf32, #tpu.memory_space<vmem>>) offsets(%dma_start3A_16 : memref<64xi32, #tpu.memory_space<vmem>>) semaphore(%arg11 : memref<!tpu.dma_semaphore, #tpu.memory_space<semaphore_mem>>)
    %scan3A = arith.constant 0 : i32
    %scan3A_20 = arith.constant 0 : i32
    %scan3A_21 = arith.constant 64 : i32
    %scan3A_22 = arith.addi %scan3A_20, %scan3A_21 : i32
    %scan3A_23 = arith.constant 1 : i32
    scf.for %scan3A_126 = %scan3A_20 to %scan3A_22 step %scan3A_23  : i32 {
      %jit3A = arith.constant 16 : i32
      %div3A = arith.divsi %scan3A_126, %jit3A : i32
      %sign3A = arith.constant 0 : i32
      %sign3A_127 = arith.cmpi sgt, %scan3A_126, %sign3A : i32
      %sign3A_128 = arith.extui %sign3A_127 : i1 to i32
      %sign3A_129 = arith.constant 0 : i32
      %sign3A_130 = arith.cmpi slt, %scan3A_126, %sign3A_129 : i32
      %sign3A_131 = arith.extui %sign3A_130 : i1 to i32
      %sign3A_132 = arith.subi %sign3A_128, %sign3A_131 : i32
      %sign3A_133 = arith.constant 0 : i32
      %sign3A_134 = arith.cmpi sgt, %jit3A, %sign3A_133 : i32
      %sign3A_135 = arith.extui %sign3A_134 : i1 to i32
      %sign3A_136 = arith.constant 0 : i32
      %sign3A_137 = arith.cmpi slt, %jit3A, %sign3A_136 : i32
      %sign3A_138 = arith.extui %sign3A_137 : i1 to i32
      %sign3A_139 = arith.subi %sign3A_135, %sign3A_138 : i32
      %ne3A = arith.cmpi ne, %sign3A_132, %sign3A_139 : i32
      %rem3A = arith.remsi %scan3A_126, %jit3A : i32
      %ne3A_140 = arith.constant 0 : i32
      %ne3A_141 = arith.cmpi ne, %rem3A, %ne3A_140 : i32
      %and3A = arith.andi %ne3A, %ne3A_141 : i1
      %sub3A = arith.constant 1 : i32
      %sub3A_142 = arith.subi %div3A, %sub3A : i32
      %select_n3A = arith.select %and3A, %sub3A_142, %div3A : i32
      %mul3A_143 = arith.constant 16 : i32
      %mul3A_144 = arith.muli %select_n3A, %mul3A_143 : i32
      %get3A = arith.constant 0 : i32
      %get3A_145 = arith.index_cast %get3A : i32 to index
      %get3A_146 = arith.index_cast %mul3A_144 : i32 to index
      %get3A_147 = tpu.vector_load %arg7[%get3A_145, %get3A_146] {strides = array<i32>} : memref<4x64xf32, #tpu.memory_space<vmem>>, vector<1x16xf32>,
      %get3A_148 = vector.shape_cast %get3A_147 : vector<1x16xf32> to vector<16xf32>
      %sub3A_149 = arith.subi %scan3A_126, %mul3A_144 : i32
      %broadcast_in_dim3A = arith.constant 0 : i32
      %broadcast_in_dim3A_150 = vector.broadcast %broadcast_in_dim3A : i32 to vector<16xi32>
      %add3A_151 = vector.broadcast %sub3A_149 : i32 to vector<16xi32>
      %add3A_152 = arith.addi %broadcast_in_dim3A_150, %add3A_151 : vector<16xi32>
      %lt3A = arith.constant 0 : i32
      %lt3A_153 = vector.broadcast %lt3A : i32 to vector<16xi32>
      %lt3A_154 = arith.cmpi slt, %add3A_152, %lt3A_153 : vector<16xi32>
      %add3A_155 = arith.constant 16 : i32
      %add3A_156 = vector.broadcast %add3A_155 : i32 to vector<16xi32>
      %add3A_157 = arith.addi %add3A_152, %add3A_156 : vector<16xi32>
      %select_n3A_158 = arith.select %lt3A_154, %add3A_157, %add3A_152 : vector<16xi1>, vector<16xi32>
      %broadcast_in_dim3A_159 = vector.shape_cast %select_n3A_158 : vector<16xi32> to vector<16x1xi32>
      %gather3A = vector.shape_cast %broadcast_in_dim3A_159 : vector<16x1xi32> to vector<16xi32>
      %gather3A_160 = tpu.dynamic_gather %get3A_148[%gather3A] in [0] : vector<16xf32>, vector<16xi32> -> vector<16xf32>
      %get3A_161 = arith.index_cast %scan3A_126 : i32 to index
      %get3A_162 = arith.constant 0 : index
      %get3A_163 = tpu.vector_load %arg8[%get3A_161, %get3A_162] {strides = array<i32>} : memref<64x768xf32, #tpu.memory_space<vmem>>, vector<1x16xf32>,
      %get3A_164 = vector.shape_cast %get3A_163 : vector<1x16xf32> to vector<16xf32>
      %mul3A_165 = arith.mulf %get3A_164, %gather3A_160 : vector<16xf32>
      %swap3A = arith.index_cast %scan3A_126 : i32 to index
      %swap3A_166 = arith.constant 0 : index
      %swap3A_167 = tpu.vector_load %arg8[%swap3A, %swap3A_166] {strides = array<i32>} : memref<64x768xf32, #tpu.memory_space<vmem>>, vector<1x16xf32>,
      %swap3A_168 = vector.shape_cast %swap3A_167 : vector<1x16xf32> to vector<16xf32>
      %swap3A_169 = vector.shape_cast %mul3A_165 : vector<16xf32> to vector<1x16xf32>
      tpu.vector_store %arg8[%swap3A, %swap3A_166], %swap3A_169 {strides = array<i32>} : memref<64x768xf32, #tpu.memory_space<vmem>>, vector<1x16xf32>,
      %get3A_170 = arith.index_cast %scan3A_126 : i32 to index
      %get3A_171 = arith.constant 16 : index
      %get3A_172 = tpu.vector_load %arg8[%get3A_170, %get3A_171] {strides = array<i32>} : memref<64x768xf32, #tpu.memory_space<vmem>>, vector<1x16xf32>,
      %get3A_173 = vector.shape_cast %get3A_172 : vector<1x16xf32> to vector<16xf32>
      %mul3A_174 = arith.mulf %get3A_173, %gather3A_160 : vector<16xf32>
      %swap3A_175 = arith.index_cast %scan3A_126 : i32 to index
      %swap3A_176 = arith.constant 16 : index
      %swap3A_177 = tpu.vector_load %arg8[%swap3A_175, %swap3A_176] {strides = array<i32>} : memref<64x768xf32, #tpu.memory_space<vmem>>, vector<1x16xf32>,
      %swap3A_178 = vector.shape_cast %swap3A_177 : vector<1x16xf32> to vector<16xf32>
      %swap3A_179 = vector.shape_cast %mul3A_174 : vector<16xf32> to vector<1x16xf32>
      tpu.vector_store %arg8[%swap3A_175, %swap3A_176], %swap3A_179 {strides = array<i32>} : memref<64x768xf32, #tpu.memory_space<vmem>>, vector<1x16xf32>,
      %get3A_180 = arith.index_cast %scan3A_126 : i32 to index
      %get3A_181 = arith.constant 32 : index
      %get3A_182 = tpu.vector_load %arg8[%get3A_180, %get3A_181] {strides = array<i32>} : memref<64x768xf32, #tpu.memory_space<vmem>>, vector<1x16xf32>,
      %get3A_183 = vector.shape_cast %get3A_182 : vector<1x16xf32> to vector<16xf32>
      %mul3A_184 = arith.mulf %get3A_183, %gather3A_160 : vector<16xf32>
      %swap3A_185 = arith.index_cast %scan3A_126 : i32 to index
      %swap3A_186 = arith.constant 32 : index
      %swap3A_187 = tpu.vector_load %arg8[%swap3A_185, %swap3A_186] {strides = array<i32>} : memref<64x768xf32, #tpu.memory_space<vmem>>, vector<1x16xf32>,
      %swap3A_188 = vector.shape_cast %swap3A_187 : vector<1x16xf32> to vector<16xf32>
      %swap3A_189 = vector.shape_cast %mul3A_184 : vector<16xf32> to vector<1x16xf32>
      tpu.vector_store %arg8[%swap3A_185, %swap3A_186], %swap3A_189 {strides = array<i32>} : memref<64x768xf32, #tpu.memory_space<vmem>>, vector<1x16xf32>,
      %get3A_190 = arith.index_cast %scan3A_126 : i32 to index
      %get3A_191 = arith.constant 48 : index
      %get3A_192 = tpu.vector_load %arg8[%get3A_190, %get3A_191] {strides = array<i32>} : memref<64x768xf32, #tpu.memory_space<vmem>>, vector<1x16xf32>,
      %get3A_193 = vector.shape_cast %get3A_192 : vector<1x16xf32> to vector<16xf32>
      %mul3A_194 = arith.mulf %get3A_193, %gather3A_160 : vector<16xf32>
      %swap3A_195 = arith.index_cast %scan3A_126 : i32 to index
      %swap3A_196 = arith.constant 48 : index
      %swap3A_197 = tpu.vector_load %arg8[%swap3A_195, %swap3A_196] {strides = array<i32>} : memref<64x768xf32, #tpu.memory_space<vmem>>, vector<1x16xf32>,
      %swap3A_198 = vector.shape_cast %swap3A_197 : vector<1x16xf32> to vector<16xf32>
      %swap3A_199 = vector.shape_cast %mul3A_194 : vector<16xf32> to vector<1x16xf32>
      tpu.vector_store %arg8[%swap3A_195, %swap3A_196], %swap3A_199 {strides = array<i32>} : memref<64x768xf32, #tpu.memory_space<vmem>>, vector<1x16xf32>,
      %get3A_200 = arith.index_cast %scan3A_126 : i32 to index
      %get3A_201 = arith.constant 64 : index
      %get3A_202 = tpu.vector_load %arg8[%get3A_200, %get3A_201] {strides = array<i32>} : memref<64x768xf32, #tpu.memory_space<vmem>>, vector<1x16xf32>,
      %get3A_203 = vector.shape_cast %get3A_202 : vector<1x16xf32> to vector<16xf32>
      %mul3A_204 = arith.mulf %get3A_203, %gather3A_160 : vector<16xf32>
      %swap3A_205 = arith.index_cast %scan3A_126 : i32 to index
      %swap3A_206 = arith.constant 64 : index
      %swap3A_207 = tpu.vector_load %arg8[%swap3A_205, %swap3A_206] {strides = array<i32>} : memref<64x768xf32, #tpu.memory_space<vmem>>, vector<1x16xf32>,
      %swap3A_208 = vector.shape_cast %swap3A_207 : vector<1x16xf32> to vector<16xf32>
      %swap3A_209 = vector.shape_cast %mul3A_204 : vector<16xf32> to vector<1x16xf32>
      tpu.vector_store %arg8[%swap3A_205, %swap3A_206], %swap3A_209 {strides = array<i32>} : memref<64x768xf32, #tpu.memory_space<vmem>>, vector<1x16xf32>,
      %get3A_210 = arith.index_cast %scan3A_126 : i32 to index
      %get3A_211 = arith.constant 80 : index
      %get3A_212 = tpu.vector_load %arg8[%get3A_210, %get3A_211] {strides = array<i32>} : memref<64x768xf32, #tpu.memory_space<vmem>>, vector<1x16xf32>,
      %get3A_213 = vector.shape_cast %get3A_212 : vector<1x16xf32> to vector<16xf32>
      %mul3A_214 = arith.mulf %get3A_213, %gather3A_160 : vector<16xf32>
      %swap3A_215 = arith.index_cast %scan3A_126 : i32 to index
      %swap3A_216 = arith.constant 80 : index
      %swap3A_217 = tpu.vector_load %arg8[%swap3A_215, %swap3A_216] {strides = array<i32>} : memref<64x768xf32, #tpu.memory_space<vmem>>, vector<1x16xf32>,
      %swap3A_218 = vector.shape_cast %swap3A_217 : vector<1x16xf32> to vector<16xf32>
      %swap3A_219 = vector.shape_cast %mul3A_214 : vector<16xf32> to vector<1x16xf32>
      tpu.vector_store %arg8[%swap3A_215, %swap3A_216], %swap3A_219 {strides = array<i32>} : memref<64x768xf32, #tpu.memory_space<vmem>>, vector<1x16xf32>,
      %get3A_220 = arith.index_cast %scan3A_126 : i32 to index
      %get3A_221 = arith.constant 96 : index
      %get3A_222 = tpu.vector_load %arg8[%get3A_220, %get3A_221] {strides = array<i32>} : memref<64x768xf32, #tpu.memory_space<vmem>>, vector<1x16xf32>,
      %get3A_223 = vector.shape_cast %get3A_222 : vector<1x16xf32> to vector<16xf32>
      %mul3A_224 = arith.mulf %get3A_223, %gather3A_160 : vector<16xf32>
      %swap3A_225 = arith.index_cast %scan3A_126 : i32 to index
      %swap3A_226 = arith.constant 96 : index
      %swap3A_227 = tpu.vector_load %arg8[%swap3A_225, %swap3A_226] {strides = array<i32>} : memref<64x768xf32, #tpu.memory_space<vmem>>, vector<1x16xf32>,
      %swap3A_228 = vector.shape_cast %swap3A_227 : vector<1x16xf32> to vector<16xf32>
      %swap3A_229 = vector.shape_cast %mul3A_224 : vector<16xf32> to vector<1x16xf32>
      tpu.vector_store %arg8[%swap3A_225, %swap3A_226], %swap3A_229 {strides = array<i32>} : memref<64x768xf32, #tpu.memory_space<vmem>>, vector<1x16xf32>,
      %get3A_230 = arith.index_cast %scan3A_126 : i32 to index
      %get3A_231 = arith.constant 112 : index
      %get3A_232 = tpu.vector_load %arg8[%get3A_230, %get3A_231] {strides = array<i32>} : memref<64x768xf32, #tpu.memory_space<vmem>>, vector<1x16xf32>,
      %get3A_233 = vector.shape_cast %get3A_232 : vector<1x16xf32> to vector<16xf32>
      %mul3A_234 = arith.mulf %get3A_233, %gather3A_160 : vector<16xf32>
      %swap3A_235 = arith.index_cast %scan3A_126 : i32 to index
      %swap3A_236 = arith.constant 112 : index
      %swap3A_237 = tpu.vector_load %arg8[%swap3A_235, %swap3A_236] {strides = array<i32>} : memref<64x768xf32, #tpu.memory_space<vmem>>, vector<1x16xf32>,
      %swap3A_238 = vector.shape_cast %swap3A_237 : vector<1x16xf32> to vector<16xf32>
      %swap3A_239 = vector.shape_cast %mul3A_234 : vector<16xf32> to vector<1x16xf32>
      tpu.vector_store %arg8[%swap3A_235, %swap3A_236], %swap3A_239 {strides = array<i32>} : memref<64x768xf32, #tpu.memory_space<vmem>>, vector<1x16xf32>,
      %get3A_240 = arith.index_cast %scan3A_126 : i32 to index
      %get3A_241 = arith.constant 128 : index
      %get3A_242 = tpu.vector_load %arg8[%get3A_240, %get3A_241] {strides = array<i32>} : memref<64x768xf32, #tpu.memory_space<vmem>>, vector<1x16xf32>,
      %get3A_243 = vector.shape_cast %get3A_242 : vector<1x16xf32> to vector<16xf32>
      %mul3A_244 = arith.mulf %get3A_243, %gather3A_160 : vector<16xf32>
      %swap3A_245 = arith.index_cast %scan3A_126 : i32 to index
      %swap3A_246 = arith.constant 128 : index
      %swap3A_247 = tpu.vector_load %arg8[%swap3A_245, %swap3A_246] {strides = array<i32>} : memref<64x768xf32, #tpu.memory_space<vmem>>, vector<1x16xf32>,
      %swap3A_248 = vector.shape_cast %swap3A_247 : vector<1x16xf32> to vector<16xf32>
      %swap3A_249 = vector.shape_cast %mul3A_244 : vector<16xf32> to vector<1x16xf32>
      tpu.vector_store %arg8[%swap3A_245, %swap3A_246], %swap3A_249 {strides = array<i32>} : memref<64x768xf32, #tpu.memory_space<vmem>>, vector<1x16xf32>,
      %get3A_250 = arith.index_cast %scan3A_126 : i32 to index
      %get3A_251 = arith.constant 144 : index
      %get3A_252 = tpu.vector_load %arg8[%get3A_250, %get3A_251] {strides = array<i32>} : memref<64x768xf32, #tpu.memory_space<vmem>>, vector<1x16xf32>,
      %get3A_253 = vector.shape_cast %get3A_252 : vector<1x16xf32> to vector<16xf32>
      %mul3A_254 = arith.mulf %get3A_253, %gather3A_160 : vector<16xf32>
      %swap3A_255 = arith.index_cast %scan3A_126 : i32 to index
      %swap3A_256 = arith.constant 144 : index
      %swap3A_257 = tpu.vector_load %arg8[%swap3A_255, %swap3A_256] {strides = array<i32>} : memref<64x768xf32, #tpu.memory_space<vmem>>, vector<1x16xf32>,
      %swap3A_258 = vector.shape_cast %swap3A_257 : vector<1x16xf32> to vector<16xf32>
      %swap3A_259 = vector.shape_cast %mul3A_254 : vector<16xf32> to vector<1x16xf32>
      tpu.vector_store %arg8[%swap3A_255, %swap3A_256], %swap3A_259 {strides = array<i32>} : memref<64x768xf32, #tpu.memory_space<vmem>>, vector<1x16xf32>,
      %get3A_260 = arith.index_cast %scan3A_126 : i32 to index
      %get3A_261 = arith.constant 160 : index
      %get3A_262 = tpu.vector_load %arg8[%get3A_260, %get3A_261] {strides = array<i32>} : memref<64x768xf32, #tpu.memory_space<vmem>>, vector<1x16xf32>,
      %get3A_263 = vector.shape_cast %get3A_262 : vector<1x16xf32> to vector<16xf32>
      %mul3A_264 = arith.mulf %get3A_263, %gather3A_160 : vector<16xf32>
      %swap3A_265 = arith.index_cast %scan3A_126 : i32 to index
      %swap3A_266 = arith.constant 160 : index
      %swap3A_267 = tpu.vector_load %arg8[%swap3A_265, %swap3A_266] {strides = array<i32>} : memref<64x768xf32, #tpu.memory_space<vmem>>, vector<1x16xf32>,
      %swap3A_268 = vector.shape_cast %swap3A_267 : vector<1x16xf32> to vector<16xf32>
      %swap3A_269 = vector.shape_cast %mul3A_264 : vector<16xf32> to vector<1x16xf32>
      tpu.vector_store %arg8[%swap3A_265, %swap3A_266], %swap3A_269 {strides = array<i32>} : memref<64x768xf32, #tpu.memory_space<vmem>>, vector<1x16xf32>,
      %get3A_270 = arith.index_cast %scan3A_126 : i32 to index
      %get3A_271 = arith.constant 176 : index
      %get3A_272 = tpu.vector_load %arg8[%get3A_270, %get3A_271] {strides = array<i32>} : memref<64x768xf32, #tpu.memory_space<vmem>>, vector<1x16xf32>,
      %get3A_273 = vector.shape_cast %get3A_272 : vector<1x16xf32> to vector<16xf32>
      %mul3A_274 = arith.mulf %get3A_273, %gather3A_160 : vector<16xf32>
      %swap3A_275 = arith.index_cast %scan3A_126 : i32 to index
      %swap3A_276 = arith.constant 176 : index
      %swap3A_277 = tpu.vector_load %arg8[%swap3A_275, %swap3A_276] {strides = array<i32>} : memref<64x768xf32, #tpu.memory_space<vmem>>, vector<1x16xf32>,
      %swap3A_278 = vector.shape_cast %swap3A_277 : vector<1x16xf32> to vector<16xf32>
      %swap3A_279 = vector.shape_cast %mul3A_274 : vector<16xf32> to vector<1x16xf32>
      tpu.vector_store %arg8[%swap3A_275, %swap3A_276], %swap3A_279 {strides = array<i32>} : memref<64x768xf32, #tpu.memory_space<vmem>>, vector<1x16xf32>,
      %get3A_280 = arith.index_cast %scan3A_126 : i32 to index
      %get3A_281 = arith.constant 192 : index
      %get3A_282 = tpu.vector_load %arg8[%get3A_280, %get3A_281] {strides = array<i32>} : memref<64x768xf32, #tpu.memory_space<vmem>>, vector<1x16xf32>,
      %get3A_283 = vector.shape_cast %get3A_282 : vector<1x16xf32> to vector<16xf32>
      %mul3A_284 = arith.mulf %get3A_283, %gather3A_160 : vector<16xf32>
      %swap3A_285 = arith.index_cast %scan3A_126 : i32 to index
      %swap3A_286 = arith.constant 192 : index
      %swap3A_287 = tpu.vector_load %arg8[%swap3A_285, %swap3A_286] {strides = array<i32>} : memref<64x768xf32, #tpu.memory_space<vmem>>, vector<1x16xf32>,
      %swap3A_288 = vector.shape_cast %swap3A_287 : vector<1x16xf32> to vector<16xf32>
      %swap3A_289 = vector.shape_cast %mul3A_284 : vector<16xf32> to vector<1x16xf32>
      tpu.vector_store %arg8[%swap3A_285, %swap3A_286], %swap3A_289 {strides = array<i32>} : memref<64x768xf32, #tpu.memory_space<vmem>>, vector<1x16xf32>,
      %get3A_290 = arith.index_cast %scan3A_126 : i32 to index
      %get3A_291 = arith.constant 208 : index
      %get3A_292 = tpu.vector_load %arg8[%get3A_290, %get3A_291] {strides = array<i32>} : memref<64x768xf32, #tpu.memory_space<vmem>>, vector<1x16xf32>,
      %get3A_293 = vector.shape_cast %get3A_292 : vector<1x16xf32> to vector<16xf32>
      %mul3A_294 = arith.mulf %get3A_293, %gather3A_160 : vector<16xf32>
      %swap3A_295 = arith.index_cast %scan3A_126 : i32 to index
      %swap3A_296 = arith.constant 208 : index
      %swap3A_297 = tpu.vector_load %arg8[%swap3A_295, %swap3A_296] {strides = array<i32>} : memref<64x768xf32, #tpu.memory_space<vmem>>, vector<1x16xf32>,
      %swap3A_298 = vector.shape_cast %swap3A_297 : vector<1x16xf32> to vector<16xf32>
      %swap3A_299 = vector.shape_cast %mul3A_294 : vector<16xf32> to vector<1x16xf32>
      tpu.vector_store %arg8[%swap3A_295, %swap3A_296], %swap3A_299 {strides = array<i32>} : memref<64x768xf32, #tpu.memory_space<vmem>>, vector<1x16xf32>,
      %get3A_300 = arith.index_cast %scan3A_126 : i32 to index
      %get3A_301 = arith.constant 224 : index
      %get3A_302 = tpu.vector_load %arg8[%get3A_300, %get3A_301] {strides = array<i32>} : memref<64x768xf32, #tpu.memory_space<vmem>>, vector<1x16xf32>,
      %get3A_303 = vector.shape_cast %get3A_302 : vector<1x16xf32> to vector<16xf32>
      %mul3A_304 = arith.mulf %get3A_303, %gather3A_160 : vector<16xf32>
      %swap3A_305 = arith.index_cast %scan3A_126 : i32 to index
      %swap3A_306 = arith.constant 224 : index
      %swap3A_307 = tpu.vector_load %arg8[%swap3A_305, %swap3A_306] {strides = array<i32>} : memref<64x768xf32, #tpu.memory_space<vmem>>, vector<1x16xf32>,
      %swap3A_308 = vector.shape_cast %swap3A_307 : vector<1x16xf32> to vector<16xf32>
      %swap3A_309 = vector.shape_cast %mul3A_304 : vector<16xf32> to vector<1x16xf32>
      tpu.vector_store %arg8[%swap3A_305, %swap3A_306], %swap3A_309 {strides = array<i32>} : memref<64x768xf32, #tpu.memory_space<vmem>>, vector<1x16xf32>,
      %get3A_310 = arith.index_cast %scan3A_126 : i32 to index
      %get3A_311 = arith.constant 240 : index
      %get3A_312 = tpu.vector_load %arg8[%get3A_310, %get3A_311] {strides = array<i32>} : memref<64x768xf32, #tpu.memory_space<vmem>>, vector<1x16xf32>,
      %get3A_313 = vector.shape_cast %get3A_312 : vector<1x16xf32> to vector<16xf32>
      %mul3A_314 = arith.mulf %get3A_313, %gather3A_160 : vector<16xf32>
      %swap3A_315 = arith.index_cast %scan3A_126 : i32 to index
      %swap3A_316 = arith.constant 240 : index
      %swap3A_317 = tpu.vector_load %arg8[%swap3A_315, %swap3A_316] {strides = array<i32>} : memref<64x768xf32, #tpu.memory_space<vmem>>, vector<1x16xf32>,
      %swap3A_318 = vector.shape_cast %swap3A_317 : vector<1x16xf32> to vector<16xf32>
      %swap3A_319 = vector.shape_cast %mul3A_314 : vector<16xf32> to vector<1x16xf32>
      tpu.vector_store %arg8[%swap3A_315, %swap3A_316], %swap3A_319 {strides = array<i32>} : memref<64x768xf32, #tpu.memory_space<vmem>>, vector<1x16xf32>,
      %get3A_320 = arith.index_cast %scan3A_126 : i32 to index
      %get3A_321 = arith.constant 256 : index
      %get3A_322 = tpu.vector_load %arg8[%get3A_320, %get3A_321] {strides = array<i32>} : memref<64x768xf32, #tpu.memory_space<vmem>>, vector<1x16xf32>,
      %get3A_323 = vector.shape_cast %get3A_322 : vector<1x16xf32> to vector<16xf32>
      %mul3A_324 = arith.mulf %get3A_323, %gather3A_160 : vector<16xf32>
      %swap3A_325 = arith.index_cast %scan3A_126 : i32 to index
      %swap3A_326 = arith.constant 256 : index
      %swap3A_327 = tpu.vector_load %arg8[%swap3A_325, %swap3A_326] {strides = array<i32>} : memref<64x768xf32, #tpu.memory_space<vmem>>, vector<1x16xf32>,
      %swap3A_328 = vector.shape_cast %swap3A_327 : vector<1x16xf32> to vector<16xf32>
      %swap3A_329 = vector.shape_cast %mul3A_324 : vector<16xf32> to vector<1x16xf32>
      tpu.vector_store %arg8[%swap3A_325, %swap3A_326], %swap3A_329 {strides = array<i32>} : memref<64x768xf32, #tpu.memory_space<vmem>>, vector<1x16xf32>,
      %get3A_330 = arith.index_cast %scan3A_126 : i32 to index
      %get3A_331 = arith.constant 272 : index
      %get3A_332 = tpu.vector_load %arg8[%get3A_330, %get3A_331] {strides = array<i32>} : memref<64x768xf32, #tpu.memory_space<vmem>>, vector<1x16xf32>,
      %get3A_333 = vector.shape_cast %get3A_332 : vector<1x16xf32> to vector<16xf32>
      %mul3A_334 = arith.mulf %get3A_333, %gather3A_160 : vector<16xf32>
      %swap3A_335 = arith.index_cast %scan3A_126 : i32 to index
      %swap3A_336 = arith.constant 272 : index
      %swap3A_337 = tpu.vector_load %arg8[%swap3A_335, %swap3A_336] {strides = array<i32>} : memref<64x768xf32, #tpu.memory_space<vmem>>, vector<1x16xf32>,
      %swap3A_338 = vector.shape_cast %swap3A_337 : vector<1x16xf32> to vector<16xf32>
      %swap3A_339 = vector.shape_cast %mul3A_334 : vector<16xf32> to vector<1x16xf32>
      tpu.vector_store %arg8[%swap3A_335, %swap3A_336], %swap3A_339 {strides = array<i32>} : memref<64x768xf32, #tpu.memory_space<vmem>>, vector<1x16xf32>,
      %get3A_340 = arith.index_cast %scan3A_126 : i32 to index
      %get3A_341 = arith.constant 288 : index
      %get3A_342 = tpu.vector_load %arg8[%get3A_340, %get3A_341] {strides = array<i32>} : memref<64x768xf32, #tpu.memory_space<vmem>>, vector<1x16xf32>,
      %get3A_343 = vector.shape_cast %get3A_342 : vector<1x16xf32> to vector<16xf32>
      %mul3A_344 = arith.mulf %get3A_343, %gather3A_160 : vector<16xf32>
      %swap3A_345 = arith.index_cast %scan3A_126 : i32 to index
      %swap3A_346 = arith.constant 288 : index
      %swap3A_347 = tpu.vector_load %arg8[%swap3A_345, %swap3A_346] {strides = array<i32>} : memref<64x768xf32, #tpu.memory_space<vmem>>, vector<1x16xf32>,
      %swap3A_348 = vector.shape_cast %swap3A_347 : vector<1x16xf32> to vector<16xf32>
      %swap3A_349 = vector.shape_cast %mul3A_344 : vector<16xf32> to vector<1x16xf32>
      tpu.vector_store %arg8[%swap3A_345, %swap3A_346], %swap3A_349 {strides = array<i32>} : memref<64x768xf32, #tpu.memory_space<vmem>>, vector<1x16xf32>,
      %get3A_350 = arith.index_cast %scan3A_126 : i32 to index
      %get3A_351 = arith.constant 304 : index
      %get3A_352 = tpu.vector_load %arg8[%get3A_350, %get3A_351] {strides = array<i32>} : memref<64x768xf32, #tpu.memory_space<vmem>>, vector<1x16xf32>,
      %get3A_353 = vector.shape_cast %get3A_352 : vector<1x16xf32> to vector<16xf32>
      %mul3A_354 = arith.mulf %get3A_353, %gather3A_160 : vector<16xf32>
      %swap3A_355 = arith.index_cast %scan3A_126 : i32 to index
      %swap3A_356 = arith.constant 304 : index
      %swap3A_357 = tpu.vector_load %arg8[%swap3A_355, %swap3A_356] {strides = array<i32>} : memref<64x768xf32, #tpu.memory_space<vmem>>, vector<1x16xf32>,
      %swap3A_358 = vector.shape_cast %swap3A_357 : vector<1x16xf32> to vector<16xf32>
      %swap3A_359 = vector.shape_cast %mul3A_354 : vector<16xf32> to vector<1x16xf32>
      tpu.vector_store %arg8[%swap3A_355, %swap3A_356], %swap3A_359 {strides = array<i32>} : memref<64x768xf32, #tpu.memory_space<vmem>>, vector<1x16xf32>,
      %get3A_360 = arith.index_cast %scan3A_126 : i32 to index
      %get3A_361 = arith.constant 320 : index
      %get3A_362 = tpu.vector_load %arg8[%get3A_360, %get3A_361] {strides = array<i32>} : memref<64x768xf32, #tpu.memory_space<vmem>>, vector<1x16xf32>,
      %get3A_363 = vector.shape_cast %get3A_362 : vector<1x16xf32> to vector<16xf32>
      %mul3A_364 = arith.mulf %get3A_363, %gather3A_160 : vector<16xf32>
      %swap3A_365 = arith.index_cast %scan3A_126 : i32 to index
      %swap3A_366 = arith.constant 320 : index
      %swap3A_367 = tpu.vector_load %arg8[%swap3A_365, %swap3A_366] {strides = array<i32>} : memref<64x768xf32, #tpu.memory_space<vmem>>, vector<1x16xf32>,
      %swap3A_368 = vector.shape_cast %swap3A_367 : vector<1x16xf32> to vector<16xf32>
      %swap3A_369 = vector.shape_cast %mul3A_364 : vector<16xf32> to vector<1x16xf32>
      tpu.vector_store %arg8[%swap3A_365, %swap3A_366], %swap3A_369 {strides = array<i32>} : memref<64x768xf32, #tpu.memory_space<vmem>>, vector<1x16xf32>,
      %get3A_370 = arith.index_cast %scan3A_126 : i32 to index
      %get3A_371 = arith.constant 336 : index
      %get3A_372 = tpu.vector_load %arg8[%get3A_370, %get3A_371] {strides = array<i32>} : memref<64x768xf32, #tpu.memory_space<vmem>>, vector<1x16xf32>,
      %get3A_373 = vector.shape_cast %get3A_372 : vector<1x16xf32> to vector<16xf32>
      %mul3A_374 = arith.mulf %get3A_373, %gather3A_160 : vector<16xf32>
      %swap3A_375 = arith.index_cast %scan3A_126 : i32 to index
      %swap3A_376 = arith.constant 336 : index
      %swap3A_377 = tpu.vector_load %arg8[%swap3A_375, %swap3A_376] {strides = array<i32>} : memref<64x768xf32, #tpu.memory_space<vmem>>, vector<1x16xf32>,
      %swap3A_378 = vector.shape_cast %swap3A_377 : vector<1x16xf32> to vector<16xf32>
      %swap3A_379 = vector.shape_cast %mul3A_374 : vector<16xf32> to vector<1x16xf32>
      tpu.vector_store %arg8[%swap3A_375, %swap3A_376], %swap3A_379 {strides = array<i32>} : memref<64x768xf32, #tpu.memory_space<vmem>>, vector<1x16xf32>,
      %get3A_380 = arith.index_cast %scan3A_126 : i32 to index
      %get3A_381 = arith.constant 352 : index
      %get3A_382 = tpu.vector_load %arg8[%get3A_380, %get3A_381] {strides = array<i32>} : memref<64x768xf32, #tpu.memory_space<vmem>>, vector<1x16xf32>,
      %get3A_383 = vector.shape_cast %get3A_382 : vector<1x16xf32> to vector<16xf32>
      %mul3A_384 = arith.mulf %get3A_383, %gather3A_160 : vector<16xf32>
      %swap3A_385 = arith.index_cast %scan3A_126 : i32 to index
      %swap3A_386 = arith.constant 352 : index
      %swap3A_387 = tpu.vector_load %arg8[%swap3A_385, %swap3A_386] {strides = array<i32>} : memref<64x768xf32, #tpu.memory_space<vmem>>, vector<1x16xf32>,
      %swap3A_388 = vector.shape_cast %swap3A_387 : vector<1x16xf32> to vector<16xf32>
      %swap3A_389 = vector.shape_cast %mul3A_384 : vector<16xf32> to vector<1x16xf32>
      tpu.vector_store %arg8[%swap3A_385, %swap3A_386], %swap3A_389 {strides = array<i32>} : memref<64x768xf32, #tpu.memory_space<vmem>>, vector<1x16xf32>,
      %get3A_390 = arith.index_cast %scan3A_126 : i32 to index
      %get3A_391 = arith.constant 368 : index
      %get3A_392 = tpu.vector_load %arg8[%get3A_390, %get3A_391] {strides = array<i32>} : memref<64x768xf32, #tpu.memory_space<vmem>>, vector<1x16xf32>,
      %get3A_393 = vector.shape_cast %get3A_392 : vector<1x16xf32> to vector<16xf32>
      %mul3A_394 = arith.mulf %get3A_393, %gather3A_160 : vector<16xf32>
      %swap3A_395 = arith.index_cast %scan3A_126 : i32 to index
      %swap3A_396 = arith.constant 368 : index
      %swap3A_397 = tpu.vector_load %arg8[%swap3A_395, %swap3A_396] {strides = array<i32>} : memref<64x768xf32, #tpu.memory_space<vmem>>, vector<1x16xf32>,
      %swap3A_398 = vector.shape_cast %swap3A_397 : vector<1x16xf32> to vector<16xf32>
      %swap3A_399 = vector.shape_cast %mul3A_394 : vector<16xf32> to vector<1x16xf32>
      tpu.vector_store %arg8[%swap3A_395, %swap3A_396], %swap3A_399 {strides = array<i32>} : memref<64x768xf32, #tpu.memory_space<vmem>>, vector<1x16xf32>,
      %get3A_400 = arith.index_cast %scan3A_126 : i32 to index
      %get3A_401 = arith.constant 384 : index
      %get3A_402 = tpu.vector_load %arg8[%get3A_400, %get3A_401] {strides = array<i32>} : memref<64x768xf32, #tpu.memory_space<vmem>>, vector<1x16xf32>,
      %get3A_403 = vector.shape_cast %get3A_402 : vector<1x16xf32> to vector<16xf32>
      %mul3A_404 = arith.mulf %get3A_403, %gather3A_160 : vector<16xf32>
      %swap3A_405 = arith.index_cast %scan3A_126 : i32 to index
      %swap3A_406 = arith.constant 384 : index
      %swap3A_407 = tpu.vector_load %arg8[%swap3A_405, %swap3A_406] {strides = array<i32>} : memref<64x768xf32, #tpu.memory_space<vmem>>, vector<1x16xf32>,
      %swap3A_408 = vector.shape_cast %swap3A_407 : vector<1x16xf32> to vector<16xf32>
      %swap3A_409 = vector.shape_cast %mul3A_404 : vector<16xf32> to vector<1x16xf32>
      tpu.vector_store %arg8[%swap3A_405, %swap3A_406], %swap3A_409 {strides = array<i32>} : memref<64x768xf32, #tpu.memory_space<vmem>>, vector<1x16xf32>,
      %get3A_410 = arith.index_cast %scan3A_126 : i32 to index
      %get3A_411 = arith.constant 400 : index
      %get3A_412 = tpu.vector_load %arg8[%get3A_410, %get3A_411] {strides = array<i32>} : memref<64x768xf32, #tpu.memory_space<vmem>>, vector<1x16xf32>,
      %get3A_413 = vector.shape_cast %get3A_412 : vector<1x16xf32> to vector<16xf32>
      %mul3A_414 = arith.mulf %get3A_413, %gather3A_160 : vector<16xf32>
      %swap3A_415 = arith.index_cast %scan3A_126 : i32 to index
      %swap3A_416 = arith.constant 400 : index
      %swap3A_417 = tpu.vector_load %arg8[%swap3A_415, %swap3A_416] {strides = array<i32>} : memref<64x768xf32, #tpu.memory_space<vmem>>, vector<1x16xf32>,
      %swap3A_418 = vector.shape_cast %swap3A_417 : vector<1x16xf32> to vector<16xf32>
      %swap3A_419 = vector.shape_cast %mul3A_414 : vector<16xf32> to vector<1x16xf32>
      tpu.vector_store %arg8[%swap3A_415, %swap3A_416], %swap3A_419 {strides = array<i32>} : memref<64x768xf32, #tpu.memory_space<vmem>>, vector<1x16xf32>,
      %get3A_420 = arith.index_cast %scan3A_126 : i32 to index
      %get3A_421 = arith.constant 416 : index
      %get3A_422 = tpu.vector_load %arg8[%get3A_420, %get3A_421] {strides = array<i32>} : memref<64x768xf32, #tpu.memory_space<vmem>>, vector<1x16xf32>,
      %get3A_423 = vector.shape_cast %get3A_422 : vector<1x16xf32> to vector<16xf32>
      %mul3A_424 = arith.mulf %get3A_423, %gather3A_160 : vector<16xf32>
      %swap3A_425 = arith.index_cast %scan3A_126 : i32 to index
      %swap3A_426 = arith.constant 416 : index
      %swap3A_427 = tpu.vector_load %arg8[%swap3A_425, %swap3A_426] {strides = array<i32>} : memref<64x768xf32, #tpu.memory_space<vmem>>, vector<1x16xf32>,
      %swap3A_428 = vector.shape_cast %swap3A_427 : vector<1x16xf32> to vector<16xf32>
      %swap3A_429 = vector.shape_cast %mul3A_424 : vector<16xf32> to vector<1x16xf32>
      tpu.vector_store %arg8[%swap3A_425, %swap3A_426], %swap3A_429 {strides = array<i32>} : memref<64x768xf32, #tpu.memory_space<vmem>>, vector<1x16xf32>,
      %get3A_430 = arith.index_cast %scan3A_126 : i32 to index
      %get3A_431 = arith.constant 432 : index
      %get3A_432 = tpu.vector_load %arg8[%get3A_430, %get3A_431] {strides = array<i32>} : memref<64x768xf32, #tpu.memory_space<vmem>>, vector<1x16xf32>,
      %get3A_433 = vector.shape_cast %get3A_432 : vector<1x16xf32> to vector<16xf32>
      %mul3A_434 = arith.mulf %get3A_433, %gather3A_160 : vector<16xf32>
      %swap3A_435 = arith.index_cast %scan3A_126 : i32 to index
      %swap3A_436 = arith.constant 432 : index
      %swap3A_437 = tpu.vector_load %arg8[%swap3A_435, %swap3A_436] {strides = array<i32>} : memref<64x768xf32, #tpu.memory_space<vmem>>, vector<1x16xf32>,
      %swap3A_438 = vector.shape_cast %swap3A_437 : vector<1x16xf32> to vector<16xf32>
      %swap3A_439 = vector.shape_cast %mul3A_434 : vector<16xf32> to vector<1x16xf32>
      tpu.vector_store %arg8[%swap3A_435, %swap3A_436], %swap3A_439 {strides = array<i32>} : memref<64x768xf32, #tpu.memory_space<vmem>>, vector<1x16xf32>,
      %get3A_440 = arith.index_cast %scan3A_126 : i32 to index
      %get3A_441 = arith.constant 448 : index
      %get3A_442 = tpu.vector_load %arg8[%get3A_440, %get3A_441] {strides = array<i32>} : memref<64x768xf32, #tpu.memory_space<vmem>>, vector<1x16xf32>,
      %get3A_443 = vector.shape_cast %get3A_442 : vector<1x16xf32> to vector<16xf32>
      %mul3A_444 = arith.mulf %get3A_443, %gather3A_160 : vector<16xf32>
      %swap3A_445 = arith.index_cast %scan3A_126 : i32 to index
      %swap3A_446 = arith.constant 448 : index
      %swap3A_447 = tpu.vector_load %arg8[%swap3A_445, %swap3A_446] {strides = array<i32>} : memref<64x768xf32, #tpu.memory_space<vmem>>, vector<1x16xf32>,
      %swap3A_448 = vector.shape_cast %swap3A_447 : vector<1x16xf32> to vector<16xf32>
      %swap3A_449 = vector.shape_cast %mul3A_444 : vector<16xf32> to vector<1x16xf32>
      tpu.vector_store %arg8[%swap3A_445, %swap3A_446], %swap3A_449 {strides = array<i32>} : memref<64x768xf32, #tpu.memory_space<vmem>>, vector<1x16xf32>,
      %get3A_450 = arith.index_cast %scan3A_126 : i32 to index
      %get3A_451 = arith.constant 464 : index
      %get3A_452 = tpu.vector_load %arg8[%get3A_450, %get3A_451] {strides = array<i32>} : memref<64x768xf32, #tpu.memory_space<vmem>>, vector<1x16xf32>,
      %get3A_453 = vector.shape_cast %get3A_452 : vector<1x16xf32> to vector<16xf32>
      %mul3A_454 = arith.mulf %get3A_453, %gather3A_160 : vector<16xf32>
      %swap3A_455 = arith.index_cast %scan3A_126 : i32 to index
      %swap3A_456 = arith.constant 464 : index
      %swap3A_457 = tpu.vector_load %arg8[%swap3A_455, %swap3A_456] {strides = array<i32>} : memref<64x768xf32, #tpu.memory_space<vmem>>, vector<1x16xf32>,
      %swap3A_458 = vector.shape_cast %swap3A_457 : vector<1x16xf32> to vector<16xf32>
      %swap3A_459 = vector.shape_cast %mul3A_454 : vector<16xf32> to vector<1x16xf32>
      tpu.vector_store %arg8[%swap3A_455, %swap3A_456], %swap3A_459 {strides = array<i32>} : memref<64x768xf32, #tpu.memory_space<vmem>>, vector<1x16xf32>,
      %get3A_460 = arith.index_cast %scan3A_126 : i32 to index
      %get3A_461 = arith.constant 480 : index
      %get3A_462 = tpu.vector_load %arg8[%get3A_460, %get3A_461] {strides = array<i32>} : memref<64x768xf32, #tpu.memory_space<vmem>>, vector<1x16xf32>,
      %get3A_463 = vector.shape_cast %get3A_462 : vector<1x16xf32> to vector<16xf32>
      %mul3A_464 = arith.mulf %get3A_463, %gather3A_160 : vector<16xf32>
      %swap3A_465 = arith.index_cast %scan3A_126 : i32 to index
      %swap3A_466 = arith.constant 480 : index
      %swap3A_467 = tpu.vector_load %arg8[%swap3A_465, %swap3A_466] {strides = array<i32>} : memref<64x768xf32, #tpu.memory_space<vmem>>, vector<1x16xf32>,
      %swap3A_468 = vector.shape_cast %swap3A_467 : vector<1x16xf32> to vector<16xf32>
      %swap3A_469 = vector.shape_cast %mul3A_464 : vector<16xf32> to vector<1x16xf32>
      tpu.vector_store %arg8[%swap3A_465, %swap3A_466], %swap3A_469 {strides = array<i32>} : memref<64x768xf32, #tpu.memory_space<vmem>>, vector<1x16xf32>,
      %get3A_470 = arith.index_cast %scan3A_126 : i32 to index
      %get3A_471 = arith.constant 496 : index
      %get3A_472 = tpu.vector_load %arg8[%get3A_470, %get3A_471] {strides = array<i32>} : memref<64x768xf32, #tpu.memory_space<vmem>>, vector<1x16xf32>,
      %get3A_473 = vector.shape_cast %get3A_472 : vector<1x16xf32> to vector<16xf32>
      %mul3A_474 = arith.mulf %get3A_473, %gather3A_160 : vector<16xf32>
      %swap3A_475 = arith.index_cast %scan3A_126 : i32 to index
      %swap3A_476 = arith.constant 496 : index
      %swap3A_477 = tpu.vector_load %arg8[%swap3A_475, %swap3A_476] {strides = array<i32>} : memref<64x768xf32, #tpu.memory_space<vmem>>, vector<1x16xf32>,
      %swap3A_478 = vector.shape_cast %swap3A_477 : vector<1x16xf32> to vector<16xf32>
      %swap3A_479 = vector.shape_cast %mul3A_474 : vector<16xf32> to vector<1x16xf32>
      tpu.vector_store %arg8[%swap3A_475, %swap3A_476], %swap3A_479 {strides = array<i32>} : memref<64x768xf32, #tpu.memory_space<vmem>>, vector<1x16xf32>,
      %get3A_480 = arith.index_cast %scan3A_126 : i32 to index
      %get3A_481 = arith.constant 512 : index
      %get3A_482 = tpu.vector_load %arg8[%get3A_480, %get3A_481] {strides = array<i32>} : memref<64x768xf32, #tpu.memory_space<vmem>>, vector<1x16xf32>,
      %get3A_483 = vector.shape_cast %get3A_482 : vector<1x16xf32> to vector<16xf32>
      %mul3A_484 = arith.mulf %get3A_483, %gather3A_160 : vector<16xf32>
      %swap3A_485 = arith.index_cast %scan3A_126 : i32 to index
      %swap3A_486 = arith.constant 512 : index
      %swap3A_487 = tpu.vector_load %arg8[%swap3A_485, %swap3A_486] {strides = array<i32>} : memref<64x768xf32, #tpu.memory_space<vmem>>, vector<1x16xf32>,
      %swap3A_488 = vector.shape_cast %swap3A_487 : vector<1x16xf32> to vector<16xf32>
      %swap3A_489 = vector.shape_cast %mul3A_484 : vector<16xf32> to vector<1x16xf32>
      tpu.vector_store %arg8[%swap3A_485, %swap3A_486], %swap3A_489 {strides = array<i32>} : memref<64x768xf32, #tpu.memory_space<vmem>>, vector<1x16xf32>,
      %get3A_490 = arith.index_cast %scan3A_126 : i32 to index
      %get3A_491 = arith.constant 528 : index
      %get3A_492 = tpu.vector_load %arg8[%get3A_490, %get3A_491] {strides = array<i32>} : memref<64x768xf32, #tpu.memory_space<vmem>>, vector<1x16xf32>,
      %get3A_493 = vector.shape_cast %get3A_492 : vector<1x16xf32> to vector<16xf32>
      %mul3A_494 = arith.mulf %get3A_493, %gather3A_160 : vector<16xf32>
      %swap3A_495 = arith.index_cast %scan3A_126 : i32 to index
      %swap3A_496 = arith.constant 528 : index
      %swap3A_497 = tpu.vector_load %arg8[%swap3A_495, %swap3A_496] {strides = array<i32>} : memref<64x768xf32, #tpu.memory_space<vmem>>, vector<1x16xf32>,
      %swap3A_498 = vector.shape_cast %swap3A_497 : vector<1x16xf32> to vector<16xf32>
      %swap3A_499 = vector.shape_cast %mul3A_494 : vector<16xf32> to vector<1x16xf32>
      tpu.vector_store %arg8[%swap3A_495, %swap3A_496], %swap3A_499 {strides = array<i32>} : memref<64x768xf32, #tpu.memory_space<vmem>>, vector<1x16xf32>,
      %get3A_500 = arith.index_cast %scan3A_126 : i32 to index
      %get3A_501 = arith.constant 544 : index
      %get3A_502 = tpu.vector_load %arg8[%get3A_500, %get3A_501] {strides = array<i32>} : memref<64x768xf32, #tpu.memory_space<vmem>>, vector<1x16xf32>,
      %get3A_503 = vector.shape_cast %get3A_502 : vector<1x16xf32> to vector<16xf32>
      %mul3A_504 = arith.mulf %get3A_503, %gather3A_160 : vector<16xf32>
      %swap3A_505 = arith.index_cast %scan3A_126 : i32 to index
      %swap3A_506 = arith.constant 544 : index
      %swap3A_507 = tpu.vector_load %arg8[%swap3A_505, %swap3A_506] {strides = array<i32>} : memref<64x768xf32, #tpu.memory_space<vmem>>, vector<1x16xf32>,
      %swap3A_508 = vector.shape_cast %swap3A_507 : vector<1x16xf32> to vector<16xf32>
      %swap3A_509 = vector.shape_cast %mul3A_504 : vector<16xf32> to vector<1x16xf32>
      tpu.vector_store %arg8[%swap3A_505, %swap3A_506], %swap3A_509 {strides = array<i32>} : memref<64x768xf32, #tpu.memory_space<vmem>>, vector<1x16xf32>,
      %get3A_510 = arith.index_cast %scan3A_126 : i32 to index
      %get3A_511 = arith.constant 560 : index
      %get3A_512 = tpu.vector_load %arg8[%get3A_510, %get3A_511] {strides = array<i32>} : memref<64x768xf32, #tpu.memory_space<vmem>>, vector<1x16xf32>,
      %get3A_513 = vector.shape_cast %get3A_512 : vector<1x16xf32> to vector<16xf32>
      %mul3A_514 = arith.mulf %get3A_513, %gather3A_160 : vector<16xf32>
      %swap3A_515 = arith.index_cast %scan3A_126 : i32 to index
      %swap3A_516 = arith.constant 560 : index
      %swap3A_517 = tpu.vector_load %arg8[%swap3A_515, %swap3A_516] {strides = array<i32>} : memref<64x768xf32, #tpu.memory_space<vmem>>, vector<1x16xf32>,
      %swap3A_518 = vector.shape_cast %swap3A_517 : vector<1x16xf32> to vector<16xf32>
      %swap3A_519 = vector.shape_cast %mul3A_514 : vector<16xf32> to vector<1x16xf32>
      tpu.vector_store %arg8[%swap3A_515, %swap3A_516], %swap3A_519 {strides = array<i32>} : memref<64x768xf32, #tpu.memory_space<vmem>>, vector<1x16xf32>,
      %get3A_520 = arith.index_cast %scan3A_126 : i32 to index
      %get3A_521 = arith.constant 576 : index
      %get3A_522 = tpu.vector_load %arg8[%get3A_520, %get3A_521] {strides = array<i32>} : memref<64x768xf32, #tpu.memory_space<vmem>>, vector<1x16xf32>,
      %get3A_523 = vector.shape_cast %get3A_522 : vector<1x16xf32> to vector<16xf32>
      %mul3A_524 = arith.mulf %get3A_523, %gather3A_160 : vector<16xf32>
      %swap3A_525 = arith.index_cast %scan3A_126 : i32 to index
      %swap3A_526 = arith.constant 576 : index
      %swap3A_527 = tpu.vector_load %arg8[%swap3A_525, %swap3A_526] {strides = array<i32>} : memref<64x768xf32, #tpu.memory_space<vmem>>, vector<1x16xf32>,
      %swap3A_528 = vector.shape_cast %swap3A_527 : vector<1x16xf32> to vector<16xf32>
      %swap3A_529 = vector.shape_cast %mul3A_524 : vector<16xf32> to vector<1x16xf32>
      tpu.vector_store %arg8[%swap3A_525, %swap3A_526], %swap3A_529 {strides = array<i32>} : memref<64x768xf32, #tpu.memory_space<vmem>>, vector<1x16xf32>,
      %get3A_530 = arith.index_cast %scan3A_126 : i32 to index
      %get3A_531 = arith.constant 592 : index
      %get3A_532 = tpu.vector_load %arg8[%get3A_530, %get3A_531] {strides = array<i32>} : memref<64x768xf32, #tpu.memory_space<vmem>>, vector<1x16xf32>,
      %get3A_533 = vector.shape_cast %get3A_532 : vector<1x16xf32> to vector<16xf32>
      %mul3A_534 = arith.mulf %get3A_533, %gather3A_160 : vector<16xf32>
      %swap3A_535 = arith.index_cast %scan3A_126 : i32 to index
      %swap3A_536 = arith.constant 592 : index
      %swap3A_537 = tpu.vector_load %arg8[%swap3A_535, %swap3A_536] {strides = array<i32>} : memref<64x768xf32, #tpu.memory_space<vmem>>, vector<1x16xf32>,
      %swap3A_538 = vector.shape_cast %swap3A_537 : vector<1x16xf32> to vector<16xf32>
      %swap3A_539 = vector.shape_cast %mul3A_534 : vector<16xf32> to vector<1x16xf32>
      tpu.vector_store %arg8[%swap3A_535, %swap3A_536], %swap3A_539 {strides = array<i32>} : memref<64x768xf32, #tpu.memory_space<vmem>>, vector<1x16xf32>,
      %get3A_540 = arith.index_cast %scan3A_126 : i32 to index
      %get3A_541 = arith.constant 608 : index
      %get3A_542 = tpu.vector_load %arg8[%get3A_540, %get3A_541] {strides = array<i32>} : memref<64x768xf32, #tpu.memory_space<vmem>>, vector<1x16xf32>,
      %get3A_543 = vector.shape_cast %get3A_542 : vector<1x16xf32> to vector<16xf32>
      %mul3A_544 = arith.mulf %get3A_543, %gather3A_160 : vector<16xf32>
      %swap3A_545 = arith.index_cast %scan3A_126 : i32 to index
      %swap3A_546 = arith.constant 608 : index
      %swap3A_547 = tpu.vector_load %arg8[%swap3A_545, %swap3A_546] {strides = array<i32>} : memref<64x768xf32, #tpu.memory_space<vmem>>, vector<1x16xf32>,
      %swap3A_548 = vector.shape_cast %swap3A_547 : vector<1x16xf32> to vector<16xf32>
      %swap3A_549 = vector.shape_cast %mul3A_544 : vector<16xf32> to vector<1x16xf32>
      tpu.vector_store %arg8[%swap3A_545, %swap3A_546], %swap3A_549 {strides = array<i32>} : memref<64x768xf32, #tpu.memory_space<vmem>>, vector<1x16xf32>,
      %get3A_550 = arith.index_cast %scan3A_126 : i32 to index
      %get3A_551 = arith.constant 624 : index
      %get3A_552 = tpu.vector_load %arg8[%get3A_550, %get3A_551] {strides = array<i32>} : memref<64x768xf32, #tpu.memory_space<vmem>>, vector<1x16xf32>,
      %get3A_553 = vector.shape_cast %get3A_552 : vector<1x16xf32> to vector<16xf32>
      %mul3A_554 = arith.mulf %get3A_553, %gather3A_160 : vector<16xf32>
      %swap3A_555 = arith.index_cast %scan3A_126 : i32 to index
      %swap3A_556 = arith.constant 624 : index
      %swap3A_557 = tpu.vector_load %arg8[%swap3A_555, %swap3A_556] {strides = array<i32>} : memref<64x768xf32, #tpu.memory_space<vmem>>, vector<1x16xf32>,
      %swap3A_558 = vector.shape_cast %swap3A_557 : vector<1x16xf32> to vector<16xf32>
      %swap3A_559 = vector.shape_cast %mul3A_554 : vector<16xf32> to vector<1x16xf32>
      tpu.vector_store %arg8[%swap3A_555, %swap3A_556], %swap3A_559 {strides = array<i32>} : memref<64x768xf32, #tpu.memory_space<vmem>>, vector<1x16xf32>,
      %get3A_560 = arith.index_cast %scan3A_126 : i32 to index
      %get3A_561 = arith.constant 640 : index
      %get3A_562 = tpu.vector_load %arg8[%get3A_560, %get3A_561] {strides = array<i32>} : memref<64x768xf32, #tpu.memory_space<vmem>>, vector<1x16xf32>,
      %get3A_563 = vector.shape_cast %get3A_562 : vector<1x16xf32> to vector<16xf32>
      %mul3A_564 = arith.mulf %get3A_563, %gather3A_160 : vector<16xf32>
      %swap3A_565 = arith.index_cast %scan3A_126 : i32 to index
      %swap3A_566 = arith.constant 640 : index
      %swap3A_567 = tpu.vector_load %arg8[%swap3A_565, %swap3A_566] {strides = array<i32>} : memref<64x768xf32, #tpu.memory_space<vmem>>, vector<1x16xf32>,
      %swap3A_568 = vector.shape_cast %swap3A_567 : vector<1x16xf32> to vector<16xf32>
      %swap3A_569 = vector.shape_cast %mul3A_564 : vector<16xf32> to vector<1x16xf32>
      tpu.vector_store %arg8[%swap3A_565, %swap3A_566], %swap3A_569 {strides = array<i32>} : memref<64x768xf32, #tpu.memory_space<vmem>>, vector<1x16xf32>,
      %get3A_570 = arith.index_cast %scan3A_126 : i32 to index
      %get3A_571 = arith.constant 656 : index
      %get3A_572 = tpu.vector_load %arg8[%get3A_570, %get3A_571] {strides = array<i32>} : memref<64x768xf32, #tpu.memory_space<vmem>>, vector<1x16xf32>,
      %get3A_573 = vector.shape_cast %get3A_572 : vector<1x16xf32> to vector<16xf32>
      %mul3A_574 = arith.mulf %get3A_573, %gather3A_160 : vector<16xf32>
      %swap3A_575 = arith.index_cast %scan3A_126 : i32 to index
      %swap3A_576 = arith.constant 656 : index
      %swap3A_577 = tpu.vector_load %arg8[%swap3A_575, %swap3A_576] {strides = array<i32>} : memref<64x768xf32, #tpu.memory_space<vmem>>, vector<1x16xf32>,
      %swap3A_578 = vector.shape_cast %swap3A_577 : vector<1x16xf32> to vector<16xf32>
      %swap3A_579 = vector.shape_cast %mul3A_574 : vector<16xf32> to vector<1x16xf32>
      tpu.vector_store %arg8[%swap3A_575, %swap3A_576], %swap3A_579 {strides = array<i32>} : memref<64x768xf32, #tpu.memory_space<vmem>>, vector<1x16xf32>,
      %get3A_580 = arith.index_cast %scan3A_126 : i32 to index
      %get3A_581 = arith.constant 672 : index
      %get3A_582 = tpu.vector_load %arg8[%get3A_580, %get3A_581] {strides = array<i32>} : memref<64x768xf32, #tpu.memory_space<vmem>>, vector<1x16xf32>,
      %get3A_583 = vector.shape_cast %get3A_582 : vector<1x16xf32> to vector<16xf32>
      %mul3A_584 = arith.mulf %get3A_583, %gather3A_160 : vector<16xf32>
      %swap3A_585 = arith.index_cast %scan3A_126 : i32 to index
      %swap3A_586 = arith.constant 672 : index
      %swap3A_587 = tpu.vector_load %arg8[%swap3A_585, %swap3A_586] {strides = array<i32>} : memref<64x768xf32, #tpu.memory_space<vmem>>, vector<1x16xf32>,
      %swap3A_588 = vector.shape_cast %swap3A_587 : vector<1x16xf32> to vector<16xf32>
      %swap3A_589 = vector.shape_cast %mul3A_584 : vector<16xf32> to vector<1x16xf32>
      tpu.vector_store %arg8[%swap3A_585, %swap3A_586], %swap3A_589 {strides = array<i32>} : memref<64x768xf32, #tpu.memory_space<vmem>>, vector<1x16xf32>,
      %get3A_590 = arith.index_cast %scan3A_126 : i32 to index
      %get3A_591 = arith.constant 688 : index
      %get3A_592 = tpu.vector_load %arg8[%get3A_590, %get3A_591] {strides = array<i32>} : memref<64x768xf32, #tpu.memory_space<vmem>>, vector<1x16xf32>,
      %get3A_593 = vector.shape_cast %get3A_592 : vector<1x16xf32> to vector<16xf32>
      %mul3A_594 = arith.mulf %get3A_593, %gather3A_160 : vector<16xf32>
      %swap3A_595 = arith.index_cast %scan3A_126 : i32 to index
      %swap3A_596 = arith.constant 688 : index
      %swap3A_597 = tpu.vector_load %arg8[%swap3A_595, %swap3A_596] {strides = array<i32>} : memref<64x768xf32, #tpu.memory_space<vmem>>, vector<1x16xf32>,
      %swap3A_598 = vector.shape_cast %swap3A_597 : vector<1x16xf32> to vector<16xf32>
      %swap3A_599 = vector.shape_cast %mul3A_594 : vector<16xf32> to vector<1x16xf32>
      tpu.vector_store %arg8[%swap3A_595, %swap3A_596], %swap3A_599 {strides = array<i32>} : memref<64x768xf32, #tpu.memory_space<vmem>>, vector<1x16xf32>,
      %get3A_600 = arith.index_cast %scan3A_126 : i32 to index
      %get3A_601 = arith.constant 704 : index
      %get3A_602 = tpu.vector_load %arg8[%get3A_600, %get3A_601] {strides = array<i32>} : memref<64x768xf32, #tpu.memory_space<vmem>>, vector<1x16xf32>,
      %get3A_603 = vector.shape_cast %get3A_602 : vector<1x16xf32> to vector<16xf32>
      %mul3A_604 = arith.mulf %get3A_603, %gather3A_160 : vector<16xf32>
      %swap3A_605 = arith.index_cast %scan3A_126 : i32 to index
      %swap3A_606 = arith.constant 704 : index
      %swap3A_607 = tpu.vector_load %arg8[%swap3A_605, %swap3A_606] {strides = array<i32>} : memref<64x768xf32, #tpu.memory_space<vmem>>, vector<1x16xf32>,
      %swap3A_608 = vector.shape_cast %swap3A_607 : vector<1x16xf32> to vector<16xf32>
      %swap3A_609 = vector.shape_cast %mul3A_604 : vector<16xf32> to vector<1x16xf32>
      tpu.vector_store %arg8[%swap3A_605, %swap3A_606], %swap3A_609 {strides = array<i32>} : memref<64x768xf32, #tpu.memory_space<vmem>>, vector<1x16xf32>,
      %get3A_610 = arith.index_cast %scan3A_126 : i32 to index
      %get3A_611 = arith.constant 720 : index
      %get3A_612 = tpu.vector_load %arg8[%get3A_610, %get3A_611] {strides = array<i32>} : memref<64x768xf32, #tpu.memory_space<vmem>>, vector<1x16xf32>,
      %get3A_613 = vector.shape_cast %get3A_612 : vector<1x16xf32> to vector<16xf32>
      %mul3A_614 = arith.mulf %get3A_613, %gather3A_160 : vector<16xf32>
      %swap3A_615 = arith.index_cast %scan3A_126 : i32 to index
      %swap3A_616 = arith.constant 720 : index
      %swap3A_617 = tpu.vector_load %arg8[%swap3A_615, %swap3A_616] {strides = array<i32>} : memref<64x768xf32, #tpu.memory_space<vmem>>, vector<1x16xf32>,
      %swap3A_618 = vector.shape_cast %swap3A_617 : vector<1x16xf32> to vector<16xf32>
      %swap3A_619 = vector.shape_cast %mul3A_614 : vector<16xf32> to vector<1x16xf32>
      tpu.vector_store %arg8[%swap3A_615, %swap3A_616], %swap3A_619 {strides = array<i32>} : memref<64x768xf32, #tpu.memory_space<vmem>>, vector<1x16xf32>,
      %get3A_620 = arith.index_cast %scan3A_126 : i32 to index
      %get3A_621 = arith.constant 736 : index
      %get3A_622 = tpu.vector_load %arg8[%get3A_620, %get3A_621] {strides = array<i32>} : memref<64x768xf32, #tpu.memory_space<vmem>>, vector<1x16xf32>,
      %get3A_623 = vector.shape_cast %get3A_622 : vector<1x16xf32> to vector<16xf32>
      %mul3A_624 = arith.mulf %get3A_623, %gather3A_160 : vector<16xf32>
      %swap3A_625 = arith.index_cast %scan3A_126 : i32 to index
      %swap3A_626 = arith.constant 736 : index
      %swap3A_627 = tpu.vector_load %arg8[%swap3A_625, %swap3A_626] {strides = array<i32>} : memref<64x768xf32, #tpu.memory_space<vmem>>, vector<1x16xf32>,
      %swap3A_628 = vector.shape_cast %swap3A_627 : vector<1x16xf32> to vector<16xf32>
      %swap3A_629 = vector.shape_cast %mul3A_624 : vector<16xf32> to vector<1x16xf32>
      tpu.vector_store %arg8[%swap3A_625, %swap3A_626], %swap3A_629 {strides = array<i32>} : memref<64x768xf32, #tpu.memory_space<vmem>>, vector<1x16xf32>,
      %get3A_630 = arith.index_cast %scan3A_126 : i32 to index
      %get3A_631 = arith.constant 752 : index
      %get3A_632 = tpu.vector_load %arg8[%get3A_630, %get3A_631] {strides = array<i32>} : memref<64x768xf32, #tpu.memory_space<vmem>>, vector<1x16xf32>,
      %get3A_633 = vector.shape_cast %get3A_632 : vector<1x16xf32> to vector<16xf32>
      %mul3A_634 = arith.mulf %get3A_633, %gather3A_160 : vector<16xf32>
      %swap3A_635 = arith.index_cast %scan3A_126 : i32 to index
      %swap3A_636 = arith.constant 752 : index
      %swap3A_637 = tpu.vector_load %arg8[%swap3A_635, %swap3A_636] {strides = array<i32>} : memref<64x768xf32, #tpu.memory_space<vmem>>, vector<1x16xf32>,
      %swap3A_638 = vector.shape_cast %swap3A_637 : vector<1x16xf32> to vector<16xf32>
      %swap3A_639 = vector.shape_cast %mul3A_634 : vector<16xf32> to vector<1x16xf32>
      tpu.vector_store %arg8[%swap3A_635, %swap3A_636], %swap3A_639 {strides = array<i32>} : memref<64x768xf32, #tpu.memory_space<vmem>>, vector<1x16xf32>,
    }
    %scan3A_24 = arith.constant 64 : i32
    %mul3A_25 = arith.constant 256 : i32
    %mul3A_26 = arith.muli %add3A, %mul3A_25 : i32
    %add3A_27 = arith.constant 0 : i32
    %add3A_28 = arith.addi %mul3A_26, %add3A_27 : i32
    %dma_start3A_29 = arith.constant 0 : i32
    %dma_start3A_30 = tpu.memref_slice %arg5[%add3A_28, %dma_start3A_29] : memref<8192x768xf32, #tpu.memory_space<hbm>> -> memref<64x768xf32, #tpu.memory_space<hbm>>
    %dma_start3A_31 = arith.constant 0 : i32
    %dma_start3A_32 = tpu.memref_slice %arg5[%add3A_28, %dma_start3A_31] : memref<8192x768xf32, #tpu.memory_space<hbm>> -> memref<64x768xf32, #tpu.memory_space<hbm>>
    tpu.enqueue_dma source(%arg8 : memref<64x768xf32, #tpu.memory_space<vmem>>) target(%dma_start3A_32 : memref<64x768xf32, #tpu.memory_space<hbm>>) target_semaphore(%arg12 : memref<!tpu.dma_semaphore, #tpu.memory_space<semaphore_mem>>)
    %dma_wait3A_33 = arith.constant 1 : i32
    %dma_wait3A_34 = arith.constant 0 : i32
    %dma_wait3A_35 = tpu.memref_slice %arg6[%dma_wait3A_33, %dma_wait3A_34] : memref<4x64xi32, #tpu.memory_space<vmem>> -> memref<1x64xi32, #tpu.memory_space<vmem>>
    %dma_wait3A_36 = tpu.memref_squeeze %dma_wait3A_35 : memref<1x64xi32, #tpu.memory_space<vmem>> -> memref<64xi32, #tpu.memory_space<vmem>>
    %dma_wait3A_37 = arith.constant 0 : i32
    %dma_wait3A_38 = arith.constant 0 : i32
    %dma_wait3A_39 = tpu.memref_slice %arg2[%dma_wait3A_37, %dma_wait3A_38] : memref<24576x768xf32, #tpu.memory_space<hbm>> -> memref<24576x768xf32, #tpu.memory_space<hbm>>
    tpu.wait_indirect_dma semaphore(%arg11 : memref<!tpu.dma_semaphore, #tpu.memory_space<semaphore_mem>>) src(%dma_wait3A_39 : memref<24576x768xf32, #tpu.memory_space<hbm>>) dst(%arg9 : memref<64x768xf32, #tpu.memory_space<vmem>>)
    %dma_wait3A_40 = arith.constant 0 : i32
    %dma_wait3A_41 = tpu.memref_slice %arg5[%add3A_28, %dma_wait3A_40] : memref<8192x768xf32, #tpu.memory_space<hbm>> -> memref<64x768xf32, #tpu.memory_space<hbm>>
    %dma_wait3A_42 = arith.constant 0 : i32
    %dma_wait3A_43 = tpu.memref_slice %arg5[%add3A_28, %dma_wait3A_42] : memref<8192x768xf32, #tpu.memory_space<hbm>> -> memref<64x768xf32, #tpu.memory_space<hbm>>
    tpu.wait_dma2 semaphore(%arg12 : memref<!tpu.dma_semaphore, #tpu.memory_space<semaphore_mem>>) src(%arg8 : memref<64x768xf32, #tpu.memory_space<vmem>>) dst(%dma_wait3A_43 : memref<64x768xf32, #tpu.memory_space<hbm>>)
    %dma_start3A_44 = arith.constant 2 : i32
    %dma_start3A_45 = arith.constant 0 : i32
    %dma_start3A_46 = tpu.memref_slice %arg6[%dma_start3A_44, %dma_start3A_45] : memref<4x64xi32, #tpu.memory_space<vmem>> -> memref<1x64xi32, #tpu.memory_space<vmem>>
    %dma_start3A_47 = tpu.memref_squeeze %dma_start3A_46 : memref<1x64xi32, #tpu.memory_space<vmem>> -> memref<64xi32, #tpu.memory_space<vmem>>
    %dma_start3A_48 = arith.constant 0 : i32
    %dma_start3A_49 = arith.constant 0 : i32
    %dma_start3A_50 = tpu.memref_slice %arg2[%dma_start3A_48, %dma_start3A_49] : memref<24576x768xf32, #tpu.memory_space<hbm>> -> memref<24576x768xf32, #tpu.memory_space<hbm>>
    tpu.enqueue_indirect_dma source(%dma_start3A_50 : memref<24576x768xf32, #tpu.memory_space<hbm>>) target(%arg8 : memref<64x768xf32, #tpu.memory_space<vmem>>) offsets(%dma_start3A_47 : memref<64xi32, #tpu.memory_space<vmem>>) semaphore(%arg10 : memref<!tpu.dma_semaphore, #tpu.memory_space<semaphore_mem>>)
    %scan3A_51 = arith.constant 0 : i32
    %scan3A_52 = arith.constant 0 : i32
    %scan3A_53 = arith.constant 64 : i32
    %scan3A_54 = arith.addi %scan3A_52, %scan3A_53 : i32
    %scan3A_55 = arith.constant 1 : i32
    scf.for %scan3A_126 = %scan3A_52 to %scan3A_54 step %scan3A_55  : i32 {
      %jit3A = arith.constant 16 : i32
      %div3A = arith.divsi %scan3A_126, %jit3A : i32
      %sign3A = arith.constant 0 : i32
      %sign3A_127 = arith.cmpi sgt, %scan3A_126, %sign3A : i32
      %sign3A_128 = arith.extui %sign3A_127 : i1 to i32
      %sign3A_129 = arith.constant 0 : i32
      %sign3A_130 = arith.cmpi slt, %scan3A_126, %sign3A_129 : i32
      %sign3A_131 = arith.extui %sign3A_130 : i1 to i32
      %sign3A_132 = arith.subi %sign3A_128, %sign3A_131 : i32
      %sign3A_133 = arith.constant 0 : i32
      %sign3A_134 = arith.cmpi sgt, %jit3A, %sign3A_133 : i32
      %sign3A_135 = arith.extui %sign3A_134 : i1 to i32
      %sign3A_136 = arith.constant 0 : i32
      %sign3A_137 = arith.cmpi slt, %jit3A, %sign3A_136 : i32
      %sign3A_138 = arith.extui %sign3A_137 : i1 to i32
      %sign3A_139 = arith.subi %sign3A_135, %sign3A_138 : i32
      %ne3A = arith.cmpi ne, %sign3A_132, %sign3A_139 : i32
      %rem3A = arith.remsi %scan3A_126, %jit3A : i32
      %ne3A_140 = arith.constant 0 : i32
      %ne3A_141 = arith.cmpi ne, %rem3A, %ne3A_140 : i32
      %and3A = arith.andi %ne3A, %ne3A_141 : i1
      %sub3A = arith.constant 1 : i32
      %sub3A_142 = arith.subi %div3A, %sub3A : i32
      %select_n3A = arith.select %and3A, %sub3A_142, %div3A : i32
      %mul3A_143 = arith.constant 16 : i32
      %mul3A_144 = arith.muli %select_n3A, %mul3A_143 : i32
      %get3A = arith.constant 1 : i32
      %get3A_145 = arith.index_cast %get3A : i32 to index
      %get3A_146 = arith.index_cast %mul3A_144 : i32 to index
      %get3A_147 = tpu.vector_load %arg7[%get3A_145, %get3A_146] {strides = array<i32>} : memref<4x64xf32, #tpu.memory_space<vmem>>, vector<1x16xf32>,
      %get3A_148 = vector.shape_cast %get3A_147 : vector<1x16xf32> to vector<16xf32>
      %sub3A_149 = arith.subi %scan3A_126, %mul3A_144 : i32
      %broadcast_in_dim3A = arith.constant 0 : i32
      %broadcast_in_dim3A_150 = vector.broadcast %broadcast_in_dim3A : i32 to vector<16xi32>
      %add3A_151 = vector.broadcast %sub3A_149 : i32 to vector<16xi32>
      %add3A_152 = arith.addi %broadcast_in_dim3A_150, %add3A_151 : vector<16xi32>
      %lt3A = arith.constant 0 : i32
      %lt3A_153 = vector.broadcast %lt3A : i32 to vector<16xi32>
      %lt3A_154 = arith.cmpi slt, %add3A_152, %lt3A_153 : vector<16xi32>
      %add3A_155 = arith.constant 16 : i32
      %add3A_156 = vector.broadcast %add3A_155 : i32 to vector<16xi32>
      %add3A_157 = arith.addi %add3A_152, %add3A_156 : vector<16xi32>
      %select_n3A_158 = arith.select %lt3A_154, %add3A_157, %add3A_152 : vector<16xi1>, vector<16xi32>
      %broadcast_in_dim3A_159 = vector.shape_cast %select_n3A_158 : vector<16xi32> to vector<16x1xi32>
      %gather3A = vector.shape_cast %broadcast_in_dim3A_159 : vector<16x1xi32> to vector<16xi32>
      %gather3A_160 = tpu.dynamic_gather %get3A_148[%gather3A] in [0] : vector<16xf32>, vector<16xi32> -> vector<16xf32>
      %get3A_161 = arith.index_cast %scan3A_126 : i32 to index
      %get3A_162 = arith.constant 0 : index
      %get3A_163 = tpu.vector_load %arg9[%get3A_161, %get3A_162] {strides = array<i32>} : memref<64x768xf32, #tpu.memory_space<vmem>>, vector<1x16xf32>,
      %get3A_164 = vector.shape_cast %get3A_163 : vector<1x16xf32> to vector<16xf32>
      %mul3A_165 = arith.mulf %get3A_164, %gather3A_160 : vector<16xf32>
      %swap3A = arith.index_cast %scan3A_126 : i32 to index
      %swap3A_166 = arith.constant 0 : index
      %swap3A_167 = tpu.vector_load %arg9[%swap3A, %swap3A_166] {strides = array<i32>} : memref<64x768xf32, #tpu.memory_space<vmem>>, vector<1x16xf32>,
      %swap3A_168 = vector.shape_cast %swap3A_167 : vector<1x16xf32> to vector<16xf32>
      %swap3A_169 = vector.shape_cast %mul3A_165 : vector<16xf32> to vector<1x16xf32>
      tpu.vector_store %arg9[%swap3A, %swap3A_166], %swap3A_169 {strides = array<i32>} : memref<64x768xf32, #tpu.memory_space<vmem>>, vector<1x16xf32>,
      %get3A_170 = arith.index_cast %scan3A_126 : i32 to index
      %get3A_171 = arith.constant 16 : index
      %get3A_172 = tpu.vector_load %arg9[%get3A_170, %get3A_171] {strides = array<i32>} : memref<64x768xf32, #tpu.memory_space<vmem>>, vector<1x16xf32>,
      %get3A_173 = vector.shape_cast %get3A_172 : vector<1x16xf32> to vector<16xf32>
      %mul3A_174 = arith.mulf %get3A_173, %gather3A_160 : vector<16xf32>
      %swap3A_175 = arith.index_cast %scan3A_126 : i32 to index
      %swap3A_176 = arith.constant 16 : index
      %swap3A_177 = tpu.vector_load %arg9[%swap3A_175, %swap3A_176] {strides = array<i32>} : memref<64x768xf32, #tpu.memory_space<vmem>>, vector<1x16xf32>,
      %swap3A_178 = vector.shape_cast %swap3A_177 : vector<1x16xf32> to vector<16xf32>
      %swap3A_179 = vector.shape_cast %mul3A_174 : vector<16xf32> to vector<1x16xf32>
      tpu.vector_store %arg9[%swap3A_175, %swap3A_176], %swap3A_179 {strides = array<i32>} : memref<64x768xf32, #tpu.memory_space<vmem>>, vector<1x16xf32>,
      %get3A_180 = arith.index_cast %scan3A_126 : i32 to index
      %get3A_181 = arith.constant 32 : index
      %get3A_182 = tpu.vector_load %arg9[%get3A_180, %get3A_181] {strides = array<i32>} : memref<64x768xf32, #tpu.memory_space<vmem>>, vector<1x16xf32>,
      %get3A_183 = vector.shape_cast %get3A_182 : vector<1x16xf32> to vector<16xf32>
      %mul3A_184 = arith.mulf %get3A_183, %gather3A_160 : vector<16xf32>
      %swap3A_185 = arith.index_cast %scan3A_126 : i32 to index
      %swap3A_186 = arith.constant 32 : index
      %swap3A_187 = tpu.vector_load %arg9[%swap3A_185, %swap3A_186] {strides = array<i32>} : memref<64x768xf32, #tpu.memory_space<vmem>>, vector<1x16xf32>,
      %swap3A_188 = vector.shape_cast %swap3A_187 : vector<1x16xf32> to vector<16xf32>
      %swap3A_189 = vector.shape_cast %mul3A_184 : vector<16xf32> to vector<1x16xf32>
      tpu.vector_store %arg9[%swap3A_185, %swap3A_186], %swap3A_189 {strides = array<i32>} : memref<64x768xf32, #tpu.memory_space<vmem>>, vector<1x16xf32>,
      %get3A_190 = arith.index_cast %scan3A_126 : i32 to index
      %get3A_191 = arith.constant 48 : index
      %get3A_192 = tpu.vector_load %arg9[%get3A_190, %get3A_191] {strides = array<i32>} : memref<64x768xf32, #tpu.memory_space<vmem>>, vector<1x16xf32>,
      %get3A_193 = vector.shape_cast %get3A_192 : vector<1x16xf32> to vector<16xf32>
      %mul3A_194 = arith.mulf %get3A_193, %gather3A_160 : vector<16xf32>
      %swap3A_195 = arith.index_cast %scan3A_126 : i32 to index
      %swap3A_196 = arith.constant 48 : index
      %swap3A_197 = tpu.vector_load %arg9[%swap3A_195, %swap3A_196] {strides = array<i32>} : memref<64x768xf32, #tpu.memory_space<vmem>>, vector<1x16xf32>,
      %swap3A_198 = vector.shape_cast %swap3A_197 : vector<1x16xf32> to vector<16xf32>
      %swap3A_199 = vector.shape_cast %mul3A_194 : vector<16xf32> to vector<1x16xf32>
      tpu.vector_store %arg9[%swap3A_195, %swap3A_196], %swap3A_199 {strides = array<i32>} : memref<64x768xf32, #tpu.memory_space<vmem>>, vector<1x16xf32>,
      %get3A_200 = arith.index_cast %scan3A_126 : i32 to index
      %get3A_201 = arith.constant 64 : index
      %get3A_202 = tpu.vector_load %arg9[%get3A_200, %get3A_201] {strides = array<i32>} : memref<64x768xf32, #tpu.memory_space<vmem>>, vector<1x16xf32>,
      %get3A_203 = vector.shape_cast %get3A_202 : vector<1x16xf32> to vector<16xf32>
      %mul3A_204 = arith.mulf %get3A_203, %gather3A_160 : vector<16xf32>
      %swap3A_205 = arith.index_cast %scan3A_126 : i32 to index
      %swap3A_206 = arith.constant 64 : index
      %swap3A_207 = tpu.vector_load %arg9[%swap3A_205, %swap3A_206] {strides = array<i32>} : memref<64x768xf32, #tpu.memory_space<vmem>>, vector<1x16xf32>,
      %swap3A_208 = vector.shape_cast %swap3A_207 : vector<1x16xf32> to vector<16xf32>
      %swap3A_209 = vector.shape_cast %mul3A_204 : vector<16xf32> to vector<1x16xf32>
      tpu.vector_store %arg9[%swap3A_205, %swap3A_206], %swap3A_209 {strides = array<i32>} : memref<64x768xf32, #tpu.memory_space<vmem>>, vector<1x16xf32>,
      %get3A_210 = arith.index_cast %scan3A_126 : i32 to index
      %get3A_211 = arith.constant 80 : index
      %get3A_212 = tpu.vector_load %arg9[%get3A_210, %get3A_211] {strides = array<i32>} : memref<64x768xf32, #tpu.memory_space<vmem>>, vector<1x16xf32>,
      %get3A_213 = vector.shape_cast %get3A_212 : vector<1x16xf32> to vector<16xf32>
      %mul3A_214 = arith.mulf %get3A_213, %gather3A_160 : vector<16xf32>
      %swap3A_215 = arith.index_cast %scan3A_126 : i32 to index
      %swap3A_216 = arith.constant 80 : index
      %swap3A_217 = tpu.vector_load %arg9[%swap3A_215, %swap3A_216] {strides = array<i32>} : memref<64x768xf32, #tpu.memory_space<vmem>>, vector<1x16xf32>,
      %swap3A_218 = vector.shape_cast %swap3A_217 : vector<1x16xf32> to vector<16xf32>
      %swap3A_219 = vector.shape_cast %mul3A_214 : vector<16xf32> to vector<1x16xf32>
      tpu.vector_store %arg9[%swap3A_215, %swap3A_216], %swap3A_219 {strides = array<i32>} : memref<64x768xf32, #tpu.memory_space<vmem>>, vector<1x16xf32>,
      %get3A_220 = arith.index_cast %scan3A_126 : i32 to index
      %get3A_221 = arith.constant 96 : index
      %get3A_222 = tpu.vector_load %arg9[%get3A_220, %get3A_221] {strides = array<i32>} : memref<64x768xf32, #tpu.memory_space<vmem>>, vector<1x16xf32>,
      %get3A_223 = vector.shape_cast %get3A_222 : vector<1x16xf32> to vector<16xf32>
      %mul3A_224 = arith.mulf %get3A_223, %gather3A_160 : vector<16xf32>
      %swap3A_225 = arith.index_cast %scan3A_126 : i32 to index
      %swap3A_226 = arith.constant 96 : index
      %swap3A_227 = tpu.vector_load %arg9[%swap3A_225, %swap3A_226] {strides = array<i32>} : memref<64x768xf32, #tpu.memory_space<vmem>>, vector<1x16xf32>,
      %swap3A_228 = vector.shape_cast %swap3A_227 : vector<1x16xf32> to vector<16xf32>
      %swap3A_229 = vector.shape_cast %mul3A_224 : vector<16xf32> to vector<1x16xf32>
      tpu.vector_store %arg9[%swap3A_225, %swap3A_226], %swap3A_229 {strides = array<i32>} : memref<64x768xf32, #tpu.memory_space<vmem>>, vector<1x16xf32>,
      %get3A_230 = arith.index_cast %scan3A_126 : i32 to index
      %get3A_231 = arith.constant 112 : index
      %get3A_232 = tpu.vector_load %arg9[%get3A_230, %get3A_231] {strides = array<i32>} : memref<64x768xf32, #tpu.memory_space<vmem>>, vector<1x16xf32>,
      %get3A_233 = vector.shape_cast %get3A_232 : vector<1x16xf32> to vector<16xf32>
      %mul3A_234 = arith.mulf %get3A_233, %gather3A_160 : vector<16xf32>
      %swap3A_235 = arith.index_cast %scan3A_126 : i32 to index
      %swap3A_236 = arith.constant 112 : index
      %swap3A_237 = tpu.vector_load %arg9[%swap3A_235, %swap3A_236] {strides = array<i32>} : memref<64x768xf32, #tpu.memory_space<vmem>>, vector<1x16xf32>,
      %swap3A_238 = vector.shape_cast %swap3A_237 : vector<1x16xf32> to vector<16xf32>
      %swap3A_239 = vector.shape_cast %mul3A_234 : vector<16xf32> to vector<1x16xf32>
      tpu.vector_store %arg9[%swap3A_235, %swap3A_236], %swap3A_239 {strides = array<i32>} : memref<64x768xf32, #tpu.memory_space<vmem>>, vector<1x16xf32>,
      %get3A_240 = arith.index_cast %scan3A_126 : i32 to index
      %get3A_241 = arith.constant 128 : index
      %get3A_242 = tpu.vector_load %arg9[%get3A_240, %get3A_241] {strides = array<i32>} : memref<64x768xf32, #tpu.memory_space<vmem>>, vector<1x16xf32>,
      %get3A_243 = vector.shape_cast %get3A_242 : vector<1x16xf32> to vector<16xf32>
      %mul3A_244 = arith.mulf %get3A_243, %gather3A_160 : vector<16xf32>
      %swap3A_245 = arith.index_cast %scan3A_126 : i32 to index
      %swap3A_246 = arith.constant 128 : index
      %swap3A_247 = tpu.vector_load %arg9[%swap3A_245, %swap3A_246] {strides = array<i32>} : memref<64x768xf32, #tpu.memory_space<vmem>>, vector<1x16xf32>,
      %swap3A_248 = vector.shape_cast %swap3A_247 : vector<1x16xf32> to vector<16xf32>
      %swap3A_249 = vector.shape_cast %mul3A_244 : vector<16xf32> to vector<1x16xf32>
      tpu.vector_store %arg9[%swap3A_245, %swap3A_246], %swap3A_249 {strides = array<i32>} : memref<64x768xf32, #tpu.memory_space<vmem>>, vector<1x16xf32>,
      %get3A_250 = arith.index_cast %scan3A_126 : i32 to index
      %get3A_251 = arith.constant 144 : index
      %get3A_252 = tpu.vector_load %arg9[%get3A_250, %get3A_251] {strides = array<i32>} : memref<64x768xf32, #tpu.memory_space<vmem>>, vector<1x16xf32>,
      %get3A_253 = vector.shape_cast %get3A_252 : vector<1x16xf32> to vector<16xf32>
      %mul3A_254 = arith.mulf %get3A_253, %gather3A_160 : vector<16xf32>
      %swap3A_255 = arith.index_cast %scan3A_126 : i32 to index
      %swap3A_256 = arith.constant 144 : index
      %swap3A_257 = tpu.vector_load %arg9[%swap3A_255, %swap3A_256] {strides = array<i32>} : memref<64x768xf32, #tpu.memory_space<vmem>>, vector<1x16xf32>,
      %swap3A_258 = vector.shape_cast %swap3A_257 : vector<1x16xf32> to vector<16xf32>
      %swap3A_259 = vector.shape_cast %mul3A_254 : vector<16xf32> to vector<1x16xf32>
      tpu.vector_store %arg9[%swap3A_255, %swap3A_256], %swap3A_259 {strides = array<i32>} : memref<64x768xf32, #tpu.memory_space<vmem>>, vector<1x16xf32>,
      %get3A_260 = arith.index_cast %scan3A_126 : i32 to index
      %get3A_261 = arith.constant 160 : index
      %get3A_262 = tpu.vector_load %arg9[%get3A_260, %get3A_261] {strides = array<i32>} : memref<64x768xf32, #tpu.memory_space<vmem>>, vector<1x16xf32>,
      %get3A_263 = vector.shape_cast %get3A_262 : vector<1x16xf32> to vector<16xf32>
      %mul3A_264 = arith.mulf %get3A_263, %gather3A_160 : vector<16xf32>
      %swap3A_265 = arith.index_cast %scan3A_126 : i32 to index
      %swap3A_266 = arith.constant 160 : index
      %swap3A_267 = tpu.vector_load %arg9[%swap3A_265, %swap3A_266] {strides = array<i32>} : memref<64x768xf32, #tpu.memory_space<vmem>>, vector<1x16xf32>,
      %swap3A_268 = vector.shape_cast %swap3A_267 : vector<1x16xf32> to vector<16xf32>
      %swap3A_269 = vector.shape_cast %mul3A_264 : vector<16xf32> to vector<1x16xf32>
      tpu.vector_store %arg9[%swap3A_265, %swap3A_266], %swap3A_269 {strides = array<i32>} : memref<64x768xf32, #tpu.memory_space<vmem>>, vector<1x16xf32>,
      %get3A_270 = arith.index_cast %scan3A_126 : i32 to index
      %get3A_271 = arith.constant 176 : index
      %get3A_272 = tpu.vector_load %arg9[%get3A_270, %get3A_271] {strides = array<i32>} : memref<64x768xf32, #tpu.memory_space<vmem>>, vector<1x16xf32>,
      %get3A_273 = vector.shape_cast %get3A_272 : vector<1x16xf32> to vector<16xf32>
      %mul3A_274 = arith.mulf %get3A_273, %gather3A_160 : vector<16xf32>
      %swap3A_275 = arith.index_cast %scan3A_126 : i32 to index
      %swap3A_276 = arith.constant 176 : index
      %swap3A_277 = tpu.vector_load %arg9[%swap3A_275, %swap3A_276] {strides = array<i32>} : memref<64x768xf32, #tpu.memory_space<vmem>>, vector<1x16xf32>,
      %swap3A_278 = vector.shape_cast %swap3A_277 : vector<1x16xf32> to vector<16xf32>
      %swap3A_279 = vector.shape_cast %mul3A_274 : vector<16xf32> to vector<1x16xf32>
      tpu.vector_store %arg9[%swap3A_275, %swap3A_276], %swap3A_279 {strides = array<i32>} : memref<64x768xf32, #tpu.memory_space<vmem>>, vector<1x16xf32>,
      %get3A_280 = arith.index_cast %scan3A_126 : i32 to index
      %get3A_281 = arith.constant 192 : index
      %get3A_282 = tpu.vector_load %arg9[%get3A_280, %get3A_281] {strides = array<i32>} : memref<64x768xf32, #tpu.memory_space<vmem>>, vector<1x16xf32>,
      %get3A_283 = vector.shape_cast %get3A_282 : vector<1x16xf32> to vector<16xf32>
      %mul3A_284 = arith.mulf %get3A_283, %gather3A_160 : vector<16xf32>
      %swap3A_285 = arith.index_cast %scan3A_126 : i32 to index
      %swap3A_286 = arith.constant 192 : index
      %swap3A_287 = tpu.vector_load %arg9[%swap3A_285, %swap3A_286] {strides = array<i32>} : memref<64x768xf32, #tpu.memory_space<vmem>>, vector<1x16xf32>,
      %swap3A_288 = vector.shape_cast %swap3A_287 : vector<1x16xf32> to vector<16xf32>
      %swap3A_289 = vector.shape_cast %mul3A_284 : vector<16xf32> to vector<1x16xf32>
      tpu.vector_store %arg9[%swap3A_285, %swap3A_286], %swap3A_289 {strides = array<i32>} : memref<64x768xf32, #tpu.memory_space<vmem>>, vector<1x16xf32>,
      %get3A_290 = arith.index_cast %scan3A_126 : i32 to index
      %get3A_291 = arith.constant 208 : index
      %get3A_292 = tpu.vector_load %arg9[%get3A_290, %get3A_291] {strides = array<i32>} : memref<64x768xf32, #tpu.memory_space<vmem>>, vector<1x16xf32>,
      %get3A_293 = vector.shape_cast %get3A_292 : vector<1x16xf32> to vector<16xf32>
      %mul3A_294 = arith.mulf %get3A_293, %gather3A_160 : vector<16xf32>
      %swap3A_295 = arith.index_cast %scan3A_126 : i32 to index
      %swap3A_296 = arith.constant 208 : index
      %swap3A_297 = tpu.vector_load %arg9[%swap3A_295, %swap3A_296] {strides = array<i32>} : memref<64x768xf32, #tpu.memory_space<vmem>>, vector<1x16xf32>,
      %swap3A_298 = vector.shape_cast %swap3A_297 : vector<1x16xf32> to vector<16xf32>
      %swap3A_299 = vector.shape_cast %mul3A_294 : vector<16xf32> to vector<1x16xf32>
      tpu.vector_store %arg9[%swap3A_295, %swap3A_296], %swap3A_299 {strides = array<i32>} : memref<64x768xf32, #tpu.memory_space<vmem>>, vector<1x16xf32>,
      %get3A_300 = arith.index_cast %scan3A_126 : i32 to index
      %get3A_301 = arith.constant 224 : index
      %get3A_302 = tpu.vector_load %arg9[%get3A_300, %get3A_301] {strides = array<i32>} : memref<64x768xf32, #tpu.memory_space<vmem>>, vector<1x16xf32>,
      %get3A_303 = vector.shape_cast %get3A_302 : vector<1x16xf32> to vector<16xf32>
      %mul3A_304 = arith.mulf %get3A_303, %gather3A_160 : vector<16xf32>
      %swap3A_305 = arith.index_cast %scan3A_126 : i32 to index
      %swap3A_306 = arith.constant 224 : index
      %swap3A_307 = tpu.vector_load %arg9[%swap3A_305, %swap3A_306] {strides = array<i32>} : memref<64x768xf32, #tpu.memory_space<vmem>>, vector<1x16xf32>,
      %swap3A_308 = vector.shape_cast %swap3A_307 : vector<1x16xf32> to vector<16xf32>
      %swap3A_309 = vector.shape_cast %mul3A_304 : vector<16xf32> to vector<1x16xf32>
      tpu.vector_store %arg9[%swap3A_305, %swap3A_306], %swap3A_309 {strides = array<i32>} : memref<64x768xf32, #tpu.memory_space<vmem>>, vector<1x16xf32>,
      %get3A_310 = arith.index_cast %scan3A_126 : i32 to index
      %get3A_311 = arith.constant 240 : index
      %get3A_312 = tpu.vector_load %arg9[%get3A_310, %get3A_311] {strides = array<i32>} : memref<64x768xf32, #tpu.memory_space<vmem>>, vector<1x16xf32>,
      %get3A_313 = vector.shape_cast %get3A_312 : vector<1x16xf32> to vector<16xf32>
      %mul3A_314 = arith.mulf %get3A_313, %gather3A_160 : vector<16xf32>
      %swap3A_315 = arith.index_cast %scan3A_126 : i32 to index
      %swap3A_316 = arith.constant 240 : index
      %swap3A_317 = tpu.vector_load %arg9[%swap3A_315, %swap3A_316] {strides = array<i32>} : memref<64x768xf32, #tpu.memory_space<vmem>>, vector<1x16xf32>,
      %swap3A_318 = vector.shape_cast %swap3A_317 : vector<1x16xf32> to vector<16xf32>
      %swap3A_319 = vector.shape_cast %mul3A_314 : vector<16xf32> to vector<1x16xf32>
      tpu.vector_store %arg9[%swap3A_315, %swap3A_316], %swap3A_319 {strides = array<i32>} : memref<64x768xf32, #tpu.memory_space<vmem>>, vector<1x16xf32>,
      %get3A_320 = arith.index_cast %scan3A_126 : i32 to index
      %get3A_321 = arith.constant 256 : index
      %get3A_322 = tpu.vector_load %arg9[%get3A_320, %get3A_321] {strides = array<i32>} : memref<64x768xf32, #tpu.memory_space<vmem>>, vector<1x16xf32>,
      %get3A_323 = vector.shape_cast %get3A_322 : vector<1x16xf32> to vector<16xf32>
      %mul3A_324 = arith.mulf %get3A_323, %gather3A_160 : vector<16xf32>
      %swap3A_325 = arith.index_cast %scan3A_126 : i32 to index
      %swap3A_326 = arith.constant 256 : index
      %swap3A_327 = tpu.vector_load %arg9[%swap3A_325, %swap3A_326] {strides = array<i32>} : memref<64x768xf32, #tpu.memory_space<vmem>>, vector<1x16xf32>,
      %swap3A_328 = vector.shape_cast %swap3A_327 : vector<1x16xf32> to vector<16xf32>
      %swap3A_329 = vector.shape_cast %mul3A_324 : vector<16xf32> to vector<1x16xf32>
      tpu.vector_store %arg9[%swap3A_325, %swap3A_326], %swap3A_329 {strides = array<i32>} : memref<64x768xf32, #tpu.memory_space<vmem>>, vector<1x16xf32>,
      %get3A_330 = arith.index_cast %scan3A_126 : i32 to index
      %get3A_331 = arith.constant 272 : index
      %get3A_332 = tpu.vector_load %arg9[%get3A_330, %get3A_331] {strides = array<i32>} : memref<64x768xf32, #tpu.memory_space<vmem>>, vector<1x16xf32>,
      %get3A_333 = vector.shape_cast %get3A_332 : vector<1x16xf32> to vector<16xf32>
      %mul3A_334 = arith.mulf %get3A_333, %gather3A_160 : vector<16xf32>
      %swap3A_335 = arith.index_cast %scan3A_126 : i32 to index
      %swap3A_336 = arith.constant 272 : index
      %swap3A_337 = tpu.vector_load %arg9[%swap3A_335, %swap3A_336] {strides = array<i32>} : memref<64x768xf32, #tpu.memory_space<vmem>>, vector<1x16xf32>,
      %swap3A_338 = vector.shape_cast %swap3A_337 : vector<1x16xf32> to vector<16xf32>
      %swap3A_339 = vector.shape_cast %mul3A_334 : vector<16xf32> to vector<1x16xf32>
      tpu.vector_store %arg9[%swap3A_335, %swap3A_336], %swap3A_339 {strides = array<i32>} : memref<64x768xf32, #tpu.memory_space<vmem>>, vector<1x16xf32>,
      %get3A_340 = arith.index_cast %scan3A_126 : i32 to index
      %get3A_341 = arith.constant 288 : index
      %get3A_342 = tpu.vector_load %arg9[%get3A_340, %get3A_341] {strides = array<i32>} : memref<64x768xf32, #tpu.memory_space<vmem>>, vector<1x16xf32>,
      %get3A_343 = vector.shape_cast %get3A_342 : vector<1x16xf32> to vector<16xf32>
      %mul3A_344 = arith.mulf %get3A_343, %gather3A_160 : vector<16xf32>
      %swap3A_345 = arith.index_cast %scan3A_126 : i32 to index
      %swap3A_346 = arith.constant 288 : index
      %swap3A_347 = tpu.vector_load %arg9[%swap3A_345, %swap3A_346] {strides = array<i32>} : memref<64x768xf32, #tpu.memory_space<vmem>>, vector<1x16xf32>,
      %swap3A_348 = vector.shape_cast %swap3A_347 : vector<1x16xf32> to vector<16xf32>
      %swap3A_349 = vector.shape_cast %mul3A_344 : vector<16xf32> to vector<1x16xf32>
      tpu.vector_store %arg9[%swap3A_345, %swap3A_346], %swap3A_349 {strides = array<i32>} : memref<64x768xf32, #tpu.memory_space<vmem>>, vector<1x16xf32>,
      %get3A_350 = arith.index_cast %scan3A_126 : i32 to index
      %get3A_351 = arith.constant 304 : index
      %get3A_352 = tpu.vector_load %arg9[%get3A_350, %get3A_351] {strides = array<i32>} : memref<64x768xf32, #tpu.memory_space<vmem>>, vector<1x16xf32>,
      %get3A_353 = vector.shape_cast %get3A_352 : vector<1x16xf32> to vector<16xf32>
      %mul3A_354 = arith.mulf %get3A_353, %gather3A_160 : vector<16xf32>
      %swap3A_355 = arith.index_cast %scan3A_126 : i32 to index
      %swap3A_356 = arith.constant 304 : index
      %swap3A_357 = tpu.vector_load %arg9[%swap3A_355, %swap3A_356] {strides = array<i32>} : memref<64x768xf32, #tpu.memory_space<vmem>>, vector<1x16xf32>,
      %swap3A_358 = vector.shape_cast %swap3A_357 : vector<1x16xf32> to vector<16xf32>
      %swap3A_359 = vector.shape_cast %mul3A_354 : vector<16xf32> to vector<1x16xf32>
      tpu.vector_store %arg9[%swap3A_355, %swap3A_356], %swap3A_359 {strides = array<i32>} : memref<64x768xf32, #tpu.memory_space<vmem>>, vector<1x16xf32>,
      %get3A_360 = arith.index_cast %scan3A_126 : i32 to index
      %get3A_361 = arith.constant 320 : index
      %get3A_362 = tpu.vector_load %arg9[%get3A_360, %get3A_361] {strides = array<i32>} : memref<64x768xf32, #tpu.memory_space<vmem>>, vector<1x16xf32>,
      %get3A_363 = vector.shape_cast %get3A_362 : vector<1x16xf32> to vector<16xf32>
      %mul3A_364 = arith.mulf %get3A_363, %gather3A_160 : vector<16xf32>
      %swap3A_365 = arith.index_cast %scan3A_126 : i32 to index
      %swap3A_366 = arith.constant 320 : index
      %swap3A_367 = tpu.vector_load %arg9[%swap3A_365, %swap3A_366] {strides = array<i32>} : memref<64x768xf32, #tpu.memory_space<vmem>>, vector<1x16xf32>,
      %swap3A_368 = vector.shape_cast %swap3A_367 : vector<1x16xf32> to vector<16xf32>
      %swap3A_369 = vector.shape_cast %mul3A_364 : vector<16xf32> to vector<1x16xf32>
      tpu.vector_store %arg9[%swap3A_365, %swap3A_366], %swap3A_369 {strides = array<i32>} : memref<64x768xf32, #tpu.memory_space<vmem>>, vector<1x16xf32>,
      %get3A_370 = arith.index_cast %scan3A_126 : i32 to index
      %get3A_371 = arith.constant 336 : index
      %get3A_372 = tpu.vector_load %arg9[%get3A_370, %get3A_371] {strides = array<i32>} : memref<64x768xf32, #tpu.memory_space<vmem>>, vector<1x16xf32>,
      %get3A_373 = vector.shape_cast %get3A_372 : vector<1x16xf32> to vector<16xf32>
      %mul3A_374 = arith.mulf %get3A_373, %gather3A_160 : vector<16xf32>
      %swap3A_375 = arith.index_cast %scan3A_126 : i32 to index
      %swap3A_376 = arith.constant 336 : index
      %swap3A_377 = tpu.vector_load %arg9[%swap3A_375, %swap3A_376] {strides = array<i32>} : memref<64x768xf32, #tpu.memory_space<vmem>>, vector<1x16xf32>,
      %swap3A_378 = vector.shape_cast %swap3A_377 : vector<1x16xf32> to vector<16xf32>
      %swap3A_379 = vector.shape_cast %mul3A_374 : vector<16xf32> to vector<1x16xf32>
      tpu.vector_store %arg9[%swap3A_375, %swap3A_376], %swap3A_379 {strides = array<i32>} : memref<64x768xf32, #tpu.memory_space<vmem>>, vector<1x16xf32>,
      %get3A_380 = arith.index_cast %scan3A_126 : i32 to index
      %get3A_381 = arith.constant 352 : index
      %get3A_382 = tpu.vector_load %arg9[%get3A_380, %get3A_381] {strides = array<i32>} : memref<64x768xf32, #tpu.memory_space<vmem>>, vector<1x16xf32>,
      %get3A_383 = vector.shape_cast %get3A_382 : vector<1x16xf32> to vector<16xf32>
      %mul3A_384 = arith.mulf %get3A_383, %gather3A_160 : vector<16xf32>
      %swap3A_385 = arith.index_cast %scan3A_126 : i32 to index
      %swap3A_386 = arith.constant 352 : index
      %swap3A_387 = tpu.vector_load %arg9[%swap3A_385, %swap3A_386] {strides = array<i32>} : memref<64x768xf32, #tpu.memory_space<vmem>>, vector<1x16xf32>,
      %swap3A_388 = vector.shape_cast %swap3A_387 : vector<1x16xf32> to vector<16xf32>
      %swap3A_389 = vector.shape_cast %mul3A_384 : vector<16xf32> to vector<1x16xf32>
      tpu.vector_store %arg9[%swap3A_385, %swap3A_386], %swap3A_389 {strides = array<i32>} : memref<64x768xf32, #tpu.memory_space<vmem>>, vector<1x16xf32>,
      %get3A_390 = arith.index_cast %scan3A_126 : i32 to index
      %get3A_391 = arith.constant 368 : index
      %get3A_392 = tpu.vector_load %arg9[%get3A_390, %get3A_391] {strides = array<i32>} : memref<64x768xf32, #tpu.memory_space<vmem>>, vector<1x16xf32>,
      %get3A_393 = vector.shape_cast %get3A_392 : vector<1x16xf32> to vector<16xf32>
      %mul3A_394 = arith.mulf %get3A_393, %gather3A_160 : vector<16xf32>
      %swap3A_395 = arith.index_cast %scan3A_126 : i32 to index
      %swap3A_396 = arith.constant 368 : index
      %swap3A_397 = tpu.vector_load %arg9[%swap3A_395, %swap3A_396] {strides = array<i32>} : memref<64x768xf32, #tpu.memory_space<vmem>>, vector<1x16xf32>,
      %swap3A_398 = vector.shape_cast %swap3A_397 : vector<1x16xf32> to vector<16xf32>
      %swap3A_399 = vector.shape_cast %mul3A_394 : vector<16xf32> to vector<1x16xf32>
      tpu.vector_store %arg9[%swap3A_395, %swap3A_396], %swap3A_399 {strides = array<i32>} : memref<64x768xf32, #tpu.memory_space<vmem>>, vector<1x16xf32>,
      %get3A_400 = arith.index_cast %scan3A_126 : i32 to index
      %get3A_401 = arith.constant 384 : index
      %get3A_402 = tpu.vector_load %arg9[%get3A_400, %get3A_401] {strides = array<i32>} : memref<64x768xf32, #tpu.memory_space<vmem>>, vector<1x16xf32>,
      %get3A_403 = vector.shape_cast %get3A_402 : vector<1x16xf32> to vector<16xf32>
      %mul3A_404 = arith.mulf %get3A_403, %gather3A_160 : vector<16xf32>
      %swap3A_405 = arith.index_cast %scan3A_126 : i32 to index
      %swap3A_406 = arith.constant 384 : index
      %swap3A_407 = tpu.vector_load %arg9[%swap3A_405, %swap3A_406] {strides = array<i32>} : memref<64x768xf32, #tpu.memory_space<vmem>>, vector<1x16xf32>,
      %swap3A_408 = vector.shape_cast %swap3A_407 : vector<1x16xf32> to vector<16xf32>
      %swap3A_409 = vector.shape_cast %mul3A_404 : vector<16xf32> to vector<1x16xf32>
      tpu.vector_store %arg9[%swap3A_405, %swap3A_406], %swap3A_409 {strides = array<i32>} : memref<64x768xf32, #tpu.memory_space<vmem>>, vector<1x16xf32>,
      %get3A_410 = arith.index_cast %scan3A_126 : i32 to index
      %get3A_411 = arith.constant 400 : index
      %get3A_412 = tpu.vector_load %arg9[%get3A_410, %get3A_411] {strides = array<i32>} : memref<64x768xf32, #tpu.memory_space<vmem>>, vector<1x16xf32>,
      %get3A_413 = vector.shape_cast %get3A_412 : vector<1x16xf32> to vector<16xf32>
      %mul3A_414 = arith.mulf %get3A_413, %gather3A_160 : vector<16xf32>
      %swap3A_415 = arith.index_cast %scan3A_126 : i32 to index
      %swap3A_416 = arith.constant 400 : index
      %swap3A_417 = tpu.vector_load %arg9[%swap3A_415, %swap3A_416] {strides = array<i32>} : memref<64x768xf32, #tpu.memory_space<vmem>>, vector<1x16xf32>,
      %swap3A_418 = vector.shape_cast %swap3A_417 : vector<1x16xf32> to vector<16xf32>
      %swap3A_419 = vector.shape_cast %mul3A_414 : vector<16xf32> to vector<1x16xf32>
      tpu.vector_store %arg9[%swap3A_415, %swap3A_416], %swap3A_419 {strides = array<i32>} : memref<64x768xf32, #tpu.memory_space<vmem>>, vector<1x16xf32>,
      %get3A_420 = arith.index_cast %scan3A_126 : i32 to index
      %get3A_421 = arith.constant 416 : index
      %get3A_422 = tpu.vector_load %arg9[%get3A_420, %get3A_421] {strides = array<i32>} : memref<64x768xf32, #tpu.memory_space<vmem>>, vector<1x16xf32>,
      %get3A_423 = vector.shape_cast %get3A_422 : vector<1x16xf32> to vector<16xf32>
      %mul3A_424 = arith.mulf %get3A_423, %gather3A_160 : vector<16xf32>
      %swap3A_425 = arith.index_cast %scan3A_126 : i32 to index
      %swap3A_426 = arith.constant 416 : index
      %swap3A_427 = tpu.vector_load %arg9[%swap3A_425, %swap3A_426] {strides = array<i32>} : memref<64x768xf32, #tpu.memory_space<vmem>>, vector<1x16xf32>,
      %swap3A_428 = vector.shape_cast %swap3A_427 : vector<1x16xf32> to vector<16xf32>
      %swap3A_429 = vector.shape_cast %mul3A_424 : vector<16xf32> to vector<1x16xf32>
      tpu.vector_store %arg9[%swap3A_425, %swap3A_426], %swap3A_429 {strides = array<i32>} : memref<64x768xf32, #tpu.memory_space<vmem>>, vector<1x16xf32>,
      %get3A_430 = arith.index_cast %scan3A_126 : i32 to index
      %get3A_431 = arith.constant 432 : index
      %get3A_432 = tpu.vector_load %arg9[%get3A_430, %get3A_431] {strides = array<i32>} : memref<64x768xf32, #tpu.memory_space<vmem>>, vector<1x16xf32>,
      %get3A_433 = vector.shape_cast %get3A_432 : vector<1x16xf32> to vector<16xf32>
      %mul3A_434 = arith.mulf %get3A_433, %gather3A_160 : vector<16xf32>
      %swap3A_435 = arith.index_cast %scan3A_126 : i32 to index
      %swap3A_436 = arith.constant 432 : index
      %swap3A_437 = tpu.vector_load %arg9[%swap3A_435, %swap3A_436] {strides = array<i32>} : memref<64x768xf32, #tpu.memory_space<vmem>>, vector<1x16xf32>,
      %swap3A_438 = vector.shape_cast %swap3A_437 : vector<1x16xf32> to vector<16xf32>
      %swap3A_439 = vector.shape_cast %mul3A_434 : vector<16xf32> to vector<1x16xf32>
      tpu.vector_store %arg9[%swap3A_435, %swap3A_436], %swap3A_439 {strides = array<i32>} : memref<64x768xf32, #tpu.memory_space<vmem>>, vector<1x16xf32>,
      %get3A_440 = arith.index_cast %scan3A_126 : i32 to index
      %get3A_441 = arith.constant 448 : index
      %get3A_442 = tpu.vector_load %arg9[%get3A_440, %get3A_441] {strides = array<i32>} : memref<64x768xf32, #tpu.memory_space<vmem>>, vector<1x16xf32>,
      %get3A_443 = vector.shape_cast %get3A_442 : vector<1x16xf32> to vector<16xf32>
      %mul3A_444 = arith.mulf %get3A_443, %gather3A_160 : vector<16xf32>
      %swap3A_445 = arith.index_cast %scan3A_126 : i32 to index
      %swap3A_446 = arith.constant 448 : index
      %swap3A_447 = tpu.vector_load %arg9[%swap3A_445, %swap3A_446] {strides = array<i32>} : memref<64x768xf32, #tpu.memory_space<vmem>>, vector<1x16xf32>,
      %swap3A_448 = vector.shape_cast %swap3A_447 : vector<1x16xf32> to vector<16xf32>
      %swap3A_449 = vector.shape_cast %mul3A_444 : vector<16xf32> to vector<1x16xf32>
      tpu.vector_store %arg9[%swap3A_445, %swap3A_446], %swap3A_449 {strides = array<i32>} : memref<64x768xf32, #tpu.memory_space<vmem>>, vector<1x16xf32>,
      %get3A_450 = arith.index_cast %scan3A_126 : i32 to index
      %get3A_451 = arith.constant 464 : index
      %get3A_452 = tpu.vector_load %arg9[%get3A_450, %get3A_451] {strides = array<i32>} : memref<64x768xf32, #tpu.memory_space<vmem>>, vector<1x16xf32>,
      %get3A_453 = vector.shape_cast %get3A_452 : vector<1x16xf32> to vector<16xf32>
      %mul3A_454 = arith.mulf %get3A_453, %gather3A_160 : vector<16xf32>
      %swap3A_455 = arith.index_cast %scan3A_126 : i32 to index
      %swap3A_456 = arith.constant 464 : index
      %swap3A_457 = tpu.vector_load %arg9[%swap3A_455, %swap3A_456] {strides = array<i32>} : memref<64x768xf32, #tpu.memory_space<vmem>>, vector<1x16xf32>,
      %swap3A_458 = vector.shape_cast %swap3A_457 : vector<1x16xf32> to vector<16xf32>
      %swap3A_459 = vector.shape_cast %mul3A_454 : vector<16xf32> to vector<1x16xf32>
      tpu.vector_store %arg9[%swap3A_455, %swap3A_456], %swap3A_459 {strides = array<i32>} : memref<64x768xf32, #tpu.memory_space<vmem>>, vector<1x16xf32>,
      %get3A_460 = arith.index_cast %scan3A_126 : i32 to index
      %get3A_461 = arith.constant 480 : index
      %get3A_462 = tpu.vector_load %arg9[%get3A_460, %get3A_461] {strides = array<i32>} : memref<64x768xf32, #tpu.memory_space<vmem>>, vector<1x16xf32>,
      %get3A_463 = vector.shape_cast %get3A_462 : vector<1x16xf32> to vector<16xf32>
      %mul3A_464 = arith.mulf %get3A_463, %gather3A_160 : vector<16xf32>
      %swap3A_465 = arith.index_cast %scan3A_126 : i32 to index
      %swap3A_466 = arith.constant 480 : index
      %swap3A_467 = tpu.vector_load %arg9[%swap3A_465, %swap3A_466] {strides = array<i32>} : memref<64x768xf32, #tpu.memory_space<vmem>>, vector<1x16xf32>,
      %swap3A_468 = vector.shape_cast %swap3A_467 : vector<1x16xf32> to vector<16xf32>
      %swap3A_469 = vector.shape_cast %mul3A_464 : vector<16xf32> to vector<1x16xf32>
      tpu.vector_store %arg9[%swap3A_465, %swap3A_466], %swap3A_469 {strides = array<i32>} : memref<64x768xf32, #tpu.memory_space<vmem>>, vector<1x16xf32>,
      %get3A_470 = arith.index_cast %scan3A_126 : i32 to index
      %get3A_471 = arith.constant 496 : index
      %get3A_472 = tpu.vector_load %arg9[%get3A_470, %get3A_471] {strides = array<i32>} : memref<64x768xf32, #tpu.memory_space<vmem>>, vector<1x16xf32>,
      %get3A_473 = vector.shape_cast %get3A_472 : vector<1x16xf32> to vector<16xf32>
      %mul3A_474 = arith.mulf %get3A_473, %gather3A_160 : vector<16xf32>
      %swap3A_475 = arith.index_cast %scan3A_126 : i32 to index
      %swap3A_476 = arith.constant 496 : index
      %swap3A_477 = tpu.vector_load %arg9[%swap3A_475, %swap3A_476] {strides = array<i32>} : memref<64x768xf32, #tpu.memory_space<vmem>>, vector<1x16xf32>,
      %swap3A_478 = vector.shape_cast %swap3A_477 : vector<1x16xf32> to vector<16xf32>
      %swap3A_479 = vector.shape_cast %mul3A_474 : vector<16xf32> to vector<1x16xf32>
      tpu.vector_store %arg9[%swap3A_475, %swap3A_476], %swap3A_479 {strides = array<i32>} : memref<64x768xf32, #tpu.memory_space<vmem>>, vector<1x16xf32>,
      %get3A_480 = arith.index_cast %scan3A_126 : i32 to index
      %get3A_481 = arith.constant 512 : index
      %get3A_482 = tpu.vector_load %arg9[%get3A_480, %get3A_481] {strides = array<i32>} : memref<64x768xf32, #tpu.memory_space<vmem>>, vector<1x16xf32>,
      %get3A_483 = vector.shape_cast %get3A_482 : vector<1x16xf32> to vector<16xf32>
      %mul3A_484 = arith.mulf %get3A_483, %gather3A_160 : vector<16xf32>
      %swap3A_485 = arith.index_cast %scan3A_126 : i32 to index
      %swap3A_486 = arith.constant 512 : index
      %swap3A_487 = tpu.vector_load %arg9[%swap3A_485, %swap3A_486] {strides = array<i32>} : memref<64x768xf32, #tpu.memory_space<vmem>>, vector<1x16xf32>,
      %swap3A_488 = vector.shape_cast %swap3A_487 : vector<1x16xf32> to vector<16xf32>
      %swap3A_489 = vector.shape_cast %mul3A_484 : vector<16xf32> to vector<1x16xf32>
      tpu.vector_store %arg9[%swap3A_485, %swap3A_486], %swap3A_489 {strides = array<i32>} : memref<64x768xf32, #tpu.memory_space<vmem>>, vector<1x16xf32>,
      %get3A_490 = arith.index_cast %scan3A_126 : i32 to index
      %get3A_491 = arith.constant 528 : index
      %get3A_492 = tpu.vector_load %arg9[%get3A_490, %get3A_491] {strides = array<i32>} : memref<64x768xf32, #tpu.memory_space<vmem>>, vector<1x16xf32>,
      %get3A_493 = vector.shape_cast %get3A_492 : vector<1x16xf32> to vector<16xf32>
      %mul3A_494 = arith.mulf %get3A_493, %gather3A_160 : vector<16xf32>
      %swap3A_495 = arith.index_cast %scan3A_126 : i32 to index
      %swap3A_496 = arith.constant 528 : index
      %swap3A_497 = tpu.vector_load %arg9[%swap3A_495, %swap3A_496] {strides = array<i32>} : memref<64x768xf32, #tpu.memory_space<vmem>>, vector<1x16xf32>,
      %swap3A_498 = vector.shape_cast %swap3A_497 : vector<1x16xf32> to vector<16xf32>
      %swap3A_499 = vector.shape_cast %mul3A_494 : vector<16xf32> to vector<1x16xf32>
      tpu.vector_store %arg9[%swap3A_495, %swap3A_496], %swap3A_499 {strides = array<i32>} : memref<64x768xf32, #tpu.memory_space<vmem>>, vector<1x16xf32>,
      %get3A_500 = arith.index_cast %scan3A_126 : i32 to index
      %get3A_501 = arith.constant 544 : index
      %get3A_502 = tpu.vector_load %arg9[%get3A_500, %get3A_501] {strides = array<i32>} : memref<64x768xf32, #tpu.memory_space<vmem>>, vector<1x16xf32>,
      %get3A_503 = vector.shape_cast %get3A_502 : vector<1x16xf32> to vector<16xf32>
      %mul3A_504 = arith.mulf %get3A_503, %gather3A_160 : vector<16xf32>
      %swap3A_505 = arith.index_cast %scan3A_126 : i32 to index
      %swap3A_506 = arith.constant 544 : index
      %swap3A_507 = tpu.vector_load %arg9[%swap3A_505, %swap3A_506] {strides = array<i32>} : memref<64x768xf32, #tpu.memory_space<vmem>>, vector<1x16xf32>,
      %swap3A_508 = vector.shape_cast %swap3A_507 : vector<1x16xf32> to vector<16xf32>
      %swap3A_509 = vector.shape_cast %mul3A_504 : vector<16xf32> to vector<1x16xf32>
      tpu.vector_store %arg9[%swap3A_505, %swap3A_506], %swap3A_509 {strides = array<i32>} : memref<64x768xf32, #tpu.memory_space<vmem>>, vector<1x16xf32>,
      %get3A_510 = arith.index_cast %scan3A_126 : i32 to index
      %get3A_511 = arith.constant 560 : index
      %get3A_512 = tpu.vector_load %arg9[%get3A_510, %get3A_511] {strides = array<i32>} : memref<64x768xf32, #tpu.memory_space<vmem>>, vector<1x16xf32>,
      %get3A_513 = vector.shape_cast %get3A_512 : vector<1x16xf32> to vector<16xf32>
      %mul3A_514 = arith.mulf %get3A_513, %gather3A_160 : vector<16xf32>
      %swap3A_515 = arith.index_cast %scan3A_126 : i32 to index
      %swap3A_516 = arith.constant 560 : index
      %swap3A_517 = tpu.vector_load %arg9[%swap3A_515, %swap3A_516] {strides = array<i32>} : memref<64x768xf32, #tpu.memory_space<vmem>>, vector<1x16xf32>,
      %swap3A_518 = vector.shape_cast %swap3A_517 : vector<1x16xf32> to vector<16xf32>
      %swap3A_519 = vector.shape_cast %mul3A_514 : vector<16xf32> to vector<1x16xf32>
      tpu.vector_store %arg9[%swap3A_515, %swap3A_516], %swap3A_519 {strides = array<i32>} : memref<64x768xf32, #tpu.memory_space<vmem>>, vector<1x16xf32>,
      %get3A_520 = arith.index_cast %scan3A_126 : i32 to index
      %get3A_521 = arith.constant 576 : index
      %get3A_522 = tpu.vector_load %arg9[%get3A_520, %get3A_521] {strides = array<i32>} : memref<64x768xf32, #tpu.memory_space<vmem>>, vector<1x16xf32>,
      %get3A_523 = vector.shape_cast %get3A_522 : vector<1x16xf32> to vector<16xf32>
      %mul3A_524 = arith.mulf %get3A_523, %gather3A_160 : vector<16xf32>
      %swap3A_525 = arith.index_cast %scan3A_126 : i32 to index
      %swap3A_526 = arith.constant 576 : index
      %swap3A_527 = tpu.vector_load %arg9[%swap3A_525, %swap3A_526] {strides = array<i32>} : memref<64x768xf32, #tpu.memory_space<vmem>>, vector<1x16xf32>,
      %swap3A_528 = vector.shape_cast %swap3A_527 : vector<1x16xf32> to vector<16xf32>
      %swap3A_529 = vector.shape_cast %mul3A_524 : vector<16xf32> to vector<1x16xf32>
      tpu.vector_store %arg9[%swap3A_525, %swap3A_526], %swap3A_529 {strides = array<i32>} : memref<64x768xf32, #tpu.memory_space<vmem>>, vector<1x16xf32>,
      %get3A_530 = arith.index_cast %scan3A_126 : i32 to index
      %get3A_531 = arith.constant 592 : index
      %get3A_532 = tpu.vector_load %arg9[%get3A_530, %get3A_531] {strides = array<i32>} : memref<64x768xf32, #tpu.memory_space<vmem>>, vector<1x16xf32>,
      %get3A_533 = vector.shape_cast %get3A_532 : vector<1x16xf32> to vector<16xf32>
      %mul3A_534 = arith.mulf %get3A_533, %gather3A_160 : vector<16xf32>
      %swap3A_535 = arith.index_cast %scan3A_126 : i32 to index
      %swap3A_536 = arith.constant 592 : index
      %swap3A_537 = tpu.vector_load %arg9[%swap3A_535, %swap3A_536] {strides = array<i32>} : memref<64x768xf32, #tpu.memory_space<vmem>>, vector<1x16xf32>,
      %swap3A_538 = vector.shape_cast %swap3A_537 : vector<1x16xf32> to vector<16xf32>
      %swap3A_539 = vector.shape_cast %mul3A_534 : vector<16xf32> to vector<1x16xf32>
      tpu.vector_store %arg9[%swap3A_535, %swap3A_536], %swap3A_539 {strides = array<i32>} : memref<64x768xf32, #tpu.memory_space<vmem>>, vector<1x16xf32>,
      %get3A_540 = arith.index_cast %scan3A_126 : i32 to index
      %get3A_541 = arith.constant 608 : index
      %get3A_542 = tpu.vector_load %arg9[%get3A_540, %get3A_541] {strides = array<i32>} : memref<64x768xf32, #tpu.memory_space<vmem>>, vector<1x16xf32>,
      %get3A_543 = vector.shape_cast %get3A_542 : vector<1x16xf32> to vector<16xf32>
      %mul3A_544 = arith.mulf %get3A_543, %gather3A_160 : vector<16xf32>
      %swap3A_545 = arith.index_cast %scan3A_126 : i32 to index
      %swap3A_546 = arith.constant 608 : index
      %swap3A_547 = tpu.vector_load %arg9[%swap3A_545, %swap3A_546] {strides = array<i32>} : memref<64x768xf32, #tpu.memory_space<vmem>>, vector<1x16xf32>,
      %swap3A_548 = vector.shape_cast %swap3A_547 : vector<1x16xf32> to vector<16xf32>
      %swap3A_549 = vector.shape_cast %mul3A_544 : vector<16xf32> to vector<1x16xf32>
      tpu.vector_store %arg9[%swap3A_545, %swap3A_546], %swap3A_549 {strides = array<i32>} : memref<64x768xf32, #tpu.memory_space<vmem>>, vector<1x16xf32>,
      %get3A_550 = arith.index_cast %scan3A_126 : i32 to index
      %get3A_551 = arith.constant 624 : index
      %get3A_552 = tpu.vector_load %arg9[%get3A_550, %get3A_551] {strides = array<i32>} : memref<64x768xf32, #tpu.memory_space<vmem>>, vector<1x16xf32>,
      %get3A_553 = vector.shape_cast %get3A_552 : vector<1x16xf32> to vector<16xf32>
      %mul3A_554 = arith.mulf %get3A_553, %gather3A_160 : vector<16xf32>
      %swap3A_555 = arith.index_cast %scan3A_126 : i32 to index
      %swap3A_556 = arith.constant 624 : index
      %swap3A_557 = tpu.vector_load %arg9[%swap3A_555, %swap3A_556] {strides = array<i32>} : memref<64x768xf32, #tpu.memory_space<vmem>>, vector<1x16xf32>,
      %swap3A_558 = vector.shape_cast %swap3A_557 : vector<1x16xf32> to vector<16xf32>
      %swap3A_559 = vector.shape_cast %mul3A_554 : vector<16xf32> to vector<1x16xf32>
      tpu.vector_store %arg9[%swap3A_555, %swap3A_556], %swap3A_559 {strides = array<i32>} : memref<64x768xf32, #tpu.memory_space<vmem>>, vector<1x16xf32>,
      %get3A_560 = arith.index_cast %scan3A_126 : i32 to index
      %get3A_561 = arith.constant 640 : index
      %get3A_562 = tpu.vector_load %arg9[%get3A_560, %get3A_561] {strides = array<i32>} : memref<64x768xf32, #tpu.memory_space<vmem>>, vector<1x16xf32>,
      %get3A_563 = vector.shape_cast %get3A_562 : vector<1x16xf32> to vector<16xf32>
      %mul3A_564 = arith.mulf %get3A_563, %gather3A_160 : vector<16xf32>
      %swap3A_565 = arith.index_cast %scan3A_126 : i32 to index
      %swap3A_566 = arith.constant 640 : index
      %swap3A_567 = tpu.vector_load %arg9[%swap3A_565, %swap3A_566] {strides = array<i32>} : memref<64x768xf32, #tpu.memory_space<vmem>>, vector<1x16xf32>,
      %swap3A_568 = vector.shape_cast %swap3A_567 : vector<1x16xf32> to vector<16xf32>
      %swap3A_569 = vector.shape_cast %mul3A_564 : vector<16xf32> to vector<1x16xf32>
      tpu.vector_store %arg9[%swap3A_565, %swap3A_566], %swap3A_569 {strides = array<i32>} : memref<64x768xf32, #tpu.memory_space<vmem>>, vector<1x16xf32>,
      %get3A_570 = arith.index_cast %scan3A_126 : i32 to index
      %get3A_571 = arith.constant 656 : index
      %get3A_572 = tpu.vector_load %arg9[%get3A_570, %get3A_571] {strides = array<i32>} : memref<64x768xf32, #tpu.memory_space<vmem>>, vector<1x16xf32>,
      %get3A_573 = vector.shape_cast %get3A_572 : vector<1x16xf32> to vector<16xf32>
      %mul3A_574 = arith.mulf %get3A_573, %gather3A_160 : vector<16xf32>
      %swap3A_575 = arith.index_cast %scan3A_126 : i32 to index
      %swap3A_576 = arith.constant 656 : index
      %swap3A_577 = tpu.vector_load %arg9[%swap3A_575, %swap3A_576] {strides = array<i32>} : memref<64x768xf32, #tpu.memory_space<vmem>>, vector<1x16xf32>,
      %swap3A_578 = vector.shape_cast %swap3A_577 : vector<1x16xf32> to vector<16xf32>
      %swap3A_579 = vector.shape_cast %mul3A_574 : vector<16xf32> to vector<1x16xf32>
      tpu.vector_store %arg9[%swap3A_575, %swap3A_576], %swap3A_579 {strides = array<i32>} : memref<64x768xf32, #tpu.memory_space<vmem>>, vector<1x16xf32>,
      %get3A_580 = arith.index_cast %scan3A_126 : i32 to index
      %get3A_581 = arith.constant 672 : index
      %get3A_582 = tpu.vector_load %arg9[%get3A_580, %get3A_581] {strides = array<i32>} : memref<64x768xf32, #tpu.memory_space<vmem>>, vector<1x16xf32>,
      %get3A_583 = vector.shape_cast %get3A_582 : vector<1x16xf32> to vector<16xf32>
      %mul3A_584 = arith.mulf %get3A_583, %gather3A_160 : vector<16xf32>
      %swap3A_585 = arith.index_cast %scan3A_126 : i32 to index
      %swap3A_586 = arith.constant 672 : index
      %swap3A_587 = tpu.vector_load %arg9[%swap3A_585, %swap3A_586] {strides = array<i32>} : memref<64x768xf32, #tpu.memory_space<vmem>>, vector<1x16xf32>,
      %swap3A_588 = vector.shape_cast %swap3A_587 : vector<1x16xf32> to vector<16xf32>
      %swap3A_589 = vector.shape_cast %mul3A_584 : vector<16xf32> to vector<1x16xf32>
      tpu.vector_store %arg9[%swap3A_585, %swap3A_586], %swap3A_589 {strides = array<i32>} : memref<64x768xf32, #tpu.memory_space<vmem>>, vector<1x16xf32>,
      %get3A_590 = arith.index_cast %scan3A_126 : i32 to index
      %get3A_591 = arith.constant 688 : index
      %get3A_592 = tpu.vector_load %arg9[%get3A_590, %get3A_591] {strides = array<i32>} : memref<64x768xf32, #tpu.memory_space<vmem>>, vector<1x16xf32>,
      %get3A_593 = vector.shape_cast %get3A_592 : vector<1x16xf32> to vector<16xf32>
      %mul3A_594 = arith.mulf %get3A_593, %gather3A_160 : vector<16xf32>
      %swap3A_595 = arith.index_cast %scan3A_126 : i32 to index
      %swap3A_596 = arith.constant 688 : index
      %swap3A_597 = tpu.vector_load %arg9[%swap3A_595, %swap3A_596] {strides = array<i32>} : memref<64x768xf32, #tpu.memory_space<vmem>>, vector<1x16xf32>,
      %swap3A_598 = vector.shape_cast %swap3A_597 : vector<1x16xf32> to vector<16xf32>
      %swap3A_599 = vector.shape_cast %mul3A_594 : vector<16xf32> to vector<1x16xf32>
      tpu.vector_store %arg9[%swap3A_595, %swap3A_596], %swap3A_599 {strides = array<i32>} : memref<64x768xf32, #tpu.memory_space<vmem>>, vector<1x16xf32>,
      %get3A_600 = arith.index_cast %scan3A_126 : i32 to index
      %get3A_601 = arith.constant 704 : index
      %get3A_602 = tpu.vector_load %arg9[%get3A_600, %get3A_601] {strides = array<i32>} : memref<64x768xf32, #tpu.memory_space<vmem>>, vector<1x16xf32>,
      %get3A_603 = vector.shape_cast %get3A_602 : vector<1x16xf32> to vector<16xf32>
      %mul3A_604 = arith.mulf %get3A_603, %gather3A_160 : vector<16xf32>
      %swap3A_605 = arith.index_cast %scan3A_126 : i32 to index
      %swap3A_606 = arith.constant 704 : index
      %swap3A_607 = tpu.vector_load %arg9[%swap3A_605, %swap3A_606] {strides = array<i32>} : memref<64x768xf32, #tpu.memory_space<vmem>>, vector<1x16xf32>,
      %swap3A_608 = vector.shape_cast %swap3A_607 : vector<1x16xf32> to vector<16xf32>
      %swap3A_609 = vector.shape_cast %mul3A_604 : vector<16xf32> to vector<1x16xf32>
      tpu.vector_store %arg9[%swap3A_605, %swap3A_606], %swap3A_609 {strides = array<i32>} : memref<64x768xf32, #tpu.memory_space<vmem>>, vector<1x16xf32>,
      %get3A_610 = arith.index_cast %scan3A_126 : i32 to index
      %get3A_611 = arith.constant 720 : index
      %get3A_612 = tpu.vector_load %arg9[%get3A_610, %get3A_611] {strides = array<i32>} : memref<64x768xf32, #tpu.memory_space<vmem>>, vector<1x16xf32>,
      %get3A_613 = vector.shape_cast %get3A_612 : vector<1x16xf32> to vector<16xf32>
      %mul3A_614 = arith.mulf %get3A_613, %gather3A_160 : vector<16xf32>
      %swap3A_615 = arith.index_cast %scan3A_126 : i32 to index
      %swap3A_616 = arith.constant 720 : index
      %swap3A_617 = tpu.vector_load %arg9[%swap3A_615, %swap3A_616] {strides = array<i32>} : memref<64x768xf32, #tpu.memory_space<vmem>>, vector<1x16xf32>,
      %swap3A_618 = vector.shape_cast %swap3A_617 : vector<1x16xf32> to vector<16xf32>
      %swap3A_619 = vector.shape_cast %mul3A_614 : vector<16xf32> to vector<1x16xf32>
      tpu.vector_store %arg9[%swap3A_615, %swap3A_616], %swap3A_619 {strides = array<i32>} : memref<64x768xf32, #tpu.memory_space<vmem>>, vector<1x16xf32>,
      %get3A_620 = arith.index_cast %scan3A_126 : i32 to index
      %get3A_621 = arith.constant 736 : index
      %get3A_622 = tpu.vector_load %arg9[%get3A_620, %get3A_621] {strides = array<i32>} : memref<64x768xf32, #tpu.memory_space<vmem>>, vector<1x16xf32>,
      %get3A_623 = vector.shape_cast %get3A_622 : vector<1x16xf32> to vector<16xf32>
      %mul3A_624 = arith.mulf %get3A_623, %gather3A_160 : vector<16xf32>
      %swap3A_625 = arith.index_cast %scan3A_126 : i32 to index
      %swap3A_626 = arith.constant 736 : index
      %swap3A_627 = tpu.vector_load %arg9[%swap3A_625, %swap3A_626] {strides = array<i32>} : memref<64x768xf32, #tpu.memory_space<vmem>>, vector<1x16xf32>,
      %swap3A_628 = vector.shape_cast %swap3A_627 : vector<1x16xf32> to vector<16xf32>
      %swap3A_629 = vector.shape_cast %mul3A_624 : vector<16xf32> to vector<1x16xf32>
      tpu.vector_store %arg9[%swap3A_625, %swap3A_626], %swap3A_629 {strides = array<i32>} : memref<64x768xf32, #tpu.memory_space<vmem>>, vector<1x16xf32>,
      %get3A_630 = arith.index_cast %scan3A_126 : i32 to index
      %get3A_631 = arith.constant 752 : index
      %get3A_632 = tpu.vector_load %arg9[%get3A_630, %get3A_631] {strides = array<i32>} : memref<64x768xf32, #tpu.memory_space<vmem>>, vector<1x16xf32>,
      %get3A_633 = vector.shape_cast %get3A_632 : vector<1x16xf32> to vector<16xf32>
      %mul3A_634 = arith.mulf %get3A_633, %gather3A_160 : vector<16xf32>
      %swap3A_635 = arith.index_cast %scan3A_126 : i32 to index
      %swap3A_636 = arith.constant 752 : index
      %swap3A_637 = tpu.vector_load %arg9[%swap3A_635, %swap3A_636] {strides = array<i32>} : memref<64x768xf32, #tpu.memory_space<vmem>>, vector<1x16xf32>,
      %swap3A_638 = vector.shape_cast %swap3A_637 : vector<1x16xf32> to vector<16xf32>
      %swap3A_639 = vector.shape_cast %mul3A_634 : vector<16xf32> to vector<1x16xf32>
      tpu.vector_store %arg9[%swap3A_635, %swap3A_636], %swap3A_639 {strides = array<i32>} : memref<64x768xf32, #tpu.memory_space<vmem>>, vector<1x16xf32>,
    }
    %scan3A_56 = arith.constant 64 : i32
    %mul3A_57 = arith.constant 256 : i32
    %mul3A_58 = arith.muli %add3A, %mul3A_57 : i32
    %add3A_59 = arith.constant 64 : i32
    %add3A_60 = arith.addi %mul3A_58, %add3A_59 : i32
    %dma_start3A_61 = arith.constant 0 : i32
    %dma_start3A_62 = tpu.memref_slice %arg5[%add3A_60, %dma_start3A_61] : memref<8192x768xf32, #tpu.memory_space<hbm>> -> memref<64x768xf32, #tpu.memory_space<hbm>>
    %dma_start3A_63 = arith.constant 0 : i32
    %dma_start3A_64 = tpu.memref_slice %arg5[%add3A_60, %dma_start3A_63] : memref<8192x768xf32, #tpu.memory_space<hbm>> -> memref<64x768xf32, #tpu.memory_space<hbm>>
    tpu.enqueue_dma source(%arg9 : memref<64x768xf32, #tpu.memory_space<vmem>>) target(%dma_start3A_64 : memref<64x768xf32, #tpu.memory_space<hbm>>) target_semaphore(%arg13 : memref<!tpu.dma_semaphore, #tpu.memory_space<semaphore_mem>>)
    %dma_wait3A_65 = arith.constant 2 : i32
    %dma_wait3A_66 = arith.constant 0 : i32
    %dma_wait3A_67 = tpu.memref_slice %arg6[%dma_wait3A_65, %dma_wait3A_66] : memref<4x64xi32, #tpu.memory_space<vmem>> -> memref<1x64xi32, #tpu.memory_space<vmem>>
    %dma_wait3A_68 = tpu.memref_squeeze %dma_wait3A_67 : memref<1x64xi32, #tpu.memory_space<vmem>> -> memref<64xi32, #tpu.memory_space<vmem>>
    %dma_wait3A_69 = arith.constant 0 : i32
    %dma_wait3A_70 = arith.constant 0 : i32
    %dma_wait3A_71 = tpu.memref_slice %arg2[%dma_wait3A_69, %dma_wait3A_70] : memref<24576x768xf32, #tpu.memory_space<hbm>> -> memref<24576x768xf32, #tpu.memory_space<hbm>>
    tpu.wait_indirect_dma semaphore(%arg10 : memref<!tpu.dma_semaphore, #tpu.memory_space<semaphore_mem>>) src(%dma_wait3A_71 : memref<24576x768xf32, #tpu.memory_space<hbm>>) dst(%arg8 : memref<64x768xf32, #tpu.memory_space<vmem>>)
    %dma_wait3A_72 = arith.constant 0 : i32
    %dma_wait3A_73 = tpu.memref_slice %arg5[%add3A_60, %dma_wait3A_72] : memref<8192x768xf32, #tpu.memory_space<hbm>> -> memref<64x768xf32, #tpu.memory_space<hbm>>
    %dma_wait3A_74 = arith.constant 0 : i32
    %dma_wait3A_75 = tpu.memref_slice %arg5[%add3A_60, %dma_wait3A_74] : memref<8192x768xf32, #tpu.memory_space<hbm>> -> memref<64x768xf32, #tpu.memory_space<hbm>>
    tpu.wait_dma2 semaphore(%arg13 : memref<!tpu.dma_semaphore, #tpu.memory_space<semaphore_mem>>) src(%arg9 : memref<64x768xf32, #tpu.memory_space<vmem>>) dst(%dma_wait3A_75 : memref<64x768xf32, #tpu.memory_space<hbm>>)
    %dma_start3A_76 = arith.constant 3 : i32
    %dma_start3A_77 = arith.constant 0 : i32
    %dma_start3A_78 = tpu.memref_slice %arg6[%dma_start3A_76, %dma_start3A_77] : memref<4x64xi32, #tpu.memory_space<vmem>> -> memref<1x64xi32, #tpu.memory_space<vmem>>
    %dma_start3A_79 = tpu.memref_squeeze %dma_start3A_78 : memref<1x64xi32, #tpu.memory_space<vmem>> -> memref<64xi32, #tpu.memory_space<vmem>>
    %dma_start3A_80 = arith.constant 0 : i32
    %dma_start3A_81 = arith.constant 0 : i32
    %dma_start3A_82 = tpu.memref_slice %arg2[%dma_start3A_80, %dma_start3A_81] : memref<24576x768xf32, #tpu.memory_space<hbm>> -> memref<24576x768xf32, #tpu.memory_space<hbm>>
    tpu.enqueue_indirect_dma source(%dma_start3A_82 : memref<24576x768xf32, #tpu.memory_space<hbm>>) target(%arg9 : memref<64x768xf32, #tpu.memory_space<vmem>>) offsets(%dma_start3A_79 : memref<64xi32, #tpu.memory_space<vmem>>) semaphore(%arg11 : memref<!tpu.dma_semaphore, #tpu.memory_space<semaphore_mem>>)
    %scan3A_83 = arith.constant 0 : i32
    %scan3A_84 = arith.constant 0 : i32
    %scan3A_85 = arith.constant 64 : i32
    %scan3A_86 = arith.addi %scan3A_84, %scan3A_85 : i32
    %scan3A_87 = arith.constant 1 : i32
    scf.for %scan3A_126 = %scan3A_84 to %scan3A_86 step %scan3A_87  : i32 {
      %jit3A = arith.constant 16 : i32
      %div3A = arith.divsi %scan3A_126, %jit3A : i32
      %sign3A = arith.constant 0 : i32
      %sign3A_127 = arith.cmpi sgt, %scan3A_126, %sign3A : i32
      %sign3A_128 = arith.extui %sign3A_127 : i1 to i32
      %sign3A_129 = arith.constant 0 : i32
      %sign3A_130 = arith.cmpi slt, %scan3A_126, %sign3A_129 : i32
      %sign3A_131 = arith.extui %sign3A_130 : i1 to i32
      %sign3A_132 = arith.subi %sign3A_128, %sign3A_131 : i32
      %sign3A_133 = arith.constant 0 : i32
      %sign3A_134 = arith.cmpi sgt, %jit3A, %sign3A_133 : i32
      %sign3A_135 = arith.extui %sign3A_134 : i1 to i32
      %sign3A_136 = arith.constant 0 : i32
      %sign3A_137 = arith.cmpi slt, %jit3A, %sign3A_136 : i32
      %sign3A_138 = arith.extui %sign3A_137 : i1 to i32
      %sign3A_139 = arith.subi %sign3A_135, %sign3A_138 : i32
      %ne3A = arith.cmpi ne, %sign3A_132, %sign3A_139 : i32
      %rem3A = arith.remsi %scan3A_126, %jit3A : i32
      %ne3A_140 = arith.constant 0 : i32
      %ne3A_141 = arith.cmpi ne, %rem3A, %ne3A_140 : i32
      %and3A = arith.andi %ne3A, %ne3A_141 : i1
      %sub3A = arith.constant 1 : i32
      %sub3A_142 = arith.subi %div3A, %sub3A : i32
      %select_n3A = arith.select %and3A, %sub3A_142, %div3A : i32
      %mul3A_143 = arith.constant 16 : i32
      %mul3A_144 = arith.muli %select_n3A, %mul3A_143 : i32
      %get3A = arith.constant 2 : i32
      %get3A_145 = arith.index_cast %get3A : i32 to index
      %get3A_146 = arith.index_cast %mul3A_144 : i32 to index
      %get3A_147 = tpu.vector_load %arg7[%get3A_145, %get3A_146] {strides = array<i32>} : memref<4x64xf32, #tpu.memory_space<vmem>>, vector<1x16xf32>,
      %get3A_148 = vector.shape_cast %get3A_147 : vector<1x16xf32> to vector<16xf32>
      %sub3A_149 = arith.subi %scan3A_126, %mul3A_144 : i32
      %broadcast_in_dim3A = arith.constant 0 : i32
      %broadcast_in_dim3A_150 = vector.broadcast %broadcast_in_dim3A : i32 to vector<16xi32>
      %add3A_151 = vector.broadcast %sub3A_149 : i32 to vector<16xi32>
      %add3A_152 = arith.addi %broadcast_in_dim3A_150, %add3A_151 : vector<16xi32>
      %lt3A = arith.constant 0 : i32
      %lt3A_153 = vector.broadcast %lt3A : i32 to vector<16xi32>
      %lt3A_154 = arith.cmpi slt, %add3A_152, %lt3A_153 : vector<16xi32>
      %add3A_155 = arith.constant 16 : i32
      %add3A_156 = vector.broadcast %add3A_155 : i32 to vector<16xi32>
      %add3A_157 = arith.addi %add3A_152, %add3A_156 : vector<16xi32>
      %select_n3A_158 = arith.select %lt3A_154, %add3A_157, %add3A_152 : vector<16xi1>, vector<16xi32>
      %broadcast_in_dim3A_159 = vector.shape_cast %select_n3A_158 : vector<16xi32> to vector<16x1xi32>
      %gather3A = vector.shape_cast %broadcast_in_dim3A_159 : vector<16x1xi32> to vector<16xi32>
      %gather3A_160 = tpu.dynamic_gather %get3A_148[%gather3A] in [0] : vector<16xf32>, vector<16xi32> -> vector<16xf32>
      %get3A_161 = arith.index_cast %scan3A_126 : i32 to index
      %get3A_162 = arith.constant 0 : index
      %get3A_163 = tpu.vector_load %arg8[%get3A_161, %get3A_162] {strides = array<i32>} : memref<64x768xf32, #tpu.memory_space<vmem>>, vector<1x16xf32>,
      %get3A_164 = vector.shape_cast %get3A_163 : vector<1x16xf32> to vector<16xf32>
      %mul3A_165 = arith.mulf %get3A_164, %gather3A_160 : vector<16xf32>
      %swap3A = arith.index_cast %scan3A_126 : i32 to index
      %swap3A_166 = arith.constant 0 : index
      %swap3A_167 = tpu.vector_load %arg8[%swap3A, %swap3A_166] {strides = array<i32>} : memref<64x768xf32, #tpu.memory_space<vmem>>, vector<1x16xf32>,
      %swap3A_168 = vector.shape_cast %swap3A_167 : vector<1x16xf32> to vector<16xf32>
      %swap3A_169 = vector.shape_cast %mul3A_165 : vector<16xf32> to vector<1x16xf32>
      tpu.vector_store %arg8[%swap3A, %swap3A_166], %swap3A_169 {strides = array<i32>} : memref<64x768xf32, #tpu.memory_space<vmem>>, vector<1x16xf32>,
      %get3A_170 = arith.index_cast %scan3A_126 : i32 to index
      %get3A_171 = arith.constant 16 : index
      %get3A_172 = tpu.vector_load %arg8[%get3A_170, %get3A_171] {strides = array<i32>} : memref<64x768xf32, #tpu.memory_space<vmem>>, vector<1x16xf32>,
      %get3A_173 = vector.shape_cast %get3A_172 : vector<1x16xf32> to vector<16xf32>
      %mul3A_174 = arith.mulf %get3A_173, %gather3A_160 : vector<16xf32>
      %swap3A_175 = arith.index_cast %scan3A_126 : i32 to index
      %swap3A_176 = arith.constant 16 : index
      %swap3A_177 = tpu.vector_load %arg8[%swap3A_175, %swap3A_176] {strides = array<i32>} : memref<64x768xf32, #tpu.memory_space<vmem>>, vector<1x16xf32>,
      %swap3A_178 = vector.shape_cast %swap3A_177 : vector<1x16xf32> to vector<16xf32>
      %swap3A_179 = vector.shape_cast %mul3A_174 : vector<16xf32> to vector<1x16xf32>
      tpu.vector_store %arg8[%swap3A_175, %swap3A_176], %swap3A_179 {strides = array<i32>} : memref<64x768xf32, #tpu.memory_space<vmem>>, vector<1x16xf32>,
      %get3A_180 = arith.index_cast %scan3A_126 : i32 to index
      %get3A_181 = arith.constant 32 : index
      %get3A_182 = tpu.vector_load %arg8[%get3A_180, %get3A_181] {strides = array<i32>} : memref<64x768xf32, #tpu.memory_space<vmem>>, vector<1x16xf32>,
      %get3A_183 = vector.shape_cast %get3A_182 : vector<1x16xf32> to vector<16xf32>
      %mul3A_184 = arith.mulf %get3A_183, %gather3A_160 : vector<16xf32>
      %swap3A_185 = arith.index_cast %scan3A_126 : i32 to index
      %swap3A_186 = arith.constant 32 : index
      %swap3A_187 = tpu.vector_load %arg8[%swap3A_185, %swap3A_186] {strides = array<i32>} : memref<64x768xf32, #tpu.memory_space<vmem>>, vector<1x16xf32>,
      %swap3A_188 = vector.shape_cast %swap3A_187 : vector<1x16xf32> to vector<16xf32>
      %swap3A_189 = vector.shape_cast %mul3A_184 : vector<16xf32> to vector<1x16xf32>
      tpu.vector_store %arg8[%swap3A_185, %swap3A_186], %swap3A_189 {strides = array<i32>} : memref<64x768xf32, #tpu.memory_space<vmem>>, vector<1x16xf32>,
      %get3A_190 = arith.index_cast %scan3A_126 : i32 to index
      %get3A_191 = arith.constant 48 : index
      %get3A_192 = tpu.vector_load %arg8[%get3A_190, %get3A_191] {strides = array<i32>} : memref<64x768xf32, #tpu.memory_space<vmem>>, vector<1x16xf32>,
      %get3A_193 = vector.shape_cast %get3A_192 : vector<1x16xf32> to vector<16xf32>
      %mul3A_194 = arith.mulf %get3A_193, %gather3A_160 : vector<16xf32>
      %swap3A_195 = arith.index_cast %scan3A_126 : i32 to index
      %swap3A_196 = arith.constant 48 : index
      %swap3A_197 = tpu.vector_load %arg8[%swap3A_195, %swap3A_196] {strides = array<i32>} : memref<64x768xf32, #tpu.memory_space<vmem>>, vector<1x16xf32>,
      %swap3A_198 = vector.shape_cast %swap3A_197 : vector<1x16xf32> to vector<16xf32>
      %swap3A_199 = vector.shape_cast %mul3A_194 : vector<16xf32> to vector<1x16xf32>
      tpu.vector_store %arg8[%swap3A_195, %swap3A_196], %swap3A_199 {strides = array<i32>} : memref<64x768xf32, #tpu.memory_space<vmem>>, vector<1x16xf32>,
      %get3A_200 = arith.index_cast %scan3A_126 : i32 to index
      %get3A_201 = arith.constant 64 : index
      %get3A_202 = tpu.vector_load %arg8[%get3A_200, %get3A_201] {strides = array<i32>} : memref<64x768xf32, #tpu.memory_space<vmem>>, vector<1x16xf32>,
      %get3A_203 = vector.shape_cast %get3A_202 : vector<1x16xf32> to vector<16xf32>
      %mul3A_204 = arith.mulf %get3A_203, %gather3A_160 : vector<16xf32>
      %swap3A_205 = arith.index_cast %scan3A_126 : i32 to index
      %swap3A_206 = arith.constant 64 : index
      %swap3A_207 = tpu.vector_load %arg8[%swap3A_205, %swap3A_206] {strides = array<i32>} : memref<64x768xf32, #tpu.memory_space<vmem>>, vector<1x16xf32>,
      %swap3A_208 = vector.shape_cast %swap3A_207 : vector<1x16xf32> to vector<16xf32>
      %swap3A_209 = vector.shape_cast %mul3A_204 : vector<16xf32> to vector<1x16xf32>
      tpu.vector_store %arg8[%swap3A_205, %swap3A_206], %swap3A_209 {strides = array<i32>} : memref<64x768xf32, #tpu.memory_space<vmem>>, vector<1x16xf32>,
      %get3A_210 = arith.index_cast %scan3A_126 : i32 to index
      %get3A_211 = arith.constant 80 : index
      %get3A_212 = tpu.vector_load %arg8[%get3A_210, %get3A_211] {strides = array<i32>} : memref<64x768xf32, #tpu.memory_space<vmem>>, vector<1x16xf32>,
      %get3A_213 = vector.shape_cast %get3A_212 : vector<1x16xf32> to vector<16xf32>
      %mul3A_214 = arith.mulf %get3A_213, %gather3A_160 : vector<16xf32>
      %swap3A_215 = arith.index_cast %scan3A_126 : i32 to index
      %swap3A_216 = arith.constant 80 : index
      %swap3A_217 = tpu.vector_load %arg8[%swap3A_215, %swap3A_216] {strides = array<i32>} : memref<64x768xf32, #tpu.memory_space<vmem>>, vector<1x16xf32>,
      %swap3A_218 = vector.shape_cast %swap3A_217 : vector<1x16xf32> to vector<16xf32>
      %swap3A_219 = vector.shape_cast %mul3A_214 : vector<16xf32> to vector<1x16xf32>
      tpu.vector_store %arg8[%swap3A_215, %swap3A_216], %swap3A_219 {strides = array<i32>} : memref<64x768xf32, #tpu.memory_space<vmem>>, vector<1x16xf32>,
      %get3A_220 = arith.index_cast %scan3A_126 : i32 to index
      %get3A_221 = arith.constant 96 : index
      %get3A_222 = tpu.vector_load %arg8[%get3A_220, %get3A_221] {strides = array<i32>} : memref<64x768xf32, #tpu.memory_space<vmem>>, vector<1x16xf32>,
      %get3A_223 = vector.shape_cast %get3A_222 : vector<1x16xf32> to vector<16xf32>
      %mul3A_224 = arith.mulf %get3A_223, %gather3A_160 : vector<16xf32>
      %swap3A_225 = arith.index_cast %scan3A_126 : i32 to index
      %swap3A_226 = arith.constant 96 : index
      %swap3A_227 = tpu.vector_load %arg8[%swap3A_225, %swap3A_226] {strides = array<i32>} : memref<64x768xf32, #tpu.memory_space<vmem>>, vector<1x16xf32>,
      %swap3A_228 = vector.shape_cast %swap3A_227 : vector<1x16xf32> to vector<16xf32>
      %swap3A_229 = vector.shape_cast %mul3A_224 : vector<16xf32> to vector<1x16xf32>
      tpu.vector_store %arg8[%swap3A_225, %swap3A_226], %swap3A_229 {strides = array<i32>} : memref<64x768xf32, #tpu.memory_space<vmem>>, vector<1x16xf32>,
      %get3A_230 = arith.index_cast %scan3A_126 : i32 to index
      %get3A_231 = arith.constant 112 : index
      %get3A_232 = tpu.vector_load %arg8[%get3A_230, %get3A_231] {strides = array<i32>} : memref<64x768xf32, #tpu.memory_space<vmem>>, vector<1x16xf32>,
      %get3A_233 = vector.shape_cast %get3A_232 : vector<1x16xf32> to vector<16xf32>
      %mul3A_234 = arith.mulf %get3A_233, %gather3A_160 : vector<16xf32>
      %swap3A_235 = arith.index_cast %scan3A_126 : i32 to index
      %swap3A_236 = arith.constant 112 : index
      %swap3A_237 = tpu.vector_load %arg8[%swap3A_235, %swap3A_236] {strides = array<i32>} : memref<64x768xf32, #tpu.memory_space<vmem>>, vector<1x16xf32>,
      %swap3A_238 = vector.shape_cast %swap3A_237 : vector<1x16xf32> to vector<16xf32>
      %swap3A_239 = vector.shape_cast %mul3A_234 : vector<16xf32> to vector<1x16xf32>
      tpu.vector_store %arg8[%swap3A_235, %swap3A_236], %swap3A_239 {strides = array<i32>} : memref<64x768xf32, #tpu.memory_space<vmem>>, vector<1x16xf32>,
      %get3A_240 = arith.index_cast %scan3A_126 : i32 to index
      %get3A_241 = arith.constant 128 : index
      %get3A_242 = tpu.vector_load %arg8[%get3A_240, %get3A_241] {strides = array<i32>} : memref<64x768xf32, #tpu.memory_space<vmem>>, vector<1x16xf32>,
      %get3A_243 = vector.shape_cast %get3A_242 : vector<1x16xf32> to vector<16xf32>
      %mul3A_244 = arith.mulf %get3A_243, %gather3A_160 : vector<16xf32>
      %swap3A_245 = arith.index_cast %scan3A_126 : i32 to index
      %swap3A_246 = arith.constant 128 : index
      %swap3A_247 = tpu.vector_load %arg8[%swap3A_245, %swap3A_246] {strides = array<i32>} : memref<64x768xf32, #tpu.memory_space<vmem>>, vector<1x16xf32>,
      %swap3A_248 = vector.shape_cast %swap3A_247 : vector<1x16xf32> to vector<16xf32>
      %swap3A_249 = vector.shape_cast %mul3A_244 : vector<16xf32> to vector<1x16xf32>
      tpu.vector_store %arg8[%swap3A_245, %swap3A_246], %swap3A_249 {strides = array<i32>} : memref<64x768xf32, #tpu.memory_space<vmem>>, vector<1x16xf32>,
      %get3A_250 = arith.index_cast %scan3A_126 : i32 to index
      %get3A_251 = arith.constant 144 : index
      %get3A_252 = tpu.vector_load %arg8[%get3A_250, %get3A_251] {strides = array<i32>} : memref<64x768xf32, #tpu.memory_space<vmem>>, vector<1x16xf32>,
      %get3A_253 = vector.shape_cast %get3A_252 : vector<1x16xf32> to vector<16xf32>
      %mul3A_254 = arith.mulf %get3A_253, %gather3A_160 : vector<16xf32>
      %swap3A_255 = arith.index_cast %scan3A_126 : i32 to index
      %swap3A_256 = arith.constant 144 : index
      %swap3A_257 = tpu.vector_load %arg8[%swap3A_255, %swap3A_256] {strides = array<i32>} : memref<64x768xf32, #tpu.memory_space<vmem>>, vector<1x16xf32>,
      %swap3A_258 = vector.shape_cast %swap3A_257 : vector<1x16xf32> to vector<16xf32>
      %swap3A_259 = vector.shape_cast %mul3A_254 : vector<16xf32> to vector<1x16xf32>
      tpu.vector_store %arg8[%swap3A_255, %swap3A_256], %swap3A_259 {strides = array<i32>} : memref<64x768xf32, #tpu.memory_space<vmem>>, vector<1x16xf32>,
      %get3A_260 = arith.index_cast %scan3A_126 : i32 to index
      %get3A_261 = arith.constant 160 : index
      %get3A_262 = tpu.vector_load %arg8[%get3A_260, %get3A_261] {strides = array<i32>} : memref<64x768xf32, #tpu.memory_space<vmem>>, vector<1x16xf32>,
      %get3A_263 = vector.shape_cast %get3A_262 : vector<1x16xf32> to vector<16xf32>
      %mul3A_264 = arith.mulf %get3A_263, %gather3A_160 : vector<16xf32>
      %swap3A_265 = arith.index_cast %scan3A_126 : i32 to index
      %swap3A_266 = arith.constant 160 : index
      %swap3A_267 = tpu.vector_load %arg8[%swap3A_265, %swap3A_266] {strides = array<i32>} : memref<64x768xf32, #tpu.memory_space<vmem>>, vector<1x16xf32>,
      %swap3A_268 = vector.shape_cast %swap3A_267 : vector<1x16xf32> to vector<16xf32>
      %swap3A_269 = vector.shape_cast %mul3A_264 : vector<16xf32> to vector<1x16xf32>
      tpu.vector_store %arg8[%swap3A_265, %swap3A_266], %swap3A_269 {strides = array<i32>} : memref<64x768xf32, #tpu.memory_space<vmem>>, vector<1x16xf32>,
      %get3A_270 = arith.index_cast %scan3A_126 : i32 to index
      %get3A_271 = arith.constant 176 : index
      %get3A_272 = tpu.vector_load %arg8[%get3A_270, %get3A_271] {strides = array<i32>} : memref<64x768xf32, #tpu.memory_space<vmem>>, vector<1x16xf32>,
      %get3A_273 = vector.shape_cast %get3A_272 : vector<1x16xf32> to vector<16xf32>
      %mul3A_274 = arith.mulf %get3A_273, %gather3A_160 : vector<16xf32>
      %swap3A_275 = arith.index_cast %scan3A_126 : i32 to index
      %swap3A_276 = arith.constant 176 : index
      %swap3A_277 = tpu.vector_load %arg8[%swap3A_275, %swap3A_276] {strides = array<i32>} : memref<64x768xf32, #tpu.memory_space<vmem>>, vector<1x16xf32>,
      %swap3A_278 = vector.shape_cast %swap3A_277 : vector<1x16xf32> to vector<16xf32>
      %swap3A_279 = vector.shape_cast %mul3A_274 : vector<16xf32> to vector<1x16xf32>
      tpu.vector_store %arg8[%swap3A_275, %swap3A_276], %swap3A_279 {strides = array<i32>} : memref<64x768xf32, #tpu.memory_space<vmem>>, vector<1x16xf32>,
      %get3A_280 = arith.index_cast %scan3A_126 : i32 to index
      %get3A_281 = arith.constant 192 : index
      %get3A_282 = tpu.vector_load %arg8[%get3A_280, %get3A_281] {strides = array<i32>} : memref<64x768xf32, #tpu.memory_space<vmem>>, vector<1x16xf32>,
      %get3A_283 = vector.shape_cast %get3A_282 : vector<1x16xf32> to vector<16xf32>
      %mul3A_284 = arith.mulf %get3A_283, %gather3A_160 : vector<16xf32>
      %swap3A_285 = arith.index_cast %scan3A_126 : i32 to index
      %swap3A_286 = arith.constant 192 : index
      %swap3A_287 = tpu.vector_load %arg8[%swap3A_285, %swap3A_286] {strides = array<i32>} : memref<64x768xf32, #tpu.memory_space<vmem>>, vector<1x16xf32>,
      %swap3A_288 = vector.shape_cast %swap3A_287 : vector<1x16xf32> to vector<16xf32>
      %swap3A_289 = vector.shape_cast %mul3A_284 : vector<16xf32> to vector<1x16xf32>
      tpu.vector_store %arg8[%swap3A_285, %swap3A_286], %swap3A_289 {strides = array<i32>} : memref<64x768xf32, #tpu.memory_space<vmem>>, vector<1x16xf32>,
      %get3A_290 = arith.index_cast %scan3A_126 : i32 to index
      %get3A_291 = arith.constant 208 : index
      %get3A_292 = tpu.vector_load %arg8[%get3A_290, %get3A_291] {strides = array<i32>} : memref<64x768xf32, #tpu.memory_space<vmem>>, vector<1x16xf32>,
      %get3A_293 = vector.shape_cast %get3A_292 : vector<1x16xf32> to vector<16xf32>
      %mul3A_294 = arith.mulf %get3A_293, %gather3A_160 : vector<16xf32>
      %swap3A_295 = arith.index_cast %scan3A_126 : i32 to index
      %swap3A_296 = arith.constant 208 : index
      %swap3A_297 = tpu.vector_load %arg8[%swap3A_295, %swap3A_296] {strides = array<i32>} : memref<64x768xf32, #tpu.memory_space<vmem>>, vector<1x16xf32>,
      %swap3A_298 = vector.shape_cast %swap3A_297 : vector<1x16xf32> to vector<16xf32>
      %swap3A_299 = vector.shape_cast %mul3A_294 : vector<16xf32> to vector<1x16xf32>
      tpu.vector_store %arg8[%swap3A_295, %swap3A_296], %swap3A_299 {strides = array<i32>} : memref<64x768xf32, #tpu.memory_space<vmem>>, vector<1x16xf32>,
      %get3A_300 = arith.index_cast %scan3A_126 : i32 to index
      %get3A_301 = arith.constant 224 : index
      %get3A_302 = tpu.vector_load %arg8[%get3A_300, %get3A_301] {strides = array<i32>} : memref<64x768xf32, #tpu.memory_space<vmem>>, vector<1x16xf32>,
      %get3A_303 = vector.shape_cast %get3A_302 : vector<1x16xf32> to vector<16xf32>
      %mul3A_304 = arith.mulf %get3A_303, %gather3A_160 : vector<16xf32>
      %swap3A_305 = arith.index_cast %scan3A_126 : i32 to index
      %swap3A_306 = arith.constant 224 : index
      %swap3A_307 = tpu.vector_load %arg8[%swap3A_305, %swap3A_306] {strides = array<i32>} : memref<64x768xf32, #tpu.memory_space<vmem>>, vector<1x16xf32>,
      %swap3A_308 = vector.shape_cast %swap3A_307 : vector<1x16xf32> to vector<16xf32>
      %swap3A_309 = vector.shape_cast %mul3A_304 : vector<16xf32> to vector<1x16xf32>
      tpu.vector_store %arg8[%swap3A_305, %swap3A_306], %swap3A_309 {strides = array<i32>} : memref<64x768xf32, #tpu.memory_space<vmem>>, vector<1x16xf32>,
      %get3A_310 = arith.index_cast %scan3A_126 : i32 to index
      %get3A_311 = arith.constant 240 : index
      %get3A_312 = tpu.vector_load %arg8[%get3A_310, %get3A_311] {strides = array<i32>} : memref<64x768xf32, #tpu.memory_space<vmem>>, vector<1x16xf32>,
      %get3A_313 = vector.shape_cast %get3A_312 : vector<1x16xf32> to vector<16xf32>
      %mul3A_314 = arith.mulf %get3A_313, %gather3A_160 : vector<16xf32>
      %swap3A_315 = arith.index_cast %scan3A_126 : i32 to index
      %swap3A_316 = arith.constant 240 : index
      %swap3A_317 = tpu.vector_load %arg8[%swap3A_315, %swap3A_316] {strides = array<i32>} : memref<64x768xf32, #tpu.memory_space<vmem>>, vector<1x16xf32>,
      %swap3A_318 = vector.shape_cast %swap3A_317 : vector<1x16xf32> to vector<16xf32>
      %swap3A_319 = vector.shape_cast %mul3A_314 : vector<16xf32> to vector<1x16xf32>
      tpu.vector_store %arg8[%swap3A_315, %swap3A_316], %swap3A_319 {strides = array<i32>} : memref<64x768xf32, #tpu.memory_space<vmem>>, vector<1x16xf32>,
      %get3A_320 = arith.index_cast %scan3A_126 : i32 to index
      %get3A_321 = arith.constant 256 : index
      %get3A_322 = tpu.vector_load %arg8[%get3A_320, %get3A_321] {strides = array<i32>} : memref<64x768xf32, #tpu.memory_space<vmem>>, vector<1x16xf32>,
      %get3A_323 = vector.shape_cast %get3A_322 : vector<1x16xf32> to vector<16xf32>
      %mul3A_324 = arith.mulf %get3A_323, %gather3A_160 : vector<16xf32>
      %swap3A_325 = arith.index_cast %scan3A_126 : i32 to index
      %swap3A_326 = arith.constant 256 : index
      %swap3A_327 = tpu.vector_load %arg8[%swap3A_325, %swap3A_326] {strides = array<i32>} : memref<64x768xf32, #tpu.memory_space<vmem>>, vector<1x16xf32>,
      %swap3A_328 = vector.shape_cast %swap3A_327 : vector<1x16xf32> to vector<16xf32>
      %swap3A_329 = vector.shape_cast %mul3A_324 : vector<16xf32> to vector<1x16xf32>
      tpu.vector_store %arg8[%swap3A_325, %swap3A_326], %swap3A_329 {strides = array<i32>} : memref<64x768xf32, #tpu.memory_space<vmem>>, vector<1x16xf32>,
      %get3A_330 = arith.index_cast %scan3A_126 : i32 to index
      %get3A_331 = arith.constant 272 : index
      %get3A_332 = tpu.vector_load %arg8[%get3A_330, %get3A_331] {strides = array<i32>} : memref<64x768xf32, #tpu.memory_space<vmem>>, vector<1x16xf32>,
      %get3A_333 = vector.shape_cast %get3A_332 : vector<1x16xf32> to vector<16xf32>
      %mul3A_334 = arith.mulf %get3A_333, %gather3A_160 : vector<16xf32>
      %swap3A_335 = arith.index_cast %scan3A_126 : i32 to index
      %swap3A_336 = arith.constant 272 : index
      %swap3A_337 = tpu.vector_load %arg8[%swap3A_335, %swap3A_336] {strides = array<i32>} : memref<64x768xf32, #tpu.memory_space<vmem>>, vector<1x16xf32>,
      %swap3A_338 = vector.shape_cast %swap3A_337 : vector<1x16xf32> to vector<16xf32>
      %swap3A_339 = vector.shape_cast %mul3A_334 : vector<16xf32> to vector<1x16xf32>
      tpu.vector_store %arg8[%swap3A_335, %swap3A_336], %swap3A_339 {strides = array<i32>} : memref<64x768xf32, #tpu.memory_space<vmem>>, vector<1x16xf32>,
      %get3A_340 = arith.index_cast %scan3A_126 : i32 to index
      %get3A_341 = arith.constant 288 : index
      %get3A_342 = tpu.vector_load %arg8[%get3A_340, %get3A_341] {strides = array<i32>} : memref<64x768xf32, #tpu.memory_space<vmem>>, vector<1x16xf32>,
      %get3A_343 = vector.shape_cast %get3A_342 : vector<1x16xf32> to vector<16xf32>
      %mul3A_344 = arith.mulf %get3A_343, %gather3A_160 : vector<16xf32>
      %swap3A_345 = arith.index_cast %scan3A_126 : i32 to index
      %swap3A_346 = arith.constant 288 : index
      %swap3A_347 = tpu.vector_load %arg8[%swap3A_345, %swap3A_346] {strides = array<i32>} : memref<64x768xf32, #tpu.memory_space<vmem>>, vector<1x16xf32>,
      %swap3A_348 = vector.shape_cast %swap3A_347 : vector<1x16xf32> to vector<16xf32>
      %swap3A_349 = vector.shape_cast %mul3A_344 : vector<16xf32> to vector<1x16xf32>
      tpu.vector_store %arg8[%swap3A_345, %swap3A_346], %swap3A_349 {strides = array<i32>} : memref<64x768xf32, #tpu.memory_space<vmem>>, vector<1x16xf32>,
      %get3A_350 = arith.index_cast %scan3A_126 : i32 to index
      %get3A_351 = arith.constant 304 : index
      %get3A_352 = tpu.vector_load %arg8[%get3A_350, %get3A_351] {strides = array<i32>} : memref<64x768xf32, #tpu.memory_space<vmem>>, vector<1x16xf32>,
      %get3A_353 = vector.shape_cast %get3A_352 : vector<1x16xf32> to vector<16xf32>
      %mul3A_354 = arith.mulf %get3A_353, %gather3A_160 : vector<16xf32>
      %swap3A_355 = arith.index_cast %scan3A_126 : i32 to index
      %swap3A_356 = arith.constant 304 : index
      %swap3A_357 = tpu.vector_load %arg8[%swap3A_355, %swap3A_356] {strides = array<i32>} : memref<64x768xf32, #tpu.memory_space<vmem>>, vector<1x16xf32>,
      %swap3A_358 = vector.shape_cast %swap3A_357 : vector<1x16xf32> to vector<16xf32>
      %swap3A_359 = vector.shape_cast %mul3A_354 : vector<16xf32> to vector<1x16xf32>
      tpu.vector_store %arg8[%swap3A_355, %swap3A_356], %swap3A_359 {strides = array<i32>} : memref<64x768xf32, #tpu.memory_space<vmem>>, vector<1x16xf32>,
      %get3A_360 = arith.index_cast %scan3A_126 : i32 to index
      %get3A_361 = arith.constant 320 : index
      %get3A_362 = tpu.vector_load %arg8[%get3A_360, %get3A_361] {strides = array<i32>} : memref<64x768xf32, #tpu.memory_space<vmem>>, vector<1x16xf32>,
      %get3A_363 = vector.shape_cast %get3A_362 : vector<1x16xf32> to vector<16xf32>
      %mul3A_364 = arith.mulf %get3A_363, %gather3A_160 : vector<16xf32>
      %swap3A_365 = arith.index_cast %scan3A_126 : i32 to index
      %swap3A_366 = arith.constant 320 : index
      %swap3A_367 = tpu.vector_load %arg8[%swap3A_365, %swap3A_366] {strides = array<i32>} : memref<64x768xf32, #tpu.memory_space<vmem>>, vector<1x16xf32>,
      %swap3A_368 = vector.shape_cast %swap3A_367 : vector<1x16xf32> to vector<16xf32>
      %swap3A_369 = vector.shape_cast %mul3A_364 : vector<16xf32> to vector<1x16xf32>
      tpu.vector_store %arg8[%swap3A_365, %swap3A_366], %swap3A_369 {strides = array<i32>} : memref<64x768xf32, #tpu.memory_space<vmem>>, vector<1x16xf32>,
      %get3A_370 = arith.index_cast %scan3A_126 : i32 to index
      %get3A_371 = arith.constant 336 : index
      %get3A_372 = tpu.vector_load %arg8[%get3A_370, %get3A_371] {strides = array<i32>} : memref<64x768xf32, #tpu.memory_space<vmem>>, vector<1x16xf32>,
      %get3A_373 = vector.shape_cast %get3A_372 : vector<1x16xf32> to vector<16xf32>
      %mul3A_374 = arith.mulf %get3A_373, %gather3A_160 : vector<16xf32>
      %swap3A_375 = arith.index_cast %scan3A_126 : i32 to index
      %swap3A_376 = arith.constant 336 : index
      %swap3A_377 = tpu.vector_load %arg8[%swap3A_375, %swap3A_376] {strides = array<i32>} : memref<64x768xf32, #tpu.memory_space<vmem>>, vector<1x16xf32>,
      %swap3A_378 = vector.shape_cast %swap3A_377 : vector<1x16xf32> to vector<16xf32>
      %swap3A_379 = vector.shape_cast %mul3A_374 : vector<16xf32> to vector<1x16xf32>
      tpu.vector_store %arg8[%swap3A_375, %swap3A_376], %swap3A_379 {strides = array<i32>} : memref<64x768xf32, #tpu.memory_space<vmem>>, vector<1x16xf32>,
      %get3A_380 = arith.index_cast %scan3A_126 : i32 to index
      %get3A_381 = arith.constant 352 : index
      %get3A_382 = tpu.vector_load %arg8[%get3A_380, %get3A_381] {strides = array<i32>} : memref<64x768xf32, #tpu.memory_space<vmem>>, vector<1x16xf32>,
      %get3A_383 = vector.shape_cast %get3A_382 : vector<1x16xf32> to vector<16xf32>
      %mul3A_384 = arith.mulf %get3A_383, %gather3A_160 : vector<16xf32>
      %swap3A_385 = arith.index_cast %scan3A_126 : i32 to index
      %swap3A_386 = arith.constant 352 : index
      %swap3A_387 = tpu.vector_load %arg8[%swap3A_385, %swap3A_386] {strides = array<i32>} : memref<64x768xf32, #tpu.memory_space<vmem>>, vector<1x16xf32>,
      %swap3A_388 = vector.shape_cast %swap3A_387 : vector<1x16xf32> to vector<16xf32>
      %swap3A_389 = vector.shape_cast %mul3A_384 : vector<16xf32> to vector<1x16xf32>
      tpu.vector_store %arg8[%swap3A_385, %swap3A_386], %swap3A_389 {strides = array<i32>} : memref<64x768xf32, #tpu.memory_space<vmem>>, vector<1x16xf32>,
      %get3A_390 = arith.index_cast %scan3A_126 : i32 to index
      %get3A_391 = arith.constant 368 : index
      %get3A_392 = tpu.vector_load %arg8[%get3A_390, %get3A_391] {strides = array<i32>} : memref<64x768xf32, #tpu.memory_space<vmem>>, vector<1x16xf32>,
      %get3A_393 = vector.shape_cast %get3A_392 : vector<1x16xf32> to vector<16xf32>
      %mul3A_394 = arith.mulf %get3A_393, %gather3A_160 : vector<16xf32>
      %swap3A_395 = arith.index_cast %scan3A_126 : i32 to index
      %swap3A_396 = arith.constant 368 : index
      %swap3A_397 = tpu.vector_load %arg8[%swap3A_395, %swap3A_396] {strides = array<i32>} : memref<64x768xf32, #tpu.memory_space<vmem>>, vector<1x16xf32>,
      %swap3A_398 = vector.shape_cast %swap3A_397 : vector<1x16xf32> to vector<16xf32>
      %swap3A_399 = vector.shape_cast %mul3A_394 : vector<16xf32> to vector<1x16xf32>
      tpu.vector_store %arg8[%swap3A_395, %swap3A_396], %swap3A_399 {strides = array<i32>} : memref<64x768xf32, #tpu.memory_space<vmem>>, vector<1x16xf32>,
      %get3A_400 = arith.index_cast %scan3A_126 : i32 to index
      %get3A_401 = arith.constant 384 : index
      %get3A_402 = tpu.vector_load %arg8[%get3A_400, %get3A_401] {strides = array<i32>} : memref<64x768xf32, #tpu.memory_space<vmem>>, vector<1x16xf32>,
      %get3A_403 = vector.shape_cast %get3A_402 : vector<1x16xf32> to vector<16xf32>
      %mul3A_404 = arith.mulf %get3A_403, %gather3A_160 : vector<16xf32>
      %swap3A_405 = arith.index_cast %scan3A_126 : i32 to index
      %swap3A_406 = arith.constant 384 : index
      %swap3A_407 = tpu.vector_load %arg8[%swap3A_405, %swap3A_406] {strides = array<i32>} : memref<64x768xf32, #tpu.memory_space<vmem>>, vector<1x16xf32>,
      %swap3A_408 = vector.shape_cast %swap3A_407 : vector<1x16xf32> to vector<16xf32>
      %swap3A_409 = vector.shape_cast %mul3A_404 : vector<16xf32> to vector<1x16xf32>
      tpu.vector_store %arg8[%swap3A_405, %swap3A_406], %swap3A_409 {strides = array<i32>} : memref<64x768xf32, #tpu.memory_space<vmem>>, vector<1x16xf32>,
      %get3A_410 = arith.index_cast %scan3A_126 : i32 to index
      %get3A_411 = arith.constant 400 : index
      %get3A_412 = tpu.vector_load %arg8[%get3A_410, %get3A_411] {strides = array<i32>} : memref<64x768xf32, #tpu.memory_space<vmem>>, vector<1x16xf32>,
      %get3A_413 = vector.shape_cast %get3A_412 : vector<1x16xf32> to vector<16xf32>
      %mul3A_414 = arith.mulf %get3A_413, %gather3A_160 : vector<16xf32>
      %swap3A_415 = arith.index_cast %scan3A_126 : i32 to index
      %swap3A_416 = arith.constant 400 : index
      %swap3A_417 = tpu.vector_load %arg8[%swap3A_415, %swap3A_416] {strides = array<i32>} : memref<64x768xf32, #tpu.memory_space<vmem>>, vector<1x16xf32>,
      %swap3A_418 = vector.shape_cast %swap3A_417 : vector<1x16xf32> to vector<16xf32>
      %swap3A_419 = vector.shape_cast %mul3A_414 : vector<16xf32> to vector<1x16xf32>
      tpu.vector_store %arg8[%swap3A_415, %swap3A_416], %swap3A_419 {strides = array<i32>} : memref<64x768xf32, #tpu.memory_space<vmem>>, vector<1x16xf32>,
      %get3A_420 = arith.index_cast %scan3A_126 : i32 to index
      %get3A_421 = arith.constant 416 : index
      %get3A_422 = tpu.vector_load %arg8[%get3A_420, %get3A_421] {strides = array<i32>} : memref<64x768xf32, #tpu.memory_space<vmem>>, vector<1x16xf32>,
      %get3A_423 = vector.shape_cast %get3A_422 : vector<1x16xf32> to vector<16xf32>
      %mul3A_424 = arith.mulf %get3A_423, %gather3A_160 : vector<16xf32>
      %swap3A_425 = arith.index_cast %scan3A_126 : i32 to index
      %swap3A_426 = arith.constant 416 : index
      %swap3A_427 = tpu.vector_load %arg8[%swap3A_425, %swap3A_426] {strides = array<i32>} : memref<64x768xf32, #tpu.memory_space<vmem>>, vector<1x16xf32>,
      %swap3A_428 = vector.shape_cast %swap3A_427 : vector<1x16xf32> to vector<16xf32>
      %swap3A_429 = vector.shape_cast %mul3A_424 : vector<16xf32> to vector<1x16xf32>
      tpu.vector_store %arg8[%swap3A_425, %swap3A_426], %swap3A_429 {strides = array<i32>} : memref<64x768xf32, #tpu.memory_space<vmem>>, vector<1x16xf32>,
      %get3A_430 = arith.index_cast %scan3A_126 : i32 to index
      %get3A_431 = arith.constant 432 : index
      %get3A_432 = tpu.vector_load %arg8[%get3A_430, %get3A_431] {strides = array<i32>} : memref<64x768xf32, #tpu.memory_space<vmem>>, vector<1x16xf32>,
      %get3A_433 = vector.shape_cast %get3A_432 : vector<1x16xf32> to vector<16xf32>
      %mul3A_434 = arith.mulf %get3A_433, %gather3A_160 : vector<16xf32>
      %swap3A_435 = arith.index_cast %scan3A_126 : i32 to index
      %swap3A_436 = arith.constant 432 : index
      %swap3A_437 = tpu.vector_load %arg8[%swap3A_435, %swap3A_436] {strides = array<i32>} : memref<64x768xf32, #tpu.memory_space<vmem>>, vector<1x16xf32>,
      %swap3A_438 = vector.shape_cast %swap3A_437 : vector<1x16xf32> to vector<16xf32>
      %swap3A_439 = vector.shape_cast %mul3A_434 : vector<16xf32> to vector<1x16xf32>
      tpu.vector_store %arg8[%swap3A_435, %swap3A_436], %swap3A_439 {strides = array<i32>} : memref<64x768xf32, #tpu.memory_space<vmem>>, vector<1x16xf32>,
      %get3A_440 = arith.index_cast %scan3A_126 : i32 to index
      %get3A_441 = arith.constant 448 : index
      %get3A_442 = tpu.vector_load %arg8[%get3A_440, %get3A_441] {strides = array<i32>} : memref<64x768xf32, #tpu.memory_space<vmem>>, vector<1x16xf32>,
      %get3A_443 = vector.shape_cast %get3A_442 : vector<1x16xf32> to vector<16xf32>
      %mul3A_444 = arith.mulf %get3A_443, %gather3A_160 : vector<16xf32>
      %swap3A_445 = arith.index_cast %scan3A_126 : i32 to index
      %swap3A_446 = arith.constant 448 : index
      %swap3A_447 = tpu.vector_load %arg8[%swap3A_445, %swap3A_446] {strides = array<i32>} : memref<64x768xf32, #tpu.memory_space<vmem>>, vector<1x16xf32>,
      %swap3A_448 = vector.shape_cast %swap3A_447 : vector<1x16xf32> to vector<16xf32>
      %swap3A_449 = vector.shape_cast %mul3A_444 : vector<16xf32> to vector<1x16xf32>
      tpu.vector_store %arg8[%swap3A_445, %swap3A_446], %swap3A_449 {strides = array<i32>} : memref<64x768xf32, #tpu.memory_space<vmem>>, vector<1x16xf32>,
      %get3A_450 = arith.index_cast %scan3A_126 : i32 to index
      %get3A_451 = arith.constant 464 : index
      %get3A_452 = tpu.vector_load %arg8[%get3A_450, %get3A_451] {strides = array<i32>} : memref<64x768xf32, #tpu.memory_space<vmem>>, vector<1x16xf32>,
      %get3A_453 = vector.shape_cast %get3A_452 : vector<1x16xf32> to vector<16xf32>
      %mul3A_454 = arith.mulf %get3A_453, %gather3A_160 : vector<16xf32>
      %swap3A_455 = arith.index_cast %scan3A_126 : i32 to index
      %swap3A_456 = arith.constant 464 : index
      %swap3A_457 = tpu.vector_load %arg8[%swap3A_455, %swap3A_456] {strides = array<i32>} : memref<64x768xf32, #tpu.memory_space<vmem>>, vector<1x16xf32>,
      %swap3A_458 = vector.shape_cast %swap3A_457 : vector<1x16xf32> to vector<16xf32>
      %swap3A_459 = vector.shape_cast %mul3A_454 : vector<16xf32> to vector<1x16xf32>
      tpu.vector_store %arg8[%swap3A_455, %swap3A_456], %swap3A_459 {strides = array<i32>} : memref<64x768xf32, #tpu.memory_space<vmem>>, vector<1x16xf32>,
      %get3A_460 = arith.index_cast %scan3A_126 : i32 to index
      %get3A_461 = arith.constant 480 : index
      %get3A_462 = tpu.vector_load %arg8[%get3A_460, %get3A_461] {strides = array<i32>} : memref<64x768xf32, #tpu.memory_space<vmem>>, vector<1x16xf32>,
      %get3A_463 = vector.shape_cast %get3A_462 : vector<1x16xf32> to vector<16xf32>
      %mul3A_464 = arith.mulf %get3A_463, %gather3A_160 : vector<16xf32>
      %swap3A_465 = arith.index_cast %scan3A_126 : i32 to index
      %swap3A_466 = arith.constant 480 : index
      %swap3A_467 = tpu.vector_load %arg8[%swap3A_465, %swap3A_466] {strides = array<i32>} : memref<64x768xf32, #tpu.memory_space<vmem>>, vector<1x16xf32>,
      %swap3A_468 = vector.shape_cast %swap3A_467 : vector<1x16xf32> to vector<16xf32>
      %swap3A_469 = vector.shape_cast %mul3A_464 : vector<16xf32> to vector<1x16xf32>
      tpu.vector_store %arg8[%swap3A_465, %swap3A_466], %swap3A_469 {strides = array<i32>} : memref<64x768xf32, #tpu.memory_space<vmem>>, vector<1x16xf32>,
      %get3A_470 = arith.index_cast %scan3A_126 : i32 to index
      %get3A_471 = arith.constant 496 : index
      %get3A_472 = tpu.vector_load %arg8[%get3A_470, %get3A_471] {strides = array<i32>} : memref<64x768xf32, #tpu.memory_space<vmem>>, vector<1x16xf32>,
      %get3A_473 = vector.shape_cast %get3A_472 : vector<1x16xf32> to vector<16xf32>
      %mul3A_474 = arith.mulf %get3A_473, %gather3A_160 : vector<16xf32>
      %swap3A_475 = arith.index_cast %scan3A_126 : i32 to index
      %swap3A_476 = arith.constant 496 : index
      %swap3A_477 = tpu.vector_load %arg8[%swap3A_475, %swap3A_476] {strides = array<i32>} : memref<64x768xf32, #tpu.memory_space<vmem>>, vector<1x16xf32>,
      %swap3A_478 = vector.shape_cast %swap3A_477 : vector<1x16xf32> to vector<16xf32>
      %swap3A_479 = vector.shape_cast %mul3A_474 : vector<16xf32> to vector<1x16xf32>
      tpu.vector_store %arg8[%swap3A_475, %swap3A_476], %swap3A_479 {strides = array<i32>} : memref<64x768xf32, #tpu.memory_space<vmem>>, vector<1x16xf32>,
      %get3A_480 = arith.index_cast %scan3A_126 : i32 to index
      %get3A_481 = arith.constant 512 : index
      %get3A_482 = tpu.vector_load %arg8[%get3A_480, %get3A_481] {strides = array<i32>} : memref<64x768xf32, #tpu.memory_space<vmem>>, vector<1x16xf32>,
      %get3A_483 = vector.shape_cast %get3A_482 : vector<1x16xf32> to vector<16xf32>
      %mul3A_484 = arith.mulf %get3A_483, %gather3A_160 : vector<16xf32>
      %swap3A_485 = arith.index_cast %scan3A_126 : i32 to index
      %swap3A_486 = arith.constant 512 : index
      %swap3A_487 = tpu.vector_load %arg8[%swap3A_485, %swap3A_486] {strides = array<i32>} : memref<64x768xf32, #tpu.memory_space<vmem>>, vector<1x16xf32>,
      %swap3A_488 = vector.shape_cast %swap3A_487 : vector<1x16xf32> to vector<16xf32>
      %swap3A_489 = vector.shape_cast %mul3A_484 : vector<16xf32> to vector<1x16xf32>
      tpu.vector_store %arg8[%swap3A_485, %swap3A_486], %swap3A_489 {strides = array<i32>} : memref<64x768xf32, #tpu.memory_space<vmem>>, vector<1x16xf32>,
      %get3A_490 = arith.index_cast %scan3A_126 : i32 to index
      %get3A_491 = arith.constant 528 : index
      %get3A_492 = tpu.vector_load %arg8[%get3A_490, %get3A_491] {strides = array<i32>} : memref<64x768xf32, #tpu.memory_space<vmem>>, vector<1x16xf32>,
      %get3A_493 = vector.shape_cast %get3A_492 : vector<1x16xf32> to vector<16xf32>
      %mul3A_494 = arith.mulf %get3A_493, %gather3A_160 : vector<16xf32>
      %swap3A_495 = arith.index_cast %scan3A_126 : i32 to index
      %swap3A_496 = arith.constant 528 : index
      %swap3A_497 = tpu.vector_load %arg8[%swap3A_495, %swap3A_496] {strides = array<i32>} : memref<64x768xf32, #tpu.memory_space<vmem>>, vector<1x16xf32>,
      %swap3A_498 = vector.shape_cast %swap3A_497 : vector<1x16xf32> to vector<16xf32>
      %swap3A_499 = vector.shape_cast %mul3A_494 : vector<16xf32> to vector<1x16xf32>
      tpu.vector_store %arg8[%swap3A_495, %swap3A_496], %swap3A_499 {strides = array<i32>} : memref<64x768xf32, #tpu.memory_space<vmem>>, vector<1x16xf32>,
      %get3A_500 = arith.index_cast %scan3A_126 : i32 to index
      %get3A_501 = arith.constant 544 : index
      %get3A_502 = tpu.vector_load %arg8[%get3A_500, %get3A_501] {strides = array<i32>} : memref<64x768xf32, #tpu.memory_space<vmem>>, vector<1x16xf32>,
      %get3A_503 = vector.shape_cast %get3A_502 : vector<1x16xf32> to vector<16xf32>
      %mul3A_504 = arith.mulf %get3A_503, %gather3A_160 : vector<16xf32>
      %swap3A_505 = arith.index_cast %scan3A_126 : i32 to index
      %swap3A_506 = arith.constant 544 : index
      %swap3A_507 = tpu.vector_load %arg8[%swap3A_505, %swap3A_506] {strides = array<i32>} : memref<64x768xf32, #tpu.memory_space<vmem>>, vector<1x16xf32>,
      %swap3A_508 = vector.shape_cast %swap3A_507 : vector<1x16xf32> to vector<16xf32>
      %swap3A_509 = vector.shape_cast %mul3A_504 : vector<16xf32> to vector<1x16xf32>
      tpu.vector_store %arg8[%swap3A_505, %swap3A_506], %swap3A_509 {strides = array<i32>} : memref<64x768xf32, #tpu.memory_space<vmem>>, vector<1x16xf32>,
      %get3A_510 = arith.index_cast %scan3A_126 : i32 to index
      %get3A_511 = arith.constant 560 : index
      %get3A_512 = tpu.vector_load %arg8[%get3A_510, %get3A_511] {strides = array<i32>} : memref<64x768xf32, #tpu.memory_space<vmem>>, vector<1x16xf32>,
      %get3A_513 = vector.shape_cast %get3A_512 : vector<1x16xf32> to vector<16xf32>
      %mul3A_514 = arith.mulf %get3A_513, %gather3A_160 : vector<16xf32>
      %swap3A_515 = arith.index_cast %scan3A_126 : i32 to index
      %swap3A_516 = arith.constant 560 : index
      %swap3A_517 = tpu.vector_load %arg8[%swap3A_515, %swap3A_516] {strides = array<i32>} : memref<64x768xf32, #tpu.memory_space<vmem>>, vector<1x16xf32>,
      %swap3A_518 = vector.shape_cast %swap3A_517 : vector<1x16xf32> to vector<16xf32>
      %swap3A_519 = vector.shape_cast %mul3A_514 : vector<16xf32> to vector<1x16xf32>
      tpu.vector_store %arg8[%swap3A_515, %swap3A_516], %swap3A_519 {strides = array<i32>} : memref<64x768xf32, #tpu.memory_space<vmem>>, vector<1x16xf32>,
      %get3A_520 = arith.index_cast %scan3A_126 : i32 to index
      %get3A_521 = arith.constant 576 : index
      %get3A_522 = tpu.vector_load %arg8[%get3A_520, %get3A_521] {strides = array<i32>} : memref<64x768xf32, #tpu.memory_space<vmem>>, vector<1x16xf32>,
      %get3A_523 = vector.shape_cast %get3A_522 : vector<1x16xf32> to vector<16xf32>
      %mul3A_524 = arith.mulf %get3A_523, %gather3A_160 : vector<16xf32>
      %swap3A_525 = arith.index_cast %scan3A_126 : i32 to index
      %swap3A_526 = arith.constant 576 : index
      %swap3A_527 = tpu.vector_load %arg8[%swap3A_525, %swap3A_526] {strides = array<i32>} : memref<64x768xf32, #tpu.memory_space<vmem>>, vector<1x16xf32>,
      %swap3A_528 = vector.shape_cast %swap3A_527 : vector<1x16xf32> to vector<16xf32>
      %swap3A_529 = vector.shape_cast %mul3A_524 : vector<16xf32> to vector<1x16xf32>
      tpu.vector_store %arg8[%swap3A_525, %swap3A_526], %swap3A_529 {strides = array<i32>} : memref<64x768xf32, #tpu.memory_space<vmem>>, vector<1x16xf32>,
      %get3A_530 = arith.index_cast %scan3A_126 : i32 to index
      %get3A_531 = arith.constant 592 : index
      %get3A_532 = tpu.vector_load %arg8[%get3A_530, %get3A_531] {strides = array<i32>} : memref<64x768xf32, #tpu.memory_space<vmem>>, vector<1x16xf32>,
      %get3A_533 = vector.shape_cast %get3A_532 : vector<1x16xf32> to vector<16xf32>
      %mul3A_534 = arith.mulf %get3A_533, %gather3A_160 : vector<16xf32>
      %swap3A_535 = arith.index_cast %scan3A_126 : i32 to index
      %swap3A_536 = arith.constant 592 : index
      %swap3A_537 = tpu.vector_load %arg8[%swap3A_535, %swap3A_536] {strides = array<i32>} : memref<64x768xf32, #tpu.memory_space<vmem>>, vector<1x16xf32>,
      %swap3A_538 = vector.shape_cast %swap3A_537 : vector<1x16xf32> to vector<16xf32>
      %swap3A_539 = vector.shape_cast %mul3A_534 : vector<16xf32> to vector<1x16xf32>
      tpu.vector_store %arg8[%swap3A_535, %swap3A_536], %swap3A_539 {strides = array<i32>} : memref<64x768xf32, #tpu.memory_space<vmem>>, vector<1x16xf32>,
      %get3A_540 = arith.index_cast %scan3A_126 : i32 to index
      %get3A_541 = arith.constant 608 : index
      %get3A_542 = tpu.vector_load %arg8[%get3A_540, %get3A_541] {strides = array<i32>} : memref<64x768xf32, #tpu.memory_space<vmem>>, vector<1x16xf32>,
      %get3A_543 = vector.shape_cast %get3A_542 : vector<1x16xf32> to vector<16xf32>
      %mul3A_544 = arith.mulf %get3A_543, %gather3A_160 : vector<16xf32>
      %swap3A_545 = arith.index_cast %scan3A_126 : i32 to index
      %swap3A_546 = arith.constant 608 : index
      %swap3A_547 = tpu.vector_load %arg8[%swap3A_545, %swap3A_546] {strides = array<i32>} : memref<64x768xf32, #tpu.memory_space<vmem>>, vector<1x16xf32>,
      %swap3A_548 = vector.shape_cast %swap3A_547 : vector<1x16xf32> to vector<16xf32>
      %swap3A_549 = vector.shape_cast %mul3A_544 : vector<16xf32> to vector<1x16xf32>
      tpu.vector_store %arg8[%swap3A_545, %swap3A_546], %swap3A_549 {strides = array<i32>} : memref<64x768xf32, #tpu.memory_space<vmem>>, vector<1x16xf32>,
      %get3A_550 = arith.index_cast %scan3A_126 : i32 to index
      %get3A_551 = arith.constant 624 : index
      %get3A_552 = tpu.vector_load %arg8[%get3A_550, %get3A_551] {strides = array<i32>} : memref<64x768xf32, #tpu.memory_space<vmem>>, vector<1x16xf32>,
      %get3A_553 = vector.shape_cast %get3A_552 : vector<1x16xf32> to vector<16xf32>
      %mul3A_554 = arith.mulf %get3A_553, %gather3A_160 : vector<16xf32>
      %swap3A_555 = arith.index_cast %scan3A_126 : i32 to index
      %swap3A_556 = arith.constant 624 : index
      %swap3A_557 = tpu.vector_load %arg8[%swap3A_555, %swap3A_556] {strides = array<i32>} : memref<64x768xf32, #tpu.memory_space<vmem>>, vector<1x16xf32>,
      %swap3A_558 = vector.shape_cast %swap3A_557 : vector<1x16xf32> to vector<16xf32>
      %swap3A_559 = vector.shape_cast %mul3A_554 : vector<16xf32> to vector<1x16xf32>
      tpu.vector_store %arg8[%swap3A_555, %swap3A_556], %swap3A_559 {strides = array<i32>} : memref<64x768xf32, #tpu.memory_space<vmem>>, vector<1x16xf32>,
      %get3A_560 = arith.index_cast %scan3A_126 : i32 to index
      %get3A_561 = arith.constant 640 : index
      %get3A_562 = tpu.vector_load %arg8[%get3A_560, %get3A_561] {strides = array<i32>} : memref<64x768xf32, #tpu.memory_space<vmem>>, vector<1x16xf32>,
      %get3A_563 = vector.shape_cast %get3A_562 : vector<1x16xf32> to vector<16xf32>
      %mul3A_564 = arith.mulf %get3A_563, %gather3A_160 : vector<16xf32>
      %swap3A_565 = arith.index_cast %scan3A_126 : i32 to index
      %swap3A_566 = arith.constant 640 : index
      %swap3A_567 = tpu.vector_load %arg8[%swap3A_565, %swap3A_566] {strides = array<i32>} : memref<64x768xf32, #tpu.memory_space<vmem>>, vector<1x16xf32>,
      %swap3A_568 = vector.shape_cast %swap3A_567 : vector<1x16xf32> to vector<16xf32>
      %swap3A_569 = vector.shape_cast %mul3A_564 : vector<16xf32> to vector<1x16xf32>
      tpu.vector_store %arg8[%swap3A_565, %swap3A_566], %swap3A_569 {strides = array<i32>} : memref<64x768xf32, #tpu.memory_space<vmem>>, vector<1x16xf32>,
      %get3A_570 = arith.index_cast %scan3A_126 : i32 to index
      %get3A_571 = arith.constant 656 : index
      %get3A_572 = tpu.vector_load %arg8[%get3A_570, %get3A_571] {strides = array<i32>} : memref<64x768xf32, #tpu.memory_space<vmem>>, vector<1x16xf32>,
      %get3A_573 = vector.shape_cast %get3A_572 : vector<1x16xf32> to vector<16xf32>
      %mul3A_574 = arith.mulf %get3A_573, %gather3A_160 : vector<16xf32>
      %swap3A_575 = arith.index_cast %scan3A_126 : i32 to index
      %swap3A_576 = arith.constant 656 : index
      %swap3A_577 = tpu.vector_load %arg8[%swap3A_575, %swap3A_576] {strides = array<i32>} : memref<64x768xf32, #tpu.memory_space<vmem>>, vector<1x16xf32>,
      %swap3A_578 = vector.shape_cast %swap3A_577 : vector<1x16xf32> to vector<16xf32>
      %swap3A_579 = vector.shape_cast %mul3A_574 : vector<16xf32> to vector<1x16xf32>
      tpu.vector_store %arg8[%swap3A_575, %swap3A_576], %swap3A_579 {strides = array<i32>} : memref<64x768xf32, #tpu.memory_space<vmem>>, vector<1x16xf32>,
      %get3A_580 = arith.index_cast %scan3A_126 : i32 to index
      %get3A_581 = arith.constant 672 : index
      %get3A_582 = tpu.vector_load %arg8[%get3A_580, %get3A_581] {strides = array<i32>} : memref<64x768xf32, #tpu.memory_space<vmem>>, vector<1x16xf32>,
      %get3A_583 = vector.shape_cast %get3A_582 : vector<1x16xf32> to vector<16xf32>
      %mul3A_584 = arith.mulf %get3A_583, %gather3A_160 : vector<16xf32>
      %swap3A_585 = arith.index_cast %scan3A_126 : i32 to index
      %swap3A_586 = arith.constant 672 : index
      %swap3A_587 = tpu.vector_load %arg8[%swap3A_585, %swap3A_586] {strides = array<i32>} : memref<64x768xf32, #tpu.memory_space<vmem>>, vector<1x16xf32>,
      %swap3A_588 = vector.shape_cast %swap3A_587 : vector<1x16xf32> to vector<16xf32>
      %swap3A_589 = vector.shape_cast %mul3A_584 : vector<16xf32> to vector<1x16xf32>
      tpu.vector_store %arg8[%swap3A_585, %swap3A_586], %swap3A_589 {strides = array<i32>} : memref<64x768xf32, #tpu.memory_space<vmem>>, vector<1x16xf32>,
      %get3A_590 = arith.index_cast %scan3A_126 : i32 to index
      %get3A_591 = arith.constant 688 : index
      %get3A_592 = tpu.vector_load %arg8[%get3A_590, %get3A_591] {strides = array<i32>} : memref<64x768xf32, #tpu.memory_space<vmem>>, vector<1x16xf32>,
      %get3A_593 = vector.shape_cast %get3A_592 : vector<1x16xf32> to vector<16xf32>
      %mul3A_594 = arith.mulf %get3A_593, %gather3A_160 : vector<16xf32>
      %swap3A_595 = arith.index_cast %scan3A_126 : i32 to index
      %swap3A_596 = arith.constant 688 : index
      %swap3A_597 = tpu.vector_load %arg8[%swap3A_595, %swap3A_596] {strides = array<i32>} : memref<64x768xf32, #tpu.memory_space<vmem>>, vector<1x16xf32>,
      %swap3A_598 = vector.shape_cast %swap3A_597 : vector<1x16xf32> to vector<16xf32>
      %swap3A_599 = vector.shape_cast %mul3A_594 : vector<16xf32> to vector<1x16xf32>
      tpu.vector_store %arg8[%swap3A_595, %swap3A_596], %swap3A_599 {strides = array<i32>} : memref<64x768xf32, #tpu.memory_space<vmem>>, vector<1x16xf32>,
      %get3A_600 = arith.index_cast %scan3A_126 : i32 to index
      %get3A_601 = arith.constant 704 : index
      %get3A_602 = tpu.vector_load %arg8[%get3A_600, %get3A_601] {strides = array<i32>} : memref<64x768xf32, #tpu.memory_space<vmem>>, vector<1x16xf32>,
      %get3A_603 = vector.shape_cast %get3A_602 : vector<1x16xf32> to vector<16xf32>
      %mul3A_604 = arith.mulf %get3A_603, %gather3A_160 : vector<16xf32>
      %swap3A_605 = arith.index_cast %scan3A_126 : i32 to index
      %swap3A_606 = arith.constant 704 : index
      %swap3A_607 = tpu.vector_load %arg8[%swap3A_605, %swap3A_606] {strides = array<i32>} : memref<64x768xf32, #tpu.memory_space<vmem>>, vector<1x16xf32>,
      %swap3A_608 = vector.shape_cast %swap3A_607 : vector<1x16xf32> to vector<16xf32>
      %swap3A_609 = vector.shape_cast %mul3A_604 : vector<16xf32> to vector<1x16xf32>
      tpu.vector_store %arg8[%swap3A_605, %swap3A_606], %swap3A_609 {strides = array<i32>} : memref<64x768xf32, #tpu.memory_space<vmem>>, vector<1x16xf32>,
      %get3A_610 = arith.index_cast %scan3A_126 : i32 to index
      %get3A_611 = arith.constant 720 : index
      %get3A_612 = tpu.vector_load %arg8[%get3A_610, %get3A_611] {strides = array<i32>} : memref<64x768xf32, #tpu.memory_space<vmem>>, vector<1x16xf32>,
      %get3A_613 = vector.shape_cast %get3A_612 : vector<1x16xf32> to vector<16xf32>
      %mul3A_614 = arith.mulf %get3A_613, %gather3A_160 : vector<16xf32>
      %swap3A_615 = arith.index_cast %scan3A_126 : i32 to index
      %swap3A_616 = arith.constant 720 : index
      %swap3A_617 = tpu.vector_load %arg8[%swap3A_615, %swap3A_616] {strides = array<i32>} : memref<64x768xf32, #tpu.memory_space<vmem>>, vector<1x16xf32>,
      %swap3A_618 = vector.shape_cast %swap3A_617 : vector<1x16xf32> to vector<16xf32>
      %swap3A_619 = vector.shape_cast %mul3A_614 : vector<16xf32> to vector<1x16xf32>
      tpu.vector_store %arg8[%swap3A_615, %swap3A_616], %swap3A_619 {strides = array<i32>} : memref<64x768xf32, #tpu.memory_space<vmem>>, vector<1x16xf32>,
      %get3A_620 = arith.index_cast %scan3A_126 : i32 to index
      %get3A_621 = arith.constant 736 : index
      %get3A_622 = tpu.vector_load %arg8[%get3A_620, %get3A_621] {strides = array<i32>} : memref<64x768xf32, #tpu.memory_space<vmem>>, vector<1x16xf32>,
      %get3A_623 = vector.shape_cast %get3A_622 : vector<1x16xf32> to vector<16xf32>
      %mul3A_624 = arith.mulf %get3A_623, %gather3A_160 : vector<16xf32>
      %swap3A_625 = arith.index_cast %scan3A_126 : i32 to index
      %swap3A_626 = arith.constant 736 : index
      %swap3A_627 = tpu.vector_load %arg8[%swap3A_625, %swap3A_626] {strides = array<i32>} : memref<64x768xf32, #tpu.memory_space<vmem>>, vector<1x16xf32>,
      %swap3A_628 = vector.shape_cast %swap3A_627 : vector<1x16xf32> to vector<16xf32>
      %swap3A_629 = vector.shape_cast %mul3A_624 : vector<16xf32> to vector<1x16xf32>
      tpu.vector_store %arg8[%swap3A_625, %swap3A_626], %swap3A_629 {strides = array<i32>} : memref<64x768xf32, #tpu.memory_space<vmem>>, vector<1x16xf32>,
      %get3A_630 = arith.index_cast %scan3A_126 : i32 to index
      %get3A_631 = arith.constant 752 : index
      %get3A_632 = tpu.vector_load %arg8[%get3A_630, %get3A_631] {strides = array<i32>} : memref<64x768xf32, #tpu.memory_space<vmem>>, vector<1x16xf32>,
      %get3A_633 = vector.shape_cast %get3A_632 : vector<1x16xf32> to vector<16xf32>
      %mul3A_634 = arith.mulf %get3A_633, %gather3A_160 : vector<16xf32>
      %swap3A_635 = arith.index_cast %scan3A_126 : i32 to index
      %swap3A_636 = arith.constant 752 : index
      %swap3A_637 = tpu.vector_load %arg8[%swap3A_635, %swap3A_636] {strides = array<i32>} : memref<64x768xf32, #tpu.memory_space<vmem>>, vector<1x16xf32>,
      %swap3A_638 = vector.shape_cast %swap3A_637 : vector<1x16xf32> to vector<16xf32>
      %swap3A_639 = vector.shape_cast %mul3A_634 : vector<16xf32> to vector<1x16xf32>
      tpu.vector_store %arg8[%swap3A_635, %swap3A_636], %swap3A_639 {strides = array<i32>} : memref<64x768xf32, #tpu.memory_space<vmem>>, vector<1x16xf32>,
    }
    %scan3A_88 = arith.constant 64 : i32
    %mul3A_89 = arith.constant 256 : i32
    %mul3A_90 = arith.muli %add3A, %mul3A_89 : i32
    %add3A_91 = arith.constant 128 : i32
    %add3A_92 = arith.addi %mul3A_90, %add3A_91 : i32
    %dma_start3A_93 = arith.constant 0 : i32
    %dma_start3A_94 = tpu.memref_slice %arg5[%add3A_92, %dma_start3A_93] : memref<8192x768xf32, #tpu.memory_space<hbm>> -> memref<64x768xf32, #tpu.memory_space<hbm>>
    %dma_start3A_95 = arith.constant 0 : i32
    %dma_start3A_96 = tpu.memref_slice %arg5[%add3A_92, %dma_start3A_95] : memref<8192x768xf32, #tpu.memory_space<hbm>> -> memref<64x768xf32, #tpu.memory_space<hbm>>
    tpu.enqueue_dma source(%arg8 : memref<64x768xf32, #tpu.memory_space<vmem>>) target(%dma_start3A_96 : memref<64x768xf32, #tpu.memory_space<hbm>>) target_semaphore(%arg12 : memref<!tpu.dma_semaphore, #tpu.memory_space<semaphore_mem>>)
    %dma_wait3A_97 = arith.constant 3 : i32
    %dma_wait3A_98 = arith.constant 0 : i32
    %dma_wait3A_99 = tpu.memref_slice %arg6[%dma_wait3A_97, %dma_wait3A_98] : memref<4x64xi32, #tpu.memory_space<vmem>> -> memref<1x64xi32, #tpu.memory_space<vmem>>
    %dma_wait3A_100 = tpu.memref_squeeze %dma_wait3A_99 : memref<1x64xi32, #tpu.memory_space<vmem>> -> memref<64xi32, #tpu.memory_space<vmem>>
    %dma_wait3A_101 = arith.constant 0 : i32
    %dma_wait3A_102 = arith.constant 0 : i32
    %dma_wait3A_103 = tpu.memref_slice %arg2[%dma_wait3A_101, %dma_wait3A_102] : memref<24576x768xf32, #tpu.memory_space<hbm>> -> memref<24576x768xf32, #tpu.memory_space<hbm>>
    tpu.wait_indirect_dma semaphore(%arg11 : memref<!tpu.dma_semaphore, #tpu.memory_space<semaphore_mem>>) src(%dma_wait3A_103 : memref<24576x768xf32, #tpu.memory_space<hbm>>) dst(%arg9 : memref<64x768xf32, #tpu.memory_space<vmem>>)
    %scan3A_104 = arith.constant 0 : i32
    %scan3A_105 = arith.constant 0 : i32
    %scan3A_106 = arith.constant 64 : i32
    %scan3A_107 = arith.addi %scan3A_105, %scan3A_106 : i32
    %scan3A_108 = arith.constant 1 : i32
    scf.for %scan3A_126 = %scan3A_105 to %scan3A_107 step %scan3A_108  : i32 {
      %jit3A = arith.constant 16 : i32
      %div3A = arith.divsi %scan3A_126, %jit3A : i32
      %sign3A = arith.constant 0 : i32
      %sign3A_127 = arith.cmpi sgt, %scan3A_126, %sign3A : i32
      %sign3A_128 = arith.extui %sign3A_127 : i1 to i32
      %sign3A_129 = arith.constant 0 : i32
      %sign3A_130 = arith.cmpi slt, %scan3A_126, %sign3A_129 : i32
      %sign3A_131 = arith.extui %sign3A_130 : i1 to i32
      %sign3A_132 = arith.subi %sign3A_128, %sign3A_131 : i32
      %sign3A_133 = arith.constant 0 : i32
      %sign3A_134 = arith.cmpi sgt, %jit3A, %sign3A_133 : i32
      %sign3A_135 = arith.extui %sign3A_134 : i1 to i32
      %sign3A_136 = arith.constant 0 : i32
      %sign3A_137 = arith.cmpi slt, %jit3A, %sign3A_136 : i32
      %sign3A_138 = arith.extui %sign3A_137 : i1 to i32
      %sign3A_139 = arith.subi %sign3A_135, %sign3A_138 : i32
      %ne3A = arith.cmpi ne, %sign3A_132, %sign3A_139 : i32
      %rem3A = arith.remsi %scan3A_126, %jit3A : i32
      %ne3A_140 = arith.constant 0 : i32
      %ne3A_141 = arith.cmpi ne, %rem3A, %ne3A_140 : i32
      %and3A = arith.andi %ne3A, %ne3A_141 : i1
      %sub3A = arith.constant 1 : i32
      %sub3A_142 = arith.subi %div3A, %sub3A : i32
      %select_n3A = arith.select %and3A, %sub3A_142, %div3A : i32
      %mul3A_143 = arith.constant 16 : i32
      %mul3A_144 = arith.muli %select_n3A, %mul3A_143 : i32
      %get3A = arith.constant 3 : i32
      %get3A_145 = arith.index_cast %get3A : i32 to index
      %get3A_146 = arith.index_cast %mul3A_144 : i32 to index
      %get3A_147 = tpu.vector_load %arg7[%get3A_145, %get3A_146] {strides = array<i32>} : memref<4x64xf32, #tpu.memory_space<vmem>>, vector<1x16xf32>,
      %get3A_148 = vector.shape_cast %get3A_147 : vector<1x16xf32> to vector<16xf32>
      %sub3A_149 = arith.subi %scan3A_126, %mul3A_144 : i32
      %broadcast_in_dim3A = arith.constant 0 : i32
      %broadcast_in_dim3A_150 = vector.broadcast %broadcast_in_dim3A : i32 to vector<16xi32>
      %add3A_151 = vector.broadcast %sub3A_149 : i32 to vector<16xi32>
      %add3A_152 = arith.addi %broadcast_in_dim3A_150, %add3A_151 : vector<16xi32>
      %lt3A = arith.constant 0 : i32
      %lt3A_153 = vector.broadcast %lt3A : i32 to vector<16xi32>
      %lt3A_154 = arith.cmpi slt, %add3A_152, %lt3A_153 : vector<16xi32>
      %add3A_155 = arith.constant 16 : i32
      %add3A_156 = vector.broadcast %add3A_155 : i32 to vector<16xi32>
      %add3A_157 = arith.addi %add3A_152, %add3A_156 : vector<16xi32>
      %select_n3A_158 = arith.select %lt3A_154, %add3A_157, %add3A_152 : vector<16xi1>, vector<16xi32>
      %broadcast_in_dim3A_159 = vector.shape_cast %select_n3A_158 : vector<16xi32> to vector<16x1xi32>
      %gather3A = vector.shape_cast %broadcast_in_dim3A_159 : vector<16x1xi32> to vector<16xi32>
      %gather3A_160 = tpu.dynamic_gather %get3A_148[%gather3A] in [0] : vector<16xf32>, vector<16xi32> -> vector<16xf32>
      %get3A_161 = arith.index_cast %scan3A_126 : i32 to index
      %get3A_162 = arith.constant 0 : index
      %get3A_163 = tpu.vector_load %arg9[%get3A_161, %get3A_162] {strides = array<i32>} : memref<64x768xf32, #tpu.memory_space<vmem>>, vector<1x16xf32>,
      %get3A_164 = vector.shape_cast %get3A_163 : vector<1x16xf32> to vector<16xf32>
      %mul3A_165 = arith.mulf %get3A_164, %gather3A_160 : vector<16xf32>
      %swap3A = arith.index_cast %scan3A_126 : i32 to index
      %swap3A_166 = arith.constant 0 : index
      %swap3A_167 = tpu.vector_load %arg9[%swap3A, %swap3A_166] {strides = array<i32>} : memref<64x768xf32, #tpu.memory_space<vmem>>, vector<1x16xf32>,
      %swap3A_168 = vector.shape_cast %swap3A_167 : vector<1x16xf32> to vector<16xf32>
      %swap3A_169 = vector.shape_cast %mul3A_165 : vector<16xf32> to vector<1x16xf32>
      tpu.vector_store %arg9[%swap3A, %swap3A_166], %swap3A_169 {strides = array<i32>} : memref<64x768xf32, #tpu.memory_space<vmem>>, vector<1x16xf32>,
      %get3A_170 = arith.index_cast %scan3A_126 : i32 to index
      %get3A_171 = arith.constant 16 : index
      %get3A_172 = tpu.vector_load %arg9[%get3A_170, %get3A_171] {strides = array<i32>} : memref<64x768xf32, #tpu.memory_space<vmem>>, vector<1x16xf32>,
      %get3A_173 = vector.shape_cast %get3A_172 : vector<1x16xf32> to vector<16xf32>
      %mul3A_174 = arith.mulf %get3A_173, %gather3A_160 : vector<16xf32>
      %swap3A_175 = arith.index_cast %scan3A_126 : i32 to index
      %swap3A_176 = arith.constant 16 : index
      %swap3A_177 = tpu.vector_load %arg9[%swap3A_175, %swap3A_176] {strides = array<i32>} : memref<64x768xf32, #tpu.memory_space<vmem>>, vector<1x16xf32>,
      %swap3A_178 = vector.shape_cast %swap3A_177 : vector<1x16xf32> to vector<16xf32>
      %swap3A_179 = vector.shape_cast %mul3A_174 : vector<16xf32> to vector<1x16xf32>
      tpu.vector_store %arg9[%swap3A_175, %swap3A_176], %swap3A_179 {strides = array<i32>} : memref<64x768xf32, #tpu.memory_space<vmem>>, vector<1x16xf32>,
      %get3A_180 = arith.index_cast %scan3A_126 : i32 to index
      %get3A_181 = arith.constant 32 : index
      %get3A_182 = tpu.vector_load %arg9[%get3A_180, %get3A_181] {strides = array<i32>} : memref<64x768xf32, #tpu.memory_space<vmem>>, vector<1x16xf32>,
      %get3A_183 = vector.shape_cast %get3A_182 : vector<1x16xf32> to vector<16xf32>
      %mul3A_184 = arith.mulf %get3A_183, %gather3A_160 : vector<16xf32>
      %swap3A_185 = arith.index_cast %scan3A_126 : i32 to index
      %swap3A_186 = arith.constant 32 : index
      %swap3A_187 = tpu.vector_load %arg9[%swap3A_185, %swap3A_186] {strides = array<i32>} : memref<64x768xf32, #tpu.memory_space<vmem>>, vector<1x16xf32>,
      %swap3A_188 = vector.shape_cast %swap3A_187 : vector<1x16xf32> to vector<16xf32>
      %swap3A_189 = vector.shape_cast %mul3A_184 : vector<16xf32> to vector<1x16xf32>
      tpu.vector_store %arg9[%swap3A_185, %swap3A_186], %swap3A_189 {strides = array<i32>} : memref<64x768xf32, #tpu.memory_space<vmem>>, vector<1x16xf32>,
      %get3A_190 = arith.index_cast %scan3A_126 : i32 to index
      %get3A_191 = arith.constant 48 : index
      %get3A_192 = tpu.vector_load %arg9[%get3A_190, %get3A_191] {strides = array<i32>} : memref<64x768xf32, #tpu.memory_space<vmem>>, vector<1x16xf32>,
      %get3A_193 = vector.shape_cast %get3A_192 : vector<1x16xf32> to vector<16xf32>
      %mul3A_194 = arith.mulf %get3A_193, %gather3A_160 : vector<16xf32>
      %swap3A_195 = arith.index_cast %scan3A_126 : i32 to index
      %swap3A_196 = arith.constant 48 : index
      %swap3A_197 = tpu.vector_load %arg9[%swap3A_195, %swap3A_196] {strides = array<i32>} : memref<64x768xf32, #tpu.memory_space<vmem>>, vector<1x16xf32>,
      %swap3A_198 = vector.shape_cast %swap3A_197 : vector<1x16xf32> to vector<16xf32>
      %swap3A_199 = vector.shape_cast %mul3A_194 : vector<16xf32> to vector<1x16xf32>
      tpu.vector_store %arg9[%swap3A_195, %swap3A_196], %swap3A_199 {strides = array<i32>} : memref<64x768xf32, #tpu.memory_space<vmem>>, vector<1x16xf32>,
      %get3A_200 = arith.index_cast %scan3A_126 : i32 to index
      %get3A_201 = arith.constant 64 : index
      %get3A_202 = tpu.vector_load %arg9[%get3A_200, %get3A_201] {strides = array<i32>} : memref<64x768xf32, #tpu.memory_space<vmem>>, vector<1x16xf32>,
      %get3A_203 = vector.shape_cast %get3A_202 : vector<1x16xf32> to vector<16xf32>
      %mul3A_204 = arith.mulf %get3A_203, %gather3A_160 : vector<16xf32>
      %swap3A_205 = arith.index_cast %scan3A_126 : i32 to index
      %swap3A_206 = arith.constant 64 : index
      %swap3A_207 = tpu.vector_load %arg9[%swap3A_205, %swap3A_206] {strides = array<i32>} : memref<64x768xf32, #tpu.memory_space<vmem>>, vector<1x16xf32>,
      %swap3A_208 = vector.shape_cast %swap3A_207 : vector<1x16xf32> to vector<16xf32>
      %swap3A_209 = vector.shape_cast %mul3A_204 : vector<16xf32> to vector<1x16xf32>
      tpu.vector_store %arg9[%swap3A_205, %swap3A_206], %swap3A_209 {strides = array<i32>} : memref<64x768xf32, #tpu.memory_space<vmem>>, vector<1x16xf32>,
      %get3A_210 = arith.index_cast %scan3A_126 : i32 to index
      %get3A_211 = arith.constant 80 : index
      %get3A_212 = tpu.vector_load %arg9[%get3A_210, %get3A_211] {strides = array<i32>} : memref<64x768xf32, #tpu.memory_space<vmem>>, vector<1x16xf32>,
      %get3A_213 = vector.shape_cast %get3A_212 : vector<1x16xf32> to vector<16xf32>
      %mul3A_214 = arith.mulf %get3A_213, %gather3A_160 : vector<16xf32>
      %swap3A_215 = arith.index_cast %scan3A_126 : i32 to index
      %swap3A_216 = arith.constant 80 : index
      %swap3A_217 = tpu.vector_load %arg9[%swap3A_215, %swap3A_216] {strides = array<i32>} : memref<64x768xf32, #tpu.memory_space<vmem>>, vector<1x16xf32>,
      %swap3A_218 = vector.shape_cast %swap3A_217 : vector<1x16xf32> to vector<16xf32>
      %swap3A_219 = vector.shape_cast %mul3A_214 : vector<16xf32> to vector<1x16xf32>
      tpu.vector_store %arg9[%swap3A_215, %swap3A_216], %swap3A_219 {strides = array<i32>} : memref<64x768xf32, #tpu.memory_space<vmem>>, vector<1x16xf32>,
      %get3A_220 = arith.index_cast %scan3A_126 : i32 to index
      %get3A_221 = arith.constant 96 : index
      %get3A_222 = tpu.vector_load %arg9[%get3A_220, %get3A_221] {strides = array<i32>} : memref<64x768xf32, #tpu.memory_space<vmem>>, vector<1x16xf32>,
      %get3A_223 = vector.shape_cast %get3A_222 : vector<1x16xf32> to vector<16xf32>
      %mul3A_224 = arith.mulf %get3A_223, %gather3A_160 : vector<16xf32>
      %swap3A_225 = arith.index_cast %scan3A_126 : i32 to index
      %swap3A_226 = arith.constant 96 : index
      %swap3A_227 = tpu.vector_load %arg9[%swap3A_225, %swap3A_226] {strides = array<i32>} : memref<64x768xf32, #tpu.memory_space<vmem>>, vector<1x16xf32>,
      %swap3A_228 = vector.shape_cast %swap3A_227 : vector<1x16xf32> to vector<16xf32>
      %swap3A_229 = vector.shape_cast %mul3A_224 : vector<16xf32> to vector<1x16xf32>
      tpu.vector_store %arg9[%swap3A_225, %swap3A_226], %swap3A_229 {strides = array<i32>} : memref<64x768xf32, #tpu.memory_space<vmem>>, vector<1x16xf32>,
      %get3A_230 = arith.index_cast %scan3A_126 : i32 to index
      %get3A_231 = arith.constant 112 : index
      %get3A_232 = tpu.vector_load %arg9[%get3A_230, %get3A_231] {strides = array<i32>} : memref<64x768xf32, #tpu.memory_space<vmem>>, vector<1x16xf32>,
      %get3A_233 = vector.shape_cast %get3A_232 : vector<1x16xf32> to vector<16xf32>
      %mul3A_234 = arith.mulf %get3A_233, %gather3A_160 : vector<16xf32>
      %swap3A_235 = arith.index_cast %scan3A_126 : i32 to index
      %swap3A_236 = arith.constant 112 : index
      %swap3A_237 = tpu.vector_load %arg9[%swap3A_235, %swap3A_236] {strides = array<i32>} : memref<64x768xf32, #tpu.memory_space<vmem>>, vector<1x16xf32>,
      %swap3A_238 = vector.shape_cast %swap3A_237 : vector<1x16xf32> to vector<16xf32>
      %swap3A_239 = vector.shape_cast %mul3A_234 : vector<16xf32> to vector<1x16xf32>
      tpu.vector_store %arg9[%swap3A_235, %swap3A_236], %swap3A_239 {strides = array<i32>} : memref<64x768xf32, #tpu.memory_space<vmem>>, vector<1x16xf32>,
      %get3A_240 = arith.index_cast %scan3A_126 : i32 to index
      %get3A_241 = arith.constant 128 : index
      %get3A_242 = tpu.vector_load %arg9[%get3A_240, %get3A_241] {strides = array<i32>} : memref<64x768xf32, #tpu.memory_space<vmem>>, vector<1x16xf32>,
      %get3A_243 = vector.shape_cast %get3A_242 : vector<1x16xf32> to vector<16xf32>
      %mul3A_244 = arith.mulf %get3A_243, %gather3A_160 : vector<16xf32>
      %swap3A_245 = arith.index_cast %scan3A_126 : i32 to index
      %swap3A_246 = arith.constant 128 : index
      %swap3A_247 = tpu.vector_load %arg9[%swap3A_245, %swap3A_246] {strides = array<i32>} : memref<64x768xf32, #tpu.memory_space<vmem>>, vector<1x16xf32>,
      %swap3A_248 = vector.shape_cast %swap3A_247 : vector<1x16xf32> to vector<16xf32>
      %swap3A_249 = vector.shape_cast %mul3A_244 : vector<16xf32> to vector<1x16xf32>
      tpu.vector_store %arg9[%swap3A_245, %swap3A_246], %swap3A_249 {strides = array<i32>} : memref<64x768xf32, #tpu.memory_space<vmem>>, vector<1x16xf32>,
      %get3A_250 = arith.index_cast %scan3A_126 : i32 to index
      %get3A_251 = arith.constant 144 : index
      %get3A_252 = tpu.vector_load %arg9[%get3A_250, %get3A_251] {strides = array<i32>} : memref<64x768xf32, #tpu.memory_space<vmem>>, vector<1x16xf32>,
      %get3A_253 = vector.shape_cast %get3A_252 : vector<1x16xf32> to vector<16xf32>
      %mul3A_254 = arith.mulf %get3A_253, %gather3A_160 : vector<16xf32>
      %swap3A_255 = arith.index_cast %scan3A_126 : i32 to index
      %swap3A_256 = arith.constant 144 : index
      %swap3A_257 = tpu.vector_load %arg9[%swap3A_255, %swap3A_256] {strides = array<i32>} : memref<64x768xf32, #tpu.memory_space<vmem>>, vector<1x16xf32>,
      %swap3A_258 = vector.shape_cast %swap3A_257 : vector<1x16xf32> to vector<16xf32>
      %swap3A_259 = vector.shape_cast %mul3A_254 : vector<16xf32> to vector<1x16xf32>
      tpu.vector_store %arg9[%swap3A_255, %swap3A_256], %swap3A_259 {strides = array<i32>} : memref<64x768xf32, #tpu.memory_space<vmem>>, vector<1x16xf32>,
      %get3A_260 = arith.index_cast %scan3A_126 : i32 to index
      %get3A_261 = arith.constant 160 : index
      %get3A_262 = tpu.vector_load %arg9[%get3A_260, %get3A_261] {strides = array<i32>} : memref<64x768xf32, #tpu.memory_space<vmem>>, vector<1x16xf32>,
      %get3A_263 = vector.shape_cast %get3A_262 : vector<1x16xf32> to vector<16xf32>
      %mul3A_264 = arith.mulf %get3A_263, %gather3A_160 : vector<16xf32>
      %swap3A_265 = arith.index_cast %scan3A_126 : i32 to index
      %swap3A_266 = arith.constant 160 : index
      %swap3A_267 = tpu.vector_load %arg9[%swap3A_265, %swap3A_266] {strides = array<i32>} : memref<64x768xf32, #tpu.memory_space<vmem>>, vector<1x16xf32>,
      %swap3A_268 = vector.shape_cast %swap3A_267 : vector<1x16xf32> to vector<16xf32>
      %swap3A_269 = vector.shape_cast %mul3A_264 : vector<16xf32> to vector<1x16xf32>
      tpu.vector_store %arg9[%swap3A_265, %swap3A_266], %swap3A_269 {strides = array<i32>} : memref<64x768xf32, #tpu.memory_space<vmem>>, vector<1x16xf32>,
      %get3A_270 = arith.index_cast %scan3A_126 : i32 to index
      %get3A_271 = arith.constant 176 : index
      %get3A_272 = tpu.vector_load %arg9[%get3A_270, %get3A_271] {strides = array<i32>} : memref<64x768xf32, #tpu.memory_space<vmem>>, vector<1x16xf32>,
      %get3A_273 = vector.shape_cast %get3A_272 : vector<1x16xf32> to vector<16xf32>
      %mul3A_274 = arith.mulf %get3A_273, %gather3A_160 : vector<16xf32>
      %swap3A_275 = arith.index_cast %scan3A_126 : i32 to index
      %swap3A_276 = arith.constant 176 : index
      %swap3A_277 = tpu.vector_load %arg9[%swap3A_275, %swap3A_276] {strides = array<i32>} : memref<64x768xf32, #tpu.memory_space<vmem>>, vector<1x16xf32>,
      %swap3A_278 = vector.shape_cast %swap3A_277 : vector<1x16xf32> to vector<16xf32>
      %swap3A_279 = vector.shape_cast %mul3A_274 : vector<16xf32> to vector<1x16xf32>
      tpu.vector_store %arg9[%swap3A_275, %swap3A_276], %swap3A_279 {strides = array<i32>} : memref<64x768xf32, #tpu.memory_space<vmem>>, vector<1x16xf32>,
      %get3A_280 = arith.index_cast %scan3A_126 : i32 to index
      %get3A_281 = arith.constant 192 : index
      %get3A_282 = tpu.vector_load %arg9[%get3A_280, %get3A_281] {strides = array<i32>} : memref<64x768xf32, #tpu.memory_space<vmem>>, vector<1x16xf32>,
      %get3A_283 = vector.shape_cast %get3A_282 : vector<1x16xf32> to vector<16xf32>
      %mul3A_284 = arith.mulf %get3A_283, %gather3A_160 : vector<16xf32>
      %swap3A_285 = arith.index_cast %scan3A_126 : i32 to index
      %swap3A_286 = arith.constant 192 : index
      %swap3A_287 = tpu.vector_load %arg9[%swap3A_285, %swap3A_286] {strides = array<i32>} : memref<64x768xf32, #tpu.memory_space<vmem>>, vector<1x16xf32>,
      %swap3A_288 = vector.shape_cast %swap3A_287 : vector<1x16xf32> to vector<16xf32>
      %swap3A_289 = vector.shape_cast %mul3A_284 : vector<16xf32> to vector<1x16xf32>
      tpu.vector_store %arg9[%swap3A_285, %swap3A_286], %swap3A_289 {strides = array<i32>} : memref<64x768xf32, #tpu.memory_space<vmem>>, vector<1x16xf32>,
      %get3A_290 = arith.index_cast %scan3A_126 : i32 to index
      %get3A_291 = arith.constant 208 : index
      %get3A_292 = tpu.vector_load %arg9[%get3A_290, %get3A_291] {strides = array<i32>} : memref<64x768xf32, #tpu.memory_space<vmem>>, vector<1x16xf32>,
      %get3A_293 = vector.shape_cast %get3A_292 : vector<1x16xf32> to vector<16xf32>
      %mul3A_294 = arith.mulf %get3A_293, %gather3A_160 : vector<16xf32>
      %swap3A_295 = arith.index_cast %scan3A_126 : i32 to index
      %swap3A_296 = arith.constant 208 : index
      %swap3A_297 = tpu.vector_load %arg9[%swap3A_295, %swap3A_296] {strides = array<i32>} : memref<64x768xf32, #tpu.memory_space<vmem>>, vector<1x16xf32>,
      %swap3A_298 = vector.shape_cast %swap3A_297 : vector<1x16xf32> to vector<16xf32>
      %swap3A_299 = vector.shape_cast %mul3A_294 : vector<16xf32> to vector<1x16xf32>
      tpu.vector_store %arg9[%swap3A_295, %swap3A_296], %swap3A_299 {strides = array<i32>} : memref<64x768xf32, #tpu.memory_space<vmem>>, vector<1x16xf32>,
      %get3A_300 = arith.index_cast %scan3A_126 : i32 to index
      %get3A_301 = arith.constant 224 : index
      %get3A_302 = tpu.vector_load %arg9[%get3A_300, %get3A_301] {strides = array<i32>} : memref<64x768xf32, #tpu.memory_space<vmem>>, vector<1x16xf32>,
      %get3A_303 = vector.shape_cast %get3A_302 : vector<1x16xf32> to vector<16xf32>
      %mul3A_304 = arith.mulf %get3A_303, %gather3A_160 : vector<16xf32>
      %swap3A_305 = arith.index_cast %scan3A_126 : i32 to index
      %swap3A_306 = arith.constant 224 : index
      %swap3A_307 = tpu.vector_load %arg9[%swap3A_305, %swap3A_306] {strides = array<i32>} : memref<64x768xf32, #tpu.memory_space<vmem>>, vector<1x16xf32>,
      %swap3A_308 = vector.shape_cast %swap3A_307 : vector<1x16xf32> to vector<16xf32>
      %swap3A_309 = vector.shape_cast %mul3A_304 : vector<16xf32> to vector<1x16xf32>
      tpu.vector_store %arg9[%swap3A_305, %swap3A_306], %swap3A_309 {strides = array<i32>} : memref<64x768xf32, #tpu.memory_space<vmem>>, vector<1x16xf32>,
      %get3A_310 = arith.index_cast %scan3A_126 : i32 to index
      %get3A_311 = arith.constant 240 : index
      %get3A_312 = tpu.vector_load %arg9[%get3A_310, %get3A_311] {strides = array<i32>} : memref<64x768xf32, #tpu.memory_space<vmem>>, vector<1x16xf32>,
      %get3A_313 = vector.shape_cast %get3A_312 : vector<1x16xf32> to vector<16xf32>
      %mul3A_314 = arith.mulf %get3A_313, %gather3A_160 : vector<16xf32>
      %swap3A_315 = arith.index_cast %scan3A_126 : i32 to index
      %swap3A_316 = arith.constant 240 : index
      %swap3A_317 = tpu.vector_load %arg9[%swap3A_315, %swap3A_316] {strides = array<i32>} : memref<64x768xf32, #tpu.memory_space<vmem>>, vector<1x16xf32>,
      %swap3A_318 = vector.shape_cast %swap3A_317 : vector<1x16xf32> to vector<16xf32>
      %swap3A_319 = vector.shape_cast %mul3A_314 : vector<16xf32> to vector<1x16xf32>
      tpu.vector_store %arg9[%swap3A_315, %swap3A_316], %swap3A_319 {strides = array<i32>} : memref<64x768xf32, #tpu.memory_space<vmem>>, vector<1x16xf32>,
      %get3A_320 = arith.index_cast %scan3A_126 : i32 to index
      %get3A_321 = arith.constant 256 : index
      %get3A_322 = tpu.vector_load %arg9[%get3A_320, %get3A_321] {strides = array<i32>} : memref<64x768xf32, #tpu.memory_space<vmem>>, vector<1x16xf32>,
      %get3A_323 = vector.shape_cast %get3A_322 : vector<1x16xf32> to vector<16xf32>
      %mul3A_324 = arith.mulf %get3A_323, %gather3A_160 : vector<16xf32>
      %swap3A_325 = arith.index_cast %scan3A_126 : i32 to index
      %swap3A_326 = arith.constant 256 : index
      %swap3A_327 = tpu.vector_load %arg9[%swap3A_325, %swap3A_326] {strides = array<i32>} : memref<64x768xf32, #tpu.memory_space<vmem>>, vector<1x16xf32>,
      %swap3A_328 = vector.shape_cast %swap3A_327 : vector<1x16xf32> to vector<16xf32>
      %swap3A_329 = vector.shape_cast %mul3A_324 : vector<16xf32> to vector<1x16xf32>
      tpu.vector_store %arg9[%swap3A_325, %swap3A_326], %swap3A_329 {strides = array<i32>} : memref<64x768xf32, #tpu.memory_space<vmem>>, vector<1x16xf32>,
      %get3A_330 = arith.index_cast %scan3A_126 : i32 to index
      %get3A_331 = arith.constant 272 : index
      %get3A_332 = tpu.vector_load %arg9[%get3A_330, %get3A_331] {strides = array<i32>} : memref<64x768xf32, #tpu.memory_space<vmem>>, vector<1x16xf32>,
      %get3A_333 = vector.shape_cast %get3A_332 : vector<1x16xf32> to vector<16xf32>
      %mul3A_334 = arith.mulf %get3A_333, %gather3A_160 : vector<16xf32>
      %swap3A_335 = arith.index_cast %scan3A_126 : i32 to index
      %swap3A_336 = arith.constant 272 : index
      %swap3A_337 = tpu.vector_load %arg9[%swap3A_335, %swap3A_336] {strides = array<i32>} : memref<64x768xf32, #tpu.memory_space<vmem>>, vector<1x16xf32>,
      %swap3A_338 = vector.shape_cast %swap3A_337 : vector<1x16xf32> to vector<16xf32>
      %swap3A_339 = vector.shape_cast %mul3A_334 : vector<16xf32> to vector<1x16xf32>
      tpu.vector_store %arg9[%swap3A_335, %swap3A_336], %swap3A_339 {strides = array<i32>} : memref<64x768xf32, #tpu.memory_space<vmem>>, vector<1x16xf32>,
      %get3A_340 = arith.index_cast %scan3A_126 : i32 to index
      %get3A_341 = arith.constant 288 : index
      %get3A_342 = tpu.vector_load %arg9[%get3A_340, %get3A_341] {strides = array<i32>} : memref<64x768xf32, #tpu.memory_space<vmem>>, vector<1x16xf32>,
      %get3A_343 = vector.shape_cast %get3A_342 : vector<1x16xf32> to vector<16xf32>
      %mul3A_344 = arith.mulf %get3A_343, %gather3A_160 : vector<16xf32>
      %swap3A_345 = arith.index_cast %scan3A_126 : i32 to index
      %swap3A_346 = arith.constant 288 : index
      %swap3A_347 = tpu.vector_load %arg9[%swap3A_345, %swap3A_346] {strides = array<i32>} : memref<64x768xf32, #tpu.memory_space<vmem>>, vector<1x16xf32>,
      %swap3A_348 = vector.shape_cast %swap3A_347 : vector<1x16xf32> to vector<16xf32>
      %swap3A_349 = vector.shape_cast %mul3A_344 : vector<16xf32> to vector<1x16xf32>
      tpu.vector_store %arg9[%swap3A_345, %swap3A_346], %swap3A_349 {strides = array<i32>} : memref<64x768xf32, #tpu.memory_space<vmem>>, vector<1x16xf32>,
      %get3A_350 = arith.index_cast %scan3A_126 : i32 to index
      %get3A_351 = arith.constant 304 : index
      %get3A_352 = tpu.vector_load %arg9[%get3A_350, %get3A_351] {strides = array<i32>} : memref<64x768xf32, #tpu.memory_space<vmem>>, vector<1x16xf32>,
      %get3A_353 = vector.shape_cast %get3A_352 : vector<1x16xf32> to vector<16xf32>
      %mul3A_354 = arith.mulf %get3A_353, %gather3A_160 : vector<16xf32>
      %swap3A_355 = arith.index_cast %scan3A_126 : i32 to index
      %swap3A_356 = arith.constant 304 : index
      %swap3A_357 = tpu.vector_load %arg9[%swap3A_355, %swap3A_356] {strides = array<i32>} : memref<64x768xf32, #tpu.memory_space<vmem>>, vector<1x16xf32>,
      %swap3A_358 = vector.shape_cast %swap3A_357 : vector<1x16xf32> to vector<16xf32>
      %swap3A_359 = vector.shape_cast %mul3A_354 : vector<16xf32> to vector<1x16xf32>
      tpu.vector_store %arg9[%swap3A_355, %swap3A_356], %swap3A_359 {strides = array<i32>} : memref<64x768xf32, #tpu.memory_space<vmem>>, vector<1x16xf32>,
      %get3A_360 = arith.index_cast %scan3A_126 : i32 to index
      %get3A_361 = arith.constant 320 : index
      %get3A_362 = tpu.vector_load %arg9[%get3A_360, %get3A_361] {strides = array<i32>} : memref<64x768xf32, #tpu.memory_space<vmem>>, vector<1x16xf32>,
      %get3A_363 = vector.shape_cast %get3A_362 : vector<1x16xf32> to vector<16xf32>
      %mul3A_364 = arith.mulf %get3A_363, %gather3A_160 : vector<16xf32>
      %swap3A_365 = arith.index_cast %scan3A_126 : i32 to index
      %swap3A_366 = arith.constant 320 : index
      %swap3A_367 = tpu.vector_load %arg9[%swap3A_365, %swap3A_366] {strides = array<i32>} : memref<64x768xf32, #tpu.memory_space<vmem>>, vector<1x16xf32>,
      %swap3A_368 = vector.shape_cast %swap3A_367 : vector<1x16xf32> to vector<16xf32>
      %swap3A_369 = vector.shape_cast %mul3A_364 : vector<16xf32> to vector<1x16xf32>
      tpu.vector_store %arg9[%swap3A_365, %swap3A_366], %swap3A_369 {strides = array<i32>} : memref<64x768xf32, #tpu.memory_space<vmem>>, vector<1x16xf32>,
      %get3A_370 = arith.index_cast %scan3A_126 : i32 to index
      %get3A_371 = arith.constant 336 : index
      %get3A_372 = tpu.vector_load %arg9[%get3A_370, %get3A_371] {strides = array<i32>} : memref<64x768xf32, #tpu.memory_space<vmem>>, vector<1x16xf32>,
      %get3A_373 = vector.shape_cast %get3A_372 : vector<1x16xf32> to vector<16xf32>
      %mul3A_374 = arith.mulf %get3A_373, %gather3A_160 : vector<16xf32>
      %swap3A_375 = arith.index_cast %scan3A_126 : i32 to index
      %swap3A_376 = arith.constant 336 : index
      %swap3A_377 = tpu.vector_load %arg9[%swap3A_375, %swap3A_376] {strides = array<i32>} : memref<64x768xf32, #tpu.memory_space<vmem>>, vector<1x16xf32>,
      %swap3A_378 = vector.shape_cast %swap3A_377 : vector<1x16xf32> to vector<16xf32>
      %swap3A_379 = vector.shape_cast %mul3A_374 : vector<16xf32> to vector<1x16xf32>
      tpu.vector_store %arg9[%swap3A_375, %swap3A_376], %swap3A_379 {strides = array<i32>} : memref<64x768xf32, #tpu.memory_space<vmem>>, vector<1x16xf32>,
      %get3A_380 = arith.index_cast %scan3A_126 : i32 to index
      %get3A_381 = arith.constant 352 : index
      %get3A_382 = tpu.vector_load %arg9[%get3A_380, %get3A_381] {strides = array<i32>} : memref<64x768xf32, #tpu.memory_space<vmem>>, vector<1x16xf32>,
      %get3A_383 = vector.shape_cast %get3A_382 : vector<1x16xf32> to vector<16xf32>
      %mul3A_384 = arith.mulf %get3A_383, %gather3A_160 : vector<16xf32>
      %swap3A_385 = arith.index_cast %scan3A_126 : i32 to index
      %swap3A_386 = arith.constant 352 : index
      %swap3A_387 = tpu.vector_load %arg9[%swap3A_385, %swap3A_386] {strides = array<i32>} : memref<64x768xf32, #tpu.memory_space<vmem>>, vector<1x16xf32>,
      %swap3A_388 = vector.shape_cast %swap3A_387 : vector<1x16xf32> to vector<16xf32>
      %swap3A_389 = vector.shape_cast %mul3A_384 : vector<16xf32> to vector<1x16xf32>
      tpu.vector_store %arg9[%swap3A_385, %swap3A_386], %swap3A_389 {strides = array<i32>} : memref<64x768xf32, #tpu.memory_space<vmem>>, vector<1x16xf32>,
      %get3A_390 = arith.index_cast %scan3A_126 : i32 to index
      %get3A_391 = arith.constant 368 : index
      %get3A_392 = tpu.vector_load %arg9[%get3A_390, %get3A_391] {strides = array<i32>} : memref<64x768xf32, #tpu.memory_space<vmem>>, vector<1x16xf32>,
      %get3A_393 = vector.shape_cast %get3A_392 : vector<1x16xf32> to vector<16xf32>
      %mul3A_394 = arith.mulf %get3A_393, %gather3A_160 : vector<16xf32>
      %swap3A_395 = arith.index_cast %scan3A_126 : i32 to index
      %swap3A_396 = arith.constant 368 : index
      %swap3A_397 = tpu.vector_load %arg9[%swap3A_395, %swap3A_396] {strides = array<i32>} : memref<64x768xf32, #tpu.memory_space<vmem>>, vector<1x16xf32>,
      %swap3A_398 = vector.shape_cast %swap3A_397 : vector<1x16xf32> to vector<16xf32>
      %swap3A_399 = vector.shape_cast %mul3A_394 : vector<16xf32> to vector<1x16xf32>
      tpu.vector_store %arg9[%swap3A_395, %swap3A_396], %swap3A_399 {strides = array<i32>} : memref<64x768xf32, #tpu.memory_space<vmem>>, vector<1x16xf32>,
      %get3A_400 = arith.index_cast %scan3A_126 : i32 to index
      %get3A_401 = arith.constant 384 : index
      %get3A_402 = tpu.vector_load %arg9[%get3A_400, %get3A_401] {strides = array<i32>} : memref<64x768xf32, #tpu.memory_space<vmem>>, vector<1x16xf32>,
      %get3A_403 = vector.shape_cast %get3A_402 : vector<1x16xf32> to vector<16xf32>
      %mul3A_404 = arith.mulf %get3A_403, %gather3A_160 : vector<16xf32>
      %swap3A_405 = arith.index_cast %scan3A_126 : i32 to index
      %swap3A_406 = arith.constant 384 : index
      %swap3A_407 = tpu.vector_load %arg9[%swap3A_405, %swap3A_406] {strides = array<i32>} : memref<64x768xf32, #tpu.memory_space<vmem>>, vector<1x16xf32>,
      %swap3A_408 = vector.shape_cast %swap3A_407 : vector<1x16xf32> to vector<16xf32>
      %swap3A_409 = vector.shape_cast %mul3A_404 : vector<16xf32> to vector<1x16xf32>
      tpu.vector_store %arg9[%swap3A_405, %swap3A_406], %swap3A_409 {strides = array<i32>} : memref<64x768xf32, #tpu.memory_space<vmem>>, vector<1x16xf32>,
      %get3A_410 = arith.index_cast %scan3A_126 : i32 to index
      %get3A_411 = arith.constant 400 : index
      %get3A_412 = tpu.vector_load %arg9[%get3A_410, %get3A_411] {strides = array<i32>} : memref<64x768xf32, #tpu.memory_space<vmem>>, vector<1x16xf32>,
      %get3A_413 = vector.shape_cast %get3A_412 : vector<1x16xf32> to vector<16xf32>
      %mul3A_414 = arith.mulf %get3A_413, %gather3A_160 : vector<16xf32>
      %swap3A_415 = arith.index_cast %scan3A_126 : i32 to index
      %swap3A_416 = arith.constant 400 : index
      %swap3A_417 = tpu.vector_load %arg9[%swap3A_415, %swap3A_416] {strides = array<i32>} : memref<64x768xf32, #tpu.memory_space<vmem>>, vector<1x16xf32>,
      %swap3A_418 = vector.shape_cast %swap3A_417 : vector<1x16xf32> to vector<16xf32>
      %swap3A_419 = vector.shape_cast %mul3A_414 : vector<16xf32> to vector<1x16xf32>
      tpu.vector_store %arg9[%swap3A_415, %swap3A_416], %swap3A_419 {strides = array<i32>} : memref<64x768xf32, #tpu.memory_space<vmem>>, vector<1x16xf32>,
      %get3A_420 = arith.index_cast %scan3A_126 : i32 to index
      %get3A_421 = arith.constant 416 : index
      %get3A_422 = tpu.vector_load %arg9[%get3A_420, %get3A_421] {strides = array<i32>} : memref<64x768xf32, #tpu.memory_space<vmem>>, vector<1x16xf32>,
      %get3A_423 = vector.shape_cast %get3A_422 : vector<1x16xf32> to vector<16xf32>
      %mul3A_424 = arith.mulf %get3A_423, %gather3A_160 : vector<16xf32>
      %swap3A_425 = arith.index_cast %scan3A_126 : i32 to index
      %swap3A_426 = arith.constant 416 : index
      %swap3A_427 = tpu.vector_load %arg9[%swap3A_425, %swap3A_426] {strides = array<i32>} : memref<64x768xf32, #tpu.memory_space<vmem>>, vector<1x16xf32>,
      %swap3A_428 = vector.shape_cast %swap3A_427 : vector<1x16xf32> to vector<16xf32>
      %swap3A_429 = vector.shape_cast %mul3A_424 : vector<16xf32> to vector<1x16xf32>
      tpu.vector_store %arg9[%swap3A_425, %swap3A_426], %swap3A_429 {strides = array<i32>} : memref<64x768xf32, #tpu.memory_space<vmem>>, vector<1x16xf32>,
      %get3A_430 = arith.index_cast %scan3A_126 : i32 to index
      %get3A_431 = arith.constant 432 : index
      %get3A_432 = tpu.vector_load %arg9[%get3A_430, %get3A_431] {strides = array<i32>} : memref<64x768xf32, #tpu.memory_space<vmem>>, vector<1x16xf32>,
      %get3A_433 = vector.shape_cast %get3A_432 : vector<1x16xf32> to vector<16xf32>
      %mul3A_434 = arith.mulf %get3A_433, %gather3A_160 : vector<16xf32>
      %swap3A_435 = arith.index_cast %scan3A_126 : i32 to index
      %swap3A_436 = arith.constant 432 : index
      %swap3A_437 = tpu.vector_load %arg9[%swap3A_435, %swap3A_436] {strides = array<i32>} : memref<64x768xf32, #tpu.memory_space<vmem>>, vector<1x16xf32>,
      %swap3A_438 = vector.shape_cast %swap3A_437 : vector<1x16xf32> to vector<16xf32>
      %swap3A_439 = vector.shape_cast %mul3A_434 : vector<16xf32> to vector<1x16xf32>
      tpu.vector_store %arg9[%swap3A_435, %swap3A_436], %swap3A_439 {strides = array<i32>} : memref<64x768xf32, #tpu.memory_space<vmem>>, vector<1x16xf32>,
      %get3A_440 = arith.index_cast %scan3A_126 : i32 to index
      %get3A_441 = arith.constant 448 : index
      %get3A_442 = tpu.vector_load %arg9[%get3A_440, %get3A_441] {strides = array<i32>} : memref<64x768xf32, #tpu.memory_space<vmem>>, vector<1x16xf32>,
      %get3A_443 = vector.shape_cast %get3A_442 : vector<1x16xf32> to vector<16xf32>
      %mul3A_444 = arith.mulf %get3A_443, %gather3A_160 : vector<16xf32>
      %swap3A_445 = arith.index_cast %scan3A_126 : i32 to index
      %swap3A_446 = arith.constant 448 : index
      %swap3A_447 = tpu.vector_load %arg9[%swap3A_445, %swap3A_446] {strides = array<i32>} : memref<64x768xf32, #tpu.memory_space<vmem>>, vector<1x16xf32>,
      %swap3A_448 = vector.shape_cast %swap3A_447 : vector<1x16xf32> to vector<16xf32>
      %swap3A_449 = vector.shape_cast %mul3A_444 : vector<16xf32> to vector<1x16xf32>
      tpu.vector_store %arg9[%swap3A_445, %swap3A_446], %swap3A_449 {strides = array<i32>} : memref<64x768xf32, #tpu.memory_space<vmem>>, vector<1x16xf32>,
      %get3A_450 = arith.index_cast %scan3A_126 : i32 to index
      %get3A_451 = arith.constant 464 : index
      %get3A_452 = tpu.vector_load %arg9[%get3A_450, %get3A_451] {strides = array<i32>} : memref<64x768xf32, #tpu.memory_space<vmem>>, vector<1x16xf32>,
      %get3A_453 = vector.shape_cast %get3A_452 : vector<1x16xf32> to vector<16xf32>
      %mul3A_454 = arith.mulf %get3A_453, %gather3A_160 : vector<16xf32>
      %swap3A_455 = arith.index_cast %scan3A_126 : i32 to index
      %swap3A_456 = arith.constant 464 : index
      %swap3A_457 = tpu.vector_load %arg9[%swap3A_455, %swap3A_456] {strides = array<i32>} : memref<64x768xf32, #tpu.memory_space<vmem>>, vector<1x16xf32>,
      %swap3A_458 = vector.shape_cast %swap3A_457 : vector<1x16xf32> to vector<16xf32>
      %swap3A_459 = vector.shape_cast %mul3A_454 : vector<16xf32> to vector<1x16xf32>
      tpu.vector_store %arg9[%swap3A_455, %swap3A_456], %swap3A_459 {strides = array<i32>} : memref<64x768xf32, #tpu.memory_space<vmem>>, vector<1x16xf32>,
      %get3A_460 = arith.index_cast %scan3A_126 : i32 to index
      %get3A_461 = arith.constant 480 : index
      %get3A_462 = tpu.vector_load %arg9[%get3A_460, %get3A_461] {strides = array<i32>} : memref<64x768xf32, #tpu.memory_space<vmem>>, vector<1x16xf32>,
      %get3A_463 = vector.shape_cast %get3A_462 : vector<1x16xf32> to vector<16xf32>
      %mul3A_464 = arith.mulf %get3A_463, %gather3A_160 : vector<16xf32>
      %swap3A_465 = arith.index_cast %scan3A_126 : i32 to index
      %swap3A_466 = arith.constant 480 : index
      %swap3A_467 = tpu.vector_load %arg9[%swap3A_465, %swap3A_466] {strides = array<i32>} : memref<64x768xf32, #tpu.memory_space<vmem>>, vector<1x16xf32>,
      %swap3A_468 = vector.shape_cast %swap3A_467 : vector<1x16xf32> to vector<16xf32>
      %swap3A_469 = vector.shape_cast %mul3A_464 : vector<16xf32> to vector<1x16xf32>
      tpu.vector_store %arg9[%swap3A_465, %swap3A_466], %swap3A_469 {strides = array<i32>} : memref<64x768xf32, #tpu.memory_space<vmem>>, vector<1x16xf32>,
      %get3A_470 = arith.index_cast %scan3A_126 : i32 to index
      %get3A_471 = arith.constant 496 : index
      %get3A_472 = tpu.vector_load %arg9[%get3A_470, %get3A_471] {strides = array<i32>} : memref<64x768xf32, #tpu.memory_space<vmem>>, vector<1x16xf32>,
      %get3A_473 = vector.shape_cast %get3A_472 : vector<1x16xf32> to vector<16xf32>
      %mul3A_474 = arith.mulf %get3A_473, %gather3A_160 : vector<16xf32>
      %swap3A_475 = arith.index_cast %scan3A_126 : i32 to index
      %swap3A_476 = arith.constant 496 : index
      %swap3A_477 = tpu.vector_load %arg9[%swap3A_475, %swap3A_476] {strides = array<i32>} : memref<64x768xf32, #tpu.memory_space<vmem>>, vector<1x16xf32>,
      %swap3A_478 = vector.shape_cast %swap3A_477 : vector<1x16xf32> to vector<16xf32>
      %swap3A_479 = vector.shape_cast %mul3A_474 : vector<16xf32> to vector<1x16xf32>
      tpu.vector_store %arg9[%swap3A_475, %swap3A_476], %swap3A_479 {strides = array<i32>} : memref<64x768xf32, #tpu.memory_space<vmem>>, vector<1x16xf32>,
      %get3A_480 = arith.index_cast %scan3A_126 : i32 to index
      %get3A_481 = arith.constant 512 : index
      %get3A_482 = tpu.vector_load %arg9[%get3A_480, %get3A_481] {strides = array<i32>} : memref<64x768xf32, #tpu.memory_space<vmem>>, vector<1x16xf32>,
      %get3A_483 = vector.shape_cast %get3A_482 : vector<1x16xf32> to vector<16xf32>
      %mul3A_484 = arith.mulf %get3A_483, %gather3A_160 : vector<16xf32>
      %swap3A_485 = arith.index_cast %scan3A_126 : i32 to index
      %swap3A_486 = arith.constant 512 : index
      %swap3A_487 = tpu.vector_load %arg9[%swap3A_485, %swap3A_486] {strides = array<i32>} : memref<64x768xf32, #tpu.memory_space<vmem>>, vector<1x16xf32>,
      %swap3A_488 = vector.shape_cast %swap3A_487 : vector<1x16xf32> to vector<16xf32>
      %swap3A_489 = vector.shape_cast %mul3A_484 : vector<16xf32> to vector<1x16xf32>
      tpu.vector_store %arg9[%swap3A_485, %swap3A_486], %swap3A_489 {strides = array<i32>} : memref<64x768xf32, #tpu.memory_space<vmem>>, vector<1x16xf32>,
      %get3A_490 = arith.index_cast %scan3A_126 : i32 to index
      %get3A_491 = arith.constant 528 : index
      %get3A_492 = tpu.vector_load %arg9[%get3A_490, %get3A_491] {strides = array<i32>} : memref<64x768xf32, #tpu.memory_space<vmem>>, vector<1x16xf32>,
      %get3A_493 = vector.shape_cast %get3A_492 : vector<1x16xf32> to vector<16xf32>
      %mul3A_494 = arith.mulf %get3A_493, %gather3A_160 : vector<16xf32>
      %swap3A_495 = arith.index_cast %scan3A_126 : i32 to index
      %swap3A_496 = arith.constant 528 : index
      %swap3A_497 = tpu.vector_load %arg9[%swap3A_495, %swap3A_496] {strides = array<i32>} : memref<64x768xf32, #tpu.memory_space<vmem>>, vector<1x16xf32>,
      %swap3A_498 = vector.shape_cast %swap3A_497 : vector<1x16xf32> to vector<16xf32>
      %swap3A_499 = vector.shape_cast %mul3A_494 : vector<16xf32> to vector<1x16xf32>
      tpu.vector_store %arg9[%swap3A_495, %swap3A_496], %swap3A_499 {strides = array<i32>} : memref<64x768xf32, #tpu.memory_space<vmem>>, vector<1x16xf32>,
      %get3A_500 = arith.index_cast %scan3A_126 : i32 to index
      %get3A_501 = arith.constant 544 : index
      %get3A_502 = tpu.vector_load %arg9[%get3A_500, %get3A_501] {strides = array<i32>} : memref<64x768xf32, #tpu.memory_space<vmem>>, vector<1x16xf32>,
      %get3A_503 = vector.shape_cast %get3A_502 : vector<1x16xf32> to vector<16xf32>
      %mul3A_504 = arith.mulf %get3A_503, %gather3A_160 : vector<16xf32>
      %swap3A_505 = arith.index_cast %scan3A_126 : i32 to index
      %swap3A_506 = arith.constant 544 : index
      %swap3A_507 = tpu.vector_load %arg9[%swap3A_505, %swap3A_506] {strides = array<i32>} : memref<64x768xf32, #tpu.memory_space<vmem>>, vector<1x16xf32>,
      %swap3A_508 = vector.shape_cast %swap3A_507 : vector<1x16xf32> to vector<16xf32>
      %swap3A_509 = vector.shape_cast %mul3A_504 : vector<16xf32> to vector<1x16xf32>
      tpu.vector_store %arg9[%swap3A_505, %swap3A_506], %swap3A_509 {strides = array<i32>} : memref<64x768xf32, #tpu.memory_space<vmem>>, vector<1x16xf32>,
      %get3A_510 = arith.index_cast %scan3A_126 : i32 to index
      %get3A_511 = arith.constant 560 : index
      %get3A_512 = tpu.vector_load %arg9[%get3A_510, %get3A_511] {strides = array<i32>} : memref<64x768xf32, #tpu.memory_space<vmem>>, vector<1x16xf32>,
      %get3A_513 = vector.shape_cast %get3A_512 : vector<1x16xf32> to vector<16xf32>
      %mul3A_514 = arith.mulf %get3A_513, %gather3A_160 : vector<16xf32>
      %swap3A_515 = arith.index_cast %scan3A_126 : i32 to index
      %swap3A_516 = arith.constant 560 : index
      %swap3A_517 = tpu.vector_load %arg9[%swap3A_515, %swap3A_516] {strides = array<i32>} : memref<64x768xf32, #tpu.memory_space<vmem>>, vector<1x16xf32>,
      %swap3A_518 = vector.shape_cast %swap3A_517 : vector<1x16xf32> to vector<16xf32>
      %swap3A_519 = vector.shape_cast %mul3A_514 : vector<16xf32> to vector<1x16xf32>
      tpu.vector_store %arg9[%swap3A_515, %swap3A_516], %swap3A_519 {strides = array<i32>} : memref<64x768xf32, #tpu.memory_space<vmem>>, vector<1x16xf32>,
      %get3A_520 = arith.index_cast %scan3A_126 : i32 to index
      %get3A_521 = arith.constant 576 : index
      %get3A_522 = tpu.vector_load %arg9[%get3A_520, %get3A_521] {strides = array<i32>} : memref<64x768xf32, #tpu.memory_space<vmem>>, vector<1x16xf32>,
      %get3A_523 = vector.shape_cast %get3A_522 : vector<1x16xf32> to vector<16xf32>
      %mul3A_524 = arith.mulf %get3A_523, %gather3A_160 : vector<16xf32>
      %swap3A_525 = arith.index_cast %scan3A_126 : i32 to index
      %swap3A_526 = arith.constant 576 : index
      %swap3A_527 = tpu.vector_load %arg9[%swap3A_525, %swap3A_526] {strides = array<i32>} : memref<64x768xf32, #tpu.memory_space<vmem>>, vector<1x16xf32>,
      %swap3A_528 = vector.shape_cast %swap3A_527 : vector<1x16xf32> to vector<16xf32>
      %swap3A_529 = vector.shape_cast %mul3A_524 : vector<16xf32> to vector<1x16xf32>
      tpu.vector_store %arg9[%swap3A_525, %swap3A_526], %swap3A_529 {strides = array<i32>} : memref<64x768xf32, #tpu.memory_space<vmem>>, vector<1x16xf32>,
      %get3A_530 = arith.index_cast %scan3A_126 : i32 to index
      %get3A_531 = arith.constant 592 : index
      %get3A_532 = tpu.vector_load %arg9[%get3A_530, %get3A_531] {strides = array<i32>} : memref<64x768xf32, #tpu.memory_space<vmem>>, vector<1x16xf32>,
      %get3A_533 = vector.shape_cast %get3A_532 : vector<1x16xf32> to vector<16xf32>
      %mul3A_534 = arith.mulf %get3A_533, %gather3A_160 : vector<16xf32>
      %swap3A_535 = arith.index_cast %scan3A_126 : i32 to index
      %swap3A_536 = arith.constant 592 : index
      %swap3A_537 = tpu.vector_load %arg9[%swap3A_535, %swap3A_536] {strides = array<i32>} : memref<64x768xf32, #tpu.memory_space<vmem>>, vector<1x16xf32>,
      %swap3A_538 = vector.shape_cast %swap3A_537 : vector<1x16xf32> to vector<16xf32>
      %swap3A_539 = vector.shape_cast %mul3A_534 : vector<16xf32> to vector<1x16xf32>
      tpu.vector_store %arg9[%swap3A_535, %swap3A_536], %swap3A_539 {strides = array<i32>} : memref<64x768xf32, #tpu.memory_space<vmem>>, vector<1x16xf32>,
      %get3A_540 = arith.index_cast %scan3A_126 : i32 to index
      %get3A_541 = arith.constant 608 : index
      %get3A_542 = tpu.vector_load %arg9[%get3A_540, %get3A_541] {strides = array<i32>} : memref<64x768xf32, #tpu.memory_space<vmem>>, vector<1x16xf32>,
      %get3A_543 = vector.shape_cast %get3A_542 : vector<1x16xf32> to vector<16xf32>
      %mul3A_544 = arith.mulf %get3A_543, %gather3A_160 : vector<16xf32>
      %swap3A_545 = arith.index_cast %scan3A_126 : i32 to index
      %swap3A_546 = arith.constant 608 : index
      %swap3A_547 = tpu.vector_load %arg9[%swap3A_545, %swap3A_546] {strides = array<i32>} : memref<64x768xf32, #tpu.memory_space<vmem>>, vector<1x16xf32>,
      %swap3A_548 = vector.shape_cast %swap3A_547 : vector<1x16xf32> to vector<16xf32>
      %swap3A_549 = vector.shape_cast %mul3A_544 : vector<16xf32> to vector<1x16xf32>
      tpu.vector_store %arg9[%swap3A_545, %swap3A_546], %swap3A_549 {strides = array<i32>} : memref<64x768xf32, #tpu.memory_space<vmem>>, vector<1x16xf32>,
      %get3A_550 = arith.index_cast %scan3A_126 : i32 to index
      %get3A_551 = arith.constant 624 : index
      %get3A_552 = tpu.vector_load %arg9[%get3A_550, %get3A_551] {strides = array<i32>} : memref<64x768xf32, #tpu.memory_space<vmem>>, vector<1x16xf32>,
      %get3A_553 = vector.shape_cast %get3A_552 : vector<1x16xf32> to vector<16xf32>
      %mul3A_554 = arith.mulf %get3A_553, %gather3A_160 : vector<16xf32>
      %swap3A_555 = arith.index_cast %scan3A_126 : i32 to index
      %swap3A_556 = arith.constant 624 : index
      %swap3A_557 = tpu.vector_load %arg9[%swap3A_555, %swap3A_556] {strides = array<i32>} : memref<64x768xf32, #tpu.memory_space<vmem>>, vector<1x16xf32>,
      %swap3A_558 = vector.shape_cast %swap3A_557 : vector<1x16xf32> to vector<16xf32>
      %swap3A_559 = vector.shape_cast %mul3A_554 : vector<16xf32> to vector<1x16xf32>
      tpu.vector_store %arg9[%swap3A_555, %swap3A_556], %swap3A_559 {strides = array<i32>} : memref<64x768xf32, #tpu.memory_space<vmem>>, vector<1x16xf32>,
      %get3A_560 = arith.index_cast %scan3A_126 : i32 to index
      %get3A_561 = arith.constant 640 : index
      %get3A_562 = tpu.vector_load %arg9[%get3A_560, %get3A_561] {strides = array<i32>} : memref<64x768xf32, #tpu.memory_space<vmem>>, vector<1x16xf32>,
      %get3A_563 = vector.shape_cast %get3A_562 : vector<1x16xf32> to vector<16xf32>
      %mul3A_564 = arith.mulf %get3A_563, %gather3A_160 : vector<16xf32>
      %swap3A_565 = arith.index_cast %scan3A_126 : i32 to index
      %swap3A_566 = arith.constant 640 : index
      %swap3A_567 = tpu.vector_load %arg9[%swap3A_565, %swap3A_566] {strides = array<i32>} : memref<64x768xf32, #tpu.memory_space<vmem>>, vector<1x16xf32>,
      %swap3A_568 = vector.shape_cast %swap3A_567 : vector<1x16xf32> to vector<16xf32>
      %swap3A_569 = vector.shape_cast %mul3A_564 : vector<16xf32> to vector<1x16xf32>
      tpu.vector_store %arg9[%swap3A_565, %swap3A_566], %swap3A_569 {strides = array<i32>} : memref<64x768xf32, #tpu.memory_space<vmem>>, vector<1x16xf32>,
      %get3A_570 = arith.index_cast %scan3A_126 : i32 to index
      %get3A_571 = arith.constant 656 : index
      %get3A_572 = tpu.vector_load %arg9[%get3A_570, %get3A_571] {strides = array<i32>} : memref<64x768xf32, #tpu.memory_space<vmem>>, vector<1x16xf32>,
      %get3A_573 = vector.shape_cast %get3A_572 : vector<1x16xf32> to vector<16xf32>
      %mul3A_574 = arith.mulf %get3A_573, %gather3A_160 : vector<16xf32>
      %swap3A_575 = arith.index_cast %scan3A_126 : i32 to index
      %swap3A_576 = arith.constant 656 : index
      %swap3A_577 = tpu.vector_load %arg9[%swap3A_575, %swap3A_576] {strides = array<i32>} : memref<64x768xf32, #tpu.memory_space<vmem>>, vector<1x16xf32>,
      %swap3A_578 = vector.shape_cast %swap3A_577 : vector<1x16xf32> to vector<16xf32>
      %swap3A_579 = vector.shape_cast %mul3A_574 : vector<16xf32> to vector<1x16xf32>
      tpu.vector_store %arg9[%swap3A_575, %swap3A_576], %swap3A_579 {strides = array<i32>} : memref<64x768xf32, #tpu.memory_space<vmem>>, vector<1x16xf32>,
      %get3A_580 = arith.index_cast %scan3A_126 : i32 to index
      %get3A_581 = arith.constant 672 : index
      %get3A_582 = tpu.vector_load %arg9[%get3A_580, %get3A_581] {strides = array<i32>} : memref<64x768xf32, #tpu.memory_space<vmem>>, vector<1x16xf32>,
      %get3A_583 = vector.shape_cast %get3A_582 : vector<1x16xf32> to vector<16xf32>
      %mul3A_584 = arith.mulf %get3A_583, %gather3A_160 : vector<16xf32>
      %swap3A_585 = arith.index_cast %scan3A_126 : i32 to index
      %swap3A_586 = arith.constant 672 : index
      %swap3A_587 = tpu.vector_load %arg9[%swap3A_585, %swap3A_586] {strides = array<i32>} : memref<64x768xf32, #tpu.memory_space<vmem>>, vector<1x16xf32>,
      %swap3A_588 = vector.shape_cast %swap3A_587 : vector<1x16xf32> to vector<16xf32>
      %swap3A_589 = vector.shape_cast %mul3A_584 : vector<16xf32> to vector<1x16xf32>
      tpu.vector_store %arg9[%swap3A_585, %swap3A_586], %swap3A_589 {strides = array<i32>} : memref<64x768xf32, #tpu.memory_space<vmem>>, vector<1x16xf32>,
      %get3A_590 = arith.index_cast %scan3A_126 : i32 to index
      %get3A_591 = arith.constant 688 : index
      %get3A_592 = tpu.vector_load %arg9[%get3A_590, %get3A_591] {strides = array<i32>} : memref<64x768xf32, #tpu.memory_space<vmem>>, vector<1x16xf32>,
      %get3A_593 = vector.shape_cast %get3A_592 : vector<1x16xf32> to vector<16xf32>
      %mul3A_594 = arith.mulf %get3A_593, %gather3A_160 : vector<16xf32>
      %swap3A_595 = arith.index_cast %scan3A_126 : i32 to index
      %swap3A_596 = arith.constant 688 : index
      %swap3A_597 = tpu.vector_load %arg9[%swap3A_595, %swap3A_596] {strides = array<i32>} : memref<64x768xf32, #tpu.memory_space<vmem>>, vector<1x16xf32>,
      %swap3A_598 = vector.shape_cast %swap3A_597 : vector<1x16xf32> to vector<16xf32>
      %swap3A_599 = vector.shape_cast %mul3A_594 : vector<16xf32> to vector<1x16xf32>
      tpu.vector_store %arg9[%swap3A_595, %swap3A_596], %swap3A_599 {strides = array<i32>} : memref<64x768xf32, #tpu.memory_space<vmem>>, vector<1x16xf32>,
      %get3A_600 = arith.index_cast %scan3A_126 : i32 to index
      %get3A_601 = arith.constant 704 : index
      %get3A_602 = tpu.vector_load %arg9[%get3A_600, %get3A_601] {strides = array<i32>} : memref<64x768xf32, #tpu.memory_space<vmem>>, vector<1x16xf32>,
      %get3A_603 = vector.shape_cast %get3A_602 : vector<1x16xf32> to vector<16xf32>
      %mul3A_604 = arith.mulf %get3A_603, %gather3A_160 : vector<16xf32>
      %swap3A_605 = arith.index_cast %scan3A_126 : i32 to index
      %swap3A_606 = arith.constant 704 : index
      %swap3A_607 = tpu.vector_load %arg9[%swap3A_605, %swap3A_606] {strides = array<i32>} : memref<64x768xf32, #tpu.memory_space<vmem>>, vector<1x16xf32>,
      %swap3A_608 = vector.shape_cast %swap3A_607 : vector<1x16xf32> to vector<16xf32>
      %swap3A_609 = vector.shape_cast %mul3A_604 : vector<16xf32> to vector<1x16xf32>
      tpu.vector_store %arg9[%swap3A_605, %swap3A_606], %swap3A_609 {strides = array<i32>} : memref<64x768xf32, #tpu.memory_space<vmem>>, vector<1x16xf32>,
      %get3A_610 = arith.index_cast %scan3A_126 : i32 to index
      %get3A_611 = arith.constant 720 : index
      %get3A_612 = tpu.vector_load %arg9[%get3A_610, %get3A_611] {strides = array<i32>} : memref<64x768xf32, #tpu.memory_space<vmem>>, vector<1x16xf32>,
      %get3A_613 = vector.shape_cast %get3A_612 : vector<1x16xf32> to vector<16xf32>
      %mul3A_614 = arith.mulf %get3A_613, %gather3A_160 : vector<16xf32>
      %swap3A_615 = arith.index_cast %scan3A_126 : i32 to index
      %swap3A_616 = arith.constant 720 : index
      %swap3A_617 = tpu.vector_load %arg9[%swap3A_615, %swap3A_616] {strides = array<i32>} : memref<64x768xf32, #tpu.memory_space<vmem>>, vector<1x16xf32>,
      %swap3A_618 = vector.shape_cast %swap3A_617 : vector<1x16xf32> to vector<16xf32>
      %swap3A_619 = vector.shape_cast %mul3A_614 : vector<16xf32> to vector<1x16xf32>
      tpu.vector_store %arg9[%swap3A_615, %swap3A_616], %swap3A_619 {strides = array<i32>} : memref<64x768xf32, #tpu.memory_space<vmem>>, vector<1x16xf32>,
      %get3A_620 = arith.index_cast %scan3A_126 : i32 to index
      %get3A_621 = arith.constant 736 : index
      %get3A_622 = tpu.vector_load %arg9[%get3A_620, %get3A_621] {strides = array<i32>} : memref<64x768xf32, #tpu.memory_space<vmem>>, vector<1x16xf32>,
      %get3A_623 = vector.shape_cast %get3A_622 : vector<1x16xf32> to vector<16xf32>
      %mul3A_624 = arith.mulf %get3A_623, %gather3A_160 : vector<16xf32>
      %swap3A_625 = arith.index_cast %scan3A_126 : i32 to index
      %swap3A_626 = arith.constant 736 : index
      %swap3A_627 = tpu.vector_load %arg9[%swap3A_625, %swap3A_626] {strides = array<i32>} : memref<64x768xf32, #tpu.memory_space<vmem>>, vector<1x16xf32>,
      %swap3A_628 = vector.shape_cast %swap3A_627 : vector<1x16xf32> to vector<16xf32>
      %swap3A_629 = vector.shape_cast %mul3A_624 : vector<16xf32> to vector<1x16xf32>
      tpu.vector_store %arg9[%swap3A_625, %swap3A_626], %swap3A_629 {strides = array<i32>} : memref<64x768xf32, #tpu.memory_space<vmem>>, vector<1x16xf32>,
      %get3A_630 = arith.index_cast %scan3A_126 : i32 to index
      %get3A_631 = arith.constant 752 : index
      %get3A_632 = tpu.vector_load %arg9[%get3A_630, %get3A_631] {strides = array<i32>} : memref<64x768xf32, #tpu.memory_space<vmem>>, vector<1x16xf32>,
      %get3A_633 = vector.shape_cast %get3A_632 : vector<1x16xf32> to vector<16xf32>
      %mul3A_634 = arith.mulf %get3A_633, %gather3A_160 : vector<16xf32>
      %swap3A_635 = arith.index_cast %scan3A_126 : i32 to index
      %swap3A_636 = arith.constant 752 : index
      %swap3A_637 = tpu.vector_load %arg9[%swap3A_635, %swap3A_636] {strides = array<i32>} : memref<64x768xf32, #tpu.memory_space<vmem>>, vector<1x16xf32>,
      %swap3A_638 = vector.shape_cast %swap3A_637 : vector<1x16xf32> to vector<16xf32>
      %swap3A_639 = vector.shape_cast %mul3A_634 : vector<16xf32> to vector<1x16xf32>
      tpu.vector_store %arg9[%swap3A_635, %swap3A_636], %swap3A_639 {strides = array<i32>} : memref<64x768xf32, #tpu.memory_space<vmem>>, vector<1x16xf32>,
    }
    %scan3A_109 = arith.constant 64 : i32
    %mul3A_110 = arith.constant 256 : i32
    %mul3A_111 = arith.muli %add3A, %mul3A_110 : i32
    %add3A_112 = arith.constant 192 : i32
    %add3A_113 = arith.addi %mul3A_111, %add3A_112 : i32
    %dma_start3A_114 = arith.constant 0 : i32
    %dma_start3A_115 = tpu.memref_slice %arg5[%add3A_113, %dma_start3A_114] : memref<8192x768xf32, #tpu.memory_space<hbm>> -> memref<64x768xf32, #tpu.memory_space<hbm>>
    %dma_start3A_116 = arith.constant 0 : i32
    %dma_start3A_117 = tpu.memref_slice %arg5[%add3A_113, %dma_start3A_116] : memref<8192x768xf32, #tpu.memory_space<hbm>> -> memref<64x768xf32, #tpu.memory_space<hbm>>
    tpu.enqueue_dma source(%arg9 : memref<64x768xf32, #tpu.memory_space<vmem>>) target(%dma_start3A_117 : memref<64x768xf32, #tpu.memory_space<hbm>>) target_semaphore(%arg13 : memref<!tpu.dma_semaphore, #tpu.memory_space<semaphore_mem>>)
    %dma_wait3A_118 = arith.constant 0 : i32
    %dma_wait3A_119 = tpu.memref_slice %arg5[%add3A_92, %dma_wait3A_118] : memref<8192x768xf32, #tpu.memory_space<hbm>> -> memref<64x768xf32, #tpu.memory_space<hbm>>
    %dma_wait3A_120 = arith.constant 0 : i32
    %dma_wait3A_121 = tpu.memref_slice %arg5[%add3A_92, %dma_wait3A_120] : memref<8192x768xf32, #tpu.memory_space<hbm>> -> memref<64x768xf32, #tpu.memory_space<hbm>>
    tpu.wait_dma2 semaphore(%arg12 : memref<!tpu.dma_semaphore, #tpu.memory_space<semaphore_mem>>) src(%arg8 : memref<64x768xf32, #tpu.memory_space<vmem>>) dst(%dma_wait3A_121 : memref<64x768xf32, #tpu.memory_space<hbm>>)
    %dma_wait3A_122 = arith.constant 0 : i32
    %dma_wait3A_123 = tpu.memref_slice %arg5[%add3A_113, %dma_wait3A_122] : memref<8192x768xf32, #tpu.memory_space<hbm>> -> memref<64x768xf32, #tpu.memory_space<hbm>>
    %dma_wait3A_124 = arith.constant 0 : i32
    %dma_wait3A_125 = tpu.memref_slice %arg5[%add3A_113, %dma_wait3A_124] : memref<8192x768xf32, #tpu.memory_space<hbm>> -> memref<64x768xf32, #tpu.memory_space<hbm>>
    tpu.wait_dma2 semaphore(%arg13 : memref<!tpu.dma_semaphore, #tpu.memory_space<semaphore_mem>>) src(%arg9 : memref<64x768xf32, #tpu.memory_space<vmem>>) dst(%dma_wait3A_125 : memref<64x768xf32, #tpu.memory_space<hbm>>)
    return
  }
}

#map = affine_map<(d0, d1) -> (0, 0)>
#map1 = affine_map<(d0, d1) -> (0, 0, 0)>
module attributes {stable_mosaic.version = 14 : i64} {
  func.func @sc_scatter(%arg0: i32, %arg1: i32, %arg2: memref<8192x768xf32, #tpu.memory_space<hbm>>, %arg3: memref<32x4x64xi32, #tpu.memory_space<hbm>>, %arg4: memref<24576x768xf32, #tpu.memory_space<hbm>>, %arg5: memref<4x64xi32, #tpu.memory_space<vmem>>, %arg6: memref<64x768xf32, #tpu.memory_space<vmem>>, %arg7: memref<64x768xf32, #tpu.memory_space<vmem>>, %arg8: memref<!tpu.dma_semaphore, #tpu.memory_space<semaphore_mem>>, %arg9: memref<!tpu.dma_semaphore, #tpu.memory_space<semaphore_mem>>, %arg10: memref<!tpu.dma_semaphore, #tpu.memory_space<semaphore_mem>>, %arg11: memref<!tpu.dma_semaphore, #tpu.memory_space<semaphore_mem>>) attributes {dimension_semantics = [#tpu.dimension_semantics<core_parallel>, #tpu.dimension_semantics<subcore_parallel>], iteration_bounds = array<i64: 2, 16>, scalar_prefetch = 0 : i64, scratch_operands = 7 : i64, tpu.core_type = #tpu.core_type<sc_vector_subcore>, window_params = [{transform_indices = #map}, {transform_indices = #map1}, {transform_indices = #map}]} {
    %mul3A = arith.constant 2 : i32
    %mul3A_0 = arith.muli %arg1, %mul3A : i32
    %add3A = arith.addi %mul3A_0, %arg0 : i32
    "tpu.region"() ({
      %run_scoped3A = tpu.sem_alloc : memref<!tpu.dma_semaphore, #tpu.memory_space<semaphore_mem>>
      %dma_start3A_103 = arith.constant 0 : i32
      %dma_start3A_104 = arith.constant 0 : i32
      %dma_start3A_105 = tpu.memref_slice %arg3[%add3A, %dma_start3A_103, %dma_start3A_104] : memref<32x4x64xi32, #tpu.memory_space<hbm>> -> memref<1x4x64xi32, #tpu.memory_space<hbm>>
      %dma_start3A_106 = tpu.memref_squeeze %dma_start3A_105 : memref<1x4x64xi32, #tpu.memory_space<hbm>> -> memref<4x64xi32, #tpu.memory_space<hbm>>
      %dma_start3A_107 = arith.constant 0 : i32
      %dma_start3A_108 = arith.constant 0 : i32
      %dma_start3A_109 = tpu.memref_slice %arg3[%add3A, %dma_start3A_107, %dma_start3A_108] : memref<32x4x64xi32, #tpu.memory_space<hbm>> -> memref<1x4x64xi32, #tpu.memory_space<hbm>>
      %dma_start3A_110 = tpu.memref_squeeze %dma_start3A_109 : memref<1x4x64xi32, #tpu.memory_space<hbm>> -> memref<4x64xi32, #tpu.memory_space<hbm>>
      tpu.enqueue_dma source(%dma_start3A_110 : memref<4x64xi32, #tpu.memory_space<hbm>>) target(%arg5 : memref<4x64xi32, #tpu.memory_space<vmem>>) target_semaphore(%run_scoped3A : memref<!tpu.dma_semaphore, #tpu.memory_space<semaphore_mem>>)
      %dma_wait3A_111 = arith.constant 0 : i32
      %dma_wait3A_112 = arith.constant 0 : i32
      %dma_wait3A_113 = tpu.memref_slice %arg3[%add3A, %dma_wait3A_111, %dma_wait3A_112] : memref<32x4x64xi32, #tpu.memory_space<hbm>> -> memref<1x4x64xi32, #tpu.memory_space<hbm>>
      %dma_wait3A_114 = tpu.memref_squeeze %dma_wait3A_113 : memref<1x4x64xi32, #tpu.memory_space<hbm>> -> memref<4x64xi32, #tpu.memory_space<hbm>>
      %dma_wait3A_115 = arith.constant 0 : i32
      %dma_wait3A_116 = arith.constant 0 : i32
      %dma_wait3A_117 = tpu.memref_slice %arg3[%add3A, %dma_wait3A_115, %dma_wait3A_116] : memref<32x4x64xi32, #tpu.memory_space<hbm>> -> memref<1x4x64xi32, #tpu.memory_space<hbm>>
      %dma_wait3A_118 = tpu.memref_squeeze %dma_wait3A_117 : memref<1x4x64xi32, #tpu.memory_space<hbm>> -> memref<4x64xi32, #tpu.memory_space<hbm>>
      tpu.wait_dma2 semaphore(%run_scoped3A : memref<!tpu.dma_semaphore, #tpu.memory_space<semaphore_mem>>) src(%dma_wait3A_118 : memref<4x64xi32, #tpu.memory_space<hbm>>) dst(%arg5 : memref<4x64xi32, #tpu.memory_space<vmem>>)
      tpu.yield
    }) : () -> ()
    %mul3A_1 = arith.constant 256 : i32
    %mul3A_2 = arith.muli %add3A, %mul3A_1 : i32
    %add3A_3 = arith.constant 0 : i32
    %add3A_4 = arith.addi %mul3A_2, %add3A_3 : i32
    %dma_start3A = arith.constant 0 : i32
    %dma_start3A_5 = tpu.memref_slice %arg2[%add3A_4, %dma_start3A] : memref<8192x768xf32, #tpu.memory_space<hbm>> -> memref<64x768xf32, #tpu.memory_space<hbm>>
    %dma_start3A_6 = arith.constant 0 : i32
    %dma_start3A_7 = tpu.memref_slice %arg2[%add3A_4, %dma_start3A_6] : memref<8192x768xf32, #tpu.memory_space<hbm>> -> memref<64x768xf32, #tpu.memory_space<hbm>>
    tpu.enqueue_dma source(%dma_start3A_7 : memref<64x768xf32, #tpu.memory_space<hbm>>) target(%arg6 : memref<64x768xf32, #tpu.memory_space<vmem>>) target_semaphore(%arg8 : memref<!tpu.dma_semaphore, #tpu.memory_space<semaphore_mem>>)
    %dma_wait3A = arith.constant 0 : i32
    %dma_wait3A_8 = tpu.memref_slice %arg2[%add3A_4, %dma_wait3A] : memref<8192x768xf32, #tpu.memory_space<hbm>> -> memref<64x768xf32, #tpu.memory_space<hbm>>
    %dma_wait3A_9 = arith.constant 0 : i32
    %dma_wait3A_10 = tpu.memref_slice %arg2[%add3A_4, %dma_wait3A_9] : memref<8192x768xf32, #tpu.memory_space<hbm>> -> memref<64x768xf32, #tpu.memory_space<hbm>>
    tpu.wait_dma2 semaphore(%arg8 : memref<!tpu.dma_semaphore, #tpu.memory_space<semaphore_mem>>) src(%dma_wait3A_10 : memref<64x768xf32, #tpu.memory_space<hbm>>) dst(%arg6 : memref<64x768xf32, #tpu.memory_space<vmem>>)
    %mul3A_11 = arith.constant 256 : i32
    %mul3A_12 = arith.muli %add3A, %mul3A_11 : i32
    %add3A_13 = arith.constant 64 : i32
    %add3A_14 = arith.addi %mul3A_12, %add3A_13 : i32
    %dma_start3A_15 = arith.constant 0 : i32
    %dma_start3A_16 = tpu.memref_slice %arg2[%add3A_14, %dma_start3A_15] : memref<8192x768xf32, #tpu.memory_space<hbm>> -> memref<64x768xf32, #tpu.memory_space<hbm>>
    %dma_start3A_17 = arith.constant 0 : i32
    %dma_start3A_18 = tpu.memref_slice %arg2[%add3A_14, %dma_start3A_17] : memref<8192x768xf32, #tpu.memory_space<hbm>> -> memref<64x768xf32, #tpu.memory_space<hbm>>
    tpu.enqueue_dma source(%dma_start3A_18 : memref<64x768xf32, #tpu.memory_space<hbm>>) target(%arg7 : memref<64x768xf32, #tpu.memory_space<vmem>>) target_semaphore(%arg9 : memref<!tpu.dma_semaphore, #tpu.memory_space<semaphore_mem>>)
    %dma_start3A_19 = arith.constant 0 : i32
    %dma_start3A_20 = arith.constant 0 : i32
    %dma_start3A_21 = tpu.memref_slice %arg5[%dma_start3A_19, %dma_start3A_20] : memref<4x64xi32, #tpu.memory_space<vmem>> -> memref<1x64xi32, #tpu.memory_space<vmem>>
    %dma_start3A_22 = tpu.memref_squeeze %dma_start3A_21 : memref<1x64xi32, #tpu.memory_space<vmem>> -> memref<64xi32, #tpu.memory_space<vmem>>
    %dma_start3A_23 = arith.constant 0 : i32
    %dma_start3A_24 = arith.constant 0 : i32
    %dma_start3A_25 = tpu.memref_slice %arg4[%dma_start3A_23, %dma_start3A_24] : memref<24576x768xf32, #tpu.memory_space<hbm>> -> memref<24576x768xf32, #tpu.memory_space<hbm>>
    tpu.enqueue_indirect_dma source(%arg6 : memref<64x768xf32, #tpu.memory_space<vmem>>) target(%dma_start3A_25 : memref<24576x768xf32, #tpu.memory_space<hbm>>) offsets(%dma_start3A_22 : memref<64xi32, #tpu.memory_space<vmem>>) semaphore(%arg10 : memref<!tpu.dma_semaphore, #tpu.memory_space<semaphore_mem>>)
    %dma_wait3A_26 = arith.constant 0 : i32
    %dma_wait3A_27 = tpu.memref_slice %arg2[%add3A_14, %dma_wait3A_26] : memref<8192x768xf32, #tpu.memory_space<hbm>> -> memref<64x768xf32, #tpu.memory_space<hbm>>
    %dma_wait3A_28 = arith.constant 0 : i32
    %dma_wait3A_29 = tpu.memref_slice %arg2[%add3A_14, %dma_wait3A_28] : memref<8192x768xf32, #tpu.memory_space<hbm>> -> memref<64x768xf32, #tpu.memory_space<hbm>>
    tpu.wait_dma2 semaphore(%arg9 : memref<!tpu.dma_semaphore, #tpu.memory_space<semaphore_mem>>) src(%dma_wait3A_29 : memref<64x768xf32, #tpu.memory_space<hbm>>) dst(%arg7 : memref<64x768xf32, #tpu.memory_space<vmem>>)
    %dma_wait3A_30 = arith.constant 0 : i32
    %dma_wait3A_31 = arith.constant 0 : i32
    %dma_wait3A_32 = tpu.memref_slice %arg5[%dma_wait3A_30, %dma_wait3A_31] : memref<4x64xi32, #tpu.memory_space<vmem>> -> memref<1x64xi32, #tpu.memory_space<vmem>>
    %dma_wait3A_33 = tpu.memref_squeeze %dma_wait3A_32 : memref<1x64xi32, #tpu.memory_space<vmem>> -> memref<64xi32, #tpu.memory_space<vmem>>
    %dma_wait3A_34 = arith.constant 0 : i32
    %dma_wait3A_35 = arith.constant 0 : i32
    %dma_wait3A_36 = tpu.memref_slice %arg4[%dma_wait3A_34, %dma_wait3A_35] : memref<24576x768xf32, #tpu.memory_space<hbm>> -> memref<24576x768xf32, #tpu.memory_space<hbm>>
    tpu.wait_indirect_dma semaphore(%arg10 : memref<!tpu.dma_semaphore, #tpu.memory_space<semaphore_mem>>) src(%arg6 : memref<64x768xf32, #tpu.memory_space<vmem>>) dst(%dma_wait3A_36 : memref<24576x768xf32, #tpu.memory_space<hbm>>)
    %mul3A_37 = arith.constant 256 : i32
    %mul3A_38 = arith.muli %add3A, %mul3A_37 : i32
    %add3A_39 = arith.constant 128 : i32
    %add3A_40 = arith.addi %mul3A_38, %add3A_39 : i32
    %dma_start3A_41 = arith.constant 0 : i32
    %dma_start3A_42 = tpu.memref_slice %arg2[%add3A_40, %dma_start3A_41] : memref<8192x768xf32, #tpu.memory_space<hbm>> -> memref<64x768xf32, #tpu.memory_space<hbm>>
    %dma_start3A_43 = arith.constant 0 : i32
    %dma_start3A_44 = tpu.memref_slice %arg2[%add3A_40, %dma_start3A_43] : memref<8192x768xf32, #tpu.memory_space<hbm>> -> memref<64x768xf32, #tpu.memory_space<hbm>>
    tpu.enqueue_dma source(%dma_start3A_44 : memref<64x768xf32, #tpu.memory_space<hbm>>) target(%arg6 : memref<64x768xf32, #tpu.memory_space<vmem>>) target_semaphore(%arg8 : memref<!tpu.dma_semaphore, #tpu.memory_space<semaphore_mem>>)
    %dma_start3A_45 = arith.constant 1 : i32
    %dma_start3A_46 = arith.constant 0 : i32
    %dma_start3A_47 = tpu.memref_slice %arg5[%dma_start3A_45, %dma_start3A_46] : memref<4x64xi32, #tpu.memory_space<vmem>> -> memref<1x64xi32, #tpu.memory_space<vmem>>
    %dma_start3A_48 = tpu.memref_squeeze %dma_start3A_47 : memref<1x64xi32, #tpu.memory_space<vmem>> -> memref<64xi32, #tpu.memory_space<vmem>>
    %dma_start3A_49 = arith.constant 0 : i32
    %dma_start3A_50 = arith.constant 0 : i32
    %dma_start3A_51 = tpu.memref_slice %arg4[%dma_start3A_49, %dma_start3A_50] : memref<24576x768xf32, #tpu.memory_space<hbm>> -> memref<24576x768xf32, #tpu.memory_space<hbm>>
    tpu.enqueue_indirect_dma source(%arg7 : memref<64x768xf32, #tpu.memory_space<vmem>>) target(%dma_start3A_51 : memref<24576x768xf32, #tpu.memory_space<hbm>>) offsets(%dma_start3A_48 : memref<64xi32, #tpu.memory_space<vmem>>) semaphore(%arg11 : memref<!tpu.dma_semaphore, #tpu.memory_space<semaphore_mem>>)
    %dma_wait3A_52 = arith.constant 0 : i32
    %dma_wait3A_53 = tpu.memref_slice %arg2[%add3A_40, %dma_wait3A_52] : memref<8192x768xf32, #tpu.memory_space<hbm>> -> memref<64x768xf32, #tpu.memory_space<hbm>>
    %dma_wait3A_54 = arith.constant 0 : i32
    %dma_wait3A_55 = tpu.memref_slice %arg2[%add3A_40, %dma_wait3A_54] : memref<8192x768xf32, #tpu.memory_space<hbm>> -> memref<64x768xf32, #tpu.memory_space<hbm>>
    tpu.wait_dma2 semaphore(%arg8 : memref<!tpu.dma_semaphore, #tpu.memory_space<semaphore_mem>>) src(%dma_wait3A_55 : memref<64x768xf32, #tpu.memory_space<hbm>>) dst(%arg6 : memref<64x768xf32, #tpu.memory_space<vmem>>)
    %dma_wait3A_56 = arith.constant 1 : i32
    %dma_wait3A_57 = arith.constant 0 : i32
    %dma_wait3A_58 = tpu.memref_slice %arg5[%dma_wait3A_56, %dma_wait3A_57] : memref<4x64xi32, #tpu.memory_space<vmem>> -> memref<1x64xi32, #tpu.memory_space<vmem>>
    %dma_wait3A_59 = tpu.memref_squeeze %dma_wait3A_58 : memref<1x64xi32, #tpu.memory_space<vmem>> -> memref<64xi32, #tpu.memory_space<vmem>>
    %dma_wait3A_60 = arith.constant 0 : i32
    %dma_wait3A_61 = arith.constant 0 : i32
    %dma_wait3A_62 = tpu.memref_slice %arg4[%dma_wait3A_60, %dma_wait3A_61] : memref<24576x768xf32, #tpu.memory_space<hbm>> -> memref<24576x768xf32, #tpu.memory_space<hbm>>
    tpu.wait_indirect_dma semaphore(%arg11 : memref<!tpu.dma_semaphore, #tpu.memory_space<semaphore_mem>>) src(%arg7 : memref<64x768xf32, #tpu.memory_space<vmem>>) dst(%dma_wait3A_62 : memref<24576x768xf32, #tpu.memory_space<hbm>>)
    %mul3A_63 = arith.constant 256 : i32
    %mul3A_64 = arith.muli %add3A, %mul3A_63 : i32
    %add3A_65 = arith.constant 192 : i32
    %add3A_66 = arith.addi %mul3A_64, %add3A_65 : i32
    %dma_start3A_67 = arith.constant 0 : i32
    %dma_start3A_68 = tpu.memref_slice %arg2[%add3A_66, %dma_start3A_67] : memref<8192x768xf32, #tpu.memory_space<hbm>> -> memref<64x768xf32, #tpu.memory_space<hbm>>
    %dma_start3A_69 = arith.constant 0 : i32
    %dma_start3A_70 = tpu.memref_slice %arg2[%add3A_66, %dma_start3A_69] : memref<8192x768xf32, #tpu.memory_space<hbm>> -> memref<64x768xf32, #tpu.memory_space<hbm>>
    tpu.enqueue_dma source(%dma_start3A_70 : memref<64x768xf32, #tpu.memory_space<hbm>>) target(%arg7 : memref<64x768xf32, #tpu.memory_space<vmem>>) target_semaphore(%arg9 : memref<!tpu.dma_semaphore, #tpu.memory_space<semaphore_mem>>)
    %dma_start3A_71 = arith.constant 2 : i32
    %dma_start3A_72 = arith.constant 0 : i32
    %dma_start3A_73 = tpu.memref_slice %arg5[%dma_start3A_71, %dma_start3A_72] : memref<4x64xi32, #tpu.memory_space<vmem>> -> memref<1x64xi32, #tpu.memory_space<vmem>>
    %dma_start3A_74 = tpu.memref_squeeze %dma_start3A_73 : memref<1x64xi32, #tpu.memory_space<vmem>> -> memref<64xi32, #tpu.memory_space<vmem>>
    %dma_start3A_75 = arith.constant 0 : i32
    %dma_start3A_76 = arith.constant 0 : i32
    %dma_start3A_77 = tpu.memref_slice %arg4[%dma_start3A_75, %dma_start3A_76] : memref<24576x768xf32, #tpu.memory_space<hbm>> -> memref<24576x768xf32, #tpu.memory_space<hbm>>
    tpu.enqueue_indirect_dma source(%arg6 : memref<64x768xf32, #tpu.memory_space<vmem>>) target(%dma_start3A_77 : memref<24576x768xf32, #tpu.memory_space<hbm>>) offsets(%dma_start3A_74 : memref<64xi32, #tpu.memory_space<vmem>>) semaphore(%arg10 : memref<!tpu.dma_semaphore, #tpu.memory_space<semaphore_mem>>)
    %dma_wait3A_78 = arith.constant 0 : i32
    %dma_wait3A_79 = tpu.memref_slice %arg2[%add3A_66, %dma_wait3A_78] : memref<8192x768xf32, #tpu.memory_space<hbm>> -> memref<64x768xf32, #tpu.memory_space<hbm>>
    %dma_wait3A_80 = arith.constant 0 : i32
    %dma_wait3A_81 = tpu.memref_slice %arg2[%add3A_66, %dma_wait3A_80] : memref<8192x768xf32, #tpu.memory_space<hbm>> -> memref<64x768xf32, #tpu.memory_space<hbm>>
    tpu.wait_dma2 semaphore(%arg9 : memref<!tpu.dma_semaphore, #tpu.memory_space<semaphore_mem>>) src(%dma_wait3A_81 : memref<64x768xf32, #tpu.memory_space<hbm>>) dst(%arg7 : memref<64x768xf32, #tpu.memory_space<vmem>>)
    %dma_start3A_82 = arith.constant 3 : i32
    %dma_start3A_83 = arith.constant 0 : i32
    %dma_start3A_84 = tpu.memref_slice %arg5[%dma_start3A_82, %dma_start3A_83] : memref<4x64xi32, #tpu.memory_space<vmem>> -> memref<1x64xi32, #tpu.memory_space<vmem>>
    %dma_start3A_85 = tpu.memref_squeeze %dma_start3A_84 : memref<1x64xi32, #tpu.memory_space<vmem>> -> memref<64xi32, #tpu.memory_space<vmem>>
    %dma_start3A_86 = arith.constant 0 : i32
    %dma_start3A_87 = arith.constant 0 : i32
    %dma_start3A_88 = tpu.memref_slice %arg4[%dma_start3A_86, %dma_start3A_87] : memref<24576x768xf32, #tpu.memory_space<hbm>> -> memref<24576x768xf32, #tpu.memory_space<hbm>>
    tpu.enqueue_indirect_dma source(%arg7 : memref<64x768xf32, #tpu.memory_space<vmem>>) target(%dma_start3A_88 : memref<24576x768xf32, #tpu.memory_space<hbm>>) offsets(%dma_start3A_85 : memref<64xi32, #tpu.memory_space<vmem>>) semaphore(%arg11 : memref<!tpu.dma_semaphore, #tpu.memory_space<semaphore_mem>>)
    %dma_wait3A_89 = arith.constant 2 : i32
    %dma_wait3A_90 = arith.constant 0 : i32
    %dma_wait3A_91 = tpu.memref_slice %arg5[%dma_wait3A_89, %dma_wait3A_90] : memref<4x64xi32, #tpu.memory_space<vmem>> -> memref<1x64xi32, #tpu.memory_space<vmem>>
    %dma_wait3A_92 = tpu.memref_squeeze %dma_wait3A_91 : memref<1x64xi32, #tpu.memory_space<vmem>> -> memref<64xi32, #tpu.memory_space<vmem>>
    %dma_wait3A_93 = arith.constant 0 : i32
    %dma_wait3A_94 = arith.constant 0 : i32
    %dma_wait3A_95 = tpu.memref_slice %arg4[%dma_wait3A_93, %dma_wait3A_94] : memref<24576x768xf32, #tpu.memory_space<hbm>> -> memref<24576x768xf32, #tpu.memory_space<hbm>>
    tpu.wait_indirect_dma semaphore(%arg10 : memref<!tpu.dma_semaphore, #tpu.memory_space<semaphore_mem>>) src(%arg6 : memref<64x768xf32, #tpu.memory_space<vmem>>) dst(%dma_wait3A_95 : memref<24576x768xf32, #tpu.memory_space<hbm>>)
    %dma_wait3A_96 = arith.constant 3 : i32
    %dma_wait3A_97 = arith.constant 0 : i32
    %dma_wait3A_98 = tpu.memref_slice %arg5[%dma_wait3A_96, %dma_wait3A_97] : memref<4x64xi32, #tpu.memory_space<vmem>> -> memref<1x64xi32, #tpu.memory_space<vmem>>
    %dma_wait3A_99 = tpu.memref_squeeze %dma_wait3A_98 : memref<1x64xi32, #tpu.memory_space<vmem>> -> memref<64xi32, #tpu.memory_space<vmem>>
    %dma_wait3A_100 = arith.constant 0 : i32
    %dma_wait3A_101 = arith.constant 0 : i32
    %dma_wait3A_102 = tpu.memref_slice %arg4[%dma_wait3A_100, %dma_wait3A_101] : memref<24576x768xf32, #tpu.memory_space<hbm>> -> memref<24576x768xf32, #tpu.memory_space<hbm>>
    tpu.wait_indirect_dma semaphore(%arg11 : memref<!tpu.dma_semaphore, #tpu.memory_space<semaphore_mem>>) src(%arg7 : memref<64x768xf32, #tpu.memory_space<vmem>>) dst(%dma_wait3A_102 : memref<24576x768xf32, #tpu.memory_space<hbm>>)
    return
  }
}

module attributes {stable_mosaic.version = 14 : i64} {
  func.func @_router_kernel(%arg0: i32, %arg1: memref<512x768xf32, #tpu.memory_space<vmem>>, %arg2: memref<768x64xf32, #tpu.memory_space<vmem>>, %arg3: memref<512x64xf32, #tpu.memory_space<vmem>>, %arg4: memref<1x1x512xi32, #tpu.memory_space<vmem>>, %arg5: memref<1x1x512xf32, #tpu.memory_space<vmem>>, %arg6: memref<1x1x512xi32, #tpu.memory_space<vmem>>, %arg7: memref<1x64xf32, #tpu.memory_space<vmem>>) attributes {dimension_semantics = [#tpu.dimension_semantics<arbitrary>], iteration_bounds = array<i64: 16>, scalar_prefetch = 0 : i64, scratch_operands = 1 : i64, tpu.core_type = #tpu.core_type<tc>, window_params = [{transform_indices = @transform_0, window_bounds = array<i64: 512, 768>}, {pipeline_mode = #tpu.pipeline_mode<synchronous>, transform_indices = @transform_1, window_bounds = array<i64: 768, 64>}, {transform_indices = @transform_2, window_bounds = array<i64: 512, 64>}, {transform_indices = @transform_3, window_bounds = array<i64: 1, 1, 512>}, {transform_indices = @transform_4, window_bounds = array<i64: 1, 1, 512>}, {transform_indices = @transform_5, window_bounds = array<i64: 1, 1, 512>}]} {
    %eq3A = arith.constant 0 : i32
    %eq3A_0 = arith.cmpi eq, %arg0, %eq3A : i32
    %convert_element_type3A = arith.extui %eq3A_0 : i1 to i32
    %cond3A = arith.constant 0 : i32
    %cond3A_1 = arith.cmpi ne, %convert_element_type3A, %cond3A : i32
    scf.if %cond3A_1 {
      %broadcast_in_dim3A_79 = arith.constant 0.000000e+00 : f32
      %broadcast_in_dim3A_80 = vector.broadcast %broadcast_in_dim3A_79 : f32 to vector<1x64xf32>
      %swap3A_81 = arith.constant 0 : index
      %swap3A_82 = arith.constant 0 : index
      %swap3A_83 = vector.load %arg7[%swap3A_81, %swap3A_82] : memref<1x64xf32, #tpu.memory_space<vmem>>, vector<1x64xf32>
      tpu.vector_store %arg7[%swap3A_81, %swap3A_82], %broadcast_in_dim3A_80 {strides = array<i32>} : memref<1x64xf32, #tpu.memory_space<vmem>>, vector<1x64xf32>,
    } else {
    }
    %get3A = arith.constant 0 : index
    %get3A_2 = arith.constant 0 : index
    %get3A_3 = vector.load %arg1[%get3A, %get3A_2] : memref<512x768xf32, #tpu.memory_space<vmem>>, vector<512x768xf32>
    %get3A_4 = arith.constant 0 : index
    %get3A_5 = arith.constant 0 : index
    %get3A_6 = vector.load %arg2[%get3A_4, %get3A_5] : memref<768x64xf32, #tpu.memory_space<vmem>>, vector<768x64xf32>
    %dot_general3A = arith.constant dense<0.000000e+00> : vector<512x64xf32>
    %dot_general3A_7 = tpu.matmul %get3A_3, %get3A_6, %dot_general3A {dimension_numbers = #tpu.dot_dimension_numbers<[1], [0], [0], [1], [0, 0, 1, 1], [], []>, transpose_lhs_hint = false} : vector<512x768xf32>, vector<768x64xf32>, vector<512x64xf32> -> vector<512x64xf32>
    %swap3A = arith.constant 0 : index
    %swap3A_8 = arith.constant 0 : index
    %swap3A_9 = vector.load %arg3[%swap3A, %swap3A_8] : memref<512x64xf32, #tpu.memory_space<vmem>>, vector<512x64xf32>
    tpu.vector_store %arg3[%swap3A, %swap3A_8], %dot_general3A_7 {strides = array<i32>} : memref<512x64xf32, #tpu.memory_space<vmem>>, vector<512x64xf32>,
    %reduce_max3A = arith.constant dense<0xFF800000> : vector<512xf32>
    %reduce_max3A_10 = vector.multi_reduction <maximumf>, %dot_general3A_7, %reduce_max3A [1] : vector<512x64xf32> to vector<512xf32>
    %broadcast_in_dim3A = vector.shape_cast %reduce_max3A_10 : vector<512xf32> to vector<512x1xf32>
    %sub3A = vector.broadcast %broadcast_in_dim3A : vector<512x1xf32> to vector<512x64xf32>
    %sub3A_11 = arith.subf %dot_general3A_7, %sub3A : vector<512x64xf32>
    %exp3A = math.exp %sub3A_11 : vector<512x64xf32>
    %reduce_sum3A = arith.constant dense<0.000000e+00> : vector<512xf32>
    %reduce_sum3A_12 = vector.multi_reduction <add>, %exp3A, %reduce_sum3A [1] : vector<512x64xf32> to vector<512xf32>
    %broadcast_in_dim3A_13 = vector.shape_cast %reduce_sum3A_12 : vector<512xf32> to vector<512x1xf32>
    %div3A = vector.broadcast %broadcast_in_dim3A_13 : vector<512x1xf32> to vector<512x64xf32>
    %div3A_14 = arith.divf %exp3A, %div3A : vector<512x64xf32>
    %argmax3A = tpu.reduce_index %div3A_14 {axis = 1 : i32, kind = #tpu.reduction_kind<arg_max>} : vector<512x64xf32> -> vector<512xi32>
    %reduce_max3A_15 = arith.constant dense<0xFF800000> : vector<512xf32>
    %reduce_max3A_16 = vector.multi_reduction <maximumf>, %div3A_14, %reduce_max3A_15 [1] : vector<512x64xf32> to vector<512xf32>
    %iota3A = tpu.iota {dimensions = array<i32: 1>} : vector<512x64xi32>
    %broadcast_in_dim3A_17 = vector.shape_cast %argmax3A : vector<512xi32> to vector<512x1xi32>
    %eq3A_18 = vector.broadcast %broadcast_in_dim3A_17 : vector<512x1xi32> to vector<512x64xi32>
    %eq3A_19 = arith.cmpi eq, %iota3A, %eq3A_18 : vector<512x64xi32>
    %convert_element_type3A_20 = arith.extui %eq3A_19 : vector<512x64xi1> to vector<512x64xi32>
    %convert_element_type3A_21 = arith.sitofp %convert_element_type3A_20 : vector<512x64xi32> to vector<512x64xf32>
    %iota3A_22 = tpu.iota {dimensions = array<i32: 0>} : vector<512x512xi32>
    %iota3A_23 = tpu.iota {dimensions = array<i32: 1>} : vector<512x512xi32>
    %ge3A = arith.cmpi sge, %iota3A_22, %iota3A_23 : vector<512x512xi32>
    %convert_element_type3A_24 = arith.extui %ge3A : vector<512x512xi1> to vector<512x512xi32>
    %convert_element_type3A_25 = arith.sitofp %convert_element_type3A_24 : vector<512x512xi32> to vector<512x512xf32>
    %dot_general3A_26 = arith.constant dense<0.000000e+00> : vector<512x64xf32>
    %dot_general3A_27 = tpu.matmul %convert_element_type3A_25, %convert_element_type3A_21, %dot_general3A_26 {dimension_numbers = #tpu.dot_dimension_numbers<[1], [0], [0], [1], [0, 0, 1, 1], [], []>, transpose_lhs_hint = false} : vector<512x512xf32>, vector<512x64xf32>, vector<512x64xf32> -> vector<512x64xf32>
    %get3A_28 = arith.constant 0 : index
    %get3A_29 = arith.constant 0 : index
    %get3A_30 = vector.load %arg7[%get3A_28, %get3A_29] : memref<1x64xf32, #tpu.memory_space<vmem>>, vector<1x64xf32>
    %get3A_31 = vector.shape_cast %get3A_30 : vector<1x64xf32> to vector<64xf32>
    %broadcast_in_dim3A_32 = vector.shape_cast %get3A_31 : vector<64xf32> to vector<1x64xf32>
    %add3A = vector.broadcast %broadcast_in_dim3A_32 : vector<1x64xf32> to vector<512x64xf32>
    %add3A_33 = arith.addf %dot_general3A_27, %add3A : vector<512x64xf32>
    %mul3A = arith.mulf %convert_element_type3A_21, %add3A_33 : vector<512x64xf32>
    %reduce_sum3A_34 = arith.constant dense<0.000000e+00> : vector<512xf32>
    %reduce_sum3A_35 = vector.multi_reduction <add>, %mul3A, %reduce_sum3A_34 [1] : vector<512x64xf32> to vector<512xf32>
    %sub3A_36 = arith.constant 1.000000e+00 : f32
    %sub3A_37 = vector.broadcast %sub3A_36 : f32 to vector<512xf32>
    %sub3A_38 = arith.subf %reduce_sum3A_35, %sub3A_37 : vector<512xf32>
    %slice3A = vector.extract_strided_slice %dot_general3A_27 {offsets = [511, 0], sizes = [1, 64], strides = [1, 1]} : vector<512x64xf32> to vector<1x64xf32>
    %squeeze3A = vector.shape_cast %slice3A : vector<1x64xf32> to vector<64xf32>
    %add3A_39 = arith.addf %get3A_31, %squeeze3A : vector<64xf32>
    %swap3A_40 = arith.constant 0 : index
    %swap3A_41 = arith.constant 0 : index
    %swap3A_42 = vector.load %arg7[%swap3A_40, %swap3A_41] : memref<1x64xf32, #tpu.memory_space<vmem>>, vector<1x64xf32>
    %swap3A_43 = vector.shape_cast %swap3A_42 : vector<1x64xf32> to vector<64xf32>
    %swap3A_44 = vector.shape_cast %add3A_39 : vector<64xf32> to vector<1x64xf32>
    tpu.vector_store %arg7[%swap3A_40, %swap3A_41], %swap3A_44 {strides = array<i32>} : memref<1x64xf32, #tpu.memory_space<vmem>>, vector<1x64xf32>,
    %convert_element_type3A_45 = arith.fptosi %sub3A_38 : vector<512xf32> to vector<512xi32>
    %lt3A = arith.constant 256 : i32
    %lt3A_46 = vector.broadcast %lt3A : i32 to vector<512xi32>
    %lt3A_47 = arith.cmpi slt, %convert_element_type3A_45, %lt3A_46 : vector<512xi32>
    %mul3A_48 = arith.constant 512 : i32
    %mul3A_49 = arith.muli %arg0, %mul3A_48 : i32
    %iota3A_50 = tpu.iota {dimensions = array<i32: 1>} : vector<1x512xi32>
    %iota3A_51 = vector.shape_cast %iota3A_50 : vector<1x512xi32> to vector<512xi32>
    %add3A_52 = vector.broadcast %mul3A_49 : i32 to vector<512xi32>
    %add3A_53 = arith.addi %add3A_52, %iota3A_51 : vector<512xi32>
    %mul3A_54 = arith.constant 256 : i32
    %mul3A_55 = vector.broadcast %mul3A_54 : i32 to vector<512xi32>
    %mul3A_56 = arith.muli %argmax3A, %mul3A_55 : vector<512xi32>
    %add3A_57 = arith.addi %mul3A_56, %convert_element_type3A_45 : vector<512xi32>
    %add3A_58 = arith.constant 16384 : i32
    %add3A_59 = vector.broadcast %add3A_58 : i32 to vector<512xi32>
    %add3A_60 = arith.addi %add3A_59, %add3A_53 : vector<512xi32>
    %select_n3A = arith.select %lt3A_47, %add3A_57, %add3A_60 : vector<512xi1>, vector<512xi32>
    %swap3A_61 = arith.constant 0 : index
    %swap3A_62 = arith.constant 0 : index
    %swap3A_63 = arith.constant 0 : index
    %swap3A_64 = vector.load %arg4[%swap3A_61, %swap3A_62, %swap3A_63] : memref<1x1x512xi32, #tpu.memory_space<vmem>>, vector<1x1x512xi32>
    %swap3A_65 = vector.shape_cast %swap3A_64 : vector<1x1x512xi32> to vector<512xi32>
    %swap3A_66 = vector.shape_cast %argmax3A : vector<512xi32> to vector<1x1x512xi32>
    tpu.vector_store %arg4[%swap3A_61, %swap3A_62, %swap3A_63], %swap3A_66 {strides = array<i32>} : memref<1x1x512xi32, #tpu.memory_space<vmem>>, vector<1x1x512xi32>,
    %swap3A_67 = arith.constant 0 : index
    %swap3A_68 = arith.constant 0 : index
    %swap3A_69 = arith.constant 0 : index
    %swap3A_70 = vector.load %arg5[%swap3A_67, %swap3A_68, %swap3A_69] : memref<1x1x512xf32, #tpu.memory_space<vmem>>, vector<1x1x512xf32>
    %swap3A_71 = vector.shape_cast %swap3A_70 : vector<1x1x512xf32> to vector<512xf32>
    %swap3A_72 = vector.shape_cast %reduce_max3A_16 : vector<512xf32> to vector<1x1x512xf32>
    tpu.vector_store %arg5[%swap3A_67, %swap3A_68, %swap3A_69], %swap3A_72 {strides = array<i32>} : memref<1x1x512xf32, #tpu.memory_space<vmem>>, vector<1x1x512xf32>,
    %swap3A_73 = arith.constant 0 : index
    %swap3A_74 = arith.constant 0 : index
    %swap3A_75 = arith.constant 0 : index
    %swap3A_76 = vector.load %arg6[%swap3A_73, %swap3A_74, %swap3A_75] : memref<1x1x512xi32, #tpu.memory_space<vmem>>, vector<1x1x512xi32>
    %swap3A_77 = vector.shape_cast %swap3A_76 : vector<1x1x512xi32> to vector<512xi32>
    %swap3A_78 = vector.shape_cast %select_n3A : vector<512xi32> to vector<1x1x512xi32>
    tpu.vector_store %arg6[%swap3A_73, %swap3A_74, %swap3A_75], %swap3A_78 {strides = array<i32>} : memref<1x1x512xi32, #tpu.memory_space<vmem>>, vector<1x1x512xi32>,
    return
  }
  func.func @transform_0(%arg0: i32) -> (i32, i32) {
    %c0_i32 = arith.constant 0 : i32
    %c0_i32_0 = arith.constant 0 : i32
    return %arg0, %c0_i32 : i32, i32
  }
  func.func @transform_1(%arg0: i32) -> (i32, i32) {
    %c0_i32 = arith.constant 0 : i32
    %c0_i32_0 = arith.constant 0 : i32
    %c0_i32_1 = arith.constant 0 : i32
    return %c0_i32, %c0_i32_0 : i32, i32
  }
  func.func @transform_2(%arg0: i32) -> (i32, i32) {
    %c0_i32 = arith.constant 0 : i32
    %c0_i32_0 = arith.constant 0 : i32
    return %arg0, %c0_i32 : i32, i32
  }
  func.func @transform_3(%arg0: i32) -> (i32, i32, i32) {
    %c0_i32 = arith.constant 0 : i32
    %c0_i32_0 = arith.constant 0 : i32
    %c0_i32_1 = arith.constant 0 : i32
    return %arg0, %c0_i32, %c0_i32_0 : i32, i32, i32
  }
  func.func @transform_4(%arg0: i32) -> (i32, i32, i32) {
    %c0_i32 = arith.constant 0 : i32
    %c0_i32_0 = arith.constant 0 : i32
    %c0_i32_1 = arith.constant 0 : i32
    return %arg0, %c0_i32, %c0_i32_0 : i32, i32, i32
  }
  func.func @transform_5(%arg0: i32) -> (i32, i32, i32) {
    %c0_i32 = arith.constant 0 : i32
    %c0_i32_0 = arith.constant 0 : i32
    %c0_i32_1 = arith.constant 0 : i32
    return %arg0, %c0_i32, %c0_i32_0 : i32, i32, i32
  }
}

module attributes {stable_mosaic.version = 14 : i64} {
  func.func @_ffn_kernel(%arg0: i32, %arg1: memref<256x768xf32, #tpu.memory_space<vmem>>, %arg2: memref<1x768x2048xf32, #tpu.memory_space<vmem>>, %arg3: memref<64x1x2048xf32, #tpu.memory_space<vmem>>, %arg4: memref<1x2048x768xf32, #tpu.memory_space<vmem>>, %arg5: memref<64x1x768xf32, #tpu.memory_space<vmem>>, %arg6: memref<256x768xf32, #tpu.memory_space<vmem>>) attributes {dimension_semantics = [#tpu.dimension_semantics<arbitrary>], iteration_bounds = array<i64: 64>, scalar_prefetch = 0 : i64, scratch_operands = 0 : i64, tpu.core_type = #tpu.core_type<tc>, window_params = [{transform_indices = @transform_0, window_bounds = array<i64: 256, 768>}, {transform_indices = @transform_1, window_bounds = array<i64: 1, 768, 2048>}, {pipeline_mode = #tpu.pipeline_mode<synchronous>, transform_indices = @transform_2, window_bounds = array<i64: 64, 1, 2048>}, {transform_indices = @transform_3, window_bounds = array<i64: 1, 2048, 768>}, {pipeline_mode = #tpu.pipeline_mode<synchronous>, transform_indices = @transform_4, window_bounds = array<i64: 64, 1, 768>}, {transform_indices = @transform_5, window_bounds = array<i64: 256, 768>}]} {
    %get3A = arith.constant 0 : index
    %get3A_0 = arith.constant 0 : index
    %get3A_1 = vector.load %arg1[%get3A, %get3A_0] : memref<256x768xf32, #tpu.memory_space<vmem>>, vector<256x768xf32>
    %convert_element_type3A = arith.truncf %get3A_1 : vector<256x768xf32> to vector<256x768xbf16>
    %get3A_2 = arith.constant 0 : index
    %get3A_3 = arith.constant 0 : index
    %get3A_4 = arith.constant 0 : index
    %get3A_5 = vector.load %arg2[%get3A_2, %get3A_3, %get3A_4] : memref<1x768x2048xf32, #tpu.memory_space<vmem>>, vector<1x768x2048xf32>
    %get3A_6 = vector.shape_cast %get3A_5 : vector<1x768x2048xf32> to vector<768x2048xf32>
    %convert_element_type3A_7 = arith.truncf %get3A_6 : vector<768x2048xf32> to vector<768x2048xbf16>
    %dot_general3A = arith.constant dense<0.000000e+00> : vector<256x2048xf32>
    %dot_general3A_8 = tpu.matmul %convert_element_type3A, %convert_element_type3A_7, %dot_general3A {dimension_numbers = #tpu.dot_dimension_numbers<[1], [0], [0], [1], [0, 0, 1, 1], [], []>, transpose_lhs_hint = false} : vector<256x768xbf16>, vector<768x2048xbf16>, vector<256x2048xf32> -> vector<256x2048xf32>
    %get3A_9 = arith.index_cast %arg0 : i32 to index
    %get3A_10 = arith.constant 0 : index
    %get3A_11 = arith.constant 0 : index
    %get3A_12 = vector.load %arg3[%get3A_9, %get3A_10, %get3A_11] : memref<64x1x2048xf32, #tpu.memory_space<vmem>>, vector<1x1x2048xf32>
    %get3A_13 = vector.shape_cast %get3A_12 : vector<1x1x2048xf32> to vector<1x2048xf32>
    %add3A = vector.broadcast %get3A_13 : vector<1x2048xf32> to vector<256x2048xf32>
    %add3A_14 = arith.addf %dot_general3A_8, %add3A : vector<256x2048xf32>
    %max3A = arith.constant 0.000000e+00 : f32
    %max3A_15 = vector.broadcast %max3A : f32 to vector<256x2048xf32>
    %max3A_16 = arith.maximumf %add3A_14, %max3A_15 : vector<256x2048xf32>
    %convert_element_type3A_17 = arith.truncf %max3A_16 : vector<256x2048xf32> to vector<256x2048xbf16>
    %get3A_18 = arith.constant 0 : index
    %get3A_19 = arith.constant 0 : index
    %get3A_20 = arith.constant 0 : index
    %get3A_21 = vector.load %arg4[%get3A_18, %get3A_19, %get3A_20] : memref<1x2048x768xf32, #tpu.memory_space<vmem>>, vector<1x2048x768xf32>
    %get3A_22 = vector.shape_cast %get3A_21 : vector<1x2048x768xf32> to vector<2048x768xf32>
    %convert_element_type3A_23 = arith.truncf %get3A_22 : vector<2048x768xf32> to vector<2048x768xbf16>
    %dot_general3A_24 = arith.constant dense<0.000000e+00> : vector<256x768xf32>
    %dot_general3A_25 = tpu.matmul %convert_element_type3A_17, %convert_element_type3A_23, %dot_general3A_24 {dimension_numbers = #tpu.dot_dimension_numbers<[1], [0], [0], [1], [0, 0, 1, 1], [], []>, transpose_lhs_hint = false} : vector<256x2048xbf16>, vector<2048x768xbf16>, vector<256x768xf32> -> vector<256x768xf32>
    %get3A_26 = arith.index_cast %arg0 : i32 to index
    %get3A_27 = arith.constant 0 : index
    %get3A_28 = arith.constant 0 : index
    %get3A_29 = vector.load %arg5[%get3A_26, %get3A_27, %get3A_28] : memref<64x1x768xf32, #tpu.memory_space<vmem>>, vector<1x1x768xf32>
    %get3A_30 = vector.shape_cast %get3A_29 : vector<1x1x768xf32> to vector<1x768xf32>
    %add3A_31 = vector.broadcast %get3A_30 : vector<1x768xf32> to vector<256x768xf32>
    %add3A_32 = arith.addf %dot_general3A_25, %add3A_31 : vector<256x768xf32>
    %swap3A = arith.constant 0 : index
    %swap3A_33 = arith.constant 0 : index
    %swap3A_34 = vector.load %arg6[%swap3A, %swap3A_33] : memref<256x768xf32, #tpu.memory_space<vmem>>, vector<256x768xf32>
    tpu.vector_store %arg6[%swap3A, %swap3A_33], %add3A_32 {strides = array<i32>} : memref<256x768xf32, #tpu.memory_space<vmem>>, vector<256x768xf32>,
    return
  }
  func.func @transform_0(%arg0: i32) -> (i32, i32) {
    %c0_i32 = arith.constant 0 : i32
    %c0_i32_0 = arith.constant 0 : i32
    return %arg0, %c0_i32 : i32, i32
  }
  func.func @transform_1(%arg0: i32) -> (i32, i32, i32) {
    %c0_i32 = arith.constant 0 : i32
    %c0_i32_0 = arith.constant 0 : i32
    %c0_i32_1 = arith.constant 0 : i32
    return %arg0, %c0_i32, %c0_i32_0 : i32, i32, i32
  }
  func.func @transform_2(%arg0: i32) -> (i32, i32, i32) {
    %c0_i32 = arith.constant 0 : i32
    %c0_i32_0 = arith.constant 0 : i32
    %c0_i32_1 = arith.constant 0 : i32
    %c0_i32_2 = arith.constant 0 : i32
    return %c0_i32, %c0_i32_0, %c0_i32_1 : i32, i32, i32
  }
  func.func @transform_3(%arg0: i32) -> (i32, i32, i32) {
    %c0_i32 = arith.constant 0 : i32
    %c0_i32_0 = arith.constant 0 : i32
    %c0_i32_1 = arith.constant 0 : i32
    return %arg0, %c0_i32, %c0_i32_0 : i32, i32, i32
  }
  func.func @transform_4(%arg0: i32) -> (i32, i32, i32) {
    %c0_i32 = arith.constant 0 : i32
    %c0_i32_0 = arith.constant 0 : i32
    %c0_i32_1 = arith.constant 0 : i32
    %c0_i32_2 = arith.constant 0 : i32
    return %c0_i32, %c0_i32_0, %c0_i32_1 : i32, i32, i32
  }
  func.func @transform_5(%arg0: i32) -> (i32, i32) {
    %c0_i32 = arith.constant 0 : i32
    %c0_i32_0 = arith.constant 0 : i32
    return %arg0, %c0_i32 : i32, i32
  }
}

</mosaic_0001>

<sc_bundles>
// kernel: kernel.6.cloned.1.call-start
scs
__scs_entry_jumppad:
0x0: {  	(pc) =	sbr.rel $0x88, $3  }
0x1: {  	(tag) =	ssettag $0x0;
	lr =	simm.s32 $0x1  }
0x2: {  	[smem:$0x3F9B] =	sst lr;
	_ =	strace $0xD0000000  }
0x3: {  	_ = 	snop  }
0x4: {  	_ = 	snop  }
0x5: {  	_ = 	snop  }
0x6: {  	_ = 	snop  }
0x7: {  	_ = 	snop  }
__scs_overlays_trampoline_lowered:
0x8: {  	[smem:$0x3FAA] =	sst s0  }
0x9: {  	[smem:$0x3FAB] =	sst s1  }
0xa: {  	[smem:$0x3FAC] =	sst s2  }
0xb: {  	[smem:$0x3FAD] =	sst s3  }
0xc: {  	[smem:$0x3FAE] =	sst s4  }
0xd: {  	[smem:$0x3FAF] =	sst s5  }
0xe: {  	[smem:$0x3FB0] =	sst s6  }
0xf: {  	[smem:$0x3FB1] =	sst s7  }
0x10: {  	[smem:$0x3FB2] =	sst s8  }
0x11: {  	[smem:$0x3FB3] =	sst s9;
	s0 =	simm.s32 @!p0 $0x0  }
0x12: {  	s1 =	sld [smem:$0x3F99];
	s0 =	simm.s32 @p0 $0x1  }
0x13: {  	[smem:$0x3FB4] =	sst s0;
	s0 =	simm.s32 @!p1 $0x0  }
0x14: {  	s2 =	sld [smem:$0x3F98];
	s0 =	simm.s32 @p1 $0x1  }
0x15: {  	[smem:$0x3FB5] =	sst s0;
	s0 =	simm.s32 @!p2 $0x0  }
0x16: {  	s3 =	sld [smem:$0x3FDB];
	s0 =	simm.s32 @p2 $0x1  }
0x17: {  	s4 =	simm.s32 $0x1BF5;
	[smem:$0x3FB7] =	sst s0  }
0x18: {  	s0 =	sld [smem:$0x3F9A];
	_ =	swait.ge [sflag:s4], $0x0  }
0x19: {  	s7 =	sld [smem:$0x3F9B]  }
0x1a: {  	s8 =	sadd.s32 $0xFFFFE003, lr  }
0x1b: {  	s9 =	sadd.s32 $0xFFFFFEF7, lr;
	s5 =	simm.s32 $0xFFFFFFFF;
	p2 =	slt.u32 s8, $0xFFFFF086  }
0x1c: {  	p1 =	slt.u32 s9, $0xF7A;
	s5 =	simm.s32 @!p2 $0x0  }
0x1d: {  	s5 =	simm.s32 @p1 $0x1;
	p0 =	seq.s32 s7, s2  }
0x1e: {  	s7 =	smul.u32 @!p0 $0xF7A, s2;
	p2 =	seq.s32 @!p0 s5, $0x0  }
0x1f: {  	s9 =	smul.u32 $0xF7A, s1;
	s8 =	simm.s32 @!p0 $0x1BF5;
	p2 =	por !p2, p0  }
0x20: {  	[sflag:s8] =	ssyncset.s32 @!p0 $0xFFFFF086;
	s6 =	sadd.s32 @!p0 s3, s7;
	s7 =	simm.s32 @!p0 $0x108  }
0x21: {  	s3 =	sadd.s32 s3, s9;
	s6 =	sadd.s32 @!p0 $0x88, s6;
	s7 =	simm.s32 @p2 $0x1082  }
0x22: {  	[simem:s7], [sflag:s8] =	dma.local @!p0 [hbm:s6], $0xF7A  }
0x23: {  	s9 =	sor.u32 $0xD0000000, s2;
	s6 =	simm.s32 $0x108;
	_ =	swait.ge @!p0 [sflag:s8], $0x0  }
0x24: {  	s3 =	sadd.s32 $0x88, s3;
	s6 =	simm.s32 @!p1 $0x1082;
	[sflag:s4] =	ssyncset.s32 $0xFFFFF086  }
0x25: {  	[simem:s6], [sflag:s4] =	dma.local [hbm:s3], $0xF7A  }
0x26: {  	[smem:$0x3F9B] =	sst s1;
	(tag) =	ssettag s2;
	_ =	strace s9  }
0x27: {  	s1 =	sld [smem:$0x3FAB]  }
0x28: {  	s2 =	sld [smem:$0x3FAC]  }
0x29: {  	s4 =	sld [smem:$0x3FAE]  }
0x2a: {  	p0 =	seq.s32 s5, $0x0;
	s5 =	sld [smem:$0x3FAF]  }
0x2b: {  	s6 =	sld [smem:$0x3FB0]  }
0x2c: {  	s7 =	sld [smem:$0x3FB1]  }
0x2d: {  	s3 =	simm.s32 $0x108;
	s8 =	sld [smem:$0x3FB2]  }
0x2e: {  	s3 =	simm.s32 @!p0 $0x1082;
	s9 =	sld [smem:$0x3FB3]  }
0x2f: {  	lr =	sadd.s32 s0, s3;
	s0 =	sld [smem:$0x3FAA]  }
0x30: {  	s3 =	sld [smem:$0x3FAD]  }
0x31: {  	[smem:$0x3FB6] =	sst s10  }
0x32: {  	s10 =	sld [smem:$0x3FB4];
	_ =	sdelay $0x3  }
0x33: {  	p0 =	seq.s32 s10, $0x1;
	s10 =	sld [smem:$0x3FB6];
	_ =	sdelay $0x3  }
0x34: {  	[smem:$0x3FB6] =	sst s10  }
0x35: {  	s10 =	sld [smem:$0x3FB5];
	_ =	sdelay $0x3  }
0x36: {  	p1 =	seq.s32 s10, $0x1;
	s10 =	sld [smem:$0x3FB6];
	_ =	sdelay $0x3  }
0x37: {  	[smem:$0x3FB6] =	sst s10  }
0x38: {  	s10 =	sld [smem:$0x3FB7]  }
0x39: {  	_ = 	snop;
	(pc) =	sbr.ind lr, $3  }
0x3a: {  	_ = 	snop  }
0x3b: {  	_ = 	snop  }
0x3c: {  	p2 =	seq.s32 s10, $0x1;
	s10 =	sld [smem:$0x3FB6]  }
0x3d: {  	_ =	shalt  }
0x3e: {  	_ =	shalt  }
0x3f: {  	_ =	shalt  }
0x40: {  	_ =	shalt  }
0x41: {  	_ =	shalt  }
0x42: {  	_ =	shalt  }
0x43: {  	_ =	shalt  }
0x44: {  	_ =	shalt  }
0x45: {  	_ =	shalt  }
0x46: {  	_ =	shalt  }
0x47: {  	_ =	shalt  }
0x48: {  	_ =	shalt  }
0x49: {  	_ =	shalt  }
0x4a: {  	_ =	shalt  }
0x4b: {  	_ =	shalt  }
0x4c: {  	_ =	shalt  }
0x4d: {  	_ =	shalt  }
0x4e: {  	_ =	shalt  }
0x4f: {  	_ =	shalt  }
0x50: {  	_ =	shalt  }
0x51: {  	_ =	shalt  }
0x52: {  	_ =	shalt  }
0x53: {  	_ =	shalt  }
0x54: {  	_ =	shalt  }
0x55: {  	_ =	shalt  }
0x56: {  	_ =	shalt  }
0x57: {  	_ =	shalt  }
0x58: {  	_ =	shalt  }
0x59: {  	_ =	shalt  }
0x5a: {  	_ =	shalt  }
0x5b: {  	_ =	shalt  }
0x5c: {  	_ =	shalt  }
0x5d: {  	_ =	shalt  }
0x5e: {  	_ =	shalt  }
0x5f: {  	_ =	shalt  }
0x60: {  	_ =	shalt  }
0x61: {  	_ =	shalt  }
0x62: {  	_ =	shalt  }
0x63: {  	_ =	shalt  }
0x64: {  	_ =	shalt  }
0x65: {  	_ =	shalt  }
0x66: {  	_ =	shalt  }
0x67: {  	_ =	shalt  }
0x68: {  	_ =	shalt  }
0x69: {  	_ =	shalt  }
0x6a: {  	_ =	shalt  }
0x6b: {  	_ =	shalt  }
0x6c: {  	_ =	shalt  }
0x6d: {  	_ =	shalt  }
0x6e: {  	_ =	shalt  }
0x6f: {  	_ =	shalt  }
0x70: {  	_ =	shalt  }
0x71: {  	_ =	shalt  }
0x72: {  	_ =	shalt  }
0x73: {  	_ =	shalt  }
0x74: {  	_ =	shalt  }
0x75: {  	_ =	shalt  }
0x76: {  	_ =	shalt  }
0x77: {  	_ =	shalt  }
0x78: {  	_ =	shalt  }
0x79: {  	_ =	shalt  }
0x7a: {  	_ =	shalt  }
0x7b: {  	_ =	shalt  }
0x7c: {  	_ =	shalt  }
0x7d: {  	_ =	shalt  }
0x7e: {  	_ =	shalt  }
0x7f: {  	_ =	shalt  }
0x80: {  	_ =	shalt  }
0x81: {  	_ =	shalt  }
0x82: {  	_ =	shalt  }
0x83: {  	_ =	shalt  }
0x84: {  	_ =	shalt  }
0x85: {  	_ =	shalt  }
0x86: {  	_ =	shalt  }
0x87: {  	_ =	shalt  }
.Lfunc_end0:
.L_simem_size_0:
called_computation_lowered:
.L_overlay_start_0:
0x88: {  	s2 =	sld [smem:$0x3FD9]  }
0x89: {  	s3 =	sld [smem:$0x3FFE];
	_ =	sdelay $0x1  }
0x8a: {  	s1 =	srdreg.scid  }
0x8b: {  	s0 =	sand.u32 $0x1, s1  }
0x8c: {  	s17 =	sshll.u32 s0, $0xA;
	s2 =	sadd.s32 s3, s2  }
0x8d: {  	s2 =	sadd.s32 s2, s17  }
0x8e: {  	[smem:$0x3FC2] =	sst s2  }
0x8f: {  	_ = 	snop  }
0x90: {  	s2 =	sld [smem:$0x3FC9];
	(tm) =	ssettm $0x1  }
0x91: {  	s18 =	sld [smem:$0x3FFB];
	_ =	sdelay $0x3  }
0x92: {  	_ =	strace s18  }
0x93: {  	s3 =	sld [smem:$0x3FFC];
	_ =	sdelay $0x3  }
0x94: {  	_ =	strace s3  }
0x95: {  	s3 =	sld [smem:$0x3FFD];
	_ =	sdelay $0x3  }
0x96: {  	_ =	strace s3  }
0x97: {  	_ =	strace $0x8FFFFFFF  }
0x98: {  	s19 =	sld [smem:$0x3FDB];
	_ =	sdelay $0x1  }
0x99: {  	s4 =	simm.s32 $_scs_section_size  }
0x9a: {  	s5 =	simm.s32 $_size__tile_overlayer_lowered;
	s6 =	simm.s32 $_tile_overlayer_lowered  }
0x9b: {  	s22 =	simm.s32 $0x1BFF;
	s21 =	sshll.u32 s6, $0x1;
	s3 =	sadd.s32 s4, s19  }
0x9c: {  	s7 =	simm.s32 $0x0;
	s20 =	sshll.u32 s5, $0x1;
	s5 =	sadd.s32 s21, s3  }
0x9d: {  	[timem:s7], [sflag:s22] =	dma.local [hbm:s5], s20  }
0x9e: {  	_ =	swait.ge [sflag:s22], s20  }
0x9f: {  	s4 =	ssub.s32 $0x0, s20;
	[sflag:s22] =	ssyncset.done $0x0  }
0xa0: {  	[sflag:s22] =	ssyncadd.s32 s4;
	_ =	sdelay $0x1  }
0xa1: {  	s23 =	simm.s32 $0x1B8B  }
0xa2: {  	_ =	swait.ge [sflag:s23], $0x1  }
0xa3: {  	[sflag:s23] =	ssyncset.done $0x0  }
0xa4: {  	s25 =	simm.s32 $0x1B8E;
	s24 =	sld [smem:$0x3FFE];
	[sflag:s23] =	ssyncadd.s32 $0xFFFFFFFF  }
0xa5: {  	s26 =	simm.s32 $execute0_lowered;
	[smem:$0x3FD2] =	sst s25  }
0xa6: {  	s5 =	sshll.u32 s26, $0x1;
	_ =	strace $0x80000046;
	[dreg:$0x1] =	wrdreg $0xFFFFFFFF  }
0xa7: {  	s28 =	simm.s32 $_size_execute0_lowered;
	s3 =	sadd.s32 s3, s5;
	[dreg:$0x0] =	wrdreg $0x0  }
0xa8: {  	s5 =	sshll.u32 s28, $0x1;
	[dreg:$0x2] =	wrdreg s3  }
0xa9: {  	[dreg:$0x3] =	wrdreg s5  }
0xaa: {  	[dreg:$0x4] =	wrdreg $0xC0  }
0xab: {  	_ =	task [dreg:s7], $0x5FFFF  }
0xac: {  	[dreg:$0x1] =	wrdreg $0xFFFFFFFF  }
0xad: {  	[dreg:$0x0] =	wrdreg $0x60  }
0xae: {  	[dreg:$0x2] =	wrdreg s2  }
0xaf: {  	[dreg:$0x3] =	wrdreg s24  }
0xb0: {  	[dreg:$0x4] =	wrdreg $0x9  }
0xb1: {  	_ =	task.clear_ibuf [dreg:s7], $0x5FFFF;
	_ =	strace $0x90000046  }
0xb2: {  	s29 =	simm.s32 $0x9;
	_ =	strace $0x80000048  }
0xb3: {  	_ =	swait.ge [sflag:s29], $0x1  }
0xb4: {  	[sflag:s29] =	ssyncadd.s32 $0xFFFFFFFF  }
0xb5: {  	_ =	strace $0x90000048  }
0xb6: {  	_ =	sfence  }
0xb7: {  	s30 =	sld [smem:$0x0];
	_ =	sdelay $0x2  }
0xb8: {  	s31 =	sshll.u32 s1, $0xD;
	s1 =	sshrl.u32 s1, $0x2  }
0xb9: {  	s3 =	sand.u32 $0x4000, s31;
	s1 =	sadd.s32 s1, s30  }
0xba: {  	s0 =	sor.u32 s3, s0;
	s1 =	sshll.u32 s1, $0x11  }
0xbb: {  	s0 =	sor.u32 s1, s0  }
0xbc: {  	s0 =	sadd.s32 $0x8F2B, s0  }
0xbd: {  	[sflag:s0] =	ssyncadd.remote.s32 $0x1  }
0xbe: {  	_ =	sfence.sel $0xFFFF  }
0xbf: {  	[dreg:$0x0] =	wrdreg $0xFFFFFFFF;
	(pc) =	sbr.abs _section_cstart, $3  }
0xc0: {  	[dreg:$0x1] =	wrdreg $0xFFFFFFFF  }
0xc1: {  	_ =	task.clear_ibuf [dreg:s7], $0x2FFFF;
	_ =	strace $0x9FFFFFFF  }
0xc2: {  	(tm) =	ssettm $0x7FFFFFFF  }
0xc3: {  	_ =	shalt  }
tec
execute0_lowered:
.L_overlay_start_1:
0x0: {  	(tag) =	ssettag $0x1  }
0x1: {  	s0 =	rddreg [dreg:$0x0];
	s1 =	srdreg.scid  }
0x2: {  	s2 =	stileid.u32;
	s4 =	rddreg [dreg:$0x1];
	s18 =	simm.s32 $0x4  }
0x3: {  	s13 =	simm.s32 $0x1;
	s10 =	simm.s32 $0xC200;
	s9 =	simm.s32 $0xDA00  }
0x4: {  	s12 =	simm.s32 $0xE200;
	s14 =	simm.s32 $0xEA00;
	s15 =	simm.s32 $0xF200  }
0x5: {  	s16 =	simm.s32 $0xFA00;
	s17 =	simm.s32 $0x10200;
	s20 =	simm.s32 $0x10A00  }
0x6: {  	s21 =	simm.s32 $0x11200;
	s22 =	simm.s32 $0x11A00;
	s28 =	simm.s32 $0x14200  }
0x7: {  	s29 =	simm.s32 $0x14A00;
	s30 =	simm.s32 $0x15200;
	s31 =	simm.s32 $0x15A00  }
0x8: {  	s1 =	sand.u32 $0x1, s1;
	s3 =	sshll.u32 s2, $0x1;
	s2 =	simm.s32 $0x0  }
0x9: {  	s3 =	sor.u32 s1, s3;
	[smem:$0x7FF] =	sst s2;
	s1 =	ssub.s32 $0x2, s1  }
0xa: {  	s5 =	smul.u32 $0x6000, s3;
	_ =	strace $0x80000047;
	s6 =	sshll.u32 s3, $0x6  }
0xb: {  	s7 =	smul.u32 $0x30000, s3;
	s3 =	sadd.s32 $0x20E00, s4;
	s25 =	sshrl.u32 s1, $0x1  }
0xc: {  	s6 =	sadd.s32 s6, s4;
	s1 =	ssub.s32 s1, s25;
	s25 =	simm.s32 $0x13200  }
0xd: {  	s6 =	sadd.s32 $0x20600, s6;
	s8 =	sadd.s32 s0, s5;
	s23 =	sshrl.u32 s7, $0x3  }
0xe: {  	s5 =	sadd.s32 $0x20F00, s4;
	s7 =	smax.u32 s1, $0x1;
	[dreg:$0x3] =	wrdreg s6  }
0xf: {  	s1 =	simm.s32 $0x3;
	[dreg:$0x7] =	wrdreg s8;
	s24 =	sadd.s32 $0x1800, s8  }
0x10: {  	s0 =	sadd.s32 s0, s23;
	s6 =	sadd.s32 $0x21000, s4;
	s4 =	simm.s32 $0xCA00  }
0x11: {  	v2 =	vlaneseq.u32;
	s8 =	simm.s32 $0xD200;
	[dreg:$0x4] =	wrdreg s24;
	s26 =	sadd.s32 $0x3000, s0  }
0x12: {  	vm0 =	vmmov $0xffff;
	v1 =	vshrl.u32 v2, $0x3;
	s23 =	simm.s32 $0x12200;
	s0 =	sadd.s32 $0x4800, s0;
	[dreg:$0x5] =	wrdreg s26  }
0x13: {  	v0 =	vand.u32 $0x7, v2;
	v2 =	vor.u32 $0x8, v2;
	v1 =	vmul.u32 $0x8, v1;
	s24 =	simm.s32 $0x12A00;
	[dreg:$0x6] =	wrdreg s0;
	s26 =	simm.s32 $0x13A00  }
.LBB2_1:
0x14: {  	s19 =	rddreg [dreg:$0x3];
	s0 =	simm.s32 $0x5  }
0x15: {  	[tilespmem:s2], [sflag:$0x5] =	stream.linear.gather [hbm4b:s19+s2], $0x200, $0x38;
	[tilespmem:$0x18200] =	vst v63  }
0x16: {  	_ =	swait.ge [sflag:s0], $0x200  }
0x17: {  	[sflag:s0] =	ssyncset.done $0x0  }
0x18: {  	s11 =	simm.s32 $0x200;
	[sflag:s0] =	ssyncadd.s32 $0xFFFFFE00;
	s0 =	rddreg [dreg:$0x7]  }
0x19: {  	[tilespmem:s11], [sflag:$0x1] =	stream.linear.gather [hbm4b:s0+s2], $0xC000, $0x38;
	[tilespmem:$0x18200] =	vst v63  }
0x1a: {  	_ =	swait.ge [sflag:s13], $0xC000  }
0x1b: {  	[sflag:s13] =	ssyncset.done $0x0  }
0x1c: {  	s0 =	rddreg [dreg:$0x4];
	[sflag:s13] =	ssyncadd.s32 $0xFFFF4000  }
0x1d: {  	[tilespmem:s10], [sflag:$0x2] =	stream.linear.gather [hbm4b:s0+s2], $0xC000, $0x38;
	[tilespmem:$0x18200] =	vst v63  }
0x1e: {  	v3 =	vld [tilespmem:$0x0];
	_ =	sdelay $0x4  }
0x1f: {  	v4 =	vshrl.u32 v3, $0x3  }
0x20: {  	v4 =	vmul.u32 $0x30, v4  }
0x21: {  	v3 =	vand.u32 $0x7, v3  }
0x22: {  	v3 =	vor.u32 v3, v4  }
0x23: {  	v4 =	vperm.xlane v3, v0;
	_ =	sdelay $0x1  }
0x24: {  	v4 =	vadd.s32 v1, v4;
	_ =	sdelay $0x3  }
0x25: {  	v3 =	vperm.xlane v3, v2  }
0x26: {  	[hbm4b:s3+s2] =	stream.indirect_vreg.scatter [tilespmem:s11], [sflag:$0x3], $0x80, v4, vm0, $0xb8;
	[tilespmem:$0x18200] =	vst v63  }
0x27: {  	s19 =	simm.s32 $0xA00;
	v3 =	vadd.s32 v1, v3  }
0x28: {  	[hbm4b:s5+s2] =	stream.indirect_vreg.scatter [tilespmem:s19], [sflag:$0x3], $0x80, v4, vm0, $0xb8;
	[tilespmem:$0x18200] =	vst v63  }
0x29: {  	s19 =	simm.s32 $0x1200  }
0x2a: {  	[hbm4b:s6+s2] =	stream.indirect_vreg.scatter [tilespmem:s19], [sflag:$0x3], $0x80, v4, vm0, $0xb8;
	[tilespmem:$0x18200] =	vst v63  }
0x2b: {  	s19 =	simm.s32 $0x1A00  }
0x2c: {  	[hbm4b:s3+s2] =	stream.indirect_vreg.scatter [tilespmem:s19], [sflag:$0x3], $0x80, v3, vm0, $0xb8;
	[tilespmem:$0x18200] =	vst v63  }
0x2d: {  	s19 =	simm.s32 $0x2200  }
0x2e: {  	[hbm4b:s5+s2] =	stream.indirect_vreg.scatter [tilespmem:s19], [sflag:$0x3], $0x80, v3, vm0, $0xb8;
	[tilespmem:$0x18200] =	vst v63  }
0x2f: {  	s19 =	simm.s32 $0x2A00  }
0x30: {  	[hbm4b:s6+s2] =	stream.indirect_vreg.scatter [tilespmem:s19], [sflag:$0x3], $0x80, v3, vm0, $0xb8;
	[tilespmem:$0x18200] =	vst v63  }
0x31: {  	v3 =	vld [tilespmem:$0x10];
	_ =	sdelay $0x4  }
0x32: {  	v49 =	vshrl.u32 v3, $0x3  }
0x33: {  	v4 =	vmul.u32 $0x30, v49  }
0x34: {  	v3 =	vand.u32 $0x7, v3  }
0x35: {  	v3 =	vor.u32 v3, v4  }
0x36: {  	v4 =	vperm.xlane v3, v0;
	_ =	sdelay $0x1  }
0x37: {  	v4 =	vadd.s32 v1, v4;
	_ =	sdelay $0x3  }
0x38: {  	s19 =	simm.s32 $0x3200;
	v3 =	vperm.xlane v3, v2  }
0x39: {  	[hbm4b:s3+s2] =	stream.indirect_vreg.scatter [tilespmem:s19], [sflag:$0x3], $0x80, v4, vm0, $0xb8;
	[tilespmem:$0x18200] =	vst v63  }
0x3a: {  	v3 =	vadd.s32 v1, v3;
	s19 =	simm.s32 $0x3A00  }
0x3b: {  	[hbm4b:s5+s2] =	stream.indirect_vreg.scatter [tilespmem:s19], [sflag:$0x3], $0x80, v4, vm0, $0xb8;
	[tilespmem:$0x18200] =	vst v63  }
0x3c: {  	s19 =	simm.s32 $0x4200  }
0x3d: {  	[hbm4b:s6+s2] =	stream.indirect_vreg.scatter [tilespmem:s19], [sflag:$0x3], $0x80, v4, vm0, $0xb8;
	[tilespmem:$0x18200] =	vst v63  }
0x3e: {  	s19 =	simm.s32 $0x4A00  }
0x3f: {  	[hbm4b:s3+s2] =	stream.indirect_vreg.scatter [tilespmem:s19], [sflag:$0x3], $0x80, v3, vm0, $0xb8;
	[tilespmem:$0x18200] =	vst v63  }
0x40: {  	s19 =	simm.s32 $0x5200  }
0x41: {  	[hbm4b:s5+s2] =	stream.indirect_vreg.scatter [tilespmem:s19], [sflag:$0x3], $0x80, v3, vm0, $0xb8;
	[tilespmem:$0x18200] =	vst v63  }
0x42: {  	s19 =	simm.s32 $0x5A00  }
0x43: {  	[hbm4b:s6+s2] =	stream.indirect_vreg.scatter [tilespmem:s19], [sflag:$0x3], $0x80, v3, vm0, $0xb8;
	[tilespmem:$0x18200] =	vst v63  }
0x44: {  	v3 =	vld [tilespmem:$0x20];
	_ =	sdelay $0x4  }
0x45: {  	v50 =	vshrl.u32 v3, $0x3  }
0x46: {  	v4 =	vmul.u32 $0x30, v50  }
0x47: {  	v3 =	vand.u32 $0x7, v3  }
0x48: {  	v3 =	vor.u32 v3, v4  }
0x49: {  	v4 =	vperm.xlane v3, v0;
	_ =	sdelay $0x1  }
0x4a: {  	v4 =	vadd.s32 v1, v4;
	_ =	sdelay $0x3  }
0x4b: {  	s19 =	simm.s32 $0x6200;
	v3 =	vperm.xlane v3, v2  }
0x4c: {  	[hbm4b:s3+s2] =	stream.indirect_vreg.scatter [tilespmem:s19], [sflag:$0x3], $0x80, v4, vm0, $0xb8;
	[tilespmem:$0x18200] =	vst v63  }
0x4d: {  	v3 =	vadd.s32 v1, v3;
	s19 =	simm.s32 $0x6A00  }
0x4e: {  	[hbm4b:s5+s2] =	stream.indirect_vreg.scatter [tilespmem:s19], [sflag:$0x3], $0x80, v4, vm0, $0xb8;
	[tilespmem:$0x18200] =	vst v63  }
0x4f: {  	s19 =	simm.s32 $0x7200  }
0x50: {  	[hbm4b:s6+s2] =	stream.indirect_vreg.scatter [tilespmem:s19], [sflag:$0x3], $0x80, v4, vm0, $0xb8;
	[tilespmem:$0x18200] =	vst v63  }
0x51: {  	s19 =	simm.s32 $0x7A00  }
0x52: {  	[hbm4b:s3+s2] =	stream.indirect_vreg.scatter [tilespmem:s19], [sflag:$0x3], $0x80, v3, vm0, $0xb8;
	[tilespmem:$0x18200] =	vst v63  }
0x53: {  	s19 =	simm.s32 $0x8200  }
0x54: {  	[hbm4b:s5+s2] =	stream.indirect_vreg.scatter [tilespmem:s19], [sflag:$0x3], $0x80, v3, vm0, $0xb8;
	[tilespmem:$0x18200] =	vst v63  }
0x55: {  	s19 =	simm.s32 $0x8A00  }
0x56: {  	[hbm4b:s6+s2] =	stream.indirect_vreg.scatter [tilespmem:s19], [sflag:$0x3], $0x80, v3, vm0, $0xb8;
	[tilespmem:$0x18200] =	vst v63  }
0x57: {  	v3 =	vld [tilespmem:$0x30];
	_ =	sdelay $0x4  }
0x58: {  	v51 =	vshrl.u32 v3, $0x3  }
0x59: {  	v4 =	vmul.u32 $0x30, v51  }
0x5a: {  	v3 =	vand.u32 $0x7, v3  }
0x5b: {  	v3 =	vor.u32 v3, v4  }
0x5c: {  	v4 =	vperm.xlane v3, v0;
	_ =	sdelay $0x1  }
0x5d: {  	v4 =	vadd.s32 v1, v4;
	_ =	sdelay $0x3  }
0x5e: {  	s19 =	simm.s32 $0x9200;
	v3 =	vperm.xlane v3, v2  }
0x5f: {  	[hbm4b:s3+s2] =	stream.indirect_vreg.scatter [tilespmem:s19], [sflag:$0x3], $0x80, v4, vm0, $0xb8;
	[tilespmem:$0x18200] =	vst v63  }
0x60: {  	v3 =	vadd.s32 v1, v3;
	s19 =	simm.s32 $0x9A00  }
0x61: {  	[hbm4b:s5+s2] =	stream.indirect_vreg.scatter [tilespmem:s19], [sflag:$0x3], $0x80, v4, vm0, $0xb8;
	[tilespmem:$0x18200] =	vst v63  }
0x62: {  	s19 =	simm.s32 $0xA200  }
0x63: {  	[hbm4b:s6+s2] =	stream.indirect_vreg.scatter [tilespmem:s19], [sflag:$0x3], $0x80, v4, vm0, $0xb8;
	[tilespmem:$0x18200] =	vst v63  }
0x64: {  	s19 =	simm.s32 $0xAA00  }
0x65: {  	[hbm4b:s3+s2] =	stream.indirect_vreg.scatter [tilespmem:s19], [sflag:$0x3], $0x80, v3, vm0, $0xb8;
	[tilespmem:$0x18200] =	vst v63  }
0x66: {  	s19 =	simm.s32 $0xB200  }
0x67: {  	[hbm4b:s5+s2] =	stream.indirect_vreg.scatter [tilespmem:s19], [sflag:$0x3], $0x80, v3, vm0, $0xb8;
	[tilespmem:$0x18200] =	vst v63  }
0x68: {  	s0 =	simm.s32 $0x2;
	s19 =	simm.s32 $0xBA00  }
0x69: {  	[hbm4b:s6+s2] =	stream.indirect_vreg.scatter [tilespmem:s19], [sflag:$0x3], $0x80, v3, vm0, $0xb8;
	[tilespmem:$0x18200] =	vst v63  }
0x6a: {  	_ =	swait.ge [sflag:s0], $0xC000  }
0x6b: {  	[sflag:s0] =	ssyncset.done $0x0  }
0x6c: {  	[sflag:s0] =	ssyncadd.s32 $0xFFFF4000  }
0x6d: {  	_ =	swait.ge [sflag:s1], $0xC000  }
0x6e: {  	[sflag:s1] =	ssyncset.done $0x0  }
0x6f: {  	s19 =	rddreg [dreg:$0x5];
	[sflag:s1] =	ssyncadd.s32 $0xFFFF4000  }
0x70: {  	[tilespmem:s11], [sflag:$0x1] =	stream.linear.gather [hbm4b:s19+s2], $0xC000, $0x38;
	[tilespmem:$0x18200] =	vst v63  }
0x71: {  	v3 =	vld [tilespmem:$0x80];
	_ =	sdelay $0x4  }
0x72: {  	v52 =	vshrl.u32 v3, $0x3  }
0x73: {  	v4 =	vmul.u32 $0x30, v52  }
0x74: {  	v3 =	vand.u32 $0x7, v3  }
0x75: {  	v3 =	vor.u32 v3, v4  }
0x76: {  	v4 =	vperm.xlane v3, v0;
	_ =	sdelay $0x1  }
0x77: {  	v4 =	vadd.s32 v1, v4;
	_ =	sdelay $0x3  }
0x78: {  	v3 =	vperm.xlane v3, v2  }
0x79: {  	[hbm4b:s3+s2] =	stream.indirect_vreg.scatter [tilespmem:s10], [sflag:$0x4], $0x80, v4, vm0, $0xb8;
	[tilespmem:$0x18200] =	vst v63  }
0x7a: {  	v3 =	vadd.s32 v1, v3  }
0x7b: {  	[hbm4b:s5+s2] =	stream.indirect_vreg.scatter [tilespmem:s4], [sflag:$0x4], $0x80, v4, vm0, $0xb8;
	[tilespmem:$0x18200] =	vst v63  }
0x7c: {  	_ = 	snop  }
0x7d: {  	[hbm4b:s6+s2] =	stream.indirect_vreg.scatter [tilespmem:s8], [sflag:$0x4], $0x80, v4, vm0, $0xb8;
	[tilespmem:$0x18200] =	vst v63  }
0x7e: {  	_ = 	snop  }
0x7f: {  	[hbm4b:s3+s2] =	stream.indirect_vreg.scatter [tilespmem:s9], [sflag:$0x4], $0x80, v3, vm0, $0xb8;
	[tilespmem:$0x18200] =	vst v63  }
0x80: {  	_ = 	snop  }
0x81: {  	[hbm4b:s5+s2] =	stream.indirect_vreg.scatter [tilespmem:s12], [sflag:$0x4], $0x80, v3, vm0, $0xb8;
	[tilespmem:$0x18200] =	vst v63  }
0x82: {  	_ = 	snop  }
0x83: {  	[hbm4b:s6+s2] =	stream.indirect_vreg.scatter [tilespmem:s14], [sflag:$0x4], $0x80, v3, vm0, $0xb8;
	[tilespmem:$0x18200] =	vst v63  }
0x84: {  	v3 =	vld [tilespmem:$0x90];
	_ =	sdelay $0x4  }
0x85: {  	v53 =	vshrl.u32 v3, $0x3  }
0x86: {  	v4 =	vmul.u32 $0x30, v53  }
0x87: {  	v3 =	vand.u32 $0x7, v3  }
0x88: {  	v3 =	vor.u32 v3, v4  }
0x89: {  	v4 =	vperm.xlane v3, v0;
	_ =	sdelay $0x1  }
0x8a: {  	v4 =	vadd.s32 v1, v4;
	_ =	sdelay $0x3  }
0x8b: {  	v3 =	vperm.xlane v3, v2  }
0x8c: {  	[hbm4b:s3+s2] =	stream.indirect_vreg.scatter [tilespmem:s15], [sflag:$0x4], $0x80, v4, vm0, $0xb8;
	[tilespmem:$0x18200] =	vst v63  }
0x8d: {  	v3 =	vadd.s32 v1, v3  }
0x8e: {  	[hbm4b:s5+s2] =	stream.indirect_vreg.scatter [tilespmem:s16], [sflag:$0x4], $0x80, v4, vm0, $0xb8;
	[tilespmem:$0x18200] =	vst v63  }
0x8f: {  	_ = 	snop  }
0x90: {  	[hbm4b:s6+s2] =	stream.indirect_vreg.scatter [tilespmem:s17], [sflag:$0x4], $0x80, v4, vm0, $0xb8;
	[tilespmem:$0x18200] =	vst v63  }
0x91: {  	_ = 	snop  }
0x92: {  	[hbm4b:s3+s2] =	stream.indirect_vreg.scatter [tilespmem:s20], [sflag:$0x4], $0x80, v3, vm0, $0xb8;
	[tilespmem:$0x18200] =	vst v63  }
0x93: {  	_ = 	snop  }
0x94: {  	[hbm4b:s5+s2] =	stream.indirect_vreg.scatter [tilespmem:s21], [sflag:$0x4], $0x80, v3, vm0, $0xb8;
	[tilespmem:$0x18200] =	vst v63  }
0x95: {  	_ = 	snop  }
0x96: {  	[hbm4b:s6+s2] =	stream.indirect_vreg.scatter [tilespmem:s22], [sflag:$0x4], $0x80, v3, vm0, $0xb8;
	[tilespmem:$0x18200] =	vst v63  }
0x97: {  	v3 =	vld [tilespmem:$0xA0];
	_ =	sdelay $0x4  }
0x98: {  	v54 =	vshrl.u32 v3, $0x3  }
0x99: {  	v4 =	vmul.u32 $0x30, v54  }
0x9a: {  	v3 =	vand.u32 $0x7, v3  }
0x9b: {  	v3 =	vor.u32 v3, v4  }
0x9c: {  	v4 =	vperm.xlane v3, v0;
	_ =	sdelay $0x1  }
0x9d: {  	v4 =	vadd.s32 v1, v4;
	_ =	sdelay $0x3  }
0x9e: {  	v3 =	vperm.xlane v3, v2  }
0x9f: {  	[hbm4b:s3+s2] =	stream.indirect_vreg.scatter [tilespmem:s23], [sflag:$0x4], $0x80, v4, vm0, $0xb8;
	[tilespmem:$0x18200] =	vst v63  }
0xa0: {  	v3 =	vadd.s32 v1, v3  }
0xa1: {  	[hbm4b:s5+s2] =	stream.indirect_vreg.scatter [tilespmem:s24], [sflag:$0x4], $0x80, v4, vm0, $0xb8;
	[tilespmem:$0x18200] =	vst v63  }
0xa2: {  	_ = 	snop  }
0xa3: {  	[hbm4b:s6+s2] =	stream.indirect_vreg.scatter [tilespmem:s25], [sflag:$0x4], $0x80, v4, vm0, $0xb8;
	[tilespmem:$0x18200] =	vst v63  }
0xa4: {  	_ = 	snop  }
0xa5: {  	[hbm4b:s3+s2] =	stream.indirect_vreg.scatter [tilespmem:s26], [sflag:$0x4], $0x80, v3, vm0, $0xb8;
	[tilespmem:$0x18200] =	vst v63  }
0xa6: {  	_ = 	snop  }
0xa7: {  	[hbm4b:s5+s2] =	stream.indirect_vreg.scatter [tilespmem:s28], [sflag:$0x4], $0x80, v3, vm0, $0xb8;
	[tilespmem:$0x18200] =	vst v63  }
0xa8: {  	_ = 	snop  }
0xa9: {  	[hbm4b:s6+s2] =	stream.indirect_vreg.scatter [tilespmem:s29], [sflag:$0x4], $0x80, v3, vm0, $0xb8;
	[tilespmem:$0x18200] =	vst v63  }
0xaa: {  	v3 =	vld [tilespmem:$0xB0];
	_ =	sdelay $0x4  }
0xab: {  	v55 =	vshrl.u32 v3, $0x3  }
0xac: {  	v4 =	vmul.u32 $0x30, v55  }
0xad: {  	v3 =	vand.u32 $0x7, v3  }
0xae: {  	v3 =	vor.u32 v3, v4  }
0xaf: {  	v4 =	vperm.xlane v3, v0;
	_ =	sdelay $0x1  }
0xb0: {  	v4 =	vadd.s32 v1, v4;
	_ =	sdelay $0x3  }
0xb1: {  	v3 =	vperm.xlane v3, v2  }
0xb2: {  	[hbm4b:s3+s2] =	stream.indirect_vreg.scatter [tilespmem:s30], [sflag:$0x4], $0x80, v4, vm0, $0xb8;
	[tilespmem:$0x18200] =	vst v63  }
0xb3: {  	v3 =	vadd.s32 v1, v3  }
0xb4: {  	[hbm4b:s5+s2] =	stream.indirect_vreg.scatter [tilespmem:s31], [sflag:$0x4], $0x80, v4, vm0, $0xb8;
	[tilespmem:$0x18200] =	vst v63  }
0xb5: {  	s19 =	simm.s32 $0x16200  }
0xb6: {  	[hbm4b:s6+s2] =	stream.indirect_vreg.scatter [tilespmem:s19], [sflag:$0x4], $0x80, v4, vm0, $0xb8;
	[tilespmem:$0x18200] =	vst v63  }
0xb7: {  	s19 =	simm.s32 $0x16A00  }
0xb8: {  	[hbm4b:s3+s2] =	stream.indirect_vreg.scatter [tilespmem:s19], [sflag:$0x4], $0x80, v3, vm0, $0xb8;
	[tilespmem:$0x18200] =	vst v63  }
0xb9: {  	s19 =	simm.s32 $0x17200  }
0xba: {  	[hbm4b:s5+s2] =	stream.indirect_vreg.scatter [tilespmem:s19], [sflag:$0x4], $0x80, v3, vm0, $0xb8;
	[tilespmem:$0x18200] =	vst v63  }
0xbb: {  	s19 =	simm.s32 $0x17A00  }
0xbc: {  	[hbm4b:s6+s2] =	stream.indirect_vreg.scatter [tilespmem:s19], [sflag:$0x4], $0x80, v3, vm0, $0xb8;
	[tilespmem:$0x18200] =	vst v63  }
0xbd: {  	_ =	swait.ge [sflag:s13], $0xC000  }
0xbe: {  	[sflag:s13] =	ssyncset.done $0x0  }
0xbf: {  	[sflag:s13] =	ssyncadd.s32 $0xFFFF4000  }
0xc0: {  	_ =	swait.ge [sflag:s18], $0xC000  }
0xc1: {  	[sflag:s18] =	ssyncset.done $0x0  }
0xc2: {  	s19 =	rddreg [dreg:$0x6];
	[sflag:s18] =	ssyncadd.s32 $0xFFFF4000  }
0xc3: {  	[tilespmem:s10], [sflag:$0x2] =	stream.linear.gather [hbm4b:s19+s2], $0xC000, $0x38;
	[tilespmem:$0x18200] =	vst v63  }
0xc4: {  	v3 =	vld [tilespmem:$0x100];
	_ =	sdelay $0x4  }
0xc5: {  	v56 =	vshrl.u32 v3, $0x3  }
0xc6: {  	v4 =	vmul.u32 $0x30, v56  }
0xc7: {  	v3 =	vand.u32 $0x7, v3  }
0xc8: {  	v3 =	vor.u32 v3, v4  }
0xc9: {  	v4 =	vperm.xlane v3, v0;
	_ =	sdelay $0x1  }
0xca: {  	v4 =	vadd.s32 v1, v4;
	_ =	sdelay $0x3  }
0xcb: {  	v3 =	vperm.xlane v3, v2  }
0xcc: {  	[hbm4b:s3+s2] =	stream.indirect_vreg.scatter [tilespmem:s11], [sflag:$0x3], $0x80, v4, vm0, $0xb8;
	[tilespmem:$0x18200] =	vst v63  }
0xcd: {  	s19 =	simm.s32 $0xA00;
	v3 =	vadd.s32 v1, v3  }
0xce: {  	[hbm4b:s5+s2] =	stream.indirect_vreg.scatter [tilespmem:s19], [sflag:$0x3], $0x80, v4, vm0, $0xb8;
	[tilespmem:$0x18200] =	vst v63  }
0xcf: {  	s19 =	simm.s32 $0x1200  }
0xd0: {  	[hbm4b:s6+s2] =	stream.indirect_vreg.scatter [tilespmem:s19], [sflag:$0x3], $0x80, v4, vm0, $0xb8;
	[tilespmem:$0x18200] =	vst v63  }
0xd1: {  	s19 =	simm.s32 $0x1A00  }
0xd2: {  	[hbm4b:s3+s2] =	stream.indirect_vreg.scatter [tilespmem:s19], [sflag:$0x3], $0x80, v3, vm0, $0xb8;
	[tilespmem:$0x18200] =	vst v63  }
0xd3: {  	s19 =	simm.s32 $0x2200  }
0xd4: {  	[hbm4b:s5+s2] =	stream.indirect_vreg.scatter [tilespmem:s19], [sflag:$0x3], $0x80, v3, vm0, $0xb8;
	[tilespmem:$0x18200] =	vst v63  }
0xd5: {  	s19 =	simm.s32 $0x2A00  }
0xd6: {  	[hbm4b:s6+s2] =	stream.indirect_vreg.scatter [tilespmem:s19], [sflag:$0x3], $0x80, v3, vm0, $0xb8;
	[tilespmem:$0x18200] =	vst v63  }
0xd7: {  	v3 =	vld [tilespmem:$0x110];
	_ =	sdelay $0x4  }
0xd8: {  	v57 =	vshrl.u32 v3, $0x3  }
0xd9: {  	v4 =	vmul.u32 $0x30, v57  }
0xda: {  	v3 =	vand.u32 $0x7, v3  }
0xdb: {  	v3 =	vor.u32 v3, v4  }
0xdc: {  	v4 =	vperm.xlane v3, v0;
	_ =	sdelay $0x1  }
0xdd: {  	v4 =	vadd.s32 v1, v4;
	_ =	sdelay $0x3  }
0xde: {  	s19 =	simm.s32 $0x3200;
	v3 =	vperm.xlane v3, v2  }
0xdf: {  	[hbm4b:s3+s2] =	stream.indirect_vreg.scatter [tilespmem:s19], [sflag:$0x3], $0x80, v4, vm0, $0xb8;
	[tilespmem:$0x18200] =	vst v63  }
0xe0: {  	v3 =	vadd.s32 v1, v3;
	s19 =	simm.s32 $0x3A00  }
0xe1: {  	[hbm4b:s5+s2] =	stream.indirect_vreg.scatter [tilespmem:s19], [sflag:$0x3], $0x80, v4, vm0, $0xb8;
	[tilespmem:$0x18200] =	vst v63  }
0xe2: {  	s19 =	simm.s32 $0x4200  }
0xe3: {  	[hbm4b:s6+s2] =	stream.indirect_vreg.scatter [tilespmem:s19], [sflag:$0x3], $0x80, v4, vm0, $0xb8;
	[tilespmem:$0x18200] =	vst v63  }
0xe4: {  	s19 =	simm.s32 $0x4A00  }
0xe5: {  	[hbm4b:s3+s2] =	stream.indirect_vreg.scatter [tilespmem:s19], [sflag:$0x3], $0x80, v3, vm0, $0xb8;
	[tilespmem:$0x18200] =	vst v63  }
0xe6: {  	s19 =	simm.s32 $0x5200  }
0xe7: {  	[hbm4b:s5+s2] =	stream.indirect_vreg.scatter [tilespmem:s19], [sflag:$0x3], $0x80, v3, vm0, $0xb8;
	[tilespmem:$0x18200] =	vst v63  }
0xe8: {  	s19 =	simm.s32 $0x5A00  }
0xe9: {  	[hbm4b:s6+s2] =	stream.indirect_vreg.scatter [tilespmem:s19], [sflag:$0x3], $0x80, v3, vm0, $0xb8;
	[tilespmem:$0x18200] =	vst v63  }
0xea: {  	v3 =	vld [tilespmem:$0x120];
	_ =	sdelay $0x4  }
0xeb: {  	v58 =	vshrl.u32 v3, $0x3  }
0xec: {  	v4 =	vmul.u32 $0x30, v58  }
0xed: {  	v3 =	vand.u32 $0x7, v3  }
0xee: {  	v3 =	vor.u32 v3, v4  }
0xef: {  	v4 =	vperm.xlane v3, v0;
	_ =	sdelay $0x1  }
0xf0: {  	v4 =	vadd.s32 v1, v4;
	_ =	sdelay $0x3  }
0xf1: {  	s19 =	simm.s32 $0x6200;
	v3 =	vperm.xlane v3, v2  }
0xf2: {  	[hbm4b:s3+s2] =	stream.indirect_vreg.scatter [tilespmem:s19], [sflag:$0x3], $0x80, v4, vm0, $0xb8;
	[tilespmem:$0x18200] =	vst v63  }
0xf3: {  	v3 =	vadd.s32 v1, v3;
	s19 =	simm.s32 $0x6A00  }
0xf4: {  	[hbm4b:s5+s2] =	stream.indirect_vreg.scatter [tilespmem:s19], [sflag:$0x3], $0x80, v4, vm0, $0xb8;
	[tilespmem:$0x18200] =	vst v63  }
0xf5: {  	s19 =	simm.s32 $0x7200  }
0xf6: {  	[hbm4b:s6+s2] =	stream.indirect_vreg.scatter [tilespmem:s19], [sflag:$0x3], $0x80, v4, vm0, $0xb8;
	[tilespmem:$0x18200] =	vst v63  }
0xf7: {  	s19 =	simm.s32 $0x7A00  }
0xf8: {  	[hbm4b:s3+s2] =	stream.indirect_vreg.scatter [tilespmem:s19], [sflag:$0x3], $0x80, v3, vm0, $0xb8;
	[tilespmem:$0x18200] =	vst v63  }
0xf9: {  	s19 =	simm.s32 $0x8200  }
0xfa: {  	[hbm4b:s5+s2] =	stream.indirect_vreg.scatter [tilespmem:s19], [sflag:$0x3], $0x80, v3, vm0, $0xb8;
	[tilespmem:$0x18200] =	vst v63  }
0xfb: {  	s19 =	simm.s32 $0x8A00  }
0xfc: {  	[hbm4b:s6+s2] =	stream.indirect_vreg.scatter [tilespmem:s19], [sflag:$0x3], $0x80, v3, vm0, $0xb8;
	[tilespmem:$0x18200] =	vst v63  }
0xfd: {  	v3 =	vld [tilespmem:$0x130];
	_ =	sdelay $0x4  }
0xfe: {  	v59 =	vshrl.u32 v3, $0x3  }
0xff: {  	v4 =	vmul.u32 $0x30, v59  }
0x100: {  	v3 =	vand.u32 $0x7, v3  }
0x101: {  	v3 =	vor.u32 v3, v4  }
0x102: {  	v4 =	vperm.xlane v3, v0;
	_ =	sdelay $0x1  }
0x103: {  	v4 =	vadd.s32 v1, v4;
	_ =	sdelay $0x3  }
0x104: {  	s19 =	simm.s32 $0x9200;
	v3 =	vperm.xlane v3, v2  }
0x105: {  	[hbm4b:s3+s2] =	stream.indirect_vreg.scatter [tilespmem:s19], [sflag:$0x3], $0x80, v4, vm0, $0xb8;
	[tilespmem:$0x18200] =	vst v63  }
0x106: {  	v3 =	vadd.s32 v1, v3;
	s19 =	simm.s32 $0x9A00  }
0x107: {  	[hbm4b:s5+s2] =	stream.indirect_vreg.scatter [tilespmem:s19], [sflag:$0x3], $0x80, v4, vm0, $0xb8;
	[tilespmem:$0x18200] =	vst v63  }
0x108: {  	s19 =	simm.s32 $0xA200  }
0x109: {  	[hbm4b:s6+s2] =	stream.indirect_vreg.scatter [tilespmem:s19], [sflag:$0x3], $0x80, v4, vm0, $0xb8;
	[tilespmem:$0x18200] =	vst v63  }
0x10a: {  	s19 =	simm.s32 $0xAA00  }
0x10b: {  	[hbm4b:s3+s2] =	stream.indirect_vreg.scatter [tilespmem:s19], [sflag:$0x3], $0x80, v3, vm0, $0xb8;
	[tilespmem:$0x18200] =	vst v63  }
0x10c: {  	s19 =	simm.s32 $0xB200  }
0x10d: {  	[hbm4b:s5+s2] =	stream.indirect_vreg.scatter [tilespmem:s19], [sflag:$0x3], $0x80, v3, vm0, $0xb8;
	[tilespmem:$0x18200] =	vst v63  }
0x10e: {  	s19 =	simm.s32 $0xBA00  }
0x10f: {  	[hbm4b:s6+s2] =	stream.indirect_vreg.scatter [tilespmem:s19], [sflag:$0x3], $0x80, v3, vm0, $0xb8;
	[tilespmem:$0x18200] =	vst v63  }
0x110: {  	_ =	swait.ge [sflag:s0], $0xC000  }
0x111: {  	[sflag:s0] =	ssyncset.done $0x0  }
0x112: {  	[sflag:s0] =	ssyncadd.s32 $0xFFFF4000  }
0x113: {  	v3 =	vld [tilespmem:$0x180];
	_ =	sdelay $0x4  }
0x114: {  	v60 =	vshrl.u32 v3, $0x3  }
0x115: {  	v4 =	vmul.u32 $0x30, v60  }
0x116: {  	v3 =	vand.u32 $0x7, v3  }
0x117: {  	v3 =	vor.u32 v3, v4  }
0x118: {  	v4 =	vperm.xlane v3, v0;
	_ =	sdelay $0x1  }
0x119: {  	v4 =	vadd.s32 v1, v4;
	_ =	sdelay $0x3  }
0x11a: {  	v3 =	vperm.xlane v3, v2  }
0x11b: {  	[hbm4b:s3+s2] =	stream.indirect_vreg.scatter [tilespmem:s10], [sflag:$0x4], $0x80, v4, vm0, $0xb8;
	[tilespmem:$0x18200] =	vst v63  }
0x11c: {  	v3 =	vadd.s32 v1, v3  }
0x11d: {  	[hbm4b:s5+s2] =	stream.indirect_vreg.scatter [tilespmem:s4], [sflag:$0x4], $0x80, v4, vm0, $0xb8;
	[tilespmem:$0x18200] =	vst v63  }
0x11e: {  	_ = 	snop  }
0x11f: {  	[hbm4b:s6+s2] =	stream.indirect_vreg.scatter [tilespmem:s8], [sflag:$0x4], $0x80, v4, vm0, $0xb8;
	[tilespmem:$0x18200] =	vst v63  }
0x120: {  	_ = 	snop  }
0x121: {  	[hbm4b:s3+s2] =	stream.indirect_vreg.scatter [tilespmem:s9], [sflag:$0x4], $0x80, v3, vm0, $0xb8;
	[tilespmem:$0x18200] =	vst v63  }
0x122: {  	_ = 	snop  }
0x123: {  	[hbm4b:s5+s2] =	stream.indirect_vreg.scatter [tilespmem:s12], [sflag:$0x4], $0x80, v3, vm0, $0xb8;
	[tilespmem:$0x18200] =	vst v63  }
0x124: {  	_ = 	snop  }
0x125: {  	[hbm4b:s6+s2] =	stream.indirect_vreg.scatter [tilespmem:s14], [sflag:$0x4], $0x80, v3, vm0, $0xb8;
	[tilespmem:$0x18200] =	vst v63  }
0x126: {  	v3 =	vld [tilespmem:$0x190];
	_ =	sdelay $0x4  }
0x127: {  	v61 =	vshrl.u32 v3, $0x3  }
0x128: {  	v4 =	vmul.u32 $0x30, v61  }
0x129: {  	v3 =	vand.u32 $0x7, v3  }
0x12a: {  	v3 =	vor.u32 v3, v4  }
0x12b: {  	v4 =	vperm.xlane v3, v0;
	_ =	sdelay $0x1  }
0x12c: {  	v4 =	vadd.s32 v1, v4;
	_ =	sdelay $0x3  }
0x12d: {  	v3 =	vperm.xlane v3, v2  }
0x12e: {  	[hbm4b:s3+s2] =	stream.indirect_vreg.scatter [tilespmem:s15], [sflag:$0x4], $0x80, v4, vm0, $0xb8;
	[tilespmem:$0x18200] =	vst v63  }
0x12f: {  	v3 =	vadd.s32 v1, v3  }
0x130: {  	[hbm4b:s5+s2] =	stream.indirect_vreg.scatter [tilespmem:s16], [sflag:$0x4], $0x80, v4, vm0, $0xb8;
	[tilespmem:$0x18200] =	vst v63  }
0x131: {  	_ = 	snop  }
0x132: {  	[hbm4b:s6+s2] =	stream.indirect_vreg.scatter [tilespmem:s17], [sflag:$0x4], $0x80, v4, vm0, $0xb8;
	[tilespmem:$0x18200] =	vst v63  }
0x133: {  	_ = 	snop  }
0x134: {  	[hbm4b:s3+s2] =	stream.indirect_vreg.scatter [tilespmem:s20], [sflag:$0x4], $0x80, v3, vm0, $0xb8;
	[tilespmem:$0x18200] =	vst v63  }
0x135: {  	_ = 	snop  }
0x136: {  	[hbm4b:s5+s2] =	stream.indirect_vreg.scatter [tilespmem:s21], [sflag:$0x4], $0x80, v3, vm0, $0xb8;
	[tilespmem:$0x18200] =	vst v63  }
0x137: {  	_ = 	snop  }
0x138: {  	[hbm4b:s6+s2] =	stream.indirect_vreg.scatter [tilespmem:s22], [sflag:$0x4], $0x80, v3, vm0, $0xb8;
	[tilespmem:$0x18200] =	vst v63  }
0x139: {  	v3 =	vld [tilespmem:$0x1A0];
	_ =	sdelay $0x4  }
0x13a: {  	v62 =	vshrl.u32 v3, $0x3  }
0x13b: {  	v4 =	vmul.u32 $0x30, v62  }
0x13c: {  	v3 =	vand.u32 $0x7, v3  }
0x13d: {  	v3 =	vor.u32 v3, v4  }
0x13e: {  	v4 =	vperm.xlane v3, v0;
	_ =	sdelay $0x1  }
0x13f: {  	v4 =	vadd.s32 v1, v4;
	_ =	sdelay $0x3  }
0x140: {  	v3 =	vperm.xlane v3, v2  }
0x141: {  	[hbm4b:s3+s2] =	stream.indirect_vreg.scatter [tilespmem:s23], [sflag:$0x4], $0x80, v4, vm0, $0xb8;
	[tilespmem:$0x18200] =	vst v63  }
0x142: {  	v3 =	vadd.s32 v1, v3  }
0x143: {  	[hbm4b:s5+s2] =	stream.indirect_vreg.scatter [tilespmem:s24], [sflag:$0x4], $0x80, v4, vm0, $0xb8;
	[tilespmem:$0x18200] =	vst v63  }
0x144: {  	_ = 	snop  }
0x145: {  	[hbm4b:s6+s2] =	stream.indirect_vreg.scatter [tilespmem:s25], [sflag:$0x4], $0x80, v4, vm0, $0xb8;
	[tilespmem:$0x18200] =	vst v63  }
0x146: {  	_ = 	snop  }
0x147: {  	[hbm4b:s3+s2] =	stream.indirect_vreg.scatter [tilespmem:s26], [sflag:$0x4], $0x80, v3, vm0, $0xb8;
	[tilespmem:$0x18200] =	vst v63  }
0x148: {  	_ = 	snop  }
0x149: {  	[hbm4b:s5+s2] =	stream.indirect_vreg.scatter [tilespmem:s28], [sflag:$0x4], $0x80, v3, vm0, $0xb8;
	[tilespmem:$0x18200] =	vst v63  }
0x14a: {  	_ = 	snop  }
0x14b: {  	[hbm4b:s6+s2] =	stream.indirect_vreg.scatter [tilespmem:s29], [sflag:$0x4], $0x80, v3, vm0, $0xb8;
	[tilespmem:$0x18200] =	vst v63  }
0x14c: {  	v3 =	vld [tilespmem:$0x1B0];
	_ =	sdelay $0x4  }
0x14d: {  	v63 =	vshrl.u32 v3, $0x3  }
0x14e: {  	v4 =	vmul.u32 $0x30, v63  }
0x14f: {  	v3 =	vand.u32 $0x7, v3  }
0x150: {  	v3 =	vor.u32 v3, v4  }
0x151: {  	v4 =	vperm.xlane v3, v0;
	_ =	sdelay $0x1  }
0x152: {  	v4 =	vadd.s32 v1, v4;
	_ =	sdelay $0x3  }
0x153: {  	v3 =	vperm.xlane v3, v2  }
0x154: {  	[hbm4b:s3+s2] =	stream.indirect_vreg.scatter [tilespmem:s30], [sflag:$0x4], $0x80, v4, vm0, $0xb8;
	[tilespmem:$0x18200] =	vst v63  }
0x155: {  	v3 =	vadd.s32 v1, v3  }
0x156: {  	[hbm4b:s5+s2] =	stream.indirect_vreg.scatter [tilespmem:s31], [sflag:$0x4], $0x80, v4, vm0, $0xb8;
	[tilespmem:$0x18200] =	vst v63  }
0x157: {  	s11 =	simm.s32 $0x16200  }
0x158: {  	[hbm4b:s6+s2] =	stream.indirect_vreg.scatter [tilespmem:s11], [sflag:$0x4], $0x80, v4, vm0, $0xb8;
	[tilespmem:$0x18200] =	vst v63  }
0x159: {  	s19 =	simm.s32 $0x16A00  }
0x15a: {  	[hbm4b:s3+s2] =	stream.indirect_vreg.scatter [tilespmem:s19], [sflag:$0x4], $0x80, v3, vm0, $0xb8;
	[tilespmem:$0x18200] =	vst v63  }
0x15b: {  	s11 =	simm.s32 $0x17200  }
0x15c: {  	[hbm4b:s5+s2] =	stream.indirect_vreg.scatter [tilespmem:s11], [sflag:$0x4], $0x80, v3, vm0, $0xb8;
	[tilespmem:$0x18200] =	vst v63  }
0x15d: {  	s19 =	simm.s32 $0x17A00  }
0x15e: {  	[hbm4b:s6+s2] =	stream.indirect_vreg.scatter [tilespmem:s19], [sflag:$0x4], $0x80, v3, vm0, $0xb8;
	[tilespmem:$0x18200] =	vst v63  }
0x15f: {  	p0 =	sne.s32 s7, $0x1;
	_ =	swait.ge [sflag:s1], $0xC000  }
.Ltmp0:
0x160: {  	[sflag:s1] =	ssyncset.done $0x0;
	(pc) =	sbr.rel @p0 .LBB2_1-.Ltmp0, $4  }
0x161: {  	[sflag:s1] =	ssyncadd.s32 $0xFFFF4000  }
0x162: {  	_ =	swait.ge [sflag:s18], $0xC000  }
0x163: {  	[sflag:s18] =	ssyncset.done $0x0  }
0x164: {  	s7 =	sadd.s32 $0xFFFFFFFF, s7;
	[sflag:s18] =	ssyncadd.s32 $0xFFFF4000  }
0x165: {  	_ =	sfence.sel $0x180000  }
0x166: {  	[bflag:$0x0] =	sbarrier.arrive $0xFFFF  }
0x167: {  	_ =	strace $0x90000047  }
0x168: {  	s0 =	stileid.u32;
	[bflag:$0x2] =	sbarrier.arrive $0xFFFF  }
0x169: {  	p0 =	sne.s32 s0, $0x0;
	s0 =	rddreg [dreg:$0x2]  }
0x16a: {  	s0 =	sadd.s32 @!p0 $0x100000, s0  }
0x16b: {  	[sflag:s0] =	ssyncadd.tile.s32 @!p0 $0x1;
	_ =	shalt  }
.Lfunc_end2:
_tile_overlayer_lowered:
.L_overlay_start_2:
0x16c: {  	(tag) =	ssettag $0x2  }
0x16d: {  	s0 =	rddreg [dreg:$0x0];
	s2 =	stileid.u32  }
0x16e: {  	s1 =	rddreg [dreg:$0x1];
	p0 =	sne.s32 s2, $0x0  }
0x16f: {  	s3 =	rddreg [dreg:$0x2];
	[bflag:$0x3] =	sbarrier.arrive $0xFFFF;
	s2 =	simm.s32 @!p0 $0x1C05  }
0x170: {  	[timem:s3], [sflag:s2] =	dma.local @!p0 [hbm:s0], s1  }
0x171: {  	s0 =	simm.s32 @!p0 $0x5  }
0x172: {  	_ =	swait.ge @!p0 [sflag:s0], s1  }
0x173: {  	s1 =	ssub.s32 @!p0 $0x0, s1;
	[sflag:s0] =	ssyncset.done @!p0 $0x0  }
0x174: {  	[sflag:s0] =	ssyncadd.s32 @!p0 s1  }
0x175: {  	[bflag:$0x3] =	sbarrier.arrive $0xFFFF  }
0x176: {  	_ =	shalt  }

// kernel: kernel.9.cloned.1.call-start
scs
__scs_entry_jumppad:
0x0: {  	(pc) =	sbr.rel $0x88, $3  }
0x1: {  	(tag) =	ssettag $0x0;
	lr =	simm.s32 $0x1  }
0x2: {  	[smem:$0x3F9B] =	sst lr;
	_ =	strace $0xD0000000  }
0x3: {  	_ = 	snop  }
0x4: {  	_ = 	snop  }
0x5: {  	_ = 	snop  }
0x6: {  	_ = 	snop  }
0x7: {  	_ = 	snop  }
__scs_overlays_trampoline_lowered:
0x8: {  	[smem:$0x3FAA] =	sst s0  }
0x9: {  	[smem:$0x3FAB] =	sst s1  }
0xa: {  	[smem:$0x3FAC] =	sst s2  }
0xb: {  	[smem:$0x3FAD] =	sst s3  }
0xc: {  	[smem:$0x3FAE] =	sst s4  }
0xd: {  	[smem:$0x3FAF] =	sst s5  }
0xe: {  	[smem:$0x3FB0] =	sst s6  }
0xf: {  	[smem:$0x3FB1] =	sst s7  }
0x10: {  	[smem:$0x3FB2] =	sst s8  }
0x11: {  	[smem:$0x3FB3] =	sst s9;
	s0 =	simm.s32 @!p0 $0x0  }
0x12: {  	s1 =	sld [smem:$0x3F99];
	s0 =	simm.s32 @p0 $0x1  }
0x13: {  	[smem:$0x3FB4] =	sst s0;
	s0 =	simm.s32 @!p1 $0x0  }
0x14: {  	s2 =	sld [smem:$0x3F98];
	s0 =	simm.s32 @p1 $0x1  }
0x15: {  	[smem:$0x3FB5] =	sst s0;
	s0 =	simm.s32 @!p2 $0x0  }
0x16: {  	s3 =	sld [smem:$0x3FDB];
	s0 =	simm.s32 @p2 $0x1  }
0x17: {  	s4 =	simm.s32 $0x1BF5;
	[smem:$0x3FB7] =	sst s0  }
0x18: {  	s0 =	sld [smem:$0x3F9A];
	_ =	swait.ge [sflag:s4], $0x0  }
0x19: {  	s7 =	sld [smem:$0x3F9B]  }
0x1a: {  	s8 =	sadd.s32 $0xFFFFE003, lr  }
0x1b: {  	s9 =	sadd.s32 $0xFFFFFEF7, lr;
	s5 =	simm.s32 $0xFFFFFFFF;
	p2 =	slt.u32 s8, $0xFFFFF086  }
0x1c: {  	p1 =	slt.u32 s9, $0xF7A;
	s5 =	simm.s32 @!p2 $0x0  }
0x1d: {  	s5 =	simm.s32 @p1 $0x1;
	p0 =	seq.s32 s7, s2  }
0x1e: {  	s7 =	smul.u32 @!p0 $0xF7A, s2;
	p2 =	seq.s32 @!p0 s5, $0x0  }
0x1f: {  	s9 =	smul.u32 $0xF7A, s1;
	s8 =	simm.s32 @!p0 $0x1BF5;
	p2 =	por !p2, p0  }
0x20: {  	[sflag:s8] =	ssyncset.s32 @!p0 $0xFFFFF086;
	s6 =	sadd.s32 @!p0 s3, s7;
	s7 =	simm.s32 @!p0 $0x108  }
0x21: {  	s3 =	sadd.s32 s3, s9;
	s6 =	sadd.s32 @!p0 $0x88, s6;
	s7 =	simm.s32 @p2 $0x1082  }
0x22: {  	[simem:s7], [sflag:s8] =	dma.local @!p0 [hbm:s6], $0xF7A  }
0x23: {  	s9 =	sor.u32 $0xD0000000, s2;
	s6 =	simm.s32 $0x108;
	_ =	swait.ge @!p0 [sflag:s8], $0x0  }
0x24: {  	s3 =	sadd.s32 $0x88, s3;
	s6 =	simm.s32 @!p1 $0x1082;
	[sflag:s4] =	ssyncset.s32 $0xFFFFF086  }
0x25: {  	[simem:s6], [sflag:s4] =	dma.local [hbm:s3], $0xF7A  }
0x26: {  	[smem:$0x3F9B] =	sst s1;
	(tag) =	ssettag s2;
	_ =	strace s9  }
0x27: {  	s1 =	sld [smem:$0x3FAB]  }
0x28: {  	s2 =	sld [smem:$0x3FAC]  }
0x29: {  	s4 =	sld [smem:$0x3FAE]  }
0x2a: {  	p0 =	seq.s32 s5, $0x0;
	s5 =	sld [smem:$0x3FAF]  }
0x2b: {  	s6 =	sld [smem:$0x3FB0]  }
0x2c: {  	s7 =	sld [smem:$0x3FB1]  }
0x2d: {  	s3 =	simm.s32 $0x108;
	s8 =	sld [smem:$0x3FB2]  }
0x2e: {  	s3 =	simm.s32 @!p0 $0x1082;
	s9 =	sld [smem:$0x3FB3]  }
0x2f: {  	lr =	sadd.s32 s0, s3;
	s0 =	sld [smem:$0x3FAA]  }
0x30: {  	s3 =	sld [smem:$0x3FAD]  }
0x31: {  	[smem:$0x3FB6] =	sst s10  }
0x32: {  	s10 =	sld [smem:$0x3FB4];
	_ =	sdelay $0x3  }
0x33: {  	p0 =	seq.s32 s10, $0x1;
	s10 =	sld [smem:$0x3FB6];
	_ =	sdelay $0x3  }
0x34: {  	[smem:$0x3FB6] =	sst s10  }
0x35: {  	s10 =	sld [smem:$0x3FB5];
	_ =	sdelay $0x3  }
0x36: {  	p1 =	seq.s32 s10, $0x1;
	s10 =	sld [smem:$0x3FB6];
	_ =	sdelay $0x3  }
0x37: {  	[smem:$0x3FB6] =	sst s10  }
0x38: {  	s10 =	sld [smem:$0x3FB7]  }
0x39: {  	_ = 	snop;
	(pc) =	sbr.ind lr, $3  }
0x3a: {  	_ = 	snop  }
0x3b: {  	_ = 	snop  }
0x3c: {  	p2 =	seq.s32 s10, $0x1;
	s10 =	sld [smem:$0x3FB6]  }
0x3d: {  	_ =	shalt  }
0x3e: {  	_ =	shalt  }
0x3f: {  	_ =	shalt  }
0x40: {  	_ =	shalt  }
0x41: {  	_ =	shalt  }
0x42: {  	_ =	shalt  }
0x43: {  	_ =	shalt  }
0x44: {  	_ =	shalt  }
0x45: {  	_ =	shalt  }
0x46: {  	_ =	shalt  }
0x47: {  	_ =	shalt  }
0x48: {  	_ =	shalt  }
0x49: {  	_ =	shalt  }
0x4a: {  	_ =	shalt  }
0x4b: {  	_ =	shalt  }
0x4c: {  	_ =	shalt  }
0x4d: {  	_ =	shalt  }
0x4e: {  	_ =	shalt  }
0x4f: {  	_ =	shalt  }
0x50: {  	_ =	shalt  }
0x51: {  	_ =	shalt  }
0x52: {  	_ =	shalt  }
0x53: {  	_ =	shalt  }
0x54: {  	_ =	shalt  }
0x55: {  	_ =	shalt  }
0x56: {  	_ =	shalt  }
0x57: {  	_ =	shalt  }
0x58: {  	_ =	shalt  }
0x59: {  	_ =	shalt  }
0x5a: {  	_ =	shalt  }
0x5b: {  	_ =	shalt  }
0x5c: {  	_ =	shalt  }
0x5d: {  	_ =	shalt  }
0x5e: {  	_ =	shalt  }
0x5f: {  	_ =	shalt  }
0x60: {  	_ =	shalt  }
0x61: {  	_ =	shalt  }
0x62: {  	_ =	shalt  }
0x63: {  	_ =	shalt  }
0x64: {  	_ =	shalt  }
0x65: {  	_ =	shalt  }
0x66: {  	_ =	shalt  }
0x67: {  	_ =	shalt  }
0x68: {  	_ =	shalt  }
0x69: {  	_ =	shalt  }
0x6a: {  	_ =	shalt  }
0x6b: {  	_ =	shalt  }
0x6c: {  	_ =	shalt  }
0x6d: {  	_ =	shalt  }
0x6e: {  	_ =	shalt  }
0x6f: {  	_ =	shalt  }
0x70: {  	_ =	shalt  }
0x71: {  	_ =	shalt  }
0x72: {  	_ =	shalt  }
0x73: {  	_ =	shalt  }
0x74: {  	_ =	shalt  }
0x75: {  	_ =	shalt  }
0x76: {  	_ =	shalt  }
0x77: {  	_ =	shalt  }
0x78: {  	_ =	shalt  }
0x79: {  	_ =	shalt  }
0x7a: {  	_ =	shalt  }
0x7b: {  	_ =	shalt  }
0x7c: {  	_ =	shalt  }
0x7d: {  	_ =	shalt  }
0x7e: {  	_ =	shalt  }
0x7f: {  	_ =	shalt  }
0x80: {  	_ =	shalt  }
0x81: {  	_ =	shalt  }
0x82: {  	_ =	shalt  }
0x83: {  	_ =	shalt  }
0x84: {  	_ =	shalt  }
0x85: {  	_ =	shalt  }
0x86: {  	_ =	shalt  }
0x87: {  	_ =	shalt  }
.Lfunc_end0:
.L_simem_size_0:
called_computation.1_lowered:
.L_overlay_start_0:
0x88: {  	s2 =	sld [smem:$0x3FD9]  }
0x89: {  	s3 =	sld [smem:$0x3FFE];
	_ =	sdelay $0x1  }
0x8a: {  	s1 =	srdreg.scid  }
0x8b: {  	s0 =	sand.u32 $0x1, s1  }
0x8c: {  	s14 =	sshll.u32 s0, $0xA;
	s2 =	sadd.s32 s3, s2  }
0x8d: {  	s2 =	sadd.s32 s2, s14  }
0x8e: {  	[smem:$0x3FC2] =	sst s2  }
0x8f: {  	_ = 	snop  }
0x90: {  	s2 =	sld [smem:$0x3FD0];
	_ =	sdelay $0x2  }
0x91: {  	s15 =	simm.s32 $0xA;
	s4 =	simm.s32 $0x10  }
0x92: {  	[smem:s4], [sflag:s15] =	dma.local [hbm:s2], $0x1  }
0x93: {  	_ =	swait.eq [sflag:s15], $0x1  }
0x94: {  	[sflag:s15] =	ssyncset.done $0x0  }
0x95: {  	[sflag:s15] =	ssyncadd.s32 $0xFFFFFFFF  }
0x96: {  	s16 =	sld [smem:$0x10];
	(tm) =	ssettm $0x1  }
0x97: {  	s17 =	sld [smem:$0x3FFB];
	_ =	sdelay $0x3  }
0x98: {  	_ =	strace s17  }
0x99: {  	s3 =	sld [smem:$0x3FFC];
	_ =	sdelay $0x3  }
0x9a: {  	_ =	strace s3  }
0x9b: {  	s3 =	sld [smem:$0x3FFD];
	_ =	sdelay $0x3  }
0x9c: {  	_ =	strace s3  }
0x9d: {  	_ =	strace $0x8FFFFFFF  }
0x9e: {  	s18 =	sld [smem:$0x3FDB];
	_ =	sdelay $0x1  }
0x9f: {  	s19 =	simm.s32 $_scs_section_size  }
0xa0: {  	s5 =	simm.s32 $_size__tile_overlayer_lowered;
	s6 =	simm.s32 $_tile_overlayer_lowered  }
0xa1: {  	s22 =	simm.s32 $0x1BFF;
	s21 =	sshll.u32 s6, $0x1;
	s3 =	sadd.s32 s19, s18  }
0xa2: {  	s7 =	simm.s32 $0x0;
	s20 =	sshll.u32 s5, $0x1;
	s5 =	sadd.s32 s21, s3  }
0xa3: {  	[timem:s7], [sflag:s22] =	dma.local [hbm:s5], s20  }
0xa4: {  	_ =	swait.ge [sflag:s22], s20  }
0xa5: {  	s4 =	ssub.s32 $0x0, s20;
	[sflag:s22] =	ssyncset.done $0x0  }
0xa6: {  	[sflag:s22] =	ssyncadd.s32 s4;
	_ =	sdelay $0x1  }
0xa7: {  	s23 =	simm.s32 $0x1B8B  }
0xa8: {  	_ =	swait.ge [sflag:s23], $0x1  }
0xa9: {  	[sflag:s23] =	ssyncset.done $0x0  }
0xaa: {  	s25 =	simm.s32 $0x1B8E;
	s24 =	sld [smem:$0x3FFE];
	[sflag:s23] =	ssyncadd.s32 $0xFFFFFFFF  }
0xab: {  	s26 =	simm.s32 $execute0_lowered;
	[smem:$0x3FD2] =	sst s25  }
0xac: {  	s5 =	sshll.u32 s26, $0x1;
	_ =	strace $0x80000049;
	[dreg:$0x1] =	wrdreg $0xFFFFFFFF  }
0xad: {  	s28 =	simm.s32 $_size_execute0_lowered;
	s3 =	sadd.s32 s3, s5;
	[dreg:$0x0] =	wrdreg $0x0  }
0xae: {  	s5 =	sshll.u32 s28, $0x1;
	[dreg:$0x2] =	wrdreg s3  }
0xaf: {  	[dreg:$0x3] =	wrdreg s5  }
0xb0: {  	[dreg:$0x4] =	wrdreg $0xC0  }
0xb1: {  	_ =	task [dreg:s7], $0x5FFFF  }
0xb2: {  	[dreg:$0x1] =	wrdreg $0xFFFFFFFF  }
0xb3: {  	[dreg:$0x0] =	wrdreg $0x60  }
0xb4: {  	[dreg:$0x2] =	wrdreg s24  }
0xb5: {  	[dreg:$0x3] =	wrdreg s16  }
0xb6: {  	[dreg:$0x4] =	wrdreg $0x9  }
0xb7: {  	_ =	task.clear_ibuf [dreg:s7], $0x5FFFF;
	_ =	strace $0x90000049  }
0xb8: {  	s29 =	simm.s32 $0x9;
	_ =	strace $0x8000004B  }
0xb9: {  	_ =	swait.ge [sflag:s29], $0x1  }
0xba: {  	[sflag:s29] =	ssyncadd.s32 $0xFFFFFFFF  }
0xbb: {  	_ =	strace $0x9000004B  }
0xbc: {  	_ =	sfence  }
0xbd: {  	s30 =	sld [smem:$0x0];
	_ =	sdelay $0x2  }
0xbe: {  	s31 =	sshll.u32 s1, $0xD;
	s1 =	sshrl.u32 s1, $0x2  }
0xbf: {  	s3 =	sand.u32 $0x4000, s31;
	s1 =	sadd.s32 s1, s30  }
0xc0: {  	s0 =	sor.u32 s3, s0;
	s1 =	sshll.u32 s1, $0x11  }
0xc1: {  	s0 =	sor.u32 s1, s0  }
0xc2: {  	s0 =	sadd.s32 $0x8F2B, s0  }
0xc3: {  	[sflag:s0] =	ssyncadd.remote.s32 $0x1  }
0xc4: {  	_ =	sfence.sel $0xFFFF  }
0xc5: {  	[dreg:$0x0] =	wrdreg $0xFFFFFFFF;
	(pc) =	sbr.abs _section_cstart, $3  }
0xc6: {  	[dreg:$0x1] =	wrdreg $0xFFFFFFFF  }
0xc7: {  	_ =	task.clear_ibuf [dreg:s7], $0x2FFFF;
	_ =	strace $0x9FFFFFFF  }
0xc8: {  	(tm) =	ssettm $0x7FFFFFFF  }
0xc9: {  	_ =	shalt  }
tec
execute0_lowered:
.L_overlay_start_1:
0x0: {  	(tag) =	ssettag $0x1  }
0x1: {  	s0 =	rddreg [dreg:$0x0]  }
0x2: {  	s1 =	rddreg [dreg:$0x1];
	s2 =	simm.s32 $0x0  }
0x3: {  	s3 =	srdreg.scid;
	s5 =	stileid.u32;
	s13 =	simm.s32 $0x5  }
0x4: {  	s15 =	simm.s32 $0x400;
	s19 =	simm.s32 $0x1;
	s20 =	simm.s32 $0xC400  }
0x5: {  	s28 =	simm.s32 $0x11400;
	s12 =	simm.s32 $0x11C00;
	s29 =	simm.s32 $0x12400  }
0x6: {  	s30 =	simm.s32 $0x12C00;
	s31 =	simm.s32 $0x13400;
	s14 =	simm.s32 $0x14C00  }
0x7: {  	s16 =	simm.s32 $0x15400;
	s17 =	simm.s32 $0x15C00;
	s18 =	simm.s32 $0x16C00  }
0x8: {  	s21 =	simm.s32 $0x17C00;
	s9 =	simm.s32 $0x0;
	[smem:$0x7FF] =	sst s2  }
0x9: {  	s4 =	sand.u32 $0x1, s3;
	s5 =	sshll.u32 s5, $0x1;
	s3 =	sadd.s32 $0x20E00, s0  }
0xa: {  	_ =	strace $0x8000004A;
	s5 =	sor.u32 s4, s5;
	s4 =	ssub.s32 $0x2, s4  }
0xb: {  	s6 =	sshll.u32 s5, $0x6;
	s7 =	sshrl.u32 s4, $0x1;
	s8 =	smul.u32 $0x30000, s5  }
0xc: {  	s5 =	smul.u32 $0x6000, s5;
	s6 =	sadd.s32 s6, s0;
	s4 =	ssub.s32 s4, s7  }
0xd: {  	s22 =	sadd.s32 $0x20600, s6;
	s6 =	sadd.s32 $0x260E00, s6;
	s8 =	sshrl.u32 s8, $0x3  }
0xe: {  	s7 =	sadd.s32 s1, s5;
	s26 =	smax.u32 s4, $0x1;
	[dreg:$0x3] =	wrdreg s22  }
0xf: {  	s4 =	simm.s32 $0x16400;
	s5 =	simm.s32 $0x17400;
	[dreg:$0x4] =	wrdreg s6  }
0x10: {  	s6 =	sadd.s32 $0x20F00, s0;
	s1 =	sadd.s32 s1, s8;
	s8 =	sadd.s32 $0x21000, s0  }
0x11: {  	s23 =	sadd.s32 $0x1800, s7;
	[dreg:$0x8] =	wrdreg s26;
	s0 =	simm.s32 $0x13C00  }
0x12: {  	v2 =	vlaneseq.u32;
	s22 =	simm.s32 $0x2;
	[dreg:$0x5] =	wrdreg s23;
	s24 =	sadd.s32 $0x3000, s1  }
0x13: {  	vm0 =	vmmov $0xffff;
	v1 =	vshrl.u32 v2, $0x3;
	s25 =	sadd.s32 $0x4800, s1;
	s1 =	simm.s32 $0x14400;
	[dreg:$0x6] =	wrdreg s24  }
0x14: {  	v0 =	vand.u32 $0x7, v2;
	v2 =	vor.u32 $0x8, v2;
	v1 =	vmul.u32 $0x8, v1;
	s23 =	simm.s32 $0x3;
	[dreg:$0x7] =	wrdreg s25;
	s24 =	simm.s32 $0x4  }
.LBB2_1:
0x15: {  	s10 =	rddreg [dreg:$0x3]  }
0x16: {  	[tilespmem:s2], [sflag:$0x5] =	stream.linear.gather [hbm4b:s10+s2], $0x200, $0x38;
	[tilespmem:$0x18400] =	vst v63  }
0x17: {  	_ =	swait.ge [sflag:s13], $0x200  }
0x18: {  	[sflag:s13] =	ssyncset.done $0x0  }
0x19: {  	s11 =	simm.s32 $0x200;
	s26 =	rddreg [dreg:$0x4];
	[sflag:s13] =	ssyncadd.s32 $0xFFFFFE00  }
0x1a: {  	[tilespmem:s11], [sflag:$0x5] =	stream.linear.gather [hbm4b:s26+s2], $0x200, $0x38;
	[tilespmem:$0x18400] =	vst v63  }
0x1b: {  	_ =	swait.ge [sflag:s13], $0x200  }
0x1c: {  	[sflag:s13] =	ssyncset.done $0x0  }
0x1d: {  	[sflag:s13] =	ssyncadd.s32 $0xFFFFFE00  }
0x1e: {  	v3 =	vld [tilespmem:$0x0];
	_ =	sdelay $0x4  }
0x1f: {  	v4 =	vshrl.u32 v3, $0x3  }
0x20: {  	v4 =	vmul.u32 $0x30, v4  }
0x21: {  	v3 =	vand.u32 $0x7, v3  }
0x22: {  	v3 =	vor.u32 v3, v4  }
0x23: {  	v4 =	vperm.xlane v3, v0;
	_ =	sdelay $0x1  }
0x24: {  	v4 =	vadd.s32 v1, v4;
	_ =	sdelay $0x3  }
0x25: {  	v3 =	vperm.xlane v3, v2  }
0x26: {  	[tilespmem:s15], [sflag:$0x1] =	stream.indirect_vreg.gather [hbm4b:s3+s2], $0x80, v4, vm0, $0xb8;
	[tilespmem:$0x18400] =	vst v63  }
0x27: {  	s25 =	simm.s32 $0xC00;
	v3 =	vadd.s32 v1, v3  }
0x28: {  	[tilespmem:s25], [sflag:$0x1] =	stream.indirect_vreg.gather [hbm4b:s6+s2], $0x80, v4, vm0, $0xb8;
	[tilespmem:$0x18400] =	vst v63  }
0x29: {  	s26 =	simm.s32 $0x1400  }
0x2a: {  	[tilespmem:s26], [sflag:$0x1] =	stream.indirect_vreg.gather [hbm4b:s8+s2], $0x80, v4, vm0, $0xb8;
	[tilespmem:$0x18400] =	vst v63  }
0x2b: {  	s11 =	simm.s32 $0x1C00  }
0x2c: {  	[tilespmem:s11], [sflag:$0x1] =	stream.indirect_vreg.gather [hbm4b:s3+s2], $0x80, v3, vm0, $0xb8;
	[tilespmem:$0x18400] =	vst v63  }
0x2d: {  	s25 =	simm.s32 $0x2400  }
0x2e: {  	[tilespmem:s25], [sflag:$0x1] =	stream.indirect_vreg.gather [hbm4b:s6+s2], $0x80, v3, vm0, $0xb8;
	[tilespmem:$0x18400] =	vst v63  }
0x2f: {  	s26 =	simm.s32 $0x2C00  }
0x30: {  	[tilespmem:s26], [sflag:$0x1] =	stream.indirect_vreg.gather [hbm4b:s8+s2], $0x80, v3, vm0, $0xb8;
	[tilespmem:$0x18400] =	vst v63  }
0x31: {  	v3 =	vld [tilespmem:$0x10];
	_ =	sdelay $0x4  }
0x32: {  	v57 =	vshrl.u32 v3, $0x3  }
0x33: {  	v4 =	vmul.u32 $0x30, v57  }
0x34: {  	v3 =	vand.u32 $0x7, v3  }
0x35: {  	v3 =	vor.u32 v3, v4  }
0x36: {  	v4 =	vperm.xlane v3, v0;
	_ =	sdelay $0x1  }
0x37: {  	v4 =	vadd.s32 v1, v4;
	_ =	sdelay $0x3  }
0x38: {  	s11 =	simm.s32 $0x3400;
	v3 =	vperm.xlane v3, v2  }
0x39: {  	[tilespmem:s11], [sflag:$0x1] =	stream.indirect_vreg.gather [hbm4b:s3+s2], $0x80, v4, vm0, $0xb8;
	[tilespmem:$0x18400] =	vst v63  }
0x3a: {  	s25 =	simm.s32 $0x3C00;
	v3 =	vadd.s32 v1, v3  }
0x3b: {  	[tilespmem:s25], [sflag:$0x1] =	stream.indirect_vreg.gather [hbm4b:s6+s2], $0x80, v4, vm0, $0xb8;
	[tilespmem:$0x18400] =	vst v63  }
0x3c: {  	s26 =	simm.s32 $0x4400  }
0x3d: {  	[tilespmem:s26], [sflag:$0x1] =	stream.indirect_vreg.gather [hbm4b:s8+s2], $0x80, v4, vm0, $0xb8;
	[tilespmem:$0x18400] =	vst v63  }
0x3e: {  	s11 =	simm.s32 $0x4C00  }
0x3f: {  	[tilespmem:s11], [sflag:$0x1] =	stream.indirect_vreg.gather [hbm4b:s3+s2], $0x80, v3, vm0, $0xb8;
	[tilespmem:$0x18400] =	vst v63  }
0x40: {  	s25 =	simm.s32 $0x5400  }
0x41: {  	[tilespmem:s25], [sflag:$0x1] =	stream.indirect_vreg.gather [hbm4b:s6+s2], $0x80, v3, vm0, $0xb8;
	[tilespmem:$0x18400] =	vst v63  }
0x42: {  	s26 =	simm.s32 $0x5C00  }
0x43: {  	[tilespmem:s26], [sflag:$0x1] =	stream.indirect_vreg.gather [hbm4b:s8+s2], $0x80, v3, vm0, $0xb8;
	[tilespmem:$0x18400] =	vst v63  }
0x44: {  	v3 =	vld [tilespmem:$0x20];
	_ =	sdelay $0x4  }
0x45: {  	v58 =	vshrl.u32 v3, $0x3  }
0x46: {  	v4 =	vmul.u32 $0x30, v58  }
0x47: {  	v3 =	vand.u32 $0x7, v3  }
0x48: {  	v3 =	vor.u32 v3, v4  }
0x49: {  	v4 =	vperm.xlane v3, v0;
	_ =	sdelay $0x1  }
0x4a: {  	v4 =	vadd.s32 v1, v4;
	_ =	sdelay $0x3  }
0x4b: {  	s11 =	simm.s32 $0x6400;
	v3 =	vperm.xlane v3, v2  }
0x4c: {  	[tilespmem:s11], [sflag:$0x1] =	stream.indirect_vreg.gather [hbm4b:s3+s2], $0x80, v4, vm0, $0xb8;
	[tilespmem:$0x18400] =	vst v63  }
0x4d: {  	s25 =	simm.s32 $0x6C00;
	v3 =	vadd.s32 v1, v3  }
0x4e: {  	[tilespmem:s25], [sflag:$0x1] =	stream.indirect_vreg.gather [hbm4b:s6+s2], $0x80, v4, vm0, $0xb8;
	[tilespmem:$0x18400] =	vst v63  }
0x4f: {  	s26 =	simm.s32 $0x7400  }
0x50: {  	[tilespmem:s26], [sflag:$0x1] =	stream.indirect_vreg.gather [hbm4b:s8+s2], $0x80, v4, vm0, $0xb8;
	[tilespmem:$0x18400] =	vst v63  }
0x51: {  	s11 =	simm.s32 $0x7C00  }
0x52: {  	[tilespmem:s11], [sflag:$0x1] =	stream.indirect_vreg.gather [hbm4b:s3+s2], $0x80, v3, vm0, $0xb8;
	[tilespmem:$0x18400] =	vst v63  }
0x53: {  	s25 =	simm.s32 $0x8400  }
0x54: {  	[tilespmem:s25], [sflag:$0x1] =	stream.indirect_vreg.gather [hbm4b:s6+s2], $0x80, v3, vm0, $0xb8;
	[tilespmem:$0x18400] =	vst v63  }
0x55: {  	s26 =	simm.s32 $0x8C00  }
0x56: {  	[tilespmem:s26], [sflag:$0x1] =	stream.indirect_vreg.gather [hbm4b:s8+s2], $0x80, v3, vm0, $0xb8;
	[tilespmem:$0x18400] =	vst v63  }
0x57: {  	v3 =	vld [tilespmem:$0x30];
	_ =	sdelay $0x4  }
0x58: {  	v59 =	vshrl.u32 v3, $0x3  }
0x59: {  	v4 =	vmul.u32 $0x30, v59  }
0x5a: {  	v3 =	vand.u32 $0x7, v3  }
0x5b: {  	v3 =	vor.u32 v3, v4  }
0x5c: {  	v4 =	vperm.xlane v3, v0;
	_ =	sdelay $0x1  }
0x5d: {  	v4 =	vadd.s32 v1, v4;
	_ =	sdelay $0x3  }
0x5e: {  	s11 =	simm.s32 $0x9400;
	v3 =	vperm.xlane v3, v2  }
0x5f: {  	[tilespmem:s11], [sflag:$0x1] =	stream.indirect_vreg.gather [hbm4b:s3+s2], $0x80, v4, vm0, $0xb8;
	[tilespmem:$0x18400] =	vst v63  }
0x60: {  	s25 =	simm.s32 $0x9C00;
	v3 =	vadd.s32 v1, v3  }
0x61: {  	[tilespmem:s25], [sflag:$0x1] =	stream.indirect_vreg.gather [hbm4b:s6+s2], $0x80, v4, vm0, $0xb8;
	[tilespmem:$0x18400] =	vst v63  }
0x62: {  	s26 =	simm.s32 $0xA400  }
0x63: {  	[tilespmem:s26], [sflag:$0x1] =	stream.indirect_vreg.gather [hbm4b:s8+s2], $0x80, v4, vm0, $0xb8;
	[tilespmem:$0x18400] =	vst v63  }
0x64: {  	s11 =	simm.s32 $0xAC00  }
0x65: {  	[tilespmem:s11], [sflag:$0x1] =	stream.indirect_vreg.gather [hbm4b:s3+s2], $0x80, v3, vm0, $0xb8;
	[tilespmem:$0x18400] =	vst v63  }
0x66: {  	s25 =	simm.s32 $0xB400  }
0x67: {  	[tilespmem:s25], [sflag:$0x1] =	stream.indirect_vreg.gather [hbm4b:s6+s2], $0x80, v3, vm0, $0xb8;
	[tilespmem:$0x18400] =	vst v63  }
0x68: {  	s26 =	simm.s32 $0xBC00  }
0x69: {  	[tilespmem:s26], [sflag:$0x1] =	stream.indirect_vreg.gather [hbm4b:s8+s2], $0x80, v3, vm0, $0xb8;
	[tilespmem:$0x18400] =	vst v63  }
0x6a: {  	_ =	swait.ge [sflag:s19], $0xC000  }
0x6b: {  	[sflag:s19] =	ssyncset.done $0x0  }
0x6c: {  	[sflag:s19] =	ssyncadd.s32 $0xFFFF4000  }
0x6d: {  	v3 =	vld [tilespmem:$0x80];
	_ =	sdelay $0x4  }
0x6e: {  	v60 =	vshrl.u32 v3, $0x3  }
0x6f: {  	v4 =	vmul.u32 $0x30, v60  }
0x70: {  	v3 =	vand.u32 $0x7, v3  }
0x71: {  	v3 =	vor.u32 v3, v4  }
0x72: {  	v4 =	vperm.xlane v3, v0;
	_ =	sdelay $0x1  }
0x73: {  	v4 =	vadd.s32 v1, v4;
	_ =	sdelay $0x3  }
0x74: {  	v3 =	vperm.xlane v3, v2  }
0x75: {  	[tilespmem:s20], [sflag:$0x2] =	stream.indirect_vreg.gather [hbm4b:s3+s2], $0x80, v4, vm0, $0xb8;
	[tilespmem:$0x18400] =	vst v63  }
0x76: {  	s11 =	simm.s32 $0xCC00;
	v3 =	vadd.s32 v1, v3  }
0x77: {  	[tilespmem:s11], [sflag:$0x2] =	stream.indirect_vreg.gather [hbm4b:s6+s2], $0x80, v4, vm0, $0xb8;
	[tilespmem:$0x18400] =	vst v63  }
0x78: {  	s25 =	simm.s32 $0xD400  }
0x79: {  	[tilespmem:s25], [sflag:$0x2] =	stream.indirect_vreg.gather [hbm4b:s8+s2], $0x80, v4, vm0, $0xb8;
	[tilespmem:$0x18400] =	vst v63  }
0x7a: {  	s26 =	simm.s32 $0xDC00  }
0x7b: {  	[tilespmem:s26], [sflag:$0x2] =	stream.indirect_vreg.gather [hbm4b:s3+s2], $0x80, v3, vm0, $0xb8;
	[tilespmem:$0x18400] =	vst v63  }
0x7c: {  	s11 =	simm.s32 $0xE400  }
0x7d: {  	[tilespmem:s11], [sflag:$0x2] =	stream.indirect_vreg.gather [hbm4b:s6+s2], $0x80, v3, vm0, $0xb8;
	[tilespmem:$0x18400] =	vst v63  }
0x7e: {  	s25 =	simm.s32 $0xEC00  }
0x7f: {  	[tilespmem:s25], [sflag:$0x2] =	stream.indirect_vreg.gather [hbm4b:s8+s2], $0x80, v3, vm0, $0xb8;
	[tilespmem:$0x18400] =	vst v63  }
0x80: {  	v3 =	vld [tilespmem:$0x90];
	_ =	sdelay $0x4  }
0x81: {  	v61 =	vshrl.u32 v3, $0x3  }
0x82: {  	v4 =	vmul.u32 $0x30, v61  }
0x83: {  	v3 =	vand.u32 $0x7, v3  }
0x84: {  	v3 =	vor.u32 v3, v4  }
0x85: {  	v4 =	vperm.xlane v3, v0;
	_ =	sdelay $0x1  }
0x86: {  	v4 =	vadd.s32 v1, v4;
	_ =	sdelay $0x3  }
0x87: {  	s26 =	simm.s32 $0xF400;
	v3 =	vperm.xlane v3, v2  }
0x88: {  	[tilespmem:s26], [sflag:$0x2] =	stream.indirect_vreg.gather [hbm4b:s3+s2], $0x80, v4, vm0, $0xb8;
	[tilespmem:$0x18400] =	vst v63  }
0x89: {  	s11 =	simm.s32 $0xFC00;
	v3 =	vadd.s32 v1, v3  }
0x8a: {  	[tilespmem:s11], [sflag:$0x2] =	stream.indirect_vreg.gather [hbm4b:s6+s2], $0x80, v4, vm0, $0xb8;
	[tilespmem:$0x18400] =	vst v63  }
0x8b: {  	s25 =	simm.s32 $0x10400  }
0x8c: {  	[tilespmem:s25], [sflag:$0x2] =	stream.indirect_vreg.gather [hbm4b:s8+s2], $0x80, v4, vm0, $0xb8;
	[tilespmem:$0x18400] =	vst v63  }
0x8d: {  	s26 =	simm.s32 $0x10C00  }
0x8e: {  	[tilespmem:s26], [sflag:$0x2] =	stream.indirect_vreg.gather [hbm4b:s3+s2], $0x80, v3, vm0, $0xb8;
	[tilespmem:$0x18400] =	vst v63  }
0x8f: {  	_ = 	snop  }
0x90: {  	[tilespmem:s28], [sflag:$0x2] =	stream.indirect_vreg.gather [hbm4b:s6+s2], $0x80, v3, vm0, $0xb8;
	[tilespmem:$0x18400] =	vst v63  }
0x91: {  	_ = 	snop  }
0x92: {  	[tilespmem:s12], [sflag:$0x2] =	stream.indirect_vreg.gather [hbm4b:s8+s2], $0x80, v3, vm0, $0xb8;
	[tilespmem:$0x18400] =	vst v63  }
0x93: {  	v3 =	vld [tilespmem:$0xA0];
	_ =	sdelay $0x4  }
0x94: {  	v62 =	vshrl.u32 v3, $0x3  }
0x95: {  	v4 =	vmul.u32 $0x30, v62  }
0x96: {  	v3 =	vand.u32 $0x7, v3  }
0x97: {  	v3 =	vor.u32 v3, v4  }
0x98: {  	v4 =	vperm.xlane v3, v0;
	_ =	sdelay $0x1  }
0x99: {  	v4 =	vadd.s32 v1, v4;
	_ =	sdelay $0x3  }
0x9a: {  	v3 =	vperm.xlane v3, v2  }
0x9b: {  	[tilespmem:s29], [sflag:$0x2] =	stream.indirect_vreg.gather [hbm4b:s3+s2], $0x80, v4, vm0, $0xb8;
	[tilespmem:$0x18400] =	vst v63  }
0x9c: {  	v3 =	vadd.s32 v1, v3  }
0x9d: {  	[tilespmem:s30], [sflag:$0x2] =	stream.indirect_vreg.gather [hbm4b:s6+s2], $0x80, v4, vm0, $0xb8;
	[tilespmem:$0x18400] =	vst v63  }
0x9e: {  	_ = 	snop  }
0x9f: {  	[tilespmem:s31], [sflag:$0x2] =	stream.indirect_vreg.gather [hbm4b:s8+s2], $0x80, v4, vm0, $0xb8;
	[tilespmem:$0x18400] =	vst v63  }
0xa0: {  	_ = 	snop  }
0xa1: {  	[tilespmem:s0], [sflag:$0x2] =	stream.indirect_vreg.gather [hbm4b:s3+s2], $0x80, v3, vm0, $0xb8;
	[tilespmem:$0x18400] =	vst v63  }
0xa2: {  	_ = 	snop  }
0xa3: {  	[tilespmem:s1], [sflag:$0x2] =	stream.indirect_vreg.gather [hbm4b:s6+s2], $0x80, v3, vm0, $0xb8;
	[tilespmem:$0x18400] =	vst v63  }
0xa4: {  	_ = 	snop  }
0xa5: {  	[tilespmem:s14], [sflag:$0x2] =	stream.indirect_vreg.gather [hbm4b:s8+s2], $0x80, v3, vm0, $0xb8;
	[tilespmem:$0x18400] =	vst v63  }
0xa6: {  	v3 =	vld [tilespmem:$0xB0];
	_ =	sdelay $0x4  }
0xa7: {  	v63 =	vshrl.u32 v3, $0x3  }
0xa8: {  	v4 =	vmul.u32 $0x30, v63  }
0xa9: {  	v3 =	vand.u32 $0x7, v3  }
0xaa: {  	v3 =	vor.u32 v3, v4  }
0xab: {  	v4 =	vperm.xlane v3, v0;
	_ =	sdelay $0x1  }
0xac: {  	v4 =	vadd.s32 v1, v4;
	_ =	sdelay $0x3  }
0xad: {  	v3 =	vperm.xlane v3, v2  }
0xae: {  	[tilespmem:s16], [sflag:$0x2] =	stream.indirect_vreg.gather [hbm4b:s3+s2], $0x80, v4, vm0, $0xb8;
	[tilespmem:$0x18400] =	vst v63  }
0xaf: {  	v3 =	vadd.s32 v1, v3  }
0xb0: {  	[tilespmem:s17], [sflag:$0x2] =	stream.indirect_vreg.gather [hbm4b:s6+s2], $0x80, v4, vm0, $0xb8;
	[tilespmem:$0x18400] =	vst v63  }
0xb1: {  	_ = 	snop  }
0xb2: {  	[tilespmem:s4], [sflag:$0x2] =	stream.indirect_vreg.gather [hbm4b:s8+s2], $0x80, v4, vm0, $0xb8;
	[tilespmem:$0x18400] =	vst v63  }
0xb3: {  	_ = 	snop  }
0xb4: {  	[tilespmem:s18], [sflag:$0x2] =	stream.indirect_vreg.gather [hbm4b:s3+s2], $0x80, v3, vm0, $0xb8;
	[tilespmem:$0x18400] =	vst v63  }
0xb5: {  	_ = 	snop  }
0xb6: {  	[tilespmem:s5], [sflag:$0x2] =	stream.indirect_vreg.gather [hbm4b:s6+s2], $0x80, v3, vm0, $0xb8;
	[tilespmem:$0x18400] =	vst v63  }
0xb7: {  	s10 =	simm.s32 $0x0;
	s25 =	simm.s32 $0x0  }
0xb8: {  	[tilespmem:s21], [sflag:$0x2] =	stream.indirect_vreg.gather [hbm4b:s8+s2], $0x80, v3, vm0, $0xb8;
	[tilespmem:$0x18400] =	vst v63  }
.LBB2_2:
0xb9: {  	s26 =	sshrl.u32 s10, $0x3  }
0xba: {  	s26 =	smul.u32 $0x6000, s26  }
0xbb: {  	s11 =	sand.u32 $0x30, s10  }
0xbc: {  	v3 =	vld [tilespmem:s11+$0x200];
	s11 =	sand.u32 $0x380, s25;
	s26 =	sshra.s32 s26, $0x2  }
0xbd: {  	s26 =	sor.u32 s11, s26  }
0xbe: {  	v4 =	vld [tilespmem:s26+$0x400]  }
0xbf: {  	v5 =	vld [tilespmem:s26+$0x410]  }
0xc0: {  	v6 =	vmov s10;
	v7 =	vld [tilespmem:s26+$0x420]  }
0xc1: {  	v29 =	vld [tilespmem:s26+$0x430];
	v3 =	vperm.xlane v3, v6  }
0xc2: {  	v8 =	vld [tilespmem:s26+$0x440]  }
0xc3: {  	v9 =	vld [tilespmem:s26+$0x450];
	v4 =	vmul.f32 v4, v3  }
0xc4: {  	v10 =	vld [tilespmem:s26+$0x460];
	v5 =	vmul.f32 v5, v3  }
0xc5: {  	v31 =	vld [tilespmem:s26+$0x470];
	v30 =	vmul.f32 v7, v3;
	[tilespmem:s26+$0x400] =	vst v4  }
0xc6: {  	v33 =	vld [tilespmem:s26+$0x800];
	v32 =	vmul.f32 v29, v3;
	[tilespmem:s26+$0x410] =	vst v5  }
0xc7: {  	v35 =	vld [tilespmem:s26+$0x810];
	v34 =	vmul.f32 v8, v3;
	[tilespmem:s26+$0x420] =	vst v30  }
0xc8: {  	v37 =	vld [tilespmem:s26+$0x820];
	v36 =	vmul.f32 v9, v3;
	[tilespmem:s26+$0x430] =	vst v32  }
0xc9: {  	v39 =	vld [tilespmem:s26+$0x830];
	v38 =	vmul.f32 v10, v3;
	[tilespmem:s26+$0x440] =	vst v34  }
0xca: {  	v41 =	vld [tilespmem:s26+$0x840];
	v40 =	vmul.f32 v31, v3;
	[tilespmem:s26+$0x450] =	vst v36  }
0xcb: {  	v43 =	vld [tilespmem:s26+$0x850];
	v42 =	vmul.f32 v33, v3;
	[tilespmem:s26+$0x460] =	vst v38  }
0xcc: {  	v45 =	vld [tilespmem:s26+$0x860];
	v44 =	vmul.f32 v35, v3;
	[tilespmem:s26+$0x470] =	vst v40  }
0xcd: {  	v47 =	vld [tilespmem:s26+$0x870];
	v46 =	vmul.f32 v37, v3;
	[tilespmem:s26+$0x800] =	vst v42  }
0xce: {  	v49 =	vld [tilespmem:s26+$0xC00];
	v48 =	vmul.f32 v39, v3;
	[tilespmem:s26+$0x810] =	vst v44  }
0xcf: {  	v51 =	vld [tilespmem:s26+$0xC10];
	v50 =	vmul.f32 v41, v3;
	[tilespmem:s26+$0x820] =	vst v46  }
0xd0: {  	v53 =	vld [tilespmem:s26+$0xC20];
	v52 =	vmul.f32 v43, v3;
	[tilespmem:s26+$0x830] =	vst v48  }
0xd1: {  	v55 =	vld [tilespmem:s26+$0xC30];
	v54 =	vmul.f32 v45, v3;
	[tilespmem:s26+$0x840] =	vst v50  }
0xd2: {  	v57 =	vld [tilespmem:s26+$0xC40];
	v56 =	vmul.f32 v47, v3;
	[tilespmem:s26+$0x850] =	vst v52  }
0xd3: {  	v59 =	vld [tilespmem:s26+$0xC50];
	v58 =	vmul.f32 v49, v3;
	[tilespmem:s26+$0x860] =	vst v54  }
0xd4: {  	v61 =	vld [tilespmem:s26+$0xC60];
	v60 =	vmul.f32 v51, v3;
	[tilespmem:s26+$0x870] =	vst v56  }
0xd5: {  	v63 =	vld [tilespmem:s26+$0xC70];
	v62 =	vmul.f32 v53, v3;
	[tilespmem:s26+$0xC00] =	vst v58  }
0xd6: {  	v13 =	vld [tilespmem:s26+$0x1000];
	v12 =	vmul.f32 v55, v3;
	[tilespmem:s26+$0xC10] =	vst v60  }
0xd7: {  	v15 =	vld [tilespmem:s26+$0x1010];
	v14 =	vmul.f32 v57, v3;
	[tilespmem:s26+$0xC20] =	vst v62  }
0xd8: {  	v17 =	vld [tilespmem:s26+$0x1020];
	v16 =	vmul.f32 v59, v3;
	[tilespmem:s26+$0xC30] =	vst v12  }
0xd9: {  	v19 =	vld [tilespmem:s26+$0x1030];
	v18 =	vmul.f32 v61, v3;
	[tilespmem:s26+$0xC40] =	vst v14  }
0xda: {  	v21 =	vld [tilespmem:s26+$0x1040];
	v20 =	vmul.f32 v63, v3;
	[tilespmem:s26+$0xC50] =	vst v16  }
0xdb: {  	v23 =	vld [tilespmem:s26+$0x1050];
	v22 =	vmul.f32 v13, v3;
	[tilespmem:s26+$0xC60] =	vst v18  }
0xdc: {  	v25 =	vld [tilespmem:s26+$0x1060];
	v24 =	vmul.f32 v15, v3;
	[tilespmem:s26+$0xC70] =	vst v20  }
0xdd: {  	v27 =	vld [tilespmem:s26+$0x1070];
	v26 =	vmul.f32 v17, v3;
	[tilespmem:s26+$0x1000] =	vst v22  }
0xde: {  	v28 =	vmul.f32 v19, v3;
	v29 =	vld [tilespmem:s26+$0x1400];
	[tilespmem:s26+$0x1010] =	vst v24  }
0xdf: {  	v31 =	vld [tilespmem:s26+$0x1410];
	[tilespmem:s26+$0x1020] =	vst v26;
	v30 =	vmul.f32 v21, v3  }
0xe0: {  	v33 =	vld [tilespmem:s26+$0x1420];
	[tilespmem:s26+$0x1030] =	vst v28;
	v32 =	vmul.f32 v23, v3  }
0xe1: {  	v35 =	vld [tilespmem:s26+$0x1430];
	v34 =	vmul.f32 v25, v3;
	[tilespmem:s26+$0x1040] =	vst v30  }
0xe2: {  	v37 =	vld [tilespmem:s26+$0x1440];
	v36 =	vmul.f32 v27, v3;
	[tilespmem:s26+$0x1050] =	vst v32  }
0xe3: {  	v39 =	vld [tilespmem:s26+$0x1450];
	[tilespmem:s26+$0x1060] =	vst v34;
	v38 =	vmul.f32 v29, v3  }
0xe4: {  	v41 =	vld [tilespmem:s26+$0x1460];
	[tilespmem:s26+$0x1070] =	vst v36;
	v40 =	vmul.f32 v31, v3  }
0xe5: {  	v43 =	vld [tilespmem:s26+$0x1470];
	v42 =	vmul.f32 v33, v3;
	[tilespmem:s26+$0x1400] =	vst v38  }
0xe6: {  	v45 =	vld [tilespmem:s26+$0x1800];
	v44 =	vmul.f32 v35, v3;
	[tilespmem:s26+$0x1410] =	vst v40  }
0xe7: {  	v47 =	vld [tilespmem:s26+$0x1810];
	v46 =	vmul.f32 v37, v3;
	[tilespmem:s26+$0x1420] =	vst v42  }
0xe8: {  	v49 =	vld [tilespmem:s26+$0x1820];
	v48 =	vmul.f32 v39, v3;
	[tilespmem:s26+$0x1430] =	vst v44  }
0xe9: {  	v51 =	vld [tilespmem:s26+$0x1830];
	v50 =	vmul.f32 v41, v3;
	[tilespmem:s26+$0x1440] =	vst v46  }
0xea: {  	v53 =	vld [tilespmem:s26+$0x1840];
	v52 =	vmul.f32 v43, v3;
	[tilespmem:s26+$0x1450] =	vst v48  }
0xeb: {  	v55 =	vld [tilespmem:s26+$0x1850];
	v54 =	vmul.f32 v45, v3;
	[tilespmem:s26+$0x1460] =	vst v50  }
0xec: {  	v57 =	vld [tilespmem:s26+$0x1860];
	v56 =	vmul.f32 v47, v3;
	[tilespmem:s26+$0x1470] =	vst v52  }
0xed: {  	v59 =	vld [tilespmem:s26+$0x1870];
	v58 =	vmul.f32 v49, v3;
	[tilespmem:s26+$0x1800] =	vst v54  }
0xee: {  	v60 =	vmul.f32 v51, v3;
	[tilespmem:s26+$0x1810] =	vst v56  }
0xef: {  	p0 =	sne.s32 s10, $0x3F;
	v61 =	vmul.f32 v53, v3;
	[tilespmem:s26+$0x1820] =	vst v58  }
.Ltmp0:
0xf0: {  	v62 =	vmul.f32 v55, v3;
	[tilespmem:s26+$0x1830] =	vst v60;
	(pc) =	sbr.rel @p0 .LBB2_2-.Ltmp0, $4  }
0xf1: {  	v63 =	vmul.f32 v57, v3;
	[tilespmem:s26+$0x1840] =	vst v61  }
0xf2: {  	v3 =	vmul.f32 v59, v3;
	[tilespmem:s26+$0x1850] =	vst v62  }
0xf3: {  	[tilespmem:s26+$0x1860] =	vst v63  }
0xf4: {  	s10 =	sadd.s32 $0x1, s10;
	s25 =	sadd.s32 $0x80, s25;
	[tilespmem:s26+$0x1870] =	vst v3  }
0xf5: {  	s25 =	simm.s32 $0x0  }
0xf6: {  	[hbm4b:s7+s25] =	stream.linear.scatter [tilespmem:s15], [sflag:$0x3], $0xC000, $0x38;
	[tilespmem:$0x18400] =	vst v63  }
0xf7: {  	_ =	swait.ge [sflag:s22], $0xC000  }
0xf8: {  	[sflag:s22] =	ssyncset.done $0x0  }
0xf9: {  	[sflag:s22] =	ssyncadd.s32 $0xFFFF4000  }
0xfa: {  	_ =	swait.ge [sflag:s23], $0xC000  }
0xfb: {  	[sflag:s23] =	ssyncset.done $0x0  }
0xfc: {  	[sflag:s23] =	ssyncadd.s32 $0xFFFF4000  }
0xfd: {  	v3 =	vld [tilespmem:$0x100];
	_ =	sdelay $0x4  }
0xfe: {  	v4 =	vshrl.u32 v3, $0x3  }
0xff: {  	v4 =	vmul.u32 $0x30, v4  }
0x100: {  	v3 =	vand.u32 $0x7, v3  }
0x101: {  	v3 =	vor.u32 v3, v4  }
0x102: {  	v4 =	vperm.xlane v3, v0;
	_ =	sdelay $0x1  }
0x103: {  	v4 =	vadd.s32 v1, v4;
	_ =	sdelay $0x3  }
0x104: {  	v3 =	vperm.xlane v3, v2  }
0x105: {  	[tilespmem:s15], [sflag:$0x1] =	stream.indirect_vreg.gather [hbm4b:s3+s25], $0x80, v4, vm0, $0xb8;
	[tilespmem:$0x18400] =	vst v63  }
0x106: {  	s10 =	simm.s32 $0xC00;
	v3 =	vadd.s32 v1, v3  }
0x107: {  	[tilespmem:s10], [sflag:$0x1] =	stream.indirect_vreg.gather [hbm4b:s6+s25], $0x80, v4, vm0, $0xb8;
	[tilespmem:$0x18400] =	vst v63  }
0x108: {  	s11 =	simm.s32 $0x1400  }
0x109: {  	[tilespmem:s11], [sflag:$0x1] =	stream.indirect_vreg.gather [hbm4b:s8+s25], $0x80, v4, vm0, $0xb8;
	[tilespmem:$0x18400] =	vst v63  }
0x10a: {  	s26 =	simm.s32 $0x1C00  }
0x10b: {  	[tilespmem:s26], [sflag:$0x1] =	stream.indirect_vreg.gather [hbm4b:s3+s25], $0x80, v3, vm0, $0xb8;
	[tilespmem:$0x18400] =	vst v63  }
0x10c: {  	s11 =	simm.s32 $0x2400  }
0x10d: {  	[tilespmem:s11], [sflag:$0x1] =	stream.indirect_vreg.gather [hbm4b:s6+s25], $0x80, v3, vm0, $0xb8;
	[tilespmem:$0x18400] =	vst v63  }
0x10e: {  	s26 =	simm.s32 $0x2C00  }
0x10f: {  	[tilespmem:s26], [sflag:$0x1] =	stream.indirect_vreg.gather [hbm4b:s8+s25], $0x80, v3, vm0, $0xb8;
	[tilespmem:$0x18400] =	vst v63  }
0x110: {  	v3 =	vld [tilespmem:$0x110];
	_ =	sdelay $0x4  }
0x111: {  	v61 =	vshrl.u32 v3, $0x3  }
0x112: {  	v4 =	vmul.u32 $0x30, v61  }
0x113: {  	v3 =	vand.u32 $0x7, v3  }
0x114: {  	v3 =	vor.u32 v3, v4  }
0x115: {  	v4 =	vperm.xlane v3, v0;
	_ =	sdelay $0x1  }
0x116: {  	v4 =	vadd.s32 v1, v4;
	_ =	sdelay $0x3  }
0x117: {  	s11 =	simm.s32 $0x3400;
	v3 =	vperm.xlane v3, v2  }
0x118: {  	[tilespmem:s11], [sflag:$0x1] =	stream.indirect_vreg.gather [hbm4b:s3+s25], $0x80, v4, vm0, $0xb8;
	[tilespmem:$0x18400] =	vst v63  }
0x119: {  	s26 =	simm.s32 $0x3C00;
	v3 =	vadd.s32 v1, v3  }
0x11a: {  	[tilespmem:s26], [sflag:$0x1] =	stream.indirect_vreg.gather [hbm4b:s6+s25], $0x80, v4, vm0, $0xb8;
	[tilespmem:$0x18400] =	vst v63  }
0x11b: {  	s11 =	simm.s32 $0x4400  }
0x11c: {  	[tilespmem:s11], [sflag:$0x1] =	stream.indirect_vreg.gather [hbm4b:s8+s25], $0x80, v4, vm0, $0xb8;
	[tilespmem:$0x18400] =	vst v63  }
0x11d: {  	s26 =	simm.s32 $0x4C00  }
0x11e: {  	[tilespmem:s26], [sflag:$0x1] =	stream.indirect_vreg.gather [hbm4b:s3+s25], $0x80, v3, vm0, $0xb8;
	[tilespmem:$0x18400] =	vst v63  }
0x11f: {  	s11 =	simm.s32 $0x5400  }
0x120: {  	[tilespmem:s11], [sflag:$0x1] =	stream.indirect_vreg.gather [hbm4b:s6+s25], $0x80, v3, vm0, $0xb8;
	[tilespmem:$0x18400] =	vst v63  }
0x121: {  	s26 =	simm.s32 $0x5C00  }
0x122: {  	[tilespmem:s26], [sflag:$0x1] =	stream.indirect_vreg.gather [hbm4b:s8+s25], $0x80, v3, vm0, $0xb8;
	[tilespmem:$0x18400] =	vst v63  }
0x123: {  	v3 =	vld [tilespmem:$0x120];
	_ =	sdelay $0x4  }
0x124: {  	v62 =	vshrl.u32 v3, $0x3  }
0x125: {  	v4 =	vmul.u32 $0x30, v62  }
0x126: {  	v3 =	vand.u32 $0x7, v3  }
0x127: {  	v3 =	vor.u32 v3, v4  }
0x128: {  	v4 =	vperm.xlane v3, v0;
	_ =	sdelay $0x1  }
0x129: {  	v4 =	vadd.s32 v1, v4;
	_ =	sdelay $0x3  }
0x12a: {  	s11 =	simm.s32 $0x6400;
	v3 =	vperm.xlane v3, v2  }
0x12b: {  	[tilespmem:s11], [sflag:$0x1] =	stream.indirect_vreg.gather [hbm4b:s3+s25], $0x80, v4, vm0, $0xb8;
	[tilespmem:$0x18400] =	vst v63  }
0x12c: {  	s26 =	simm.s32 $0x6C00;
	v3 =	vadd.s32 v1, v3  }
0x12d: {  	[tilespmem:s26], [sflag:$0x1] =	stream.indirect_vreg.gather [hbm4b:s6+s25], $0x80, v4, vm0, $0xb8;
	[tilespmem:$0x18400] =	vst v63  }
0x12e: {  	s11 =	simm.s32 $0x7400  }
0x12f: {  	[tilespmem:s11], [sflag:$0x1] =	stream.indirect_vreg.gather [hbm4b:s8+s25], $0x80, v4, vm0, $0xb8;
	[tilespmem:$0x18400] =	vst v63  }
0x130: {  	s26 =	simm.s32 $0x7C00  }
0x131: {  	[tilespmem:s26], [sflag:$0x1] =	stream.indirect_vreg.gather [hbm4b:s3+s25], $0x80, v3, vm0, $0xb8;
	[tilespmem:$0x18400] =	vst v63  }
0x132: {  	s11 =	simm.s32 $0x8400  }
0x133: {  	[tilespmem:s11], [sflag:$0x1] =	stream.indirect_vreg.gather [hbm4b:s6+s25], $0x80, v3, vm0, $0xb8;
	[tilespmem:$0x18400] =	vst v63  }
0x134: {  	s26 =	simm.s32 $0x8C00  }
0x135: {  	[tilespmem:s26], [sflag:$0x1] =	stream.indirect_vreg.gather [hbm4b:s8+s25], $0x80, v3, vm0, $0xb8;
	[tilespmem:$0x18400] =	vst v63  }
0x136: {  	v3 =	vld [tilespmem:$0x130];
	_ =	sdelay $0x4  }
0x137: {  	v63 =	vshrl.u32 v3, $0x3  }
0x138: {  	v4 =	vmul.u32 $0x30, v63  }
0x139: {  	v3 =	vand.u32 $0x7, v3  }
0x13a: {  	v3 =	vor.u32 v3, v4  }
0x13b: {  	v4 =	vperm.xlane v3, v0;
	_ =	sdelay $0x1  }
0x13c: {  	v4 =	vadd.s32 v1, v4;
	_ =	sdelay $0x3  }
0x13d: {  	s11 =	simm.s32 $0x9400;
	v3 =	vperm.xlane v3, v2  }
0x13e: {  	[tilespmem:s11], [sflag:$0x1] =	stream.indirect_vreg.gather [hbm4b:s3+s25], $0x80, v4, vm0, $0xb8;
	[tilespmem:$0x18400] =	vst v63  }
0x13f: {  	s26 =	simm.s32 $0x9C00;
	v3 =	vadd.s32 v1, v3  }
0x140: {  	[tilespmem:s26], [sflag:$0x1] =	stream.indirect_vreg.gather [hbm4b:s6+s25], $0x80, v4, vm0, $0xb8;
	[tilespmem:$0x18400] =	vst v63  }
0x141: {  	s11 =	simm.s32 $0xA400  }
0x142: {  	[tilespmem:s11], [sflag:$0x1] =	stream.indirect_vreg.gather [hbm4b:s8+s25], $0x80, v4, vm0, $0xb8;
	[tilespmem:$0x18400] =	vst v63  }
0x143: {  	s26 =	simm.s32 $0xAC00  }
0x144: {  	[tilespmem:s26], [sflag:$0x1] =	stream.indirect_vreg.gather [hbm4b:s3+s25], $0x80, v3, vm0, $0xb8;
	[tilespmem:$0x18400] =	vst v63  }
0x145: {  	s11 =	simm.s32 $0xB400  }
0x146: {  	[tilespmem:s11], [sflag:$0x1] =	stream.indirect_vreg.gather [hbm4b:s6+s25], $0x80, v3, vm0, $0xb8;
	[tilespmem:$0x18400] =	vst v63  }
0x147: {  	s10 =	simm.s32 $0x0;
	s26 =	simm.s32 $0xBC00  }
0x148: {  	[tilespmem:s26], [sflag:$0x1] =	stream.indirect_vreg.gather [hbm4b:s8+s25], $0x80, v3, vm0, $0xb8;
	[tilespmem:$0x18400] =	vst v63  }
.LBB2_4:
0x149: {  	s11 =	sshrl.u32 s10, $0x3  }
0x14a: {  	s11 =	smul.u32 $0x6000, s11  }
0x14b: {  	s26 =	sand.u32 $0x30, s10  }
0x14c: {  	v3 =	vld [tilespmem:s26+$0x280];
	s26 =	sand.u32 $0x380, s25;
	s11 =	sshra.s32 s11, $0x2  }
0x14d: {  	s26 =	sor.u32 s26, s11  }
0x14e: {  	v4 =	vld [tilespmem:s26+$0xC400]  }
0x14f: {  	v5 =	vld [tilespmem:s26+$0xC410]  }
0x150: {  	v6 =	vmov s10;
	v7 =	vld [tilespmem:s26+$0xC420]  }
0x151: {  	v29 =	vld [tilespmem:s26+$0xC430];
	v3 =	vperm.xlane v3, v6  }
0x152: {  	v8 =	vld [tilespmem:s26+$0xC440]  }
0x153: {  	v9 =	vld [tilespmem:s26+$0xC450];
	v4 =	vmul.f32 v4, v3  }
0x154: {  	v10 =	vld [tilespmem:s26+$0xC460];
	v5 =	vmul.f32 v5, v3  }
0x155: {  	v31 =	vld [tilespmem:s26+$0xC470];
	v30 =	vmul.f32 v7, v3;
	[tilespmem:s26+$0xC400] =	vst v4  }
0x156: {  	v33 =	vld [tilespmem:s26+$0xC800];
	v32 =	vmul.f32 v29, v3;
	[tilespmem:s26+$0xC410] =	vst v5  }
0x157: {  	v35 =	vld [tilespmem:s26+$0xC810];
	v34 =	vmul.f32 v8, v3;
	[tilespmem:s26+$0xC420] =	vst v30  }
0x158: {  	v37 =	vld [tilespmem:s26+$0xC820];
	v36 =	vmul.f32 v9, v3;
	[tilespmem:s26+$0xC430] =	vst v32  }
0x159: {  	v39 =	vld [tilespmem:s26+$0xC830];
	v38 =	vmul.f32 v10, v3;
	[tilespmem:s26+$0xC440] =	vst v34  }
0x15a: {  	v41 =	vld [tilespmem:s26+$0xC840];
	v40 =	vmul.f32 v31, v3;
	[tilespmem:s26+$0xC450] =	vst v36  }
0x15b: {  	v43 =	vld [tilespmem:s26+$0xC850];
	v42 =	vmul.f32 v33, v3;
	[tilespmem:s26+$0xC460] =	vst v38  }
0x15c: {  	v45 =	vld [tilespmem:s26+$0xC860];
	v44 =	vmul.f32 v35, v3;
	[tilespmem:s26+$0xC470] =	vst v40  }
0x15d: {  	v47 =	vld [tilespmem:s26+$0xC870];
	v46 =	vmul.f32 v37, v3;
	[tilespmem:s26+$0xC800] =	vst v42  }
0x15e: {  	v49 =	vld [tilespmem:s26+$0xCC00];
	v48 =	vmul.f32 v39, v3;
	[tilespmem:s26+$0xC810] =	vst v44  }
0x15f: {  	v51 =	vld [tilespmem:s26+$0xCC10];
	v50 =	vmul.f32 v41, v3;
	[tilespmem:s26+$0xC820] =	vst v46  }
0x160: {  	v53 =	vld [tilespmem:s26+$0xCC20];
	v52 =	vmul.f32 v43, v3;
	[tilespmem:s26+$0xC830] =	vst v48  }
0x161: {  	v55 =	vld [tilespmem:s26+$0xCC30];
	v54 =	vmul.f32 v45, v3;
	[tilespmem:s26+$0xC840] =	vst v50  }
0x162: {  	v57 =	vld [tilespmem:s26+$0xCC40];
	v56 =	vmul.f32 v47, v3;
	[tilespmem:s26+$0xC850] =	vst v52  }
0x163: {  	v59 =	vld [tilespmem:s26+$0xCC50];
	v58 =	vmul.f32 v49, v3;
	[tilespmem:s26+$0xC860] =	vst v54  }
0x164: {  	v61 =	vld [tilespmem:s26+$0xCC60];
	v60 =	vmul.f32 v51, v3;
	[tilespmem:s26+$0xC870] =	vst v56  }
0x165: {  	v63 =	vld [tilespmem:s26+$0xCC70];
	v62 =	vmul.f32 v53, v3;
	[tilespmem:s26+$0xCC00] =	vst v58  }
0x166: {  	v13 =	vld [tilespmem:s26+$0xD000];
	v12 =	vmul.f32 v55, v3;
	[tilespmem:s26+$0xCC10] =	vst v60  }
0x167: {  	v15 =	vld [tilespmem:s26+$0xD010];
	v14 =	vmul.f32 v57, v3;
	[tilespmem:s26+$0xCC20] =	vst v62  }
0x168: {  	v17 =	vld [tilespmem:s26+$0xD020];
	v16 =	vmul.f32 v59, v3;
	[tilespmem:s26+$0xCC30] =	vst v12  }
0x169: {  	v19 =	vld [tilespmem:s26+$0xD030];
	v18 =	vmul.f32 v61, v3;
	[tilespmem:s26+$0xCC40] =	vst v14  }
0x16a: {  	v21 =	vld [tilespmem:s26+$0xD040];
	v20 =	vmul.f32 v63, v3;
	[tilespmem:s26+$0xCC50] =	vst v16  }
0x16b: {  	v23 =	vld [tilespmem:s26+$0xD050];
	v22 =	vmul.f32 v13, v3;
	[tilespmem:s26+$0xCC60] =	vst v18  }
0x16c: {  	v25 =	vld [tilespmem:s26+$0xD060];
	v24 =	vmul.f32 v15, v3;
	[tilespmem:s26+$0xCC70] =	vst v20  }
0x16d: {  	v27 =	vld [tilespmem:s26+$0xD070];
	v26 =	vmul.f32 v17, v3;
	[tilespmem:s26+$0xD000] =	vst v22  }
0x16e: {  	v28 =	vmul.f32 v19, v3;
	v29 =	vld [tilespmem:s26+$0xD400];
	[tilespmem:s26+$0xD010] =	vst v24  }
0x16f: {  	v31 =	vld [tilespmem:s26+$0xD410];
	[tilespmem:s26+$0xD020] =	vst v26;
	v30 =	vmul.f32 v21, v3  }
0x170: {  	v33 =	vld [tilespmem:s26+$0xD420];
	[tilespmem:s26+$0xD030] =	vst v28;
	v32 =	vmul.f32 v23, v3  }
0x171: {  	v35 =	vld [tilespmem:s26+$0xD430];
	v34 =	vmul.f32 v25, v3;
	[tilespmem:s26+$0xD040] =	vst v30  }
0x172: {  	v37 =	vld [tilespmem:s26+$0xD440];
	v36 =	vmul.f32 v27, v3;
	[tilespmem:s26+$0xD050] =	vst v32  }
0x173: {  	v39 =	vld [tilespmem:s26+$0xD450];
	[tilespmem:s26+$0xD060] =	vst v34;
	v38 =	vmul.f32 v29, v3  }
0x174: {  	v41 =	vld [tilespmem:s26+$0xD460];
	[tilespmem:s26+$0xD070] =	vst v36;
	v40 =	vmul.f32 v31, v3  }
0x175: {  	v43 =	vld [tilespmem:s26+$0xD470];
	v42 =	vmul.f32 v33, v3;
	[tilespmem:s26+$0xD400] =	vst v38  }
0x176: {  	v45 =	vld [tilespmem:s26+$0xD800];
	v44 =	vmul.f32 v35, v3;
	[tilespmem:s26+$0xD410] =	vst v40  }
0x177: {  	v47 =	vld [tilespmem:s26+$0xD810];
	v46 =	vmul.f32 v37, v3;
	[tilespmem:s26+$0xD420] =	vst v42  }
0x178: {  	v49 =	vld [tilespmem:s26+$0xD820];
	v48 =	vmul.f32 v39, v3;
	[tilespmem:s26+$0xD430] =	vst v44  }
0x179: {  	v51 =	vld [tilespmem:s26+$0xD830];
	v50 =	vmul.f32 v41, v3;
	[tilespmem:s26+$0xD440] =	vst v46  }
0x17a: {  	v53 =	vld [tilespmem:s26+$0xD840];
	v52 =	vmul.f32 v43, v3;
	[tilespmem:s26+$0xD450] =	vst v48  }
0x17b: {  	v55 =	vld [tilespmem:s26+$0xD850];
	v54 =	vmul.f32 v45, v3;
	[tilespmem:s26+$0xD460] =	vst v50  }
0x17c: {  	v57 =	vld [tilespmem:s26+$0xD860];
	v56 =	vmul.f32 v47, v3;
	[tilespmem:s26+$0xD470] =	vst v52  }
0x17d: {  	v59 =	vld [tilespmem:s26+$0xD870];
	v58 =	vmul.f32 v49, v3;
	[tilespmem:s26+$0xD800] =	vst v54  }
0x17e: {  	v60 =	vmul.f32 v51, v3;
	[tilespmem:s26+$0xD810] =	vst v56  }
0x17f: {  	p0 =	sne.s32 s10, $0x3F;
	v61 =	vmul.f32 v53, v3;
	[tilespmem:s26+$0xD820] =	vst v58  }
.Ltmp1:
0x180: {  	v62 =	vmul.f32 v55, v3;
	[tilespmem:s26+$0xD830] =	vst v60;
	(pc) =	sbr.rel @p0 .LBB2_4-.Ltmp1, $4  }
0x181: {  	v63 =	vmul.f32 v57, v3;
	[tilespmem:s26+$0xD840] =	vst v61  }
0x182: {  	v3 =	vmul.f32 v59, v3;
	[tilespmem:s26+$0xD850] =	vst v62  }
0x183: {  	[tilespmem:s26+$0xD860] =	vst v63  }
0x184: {  	s10 =	sadd.s32 $0x1, s10;
	s25 =	sadd.s32 $0x80, s25;
	[tilespmem:s26+$0xD870] =	vst v3  }
0x185: {  	s25 =	simm.s32 $0x0;
	s10 =	rddreg [dreg:$0x5]  }
0x186: {  	[hbm4b:s10+s25] =	stream.linear.scatter [tilespmem:s20], [sflag:$0x4], $0xC000, $0x38;
	[tilespmem:$0x18400] =	vst v63  }
0x187: {  	_ =	swait.ge [sflag:s19], $0xC000  }
0x188: {  	[sflag:s19] =	ssyncset.done $0x0  }
0x189: {  	[sflag:s19] =	ssyncadd.s32 $0xFFFF4000  }
0x18a: {  	_ =	swait.ge [sflag:s24], $0xC000  }
0x18b: {  	[sflag:s24] =	ssyncset.done $0x0  }
0x18c: {  	[sflag:s24] =	ssyncadd.s32 $0xFFFF4000  }
0x18d: {  	v3 =	vld [tilespmem:$0x180];
	_ =	sdelay $0x4  }
0x18e: {  	v4 =	vshrl.u32 v3, $0x3  }
0x18f: {  	v4 =	vmul.u32 $0x30, v4  }
0x190: {  	v3 =	vand.u32 $0x7, v3  }
0x191: {  	v3 =	vor.u32 v3, v4  }
0x192: {  	v4 =	vperm.xlane v3, v0;
	_ =	sdelay $0x1  }
0x193: {  	v4 =	vadd.s32 v1, v4;
	_ =	sdelay $0x3  }
0x194: {  	v3 =	vperm.xlane v3, v2  }
0x195: {  	[tilespmem:s20], [sflag:$0x2] =	stream.indirect_vreg.gather [hbm4b:s3+s25], $0x80, v4, vm0, $0xb8;
	[tilespmem:$0x18400] =	vst v63  }
0x196: {  	s26 =	simm.s32 $0xCC00;
	v3 =	vadd.s32 v1, v3  }
0x197: {  	[tilespmem:s26], [sflag:$0x2] =	stream.indirect_vreg.gather [hbm4b:s6+s25], $0x80, v4, vm0, $0xb8;
	[tilespmem:$0x18400] =	vst v63  }
0x198: {  	s11 =	simm.s32 $0xD400  }
0x199: {  	[tilespmem:s11], [sflag:$0x2] =	stream.indirect_vreg.gather [hbm4b:s8+s25], $0x80, v4, vm0, $0xb8;
	[tilespmem:$0x18400] =	vst v63  }
0x19a: {  	s26 =	simm.s32 $0xDC00  }
0x19b: {  	[tilespmem:s26], [sflag:$0x2] =	stream.indirect_vreg.gather [hbm4b:s3+s25], $0x80, v3, vm0, $0xb8;
	[tilespmem:$0x18400] =	vst v63  }
0x19c: {  	s11 =	simm.s32 $0xE400  }
0x19d: {  	[tilespmem:s11], [sflag:$0x2] =	stream.indirect_vreg.gather [hbm4b:s6+s25], $0x80, v3, vm0, $0xb8;
	[tilespmem:$0x18400] =	vst v63  }
0x19e: {  	s26 =	simm.s32 $0xEC00  }
0x19f: {  	[tilespmem:s26], [sflag:$0x2] =	stream.indirect_vreg.gather [hbm4b:s8+s25], $0x80, v3, vm0, $0xb8;
	[tilespmem:$0x18400] =	vst v63  }
0x1a0: {  	v3 =	vld [tilespmem:$0x190];
	_ =	sdelay $0x4  }
0x1a1: {  	v61 =	vshrl.u32 v3, $0x3  }
0x1a2: {  	v4 =	vmul.u32 $0x30, v61  }
0x1a3: {  	v3 =	vand.u32 $0x7, v3  }
0x1a4: {  	v3 =	vor.u32 v3, v4  }
0x1a5: {  	v4 =	vperm.xlane v3, v0;
	_ =	sdelay $0x1  }
0x1a6: {  	v4 =	vadd.s32 v1, v4;
	_ =	sdelay $0x3  }
0x1a7: {  	s11 =	simm.s32 $0xF400;
	v3 =	vperm.xlane v3, v2  }
0x1a8: {  	[tilespmem:s11], [sflag:$0x2] =	stream.indirect_vreg.gather [hbm4b:s3+s25], $0x80, v4, vm0, $0xb8;
	[tilespmem:$0x18400] =	vst v63  }
0x1a9: {  	s26 =	simm.s32 $0xFC00;
	v3 =	vadd.s32 v1, v3  }
0x1aa: {  	[tilespmem:s26], [sflag:$0x2] =	stream.indirect_vreg.gather [hbm4b:s6+s25], $0x80, v4, vm0, $0xb8;
	[tilespmem:$0x18400] =	vst v63  }
0x1ab: {  	s11 =	simm.s32 $0x10400  }
0x1ac: {  	[tilespmem:s11], [sflag:$0x2] =	stream.indirect_vreg.gather [hbm4b:s8+s25], $0x80, v4, vm0, $0xb8;
	[tilespmem:$0x18400] =	vst v63  }
0x1ad: {  	s26 =	simm.s32 $0x10C00  }
0x1ae: {  	[tilespmem:s26], [sflag:$0x2] =	stream.indirect_vreg.gather [hbm4b:s3+s25], $0x80, v3, vm0, $0xb8;
	[tilespmem:$0x18400] =	vst v63  }
0x1af: {  	_ = 	snop  }
0x1b0: {  	[tilespmem:s28], [sflag:$0x2] =	stream.indirect_vreg.gather [hbm4b:s6+s25], $0x80, v3, vm0, $0xb8;
	[tilespmem:$0x18400] =	vst v63  }
0x1b1: {  	_ = 	snop  }
0x1b2: {  	[tilespmem:s12], [sflag:$0x2] =	stream.indirect_vreg.gather [hbm4b:s8+s25], $0x80, v3, vm0, $0xb8;
	[tilespmem:$0x18400] =	vst v63  }
0x1b3: {  	v3 =	vld [tilespmem:$0x1A0];
	_ =	sdelay $0x4  }
0x1b4: {  	v62 =	vshrl.u32 v3, $0x3  }
0x1b5: {  	v4 =	vmul.u32 $0x30, v62  }
0x1b6: {  	v3 =	vand.u32 $0x7, v3  }
0x1b7: {  	v3 =	vor.u32 v3, v4  }
0x1b8: {  	v4 =	vperm.xlane v3, v0;
	_ =	sdelay $0x1  }
0x1b9: {  	v4 =	vadd.s32 v1, v4;
	_ =	sdelay $0x3  }
0x1ba: {  	v3 =	vperm.xlane v3, v2  }
0x1bb: {  	[tilespmem:s29], [sflag:$0x2] =	stream.indirect_vreg.gather [hbm4b:s3+s25], $0x80, v4, vm0, $0xb8;
	[tilespmem:$0x18400] =	vst v63  }
0x1bc: {  	v3 =	vadd.s32 v1, v3  }
0x1bd: {  	[tilespmem:s30], [sflag:$0x2] =	stream.indirect_vreg.gather [hbm4b:s6+s25], $0x80, v4, vm0, $0xb8;
	[tilespmem:$0x18400] =	vst v63  }
0x1be: {  	_ = 	snop  }
0x1bf: {  	[tilespmem:s31], [sflag:$0x2] =	stream.indirect_vreg.gather [hbm4b:s8+s25], $0x80, v4, vm0, $0xb8;
	[tilespmem:$0x18400] =	vst v63  }
0x1c0: {  	_ = 	snop  }
0x1c1: {  	[tilespmem:s0], [sflag:$0x2] =	stream.indirect_vreg.gather [hbm4b:s3+s25], $0x80, v3, vm0, $0xb8;
	[tilespmem:$0x18400] =	vst v63  }
0x1c2: {  	_ = 	snop  }
0x1c3: {  	[tilespmem:s1], [sflag:$0x2] =	stream.indirect_vreg.gather [hbm4b:s6+s25], $0x80, v3, vm0, $0xb8;
	[tilespmem:$0x18400] =	vst v63  }
0x1c4: {  	_ = 	snop  }
0x1c5: {  	[tilespmem:s14], [sflag:$0x2] =	stream.indirect_vreg.gather [hbm4b:s8+s25], $0x80, v3, vm0, $0xb8;
	[tilespmem:$0x18400] =	vst v63  }
0x1c6: {  	v3 =	vld [tilespmem:$0x1B0];
	_ =	sdelay $0x4  }
0x1c7: {  	v63 =	vshrl.u32 v3, $0x3  }
0x1c8: {  	v4 =	vmul.u32 $0x30, v63  }
0x1c9: {  	v3 =	vand.u32 $0x7, v3  }
0x1ca: {  	v3 =	vor.u32 v3, v4  }
0x1cb: {  	v4 =	vperm.xlane v3, v0;
	_ =	sdelay $0x1  }
0x1cc: {  	v4 =	vadd.s32 v1, v4;
	_ =	sdelay $0x3  }
0x1cd: {  	v3 =	vperm.xlane v3, v2  }
0x1ce: {  	[tilespmem:s16], [sflag:$0x2] =	stream.indirect_vreg.gather [hbm4b:s3+s25], $0x80, v4, vm0, $0xb8;
	[tilespmem:$0x18400] =	vst v63  }
0x1cf: {  	v3 =	vadd.s32 v1, v3  }
0x1d0: {  	[tilespmem:s17], [sflag:$0x2] =	stream.indirect_vreg.gather [hbm4b:s6+s25], $0x80, v4, vm0, $0xb8;
	[tilespmem:$0x18400] =	vst v63  }
0x1d1: {  	_ = 	snop  }
0x1d2: {  	[tilespmem:s4], [sflag:$0x2] =	stream.indirect_vreg.gather [hbm4b:s8+s25], $0x80, v4, vm0, $0xb8;
	[tilespmem:$0x18400] =	vst v63  }
0x1d3: {  	_ = 	snop  }
0x1d4: {  	[tilespmem:s18], [sflag:$0x2] =	stream.indirect_vreg.gather [hbm4b:s3+s25], $0x80, v3, vm0, $0xb8;
	[tilespmem:$0x18400] =	vst v63  }
0x1d5: {  	_ = 	snop  }
0x1d6: {  	[tilespmem:s5], [sflag:$0x2] =	stream.indirect_vreg.gather [hbm4b:s6+s25], $0x80, v3, vm0, $0xb8;
	[tilespmem:$0x18400] =	vst v63  }
0x1d7: {  	s10 =	simm.s32 $0x0  }
0x1d8: {  	[tilespmem:s21], [sflag:$0x2] =	stream.indirect_vreg.gather [hbm4b:s8+s25], $0x80, v3, vm0, $0xb8;
	[tilespmem:$0x18400] =	vst v63  }
.LBB2_6:
0x1d9: {  	s11 =	sshrl.u32 s10, $0x3  }
0x1da: {  	s11 =	smul.u32 $0x6000, s11  }
0x1db: {  	s26 =	sand.u32 $0x30, s10  }
0x1dc: {  	v3 =	vld [tilespmem:s26+$0x300];
	s26 =	sand.u32 $0x380, s25;
	s11 =	sshra.s32 s11, $0x2  }
0x1dd: {  	s26 =	sor.u32 s26, s11  }
0x1de: {  	v4 =	vld [tilespmem:s26+$0x400]  }
0x1df: {  	v5 =	vld [tilespmem:s26+$0x410]  }
0x1e0: {  	v6 =	vmov s10;
	v7 =	vld [tilespmem:s26+$0x420]  }
0x1e1: {  	v29 =	vld [tilespmem:s26+$0x430];
	v3 =	vperm.xlane v3, v6  }
0x1e2: {  	v8 =	vld [tilespmem:s26+$0x440]  }
0x1e3: {  	v9 =	vld [tilespmem:s26+$0x450];
	v4 =	vmul.f32 v4, v3  }
0x1e4: {  	v10 =	vld [tilespmem:s26+$0x460];
	v5 =	vmul.f32 v5, v3  }
0x1e5: {  	v31 =	vld [tilespmem:s26+$0x470];
	v30 =	vmul.f32 v7, v3;
	[tilespmem:s26+$0x400] =	vst v4  }
0x1e6: {  	v33 =	vld [tilespmem:s26+$0x800];
	v32 =	vmul.f32 v29, v3;
	[tilespmem:s26+$0x410] =	vst v5  }
0x1e7: {  	v35 =	vld [tilespmem:s26+$0x810];
	v34 =	vmul.f32 v8, v3;
	[tilespmem:s26+$0x420] =	vst v30  }
0x1e8: {  	v37 =	vld [tilespmem:s26+$0x820];
	v36 =	vmul.f32 v9, v3;
	[tilespmem:s26+$0x430] =	vst v32  }
0x1e9: {  	v39 =	vld [tilespmem:s26+$0x830];
	v38 =	vmul.f32 v10, v3;
	[tilespmem:s26+$0x440] =	vst v34  }
0x1ea: {  	v41 =	vld [tilespmem:s26+$0x840];
	v40 =	vmul.f32 v31, v3;
	[tilespmem:s26+$0x450] =	vst v36  }
0x1eb: {  	v43 =	vld [tilespmem:s26+$0x850];
	v42 =	vmul.f32 v33, v3;
	[tilespmem:s26+$0x460] =	vst v38  }
0x1ec: {  	v45 =	vld [tilespmem:s26+$0x860];
	v44 =	vmul.f32 v35, v3;
	[tilespmem:s26+$0x470] =	vst v40  }
0x1ed: {  	v47 =	vld [tilespmem:s26+$0x870];
	v46 =	vmul.f32 v37, v3;
	[tilespmem:s26+$0x800] =	vst v42  }
0x1ee: {  	v49 =	vld [tilespmem:s26+$0xC00];
	v48 =	vmul.f32 v39, v3;
	[tilespmem:s26+$0x810] =	vst v44  }
0x1ef: {  	v51 =	vld [tilespmem:s26+$0xC10];
	v50 =	vmul.f32 v41, v3;
	[tilespmem:s26+$0x820] =	vst v46  }
0x1f0: {  	v53 =	vld [tilespmem:s26+$0xC20];
	v52 =	vmul.f32 v43, v3;
	[tilespmem:s26+$0x830] =	vst v48  }
0x1f1: {  	v55 =	vld [tilespmem:s26+$0xC30];
	v54 =	vmul.f32 v45, v3;
	[tilespmem:s26+$0x840] =	vst v50  }
0x1f2: {  	v57 =	vld [tilespmem:s26+$0xC40];
	v56 =	vmul.f32 v47, v3;
	[tilespmem:s26+$0x850] =	vst v52  }
0x1f3: {  	v59 =	vld [tilespmem:s26+$0xC50];
	v58 =	vmul.f32 v49, v3;
	[tilespmem:s26+$0x860] =	vst v54  }
0x1f4: {  	v61 =	vld [tilespmem:s26+$0xC60];
	v60 =	vmul.f32 v51, v3;
	[tilespmem:s26+$0x870] =	vst v56  }
0x1f5: {  	v63 =	vld [tilespmem:s26+$0xC70];
	v62 =	vmul.f32 v53, v3;
	[tilespmem:s26+$0xC00] =	vst v58  }
0x1f6: {  	v13 =	vld [tilespmem:s26+$0x1000];
	v12 =	vmul.f32 v55, v3;
	[tilespmem:s26+$0xC10] =	vst v60  }
0x1f7: {  	v15 =	vld [tilespmem:s26+$0x1010];
	v14 =	vmul.f32 v57, v3;
	[tilespmem:s26+$0xC20] =	vst v62  }
0x1f8: {  	v17 =	vld [tilespmem:s26+$0x1020];
	v16 =	vmul.f32 v59, v3;
	[tilespmem:s26+$0xC30] =	vst v12  }
0x1f9: {  	v19 =	vld [tilespmem:s26+$0x1030];
	v18 =	vmul.f32 v61, v3;
	[tilespmem:s26+$0xC40] =	vst v14  }
0x1fa: {  	v21 =	vld [tilespmem:s26+$0x1040];
	v20 =	vmul.f32 v63, v3;
	[tilespmem:s26+$0xC50] =	vst v16  }
0x1fb: {  	v23 =	vld [tilespmem:s26+$0x1050];
	v22 =	vmul.f32 v13, v3;
	[tilespmem:s26+$0xC60] =	vst v18  }
0x1fc: {  	v25 =	vld [tilespmem:s26+$0x1060];
	v24 =	vmul.f32 v15, v3;
	[tilespmem:s26+$0xC70] =	vst v20  }
0x1fd: {  	v27 =	vld [tilespmem:s26+$0x1070];
	v26 =	vmul.f32 v17, v3;
	[tilespmem:s26+$0x1000] =	vst v22  }
0x1fe: {  	v28 =	vmul.f32 v19, v3;
	v29 =	vld [tilespmem:s26+$0x1400];
	[tilespmem:s26+$0x1010] =	vst v24  }
0x1ff: {  	v31 =	vld [tilespmem:s26+$0x1410];
	[tilespmem:s26+$0x1020] =	vst v26;
	v30 =	vmul.f32 v21, v3  }
0x200: {  	v33 =	vld [tilespmem:s26+$0x1420];
	[tilespmem:s26+$0x1030] =	vst v28;
	v32 =	vmul.f32 v23, v3  }
0x201: {  	v35 =	vld [tilespmem:s26+$0x1430];
	v34 =	vmul.f32 v25, v3;
	[tilespmem:s26+$0x1040] =	vst v30  }
0x202: {  	v37 =	vld [tilespmem:s26+$0x1440];
	v36 =	vmul.f32 v27, v3;
	[tilespmem:s26+$0x1050] =	vst v32  }
0x203: {  	v39 =	vld [tilespmem:s26+$0x1450];
	[tilespmem:s26+$0x1060] =	vst v34;
	v38 =	vmul.f32 v29, v3  }
0x204: {  	v41 =	vld [tilespmem:s26+$0x1460];
	[tilespmem:s26+$0x1070] =	vst v36;
	v40 =	vmul.f32 v31, v3  }
0x205: {  	v43 =	vld [tilespmem:s26+$0x1470];
	v42 =	vmul.f32 v33, v3;
	[tilespmem:s26+$0x1400] =	vst v38  }
0x206: {  	v45 =	vld [tilespmem:s26+$0x1800];
	v44 =	vmul.f32 v35, v3;
	[tilespmem:s26+$0x1410] =	vst v40  }
0x207: {  	v47 =	vld [tilespmem:s26+$0x1810];
	v46 =	vmul.f32 v37, v3;
	[tilespmem:s26+$0x1420] =	vst v42  }
0x208: {  	v49 =	vld [tilespmem:s26+$0x1820];
	v48 =	vmul.f32 v39, v3;
	[tilespmem:s26+$0x1430] =	vst v44  }
0x209: {  	v51 =	vld [tilespmem:s26+$0x1830];
	v50 =	vmul.f32 v41, v3;
	[tilespmem:s26+$0x1440] =	vst v46  }
0x20a: {  	v53 =	vld [tilespmem:s26+$0x1840];
	v52 =	vmul.f32 v43, v3;
	[tilespmem:s26+$0x1450] =	vst v48  }
0x20b: {  	v55 =	vld [tilespmem:s26+$0x1850];
	v54 =	vmul.f32 v45, v3;
	[tilespmem:s26+$0x1460] =	vst v50  }
0x20c: {  	v57 =	vld [tilespmem:s26+$0x1860];
	v56 =	vmul.f32 v47, v3;
	[tilespmem:s26+$0x1470] =	vst v52  }
0x20d: {  	v59 =	vld [tilespmem:s26+$0x1870];
	v58 =	vmul.f32 v49, v3;
	[tilespmem:s26+$0x1800] =	vst v54  }
0x20e: {  	v60 =	vmul.f32 v51, v3;
	[tilespmem:s26+$0x1810] =	vst v56  }
0x20f: {  	p0 =	sne.s32 s10, $0x3F;
	v61 =	vmul.f32 v53, v3;
	[tilespmem:s26+$0x1820] =	vst v58  }
.Ltmp2:
0x210: {  	v62 =	vmul.f32 v55, v3;
	[tilespmem:s26+$0x1830] =	vst v60;
	(pc) =	sbr.rel @p0 .LBB2_6-.Ltmp2, $4  }
0x211: {  	v63 =	vmul.f32 v57, v3;
	[tilespmem:s26+$0x1840] =	vst v61  }
0x212: {  	v3 =	vmul.f32 v59, v3;
	[tilespmem:s26+$0x1850] =	vst v62  }
0x213: {  	[tilespmem:s26+$0x1860] =	vst v63  }
0x214: {  	s10 =	sadd.s32 $0x1, s10;
	s25 =	sadd.s32 $0x80, s25;
	[tilespmem:s26+$0x1870] =	vst v3  }
0x215: {  	s25 =	simm.s32 $0x0;
	s10 =	rddreg [dreg:$0x6]  }
0x216: {  	[hbm4b:s10+s25] =	stream.linear.scatter [tilespmem:s15], [sflag:$0x3], $0xC000, $0x38;
	[tilespmem:$0x18400] =	vst v63  }
0x217: {  	_ =	swait.ge [sflag:s22], $0xC000  }
0x218: {  	[sflag:s22] =	ssyncset.done $0x0  }
0x219: {  	s10 =	simm.s32 $0x0;
	[sflag:s22] =	ssyncadd.s32 $0xFFFF4000  }
.LBB2_8:
0x21a: {  	s11 =	sshrl.u32 s10, $0x3  }
0x21b: {  	s11 =	smul.u32 $0x6000, s11  }
0x21c: {  	s26 =	sand.u32 $0x30, s10  }
0x21d: {  	v3 =	vld [tilespmem:s26+$0x380];
	s26 =	sand.u32 $0x380, s25;
	s11 =	sshra.s32 s11, $0x2  }
0x21e: {  	s26 =	sor.u32 s26, s11  }
0x21f: {  	v4 =	vld [tilespmem:s26+$0xC400]  }
0x220: {  	v5 =	vld [tilespmem:s26+$0xC410]  }
0x221: {  	v6 =	vmov s10;
	v7 =	vld [tilespmem:s26+$0xC420]  }
0x222: {  	v29 =	vld [tilespmem:s26+$0xC430];
	v3 =	vperm.xlane v3, v6  }
0x223: {  	v8 =	vld [tilespmem:s26+$0xC440]  }
0x224: {  	v9 =	vld [tilespmem:s26+$0xC450];
	v4 =	vmul.f32 v4, v3  }
0x225: {  	v10 =	vld [tilespmem:s26+$0xC460];
	v5 =	vmul.f32 v5, v3  }
0x226: {  	v31 =	vld [tilespmem:s26+$0xC470];
	v30 =	vmul.f32 v7, v3;
	[tilespmem:s26+$0xC400] =	vst v4  }
0x227: {  	v33 =	vld [tilespmem:s26+$0xC800];
	v32 =	vmul.f32 v29, v3;
	[tilespmem:s26+$0xC410] =	vst v5  }
0x228: {  	v35 =	vld [tilespmem:s26+$0xC810];
	v34 =	vmul.f32 v8, v3;
	[tilespmem:s26+$0xC420] =	vst v30  }
0x229: {  	v37 =	vld [tilespmem:s26+$0xC820];
	v36 =	vmul.f32 v9, v3;
	[tilespmem:s26+$0xC430] =	vst v32  }
0x22a: {  	v39 =	vld [tilespmem:s26+$0xC830];
	v38 =	vmul.f32 v10, v3;
	[tilespmem:s26+$0xC440] =	vst v34  }
0x22b: {  	v41 =	vld [tilespmem:s26+$0xC840];
	v40 =	vmul.f32 v31, v3;
	[tilespmem:s26+$0xC450] =	vst v36  }
0x22c: {  	v43 =	vld [tilespmem:s26+$0xC850];
	v42 =	vmul.f32 v33, v3;
	[tilespmem:s26+$0xC460] =	vst v38  }
0x22d: {  	v45 =	vld [tilespmem:s26+$0xC860];
	v44 =	vmul.f32 v35, v3;
	[tilespmem:s26+$0xC470] =	vst v40  }
0x22e: {  	v47 =	vld [tilespmem:s26+$0xC870];
	v46 =	vmul.f32 v37, v3;
	[tilespmem:s26+$0xC800] =	vst v42  }
0x22f: {  	v49 =	vld [tilespmem:s26+$0xCC00];
	v48 =	vmul.f32 v39, v3;
	[tilespmem:s26+$0xC810] =	vst v44  }
0x230: {  	v51 =	vld [tilespmem:s26+$0xCC10];
	v50 =	vmul.f32 v41, v3;
	[tilespmem:s26+$0xC820] =	vst v46  }
0x231: {  	v53 =	vld [tilespmem:s26+$0xCC20];
	v52 =	vmul.f32 v43, v3;
	[tilespmem:s26+$0xC830] =	vst v48  }
0x232: {  	v55 =	vld [tilespmem:s26+$0xCC30];
	v54 =	vmul.f32 v45, v3;
	[tilespmem:s26+$0xC840] =	vst v50  }
0x233: {  	v57 =	vld [tilespmem:s26+$0xCC40];
	v56 =	vmul.f32 v47, v3;
	[tilespmem:s26+$0xC850] =	vst v52  }
0x234: {  	v59 =	vld [tilespmem:s26+$0xCC50];
	v58 =	vmul.f32 v49, v3;
	[tilespmem:s26+$0xC860] =	vst v54  }
0x235: {  	v61 =	vld [tilespmem:s26+$0xCC60];
	v60 =	vmul.f32 v51, v3;
	[tilespmem:s26+$0xC870] =	vst v56  }
0x236: {  	v63 =	vld [tilespmem:s26+$0xCC70];
	v62 =	vmul.f32 v53, v3;
	[tilespmem:s26+$0xCC00] =	vst v58  }
0x237: {  	v13 =	vld [tilespmem:s26+$0xD000];
	v12 =	vmul.f32 v55, v3;
	[tilespmem:s26+$0xCC10] =	vst v60  }
0x238: {  	v15 =	vld [tilespmem:s26+$0xD010];
	v14 =	vmul.f32 v57, v3;
	[tilespmem:s26+$0xCC20] =	vst v62  }
0x239: {  	v17 =	vld [tilespmem:s26+$0xD020];
	v16 =	vmul.f32 v59, v3;
	[tilespmem:s26+$0xCC30] =	vst v12  }
0x23a: {  	v19 =	vld [tilespmem:s26+$0xD030];
	v18 =	vmul.f32 v61, v3;
	[tilespmem:s26+$0xCC40] =	vst v14  }
0x23b: {  	v21 =	vld [tilespmem:s26+$0xD040];
	v20 =	vmul.f32 v63, v3;
	[tilespmem:s26+$0xCC50] =	vst v16  }
0x23c: {  	v23 =	vld [tilespmem:s26+$0xD050];
	v22 =	vmul.f32 v13, v3;
	[tilespmem:s26+$0xCC60] =	vst v18  }
0x23d: {  	v25 =	vld [tilespmem:s26+$0xD060];
	v24 =	vmul.f32 v15, v3;
	[tilespmem:s26+$0xCC70] =	vst v20  }
0x23e: {  	v27 =	vld [tilespmem:s26+$0xD070];
	v26 =	vmul.f32 v17, v3;
	[tilespmem:s26+$0xD000] =	vst v22  }
0x23f: {  	v28 =	vmul.f32 v19, v3;
	v29 =	vld [tilespmem:s26+$0xD400];
	[tilespmem:s26+$0xD010] =	vst v24  }
0x240: {  	v31 =	vld [tilespmem:s26+$0xD410];
	[tilespmem:s26+$0xD020] =	vst v26;
	v30 =	vmul.f32 v21, v3  }
0x241: {  	v33 =	vld [tilespmem:s26+$0xD420];
	[tilespmem:s26+$0xD030] =	vst v28;
	v32 =	vmul.f32 v23, v3  }
0x242: {  	v35 =	vld [tilespmem:s26+$0xD430];
	v34 =	vmul.f32 v25, v3;
	[tilespmem:s26+$0xD040] =	vst v30  }
0x243: {  	v37 =	vld [tilespmem:s26+$0xD440];
	v36 =	vmul.f32 v27, v3;
	[tilespmem:s26+$0xD050] =	vst v32  }
0x244: {  	v39 =	vld [tilespmem:s26+$0xD450];
	[tilespmem:s26+$0xD060] =	vst v34;
	v38 =	vmul.f32 v29, v3  }
0x245: {  	v41 =	vld [tilespmem:s26+$0xD460];
	[tilespmem:s26+$0xD070] =	vst v36;
	v40 =	vmul.f32 v31, v3  }
0x246: {  	v43 =	vld [tilespmem:s26+$0xD470];
	v42 =	vmul.f32 v33, v3;
	[tilespmem:s26+$0xD400] =	vst v38  }
0x247: {  	v45 =	vld [tilespmem:s26+$0xD800];
	v44 =	vmul.f32 v35, v3;
	[tilespmem:s26+$0xD410] =	vst v40  }
0x248: {  	v47 =	vld [tilespmem:s26+$0xD810];
	v46 =	vmul.f32 v37, v3;
	[tilespmem:s26+$0xD420] =	vst v42  }
0x249: {  	v49 =	vld [tilespmem:s26+$0xD820];
	v48 =	vmul.f32 v39, v3;
	[tilespmem:s26+$0xD430] =	vst v44  }
0x24a: {  	v51 =	vld [tilespmem:s26+$0xD830];
	v50 =	vmul.f32 v41, v3;
	[tilespmem:s26+$0xD440] =	vst v46  }
0x24b: {  	v53 =	vld [tilespmem:s26+$0xD840];
	v52 =	vmul.f32 v43, v3;
	[tilespmem:s26+$0xD450] =	vst v48  }
0x24c: {  	v55 =	vld [tilespmem:s26+$0xD850];
	v54 =	vmul.f32 v45, v3;
	[tilespmem:s26+$0xD460] =	vst v50  }
0x24d: {  	v57 =	vld [tilespmem:s26+$0xD860];
	v56 =	vmul.f32 v47, v3;
	[tilespmem:s26+$0xD470] =	vst v52  }
0x24e: {  	v59 =	vld [tilespmem:s26+$0xD870];
	v58 =	vmul.f32 v49, v3;
	[tilespmem:s26+$0xD800] =	vst v54  }
0x24f: {  	v60 =	vmul.f32 v51, v3;
	[tilespmem:s26+$0xD810] =	vst v56  }
0x250: {  	p0 =	sne.s32 s10, $0x3F;
	v61 =	vmul.f32 v53, v3;
	[tilespmem:s26+$0xD820] =	vst v58  }
.Ltmp3:
0x251: {  	v62 =	vmul.f32 v55, v3;
	[tilespmem:s26+$0xD830] =	vst v60;
	(pc) =	sbr.rel @p0 .LBB2_8-.Ltmp3, $4  }
0x252: {  	v63 =	vmul.f32 v57, v3;
	[tilespmem:s26+$0xD840] =	vst v61  }
0x253: {  	v3 =	vmul.f32 v59, v3;
	[tilespmem:s26+$0xD850] =	vst v62  }
0x254: {  	[tilespmem:s26+$0xD860] =	vst v63  }
0x255: {  	s10 =	sadd.s32 $0x1, s10;
	s25 =	sadd.s32 $0x80, s25;
	[tilespmem:s26+$0xD870] =	vst v3  }
0x256: {  	s10 =	rddreg [dreg:$0x7]  }
0x257: {  	[hbm4b:s10+s2] =	stream.linear.scatter [tilespmem:s20], [sflag:$0x4], $0xC000, $0x38;
	[tilespmem:$0x18400] =	vst v63  }
0x258: {  	_ =	swait.ge [sflag:s23], $0xC000  }
0x259: {  	[sflag:s23] =	ssyncset.done $0x0  }
0x25a: {  	[sflag:s23] =	ssyncadd.s32 $0xFFFF4000  }
0x25b: {  	_ =	swait.ge [sflag:s24], $0xC000  }
0x25c: {  	s9 =	sadd.s32 $0x1, s9;
	s26 =	rddreg [dreg:$0x8]  }
0x25d: {  	p0 =	sne.s32 s9, s26  }
.Ltmp4:
0x25e: {  	_ = 	snop;
	(pc) =	sbr.rel @p0 .LBB2_1-.Ltmp4, $3  }
0x25f: {  	_ =	sdelay $0x1  }
0x260: {  	[sflag:s24] =	ssyncset.done $0x0  }
0x261: {  	[sflag:s24] =	ssyncadd.s32 $0xFFFF4000  }
0x262: {  	_ =	sfence.sel $0x180000  }
0x263: {  	[bflag:$0x0] =	sbarrier.arrive $0xFFFF  }
0x264: {  	_ =	strace $0x9000004A  }
0x265: {  	s0 =	stileid.u32;
	[bflag:$0x2] =	sbarrier.arrive $0xFFFF  }
0x266: {  	p0 =	sne.s32 s0, $0x0;
	s0 =	rddreg [dreg:$0x2]  }
0x267: {  	s0 =	sadd.s32 @!p0 $0x100000, s0  }
0x268: {  	[sflag:s0] =	ssyncadd.tile.s32 @!p0 $0x1;
	_ =	shalt  }
.Lfunc_end2:
_tile_overlayer_lowered:
.L_overlay_start_2:
0x269: {  	(tag) =	ssettag $0x2  }
0x26a: {  	s0 =	rddreg [dreg:$0x0];
	s2 =	stileid.u32  }
0x26b: {  	s1 =	rddreg [dreg:$0x1];
	p0 =	sne.s32 s2, $0x0  }
0x26c: {  	s3 =	rddreg [dreg:$0x2];
	[bflag:$0x3] =	sbarrier.arrive $0xFFFF;
	s2 =	simm.s32 @!p0 $0x1C05  }
0x26d: {  	[timem:s3], [sflag:s2] =	dma.local @!p0 [hbm:s0], s1  }
0x26e: {  	s0 =	simm.s32 @!p0 $0x5  }
0x26f: {  	_ =	swait.ge @!p0 [sflag:s0], s1  }
0x270: {  	s1 =	ssub.s32 @!p0 $0x0, s1;
	[sflag:s0] =	ssyncset.done @!p0 $0x0  }
0x271: {  	[sflag:s0] =	ssyncadd.s32 @!p0 s1  }
0x272: {  	[bflag:$0x3] =	sbarrier.arrive $0xFFFF  }
0x273: {  	_ =	shalt  }

</sc_bundles>
